<compile_context>
chip_gen: v7x
topology: tpu7x:2x2x1
jax: 0.10.2.dev20260603
libtpu: 0.0.44.dev20260713+nightly
codegen_flags: <defaults>
</compile_context>

<pallas_src>
import functools

import jax
import jax.numpy as jnp
import numpy as np
from jax import lax
from jax.experimental import pallas as pl
from jax.experimental.pallas import tpu as pltpu
from jax.experimental.pallas import tpu_sc as plsc

R = 192
S = 192
NS_USED = 191
NEAR, FAR = 0.2, 3.0
SH_C0 = 0.28209479177387814
NRAYS = 4096
M = NRAYS * S
STEP = np.float32(np.sqrt(12.0) / 192.0)

_NC = 2
_NS = 16
_NW = _NC * _NS
_MW = M // _NW
_K = 768
_NCH = _MW // _K
_G = 768
_NG = _K // _G
_CORNER_OFF = [((c >> 2) & 1) * R * R + ((c >> 1) & 1) * R + (c & 1)
               for c in range(8)]


def _stage_a_body(o_ref, d_ref, idx_ref, wx_ref, wy_ref, wz_ref, start_ref):
    o = o_ref[...]
    d = d_ref[...]
    op = (1.0 - o) / d
    on = (-1.0 - o) / d
    oin = jnp.minimum(op, on)
    start = jnp.clip(jnp.max(oin, axis=-1, keepdims=True), NEAR, FAR)
    start_ref[...] = start
    jj = lax.broadcasted_iota(jnp.int32, (1, S), 1).astype(jnp.float32)
    t = start + jj * STEP
    idx = None
    wrefs = (wx_ref, wy_ref, wz_ref)
    for a, mul in ((0, R * R), (1, R), (2, 1)):
        pos = (o[:, a:a + 1] + d[:, a:a + 1] * t + 1.0) * (0.5 * (R - 1))
        pos = jnp.clip(pos, 0.0, R - 1.0)
        p0f = jnp.clip(jnp.floor(pos), 0.0, R - 2.0)
        wrefs[a][...] = pos - p0f
        p0 = p0f.astype(jnp.int32)
        idx = p0 * mul if idx is None else idx + p0 * mul
    idx_ref[...] = idx


def _stage_a(rays_o, rays_d):
    return pl.pallas_call(
        _stage_a_body,
        out_shape=(
            jax.ShapeDtypeStruct((NRAYS, S), jnp.int32),
            jax.ShapeDtypeStruct((NRAYS, S), jnp.float32),
            jax.ShapeDtypeStruct((NRAYS, S), jnp.float32),
            jax.ShapeDtypeStruct((NRAYS, S), jnp.float32),
            jax.ShapeDtypeStruct((NRAYS, 1), jnp.float32),
        ),
    )(rays_o, rays_d)


_V = R * R * R
_VW = _V // _NW
_KB = 4096
_NBC = _VW // _KB


@functools.partial(
    pl.kernel,
    mesh=plsc.VectorSubcoreMesh(core_axis_name="c", subcore_axis_name="s"),
    out_type=jax.ShapeDtypeStruct((_V, 8), jnp.float32),
    compiler_params=pltpu.CompilerParams(needs_layout_passes=False,
                                         use_tc_tiling_on_sc=False),
    scratch_types=[
        pltpu.VMEM((2, _KB + 8), jnp.float32),
        pltpu.VMEM((2, _KB + 8), jnp.float32),
        pltpu.VMEM((2, _KB + 8), jnp.float32),
        pltpu.VMEM((2, _KB + 8), jnp.float32),
        pltpu.VMEM((_KB, 8), jnp.float32),
        pltpu.VMEM((_KB, 8), jnp.float32),
        pltpu.SemaphoreType.DMA,
        pltpu.SemaphoreType.DMA,
        pltpu.SemaphoreType.DMA,
        pltpu.SemaphoreType.DMA,
    ],
)
def _sc_build(s_hbm, r_hbm, g_hbm, b_hbm, tab_hbm, c0, c1, c2, c3,
              ov0, ov1, si0, si1, so0, so1):
    wid = lax.axis_index("s") * _NC + lax.axis_index("c")
    base_v = wid * _VW
    ovs = (ov0, ov1)
    sis = (si0, si1)
    sos = (so0, so1)

    def in_copies(off, p):
        toff = jnp.minimum(off + _KB, _V - 8)
        cps = []
        for ch, cref in enumerate((c0, c1, c2, c3)):
            hb = (s_hbm, r_hbm, g_hbm, b_hbm)[ch]
            cps.append(pltpu.make_async_copy(hb.at[pl.ds(off, _KB)],
                                             cref.at[p, pl.ds(0, _KB)], sis[p]))
            cps.append(pltpu.make_async_copy(hb.at[pl.ds(toff, 8)],
                                             cref.at[p, pl.ds(_KB, 8)], sis[p]))
        return cps

    def out_copy(off, p):
        return pltpu.make_async_copy(
            ovs[p], tab_hbm.at[pl.ds(off, _KB)], sos[p])

    lane = lax.iota(jnp.int32, 16)

    def interleave(p):
        def inter(i, c2_):
            s16 = pl.ds(i * 16, 16)
            rowi = lane + i * 16
            rowm = rowi - 1
            msk = rowm >= 0
            for ch, cref in enumerate((c0, c1, c2, c3)):
                v = cref[p, s16]
                plsc.store_scatter(ovs[p], [rowi, jnp.full((16,), ch, jnp.int32)], v)
                plsc.store_scatter(ovs[p], [rowm, jnp.full((16,), 4 + ch, jnp.int32)],
                                   v, mask=msk)
            return c2_
        lax.fori_loop(0, _KB // 16, inter, 0)
        tl = pl.ds(_KB - 8, 16)
        rowt = lane + (_KB - 9)
        mt = lane == 8
        for ch, cref in enumerate((c0, c1, c2, c3)):
            plsc.store_scatter(ovs[p], [rowt, jnp.full((16,), 4 + ch, jnp.int32)],
                               cref[p, tl], mask=mt)

    def stage(ci, p, c2i):
        for cp in in_copies(base_v + ci * _KB, p):
            cp.wait()

        @pl.when(c2i >= 1)
        def _():
            out_copy(base_v + (ci - 2) * _KB, p).wait()
        interleave(p)
        out_copy(base_v + ci * _KB, p).start()

        @pl.when(c2i < _NBC // 2 - 1)
        def _():
            for cp in in_copies(base_v + (ci + 2) * _KB, p):
                cp.start()

    for cp in in_copies(base_v, 0):
        cp.start()
    for cp in in_copies(base_v + _KB, 1):
        cp.start()

    def pair_body(c2i, carry):
        e = 2 * c2i
        stage(e, 0, c2i)
        stage(e + 1, 1, c2i)
        return carry

    lax.fori_loop(0, _NBC // 2, pair_body, 0)
    out_copy(base_v + (_NBC - 2) * _KB, 0).wait()
    out_copy(base_v + (_NBC - 1) * _KB, 1).wait()


@functools.partial(
    pl.kernel,
    mesh=plsc.VectorSubcoreMesh(core_axis_name="c", subcore_axis_name="s"),
    out_type=[jax.ShapeDtypeStruct((M,), jnp.float32)] * 4,
    compiler_params=pltpu.CompilerParams(needs_layout_passes=False,
                                         use_tc_tiling_on_sc=False),
    scratch_types=[
        pltpu.VMEM((2, _K), jnp.int32),
        pltpu.VMEM((2, _K), jnp.float32),
        pltpu.VMEM((2, _K), jnp.float32),
        pltpu.VMEM((2, _K), jnp.float32),
        pltpu.VMEM((4, _K), jnp.int32),
        pltpu.VMEM((4, _K), jnp.int32),
        pltpu.VMEM((4, _K, 8), jnp.float32),
        pltpu.VMEM((4, _K, 8), jnp.float32),
        pltpu.VMEM((2, _K), jnp.float32),
        pltpu.VMEM((2, _K), jnp.float32),
        pltpu.VMEM((2, _K), jnp.float32),
        pltpu.VMEM((2, _K), jnp.float32),
        pltpu.SemaphoreType.DMA,
        pltpu.SemaphoreType.DMA,
        pltpu.SemaphoreType.DMA,
        pltpu.SemaphoreType.DMA,
        pltpu.SemaphoreType.DMA,
    ],
)
def _sc_trilinear(table, idx_hbm, wx_hbm, wy_hbm, wz_hbm,
                  osig_hbm, orr_hbm, ogg_hbm, obb_hbm,
                  idx_v, wx_v, wy_v, wz_v, idx8_0, idx8_1, rows0, rows1,
                  osig_v, orr_v, ogg_v, obb_v,
                  gsem0, gsem1, so0, so1, sem_in):
    wid = lax.axis_index("s") * _NC + lax.axis_index("c")
    base_w = wid * _MW
    idx8s = (idx8_0, idx8_1)
    rowss = (rows0, rows1)
    gsems = (gsem0, gsem1)
    sos = (so0, so1)

    def in_copies(off, p):
        return [pltpu.make_async_copy(idx_hbm.at[pl.ds(off, _K)], idx_v.at[p], sem_in),
                pltpu.make_async_copy(wx_hbm.at[pl.ds(off, _K)], wx_v.at[p], sem_in),
                pltpu.make_async_copy(wy_hbm.at[pl.ds(off, _K)], wy_v.at[p], sem_in),
                pltpu.make_async_copy(wz_hbm.at[pl.ds(off, _K)], wz_v.at[p], sem_in)]

    def out_copies(off, p):
        return [pltpu.make_async_copy(osig_v.at[p], osig_hbm.at[pl.ds(off, _K)], sos[p]),
                pltpu.make_async_copy(orr_v.at[p], orr_hbm.at[pl.ds(off, _K)], sos[p]),
                pltpu.make_async_copy(ogg_v.at[p], ogg_hbm.at[pl.ds(off, _K)], sos[p]),
                pltpu.make_async_copy(obb_v.at[p], obb_hbm.at[pl.ds(off, _K)], sos[p])]

    def gather_copies(p):
        return [pltpu.make_async_copy(table.at[idx8s[p].at[c]],
                                      rowss[p].at[c], gsems[p])
                for c in range(4)]

    def load_build_fire(ci, p):
        off = base_w + ci * _K
        for cp in in_copies(off, p):
            cp.start()
        for cp in in_copies(off, p):
            cp.wait()

        def build(i, c2):
            v = idx_v[p, pl.ds(i * 16, 16)]
            for c in range(4):
                idx8s[p][c, pl.ds(i * 16, 16)] = v + _CORNER_OFF[2 * c]
            return c2
        lax.fori_loop(0, _K // 16, build, 0)
        for cp in gather_copies(p):
            cp.start()

    def compute_store(ci, p):
        def comp(i, c2):
            s16 = pl.ds(i * 16, 16)
            wxv = wx_v[p, s16]
            wyv = wy_v[p, s16]
            wzv = wz_v[p, s16]
            ax, ay, az = 1.0 - wxv, 1.0 - wyv, 1.0 - wzv
            pxy = (ax * ay, ax * wyv, wxv * ay, wxv * wyv)
            cw = []
            for c in range(8):
                dxy, dz = c >> 1, c & 1
                cw.append(pxy[dxy] * (wzv if dz else az))
            ri = lax.iota(jnp.int32, 16) + i * 16
            outs = (osig_v, orr_v, ogg_v, obb_v)
            for ch in range(4):
                acc = None
                for c in range(8):
                    dxy, dz = c >> 1, c & 1
                    cv = jnp.full((16,), dxy, jnp.int32)
                    lv = jnp.full((16,), dz * 4 + ch, jnp.int32)
                    val = plsc.load_gather(rowss[p], [cv, ri, lv])
                    acc = cw[c] * val if acc is None else acc + cw[c] * val
                outs[ch][p, s16] = acc
            return c2
        lax.fori_loop(0, _K // 16, comp, 0)
        for cp in out_copies(base_w + ci * _K, p):
            cp.start()

    load_build_fire(0, 0)

    def pair_body(c2i, carry):
        e = 2 * c2i
        load_build_fire(e + 1, 1)
        for cp in gather_copies(0):
            cp.wait()

        @pl.when(c2i >= 1)
        def _():
            for cp in out_copies(base_w + (e - 2) * _K, 0):
                cp.wait()
        compute_store(e, 0)

        @pl.when(c2i < _NCH // 2 - 1)
        def _():
            load_build_fire(e + 2, 0)
        for cp in gather_copies(1):
            cp.wait()

        @pl.when(c2i >= 1)
        def _():
            for cp in out_copies(base_w + (e - 1) * _K, 1):
                cp.wait()
        compute_store(e + 1, 1)
        return carry

    lax.fori_loop(0, _NCH // 2, pair_body, 0)
    for cp in out_copies(base_w + (_NCH - 2) * _K, 0):
        cp.wait()
    for cp in out_copies(base_w + (_NCH - 1) * _K, 1):
        cp.wait()


def _stage_c_body(sig_ref, r_ref, g_ref, b_ref, start_ref, out_ref):
    sig = sig_ref[...]
    mask = lax.broadcasted_iota(jnp.int32, (1, S), 1) < NS_USED
    sp = jnp.maximum(sig, 0.0) + jnp.log(1.0 + jnp.exp(-jnp.abs(sig)))
    alpha = 1.0 - jnp.exp(-sp * STEP)
    alpha = jnp.where(mask, alpha, 0.0)
    Lg = jnp.log(1.0 - alpha + 1e-10)
    kk = lax.broadcasted_iota(jnp.int32, (S, S), 0)
    jj2 = lax.broadcasted_iota(jnp.int32, (S, S), 1)
    tri = jnp.where(kk < jj2, 1.0, 0.0).astype(jnp.float32)
    cum = jnp.exp(lax.dot_general(Lg, tri, (((1,), (0,)), ((), ())),
                                  precision=lax.Precision.HIGHEST))
    w = alpha * cum

    def sg(x):
        return 1.0 / (1.0 + jnp.exp(-x))
    c0 = jnp.sum(w * sg(r_ref[...] * SH_C0), axis=1)
    c1 = jnp.sum(w * sg(g_ref[...] * SH_C0), axis=1)
    c2 = jnp.sum(w * sg(b_ref[...] * SH_C0), axis=1)
    accm = jnp.sum(w, axis=1)
    t = start_ref[...] + lax.broadcasted_iota(jnp.int32, (1, S), 1).astype(jnp.float32) * STEP
    depth = jnp.sum(w * t, axis=1)
    out_ref[...] = jnp.stack([c0 + 1.0 - accm, c1 + 1.0 - accm,
                              c2 + 1.0 - accm, depth], axis=-1)


def _stage_c(sig, r, g, b, start):
    return pl.pallas_call(
        _stage_c_body,
        out_shape=jax.ShapeDtypeStruct((NRAYS, 4), jnp.float32),
    )(sig, r, g, b, start)


def kernel(rays_o, rays_d, rgb_grid, sigma_grid):
    table = _sc_build(sigma_grid.reshape(_V), rgb_grid[0].reshape(_V),
                      rgb_grid[1].reshape(_V), rgb_grid[2].reshape(_V))
    idx, wx, wy, wz, start = _stage_a(rays_o, rays_d)
    sig, r, g, b = _sc_trilinear(table, idx.reshape(M), wx.reshape(M),
                                 wy.reshape(M), wz.reshape(M))
    return _stage_c(sig.reshape(NRAYS, S), r.reshape(NRAYS, S),
                    g.reshape(NRAYS, S), b.reshape(NRAYS, S), start)

# --- scband reference (transcript-rebuilt; emitter-appended) ---
"""Pipeline reference for scband-regular-grid-50311246905919 (READ-ONLY COPY).

The authoritative reference and input builder live on the scoring server;
editing this copy changes nothing except your own understanding.
"""

import jax, jax.numpy as jnp
import numpy as np

R = 192
N_SAMPLES = 192
NEAR = 0.2
FAR = 3.0
SH_C0 = 0.28209479177387814


def setup_inputs(seed: int = 0) -> dict:
    key = jax.random.key(seed)
    k1, k2, k3, k4 = jax.random.split(key, 4)
    rays_o = jax.random.uniform(k1, (4096, 3), dtype=jnp.float32, minval=-0.5, maxval=0.5)
    rd = jax.random.normal(k2, (4096, 3), dtype=jnp.float32)
    rays_d = rd / jnp.linalg.norm(rd, axis=-1, keepdims=True)
    rgb_grid = jax.random.normal(k3, (3, R, R, R), dtype=jnp.float32) * 0.01
    sigma_grid = jax.random.normal(k4, (1, R, R, R), dtype=jnp.float32) * 0.1 + 0.1
    return {"rays_o": rays_o, "rays_d": rays_d, "rgb_grid": rgb_grid, "sigma_grid": sigma_grid}


def _trilinear(grid, coords):
    # grid: [C, R, R, R]; coords: [M, 3] normalized to [-1, 1]
    Rr = grid.shape[1]
    pos = (coords + 1.0) * 0.5 * (Rr - 1)
    pos = jnp.clip(pos, 0.0, Rr - 1)
    p0 = jnp.clip(jnp.floor(pos).astype(jnp.int32), 0, Rr - 2)
    w = pos - p0.astype(pos.dtype)
    x0, y0, z0 = p0[:, 0], p0[:, 1], p0[:, 2]
    x1, y1, z1 = x0 + 1, y0 + 1, z0 + 1
    wx, wy, wz = w[:, 0], w[:, 1], w[:, 2]
    def g(ix, iy, iz):
        return grid[:, ix, iy, iz]  # gather -> [C, M]
    c000 = g(x0, y0, z0); c001 = g(x0, y0, z1); c010 = g(x0, y1, z0); c011 = g(x0, y1, z1)
    c100 = g(x1, y0, z0); c101 = g(x1, y0, z1); c110 = g(x1, y1, z0); c111 = g(x1, y1, z1)
    out = (c000 * (1 - wx) * (1 - wy) * (1 - wz)
           + c001 * (1 - wx) * (1 - wy) * wz
           + c010 * (1 - wx) * wy * (1 - wz)
           + c011 * (1 - wx) * wy * wz
           + c100 * wx * (1 - wy) * (1 - wz)
           + c101 * wx * (1 - wy) * wz
           + c110 * wx * wy * (1 - wz)
           + c111 * wx * wy * wz)
    return out  # [C, M]


def reference(rays_o, rays_d, rgb_grid, sigma_grid):
    aabb = jnp.array([[-1.0, -1.0, -1.0], [1.0, 1.0, 1.0]], dtype=rays_o.dtype)
    aabb_size = aabb[1] - aabb[0]
    inv_aabb_size = 2.0 / aabb_size
    step_size = jnp.linalg.norm(aabb_size) / N_SAMPLES
    # get_intersections (no-grad in original)
    offsets_pos = (aabb[1] - rays_o) / rays_d
    offsets_neg = (aabb[0] - rays_o) / rays_d
    offsets_in = jnp.minimum(offsets_pos, offsets_neg)
    start = jnp.max(offsets_in, axis=-1, keepdims=True)
    start = jnp.clip(start, NEAR, FAR)
    steps = jnp.arange(N_SAMPLES, dtype=rays_o.dtype)[None, :]
    intersections = jax.lax.stop_gradient(start + steps * step_size)  # [N, S]
    t = intersections[:, :-1]  # [N, S-1]
    pts = rays_o[:, None, :] + rays_d[:, None, :] * t[..., None]  # [N, S-1, 3]
    # normalize_coord
    norm_c = (pts - aabb[0]) * inv_aabb_size - 1.0
    flat = norm_c.reshape(-1, 3)
    sigma = jax.nn.softplus(_trilinear(sigma_grid, flat)[0].reshape(t.shape))  # [N, S-1]
    sh_rgb = _trilinear(rgb_grid, flat).T.reshape(t.shape + (3,)) * SH_C0  # [N, S-1, 3]
    # sigma2alpha
    dists = jnp.diff(intersections, axis=1) * jnp.linalg.norm(rays_d, axis=-1, keepdims=True)
    alpha = 1.0 - jnp.exp(-sigma * dists)
    cum_light = jnp.concatenate(
        [jnp.ones((alpha.shape[0], 1), alpha.dtype), jnp.cumprod(1.0 - alpha[:, :-1] + 1e-10, axis=-1)], axis=-1)
    abs_light = alpha * cum_light
    # shrgb2rgb with white_bkgd=True
    rgb = jax.nn.sigmoid(sh_rgb)
    rgb_map = (abs_light[..., None] * rgb).sum(axis=-2)
    acc_map = abs_light.sum(-1)
    rgb_map = rgb_map + (1.0 - acc_map[:, None])
    # depth_map (no-grad in original)
    depth = jax.lax.stop_gradient((abs_light * t).sum(-1))
    return jnp.concatenate([rgb_map, depth[:, None]], axis=-1)  # [N, 4]

if __name__ == "__main__":
    import jax
    _d = setup_inputs()
    print(jax.jit(kernel)(*tuple(_d.values())))

</pallas_src>

<mosaic_0001>
#map = affine_map<(d0, d1) -> (0, 0)>
#map1 = affine_map<(d0, d1) -> (0)>
module attributes {stable_mosaic.version = 14 : i64} {
  func.func @_sc_trilinear(%arg0: i32, %arg1: i32, %arg2: memref<7077888x8xf32, #tpu.memory_space<hbm>>, %arg3: memref<786432xi32, #tpu.memory_space<hbm>>, %arg4: memref<786432xf32, #tpu.memory_space<hbm>>, %arg5: memref<786432xf32, #tpu.memory_space<hbm>>, %arg6: memref<786432xf32, #tpu.memory_space<hbm>>, %arg7: memref<786432xf32, #tpu.memory_space<hbm>>, %arg8: memref<786432xf32, #tpu.memory_space<hbm>>, %arg9: memref<786432xf32, #tpu.memory_space<hbm>>, %arg10: memref<786432xf32, #tpu.memory_space<hbm>>, %arg11: memref<2x768xi32, #tpu.memory_space<vmem>>, %arg12: memref<2x768xf32, #tpu.memory_space<vmem>>, %arg13: memref<2x768xf32, #tpu.memory_space<vmem>>, %arg14: memref<2x768xf32, #tpu.memory_space<vmem>>, %arg15: memref<4x768xi32, #tpu.memory_space<vmem>>, %arg16: memref<4x768xi32, #tpu.memory_space<vmem>>, %arg17: memref<4x768x8xf32, #tpu.memory_space<vmem>>, %arg18: memref<4x768x8xf32, #tpu.memory_space<vmem>>, %arg19: memref<2x768xf32, #tpu.memory_space<vmem>>, %arg20: memref<2x768xf32, #tpu.memory_space<vmem>>, %arg21: memref<2x768xf32, #tpu.memory_space<vmem>>, %arg22: memref<2x768xf32, #tpu.memory_space<vmem>>, %arg23: memref<!tpu.dma_semaphore, #tpu.memory_space<semaphore_mem>>, %arg24: memref<!tpu.dma_semaphore, #tpu.memory_space<semaphore_mem>>, %arg25: memref<!tpu.dma_semaphore, #tpu.memory_space<semaphore_mem>>, %arg26: memref<!tpu.dma_semaphore, #tpu.memory_space<semaphore_mem>>, %arg27: memref<!tpu.dma_semaphore, #tpu.memory_space<semaphore_mem>>) attributes {dimension_semantics = [#tpu.dimension_semantics<core_parallel>, #tpu.dimension_semantics<subcore_parallel>], iteration_bounds = array<i64: 2, 16>, scalar_prefetch = 0 : i64, scratch_operands = 17 : i64, tpu.core_type = #tpu.core_type<sc_vector_subcore>, window_params = [{transform_indices = #map}, {transform_indices = #map1}, {transform_indices = #map1}, {transform_indices = #map1}, {transform_indices = #map1}, {transform_indices = #map1}, {transform_indices = #map1}, {transform_indices = #map1}, {transform_indices = #map1}]} {
    %mul3A = arith.constant 2 : i32
    %mul3A_0 = arith.muli %arg1, %mul3A : i32
    %add3A = arith.addi %mul3A_0, %arg0 : i32
    %mul3A_1 = arith.constant 24576 : i32
    %mul3A_2 = arith.muli %add3A, %mul3A_1 : i32
    %add3A_3 = arith.constant 0 : i32
    %add3A_4 = arith.addi %mul3A_2, %add3A_3 : i32
    %dma_start3A = arith.constant 0 : i32
    %dma_start3A_5 = arith.constant 0 : i32
    %dma_start3A_6 = tpu.memref_slice %arg11[%dma_start3A, %dma_start3A_5] : memref<2x768xi32, #tpu.memory_space<vmem>> -> memref<1x768xi32, #tpu.memory_space<vmem>>
    %dma_start3A_7 = tpu.memref_squeeze %dma_start3A_6 : memref<1x768xi32, #tpu.memory_space<vmem>> -> memref<768xi32, #tpu.memory_space<vmem>>
    %dma_start3A_8 = tpu.memref_slice %arg3[%add3A_4] : memref<786432xi32, #tpu.memory_space<hbm>> -> memref<768xi32, #tpu.memory_space<hbm>>
    %dma_start3A_9 = arith.constant 0 : i32
    %dma_start3A_10 = tpu.memref_slice %arg11[%dma_start3A, %dma_start3A_9] : memref<2x768xi32, #tpu.memory_space<vmem>> -> memref<1x768xi32, #tpu.memory_space<vmem>>
    %dma_start3A_11 = tpu.memref_squeeze %dma_start3A_10 : memref<1x768xi32, #tpu.memory_space<vmem>> -> memref<768xi32, #tpu.memory_space<vmem>>
    %dma_start3A_12 = tpu.memref_slice %arg3[%add3A_4] : memref<786432xi32, #tpu.memory_space<hbm>> -> memref<768xi32, #tpu.memory_space<hbm>>
    tpu.enqueue_dma source(%dma_start3A_12 : memref<768xi32, #tpu.memory_space<hbm>>) target(%dma_start3A_11 : memref<768xi32, #tpu.memory_space<vmem>>) target_semaphore(%arg27 : memref<!tpu.dma_semaphore, #tpu.memory_space<semaphore_mem>>)
    %dma_start3A_13 = arith.constant 0 : i32
    %dma_start3A_14 = arith.constant 0 : i32
    %dma_start3A_15 = tpu.memref_slice %arg12[%dma_start3A_13, %dma_start3A_14] : memref<2x768xf32, #tpu.memory_space<vmem>> -> memref<1x768xf32, #tpu.memory_space<vmem>>
    %dma_start3A_16 = tpu.memref_squeeze %dma_start3A_15 : memref<1x768xf32, #tpu.memory_space<vmem>> -> memref<768xf32, #tpu.memory_space<vmem>>
    %dma_start3A_17 = tpu.memref_slice %arg4[%add3A_4] : memref<786432xf32, #tpu.memory_space<hbm>> -> memref<768xf32, #tpu.memory_space<hbm>>
    %dma_start3A_18 = arith.constant 0 : i32
    %dma_start3A_19 = tpu.memref_slice %arg12[%dma_start3A_13, %dma_start3A_18] : memref<2x768xf32, #tpu.memory_space<vmem>> -> memref<1x768xf32, #tpu.memory_space<vmem>>
    %dma_start3A_20 = tpu.memref_squeeze %dma_start3A_19 : memref<1x768xf32, #tpu.memory_space<vmem>> -> memref<768xf32, #tpu.memory_space<vmem>>
    %dma_start3A_21 = tpu.memref_slice %arg4[%add3A_4] : memref<786432xf32, #tpu.memory_space<hbm>> -> memref<768xf32, #tpu.memory_space<hbm>>
    tpu.enqueue_dma source(%dma_start3A_21 : memref<768xf32, #tpu.memory_space<hbm>>) target(%dma_start3A_20 : memref<768xf32, #tpu.memory_space<vmem>>) target_semaphore(%arg27 : memref<!tpu.dma_semaphore, #tpu.memory_space<semaphore_mem>>)
    %dma_start3A_22 = arith.constant 0 : i32
    %dma_start3A_23 = arith.constant 0 : i32
    %dma_start3A_24 = tpu.memref_slice %arg13[%dma_start3A_22, %dma_start3A_23] : memref<2x768xf32, #tpu.memory_space<vmem>> -> memref<1x768xf32, #tpu.memory_space<vmem>>
    %dma_start3A_25 = tpu.memref_squeeze %dma_start3A_24 : memref<1x768xf32, #tpu.memory_space<vmem>> -> memref<768xf32, #tpu.memory_space<vmem>>
    %dma_start3A_26 = tpu.memref_slice %arg5[%add3A_4] : memref<786432xf32, #tpu.memory_space<hbm>> -> memref<768xf32, #tpu.memory_space<hbm>>
    %dma_start3A_27 = arith.constant 0 : i32
    %dma_start3A_28 = tpu.memref_slice %arg13[%dma_start3A_22, %dma_start3A_27] : memref<2x768xf32, #tpu.memory_space<vmem>> -> memref<1x768xf32, #tpu.memory_space<vmem>>
    %dma_start3A_29 = tpu.memref_squeeze %dma_start3A_28 : memref<1x768xf32, #tpu.memory_space<vmem>> -> memref<768xf32, #tpu.memory_space<vmem>>
    %dma_start3A_30 = tpu.memref_slice %arg5[%add3A_4] : memref<786432xf32, #tpu.memory_space<hbm>> -> memref<768xf32, #tpu.memory_space<hbm>>
    tpu.enqueue_dma source(%dma_start3A_30 : memref<768xf32, #tpu.memory_space<hbm>>) target(%dma_start3A_29 : memref<768xf32, #tpu.memory_space<vmem>>) target_semaphore(%arg27 : memref<!tpu.dma_semaphore, #tpu.memory_space<semaphore_mem>>)
    %dma_start3A_31 = arith.constant 0 : i32
    %dma_start3A_32 = arith.constant 0 : i32
    %dma_start3A_33 = tpu.memref_slice %arg14[%dma_start3A_31, %dma_start3A_32] : memref<2x768xf32, #tpu.memory_space<vmem>> -> memref<1x768xf32, #tpu.memory_space<vmem>>
    %dma_start3A_34 = tpu.memref_squeeze %dma_start3A_33 : memref<1x768xf32, #tpu.memory_space<vmem>> -> memref<768xf32, #tpu.memory_space<vmem>>
    %dma_start3A_35 = tpu.memref_slice %arg6[%add3A_4] : memref<786432xf32, #tpu.memory_space<hbm>> -> memref<768xf32, #tpu.memory_space<hbm>>
    %dma_start3A_36 = arith.constant 0 : i32
    %dma_start3A_37 = tpu.memref_slice %arg14[%dma_start3A_31, %dma_start3A_36] : memref<2x768xf32, #tpu.memory_space<vmem>> -> memref<1x768xf32, #tpu.memory_space<vmem>>
    %dma_start3A_38 = tpu.memref_squeeze %dma_start3A_37 : memref<1x768xf32, #tpu.memory_space<vmem>> -> memref<768xf32, #tpu.memory_space<vmem>>
    %dma_start3A_39 = tpu.memref_slice %arg6[%add3A_4] : memref<786432xf32, #tpu.memory_space<hbm>> -> memref<768xf32, #tpu.memory_space<hbm>>
    tpu.enqueue_dma source(%dma_start3A_39 : memref<768xf32, #tpu.memory_space<hbm>>) target(%dma_start3A_38 : memref<768xf32, #tpu.memory_space<vmem>>) target_semaphore(%arg27 : memref<!tpu.dma_semaphore, #tpu.memory_space<semaphore_mem>>)
    %dma_wait3A = arith.constant 0 : i32
    %dma_wait3A_40 = arith.constant 0 : i32
    %dma_wait3A_41 = tpu.memref_slice %arg11[%dma_wait3A, %dma_wait3A_40] : memref<2x768xi32, #tpu.memory_space<vmem>> -> memref<1x768xi32, #tpu.memory_space<vmem>>
    %dma_wait3A_42 = tpu.memref_squeeze %dma_wait3A_41 : memref<1x768xi32, #tpu.memory_space<vmem>> -> memref<768xi32, #tpu.memory_space<vmem>>
    %dma_wait3A_43 = tpu.memref_slice %arg3[%add3A_4] : memref<786432xi32, #tpu.memory_space<hbm>> -> memref<768xi32, #tpu.memory_space<hbm>>
    %dma_wait3A_44 = arith.constant 0 : i32
    %dma_wait3A_45 = tpu.memref_slice %arg11[%dma_wait3A, %dma_wait3A_44] : memref<2x768xi32, #tpu.memory_space<vmem>> -> memref<1x768xi32, #tpu.memory_space<vmem>>
    %dma_wait3A_46 = tpu.memref_squeeze %dma_wait3A_45 : memref<1x768xi32, #tpu.memory_space<vmem>> -> memref<768xi32, #tpu.memory_space<vmem>>
    %dma_wait3A_47 = tpu.memref_slice %arg3[%add3A_4] : memref<786432xi32, #tpu.memory_space<hbm>> -> memref<768xi32, #tpu.memory_space<hbm>>
    tpu.wait_dma2 semaphore(%arg27 : memref<!tpu.dma_semaphore, #tpu.memory_space<semaphore_mem>>) src(%dma_wait3A_47 : memref<768xi32, #tpu.memory_space<hbm>>) dst(%dma_wait3A_46 : memref<768xi32, #tpu.memory_space<vmem>>)
    %dma_wait3A_48 = arith.constant 0 : i32
    %dma_wait3A_49 = arith.constant 0 : i32
    %dma_wait3A_50 = tpu.memref_slice %arg12[%dma_wait3A_48, %dma_wait3A_49] : memref<2x768xf32, #tpu.memory_space<vmem>> -> memref<1x768xf32, #tpu.memory_space<vmem>>
    %dma_wait3A_51 = tpu.memref_squeeze %dma_wait3A_50 : memref<1x768xf32, #tpu.memory_space<vmem>> -> memref<768xf32, #tpu.memory_space<vmem>>
    %dma_wait3A_52 = tpu.memref_slice %arg4[%add3A_4] : memref<786432xf32, #tpu.memory_space<hbm>> -> memref<768xf32, #tpu.memory_space<hbm>>
    %dma_wait3A_53 = arith.constant 0 : i32
    %dma_wait3A_54 = tpu.memref_slice %arg12[%dma_wait3A_48, %dma_wait3A_53] : memref<2x768xf32, #tpu.memory_space<vmem>> -> memref<1x768xf32, #tpu.memory_space<vmem>>
    %dma_wait3A_55 = tpu.memref_squeeze %dma_wait3A_54 : memref<1x768xf32, #tpu.memory_space<vmem>> -> memref<768xf32, #tpu.memory_space<vmem>>
    %dma_wait3A_56 = tpu.memref_slice %arg4[%add3A_4] : memref<786432xf32, #tpu.memory_space<hbm>> -> memref<768xf32, #tpu.memory_space<hbm>>
    tpu.wait_dma2 semaphore(%arg27 : memref<!tpu.dma_semaphore, #tpu.memory_space<semaphore_mem>>) src(%dma_wait3A_56 : memref<768xf32, #tpu.memory_space<hbm>>) dst(%dma_wait3A_55 : memref<768xf32, #tpu.memory_space<vmem>>)
    %dma_wait3A_57 = arith.constant 0 : i32
    %dma_wait3A_58 = arith.constant 0 : i32
    %dma_wait3A_59 = tpu.memref_slice %arg13[%dma_wait3A_57, %dma_wait3A_58] : memref<2x768xf32, #tpu.memory_space<vmem>> -> memref<1x768xf32, #tpu.memory_space<vmem>>
    %dma_wait3A_60 = tpu.memref_squeeze %dma_wait3A_59 : memref<1x768xf32, #tpu.memory_space<vmem>> -> memref<768xf32, #tpu.memory_space<vmem>>
    %dma_wait3A_61 = tpu.memref_slice %arg5[%add3A_4] : memref<786432xf32, #tpu.memory_space<hbm>> -> memref<768xf32, #tpu.memory_space<hbm>>
    %dma_wait3A_62 = arith.constant 0 : i32
    %dma_wait3A_63 = tpu.memref_slice %arg13[%dma_wait3A_57, %dma_wait3A_62] : memref<2x768xf32, #tpu.memory_space<vmem>> -> memref<1x768xf32, #tpu.memory_space<vmem>>
    %dma_wait3A_64 = tpu.memref_squeeze %dma_wait3A_63 : memref<1x768xf32, #tpu.memory_space<vmem>> -> memref<768xf32, #tpu.memory_space<vmem>>
    %dma_wait3A_65 = tpu.memref_slice %arg5[%add3A_4] : memref<786432xf32, #tpu.memory_space<hbm>> -> memref<768xf32, #tpu.memory_space<hbm>>
    tpu.wait_dma2 semaphore(%arg27 : memref<!tpu.dma_semaphore, #tpu.memory_space<semaphore_mem>>) src(%dma_wait3A_65 : memref<768xf32, #tpu.memory_space<hbm>>) dst(%dma_wait3A_64 : memref<768xf32, #tpu.memory_space<vmem>>)
    %dma_wait3A_66 = arith.constant 0 : i32
    %dma_wait3A_67 = arith.constant 0 : i32
    %dma_wait3A_68 = tpu.memref_slice %arg14[%dma_wait3A_66, %dma_wait3A_67] : memref<2x768xf32, #tpu.memory_space<vmem>> -> memref<1x768xf32, #tpu.memory_space<vmem>>
    %dma_wait3A_69 = tpu.memref_squeeze %dma_wait3A_68 : memref<1x768xf32, #tpu.memory_space<vmem>> -> memref<768xf32, #tpu.memory_space<vmem>>
    %dma_wait3A_70 = tpu.memref_slice %arg6[%add3A_4] : memref<786432xf32, #tpu.memory_space<hbm>> -> memref<768xf32, #tpu.memory_space<hbm>>
    %dma_wait3A_71 = arith.constant 0 : i32
    %dma_wait3A_72 = tpu.memref_slice %arg14[%dma_wait3A_66, %dma_wait3A_71] : memref<2x768xf32, #tpu.memory_space<vmem>> -> memref<1x768xf32, #tpu.memory_space<vmem>>
    %dma_wait3A_73 = tpu.memref_squeeze %dma_wait3A_72 : memref<1x768xf32, #tpu.memory_space<vmem>> -> memref<768xf32, #tpu.memory_space<vmem>>
    %dma_wait3A_74 = tpu.memref_slice %arg6[%add3A_4] : memref<786432xf32, #tpu.memory_space<hbm>> -> memref<768xf32, #tpu.memory_space<hbm>>
    tpu.wait_dma2 semaphore(%arg27 : memref<!tpu.dma_semaphore, #tpu.memory_space<semaphore_mem>>) src(%dma_wait3A_74 : memref<768xf32, #tpu.memory_space<hbm>>) dst(%dma_wait3A_73 : memref<768xf32, #tpu.memory_space<vmem>>)
    %scan3A = arith.constant 0 : i32
    %scan3A_75 = arith.constant 0 : i32
    %scan3A_76 = arith.constant 48 : i32
    %scan3A_77 = arith.addi %scan3A_75, %scan3A_76 : i32
    %scan3A_78 = arith.constant 1 : i32
    scf.for %scan3A_210 = %scan3A_75 to %scan3A_77 step %scan3A_78  : i32 {
      %mul3A_211 = arith.constant 16 : i32
      %mul3A_212 = arith.muli %scan3A_210, %mul3A_211 : i32
      %get3A = arith.constant 0 : i32
      %get3A_213 = arith.index_cast %get3A : i32 to index
      %get3A_214 = arith.index_cast %mul3A_212 : i32 to index
      %get3A_215 = tpu.vector_load %arg11[%get3A_213, %get3A_214] {strides = array<i32>} : memref<2x768xi32, #tpu.memory_space<vmem>>, vector<16xi32>,
      %add3A_216 = arith.constant 0 : i32
      %add3A_217 = vector.broadcast %add3A_216 : i32 to vector<16xi32>
      %add3A_218 = arith.addi %get3A_215, %add3A_217 : vector<16xi32>
      %mul3A_219 = arith.constant 16 : i32
      %mul3A_220 = arith.muli %scan3A_210, %mul3A_219 : i32
      %swap3A = arith.constant 0 : i32
      %swap3A_221 = arith.index_cast %swap3A : i32 to index
      %swap3A_222 = arith.index_cast %mul3A_220 : i32 to index
      %swap3A_223 = tpu.vector_load %arg15[%swap3A_221, %swap3A_222] {strides = array<i32>} : memref<4x768xi32, #tpu.memory_space<vmem>>, vector<16xi32>,
      tpu.vector_store %arg15[%swap3A_221, %swap3A_222], %add3A_218 {strides = array<i32>} : memref<4x768xi32, #tpu.memory_space<vmem>>, vector<16xi32>,
      %add3A_224 = arith.constant 192 : i32
      %add3A_225 = vector.broadcast %add3A_224 : i32 to vector<16xi32>
      %add3A_226 = arith.addi %get3A_215, %add3A_225 : vector<16xi32>
      %mul3A_227 = arith.constant 16 : i32
      %mul3A_228 = arith.muli %scan3A_210, %mul3A_227 : i32
      %swap3A_229 = arith.constant 1 : i32
      %swap3A_230 = arith.index_cast %swap3A_229 : i32 to index
      %swap3A_231 = arith.index_cast %mul3A_228 : i32 to index
      %swap3A_232 = tpu.vector_load %arg15[%swap3A_230, %swap3A_231] {strides = array<i32>} : memref<4x768xi32, #tpu.memory_space<vmem>>, vector<16xi32>,
      tpu.vector_store %arg15[%swap3A_230, %swap3A_231], %add3A_226 {strides = array<i32>} : memref<4x768xi32, #tpu.memory_space<vmem>>, vector<16xi32>,
      %add3A_233 = arith.constant 36864 : i32
      %add3A_234 = vector.broadcast %add3A_233 : i32 to vector<16xi32>
      %add3A_235 = arith.addi %get3A_215, %add3A_234 : vector<16xi32>
      %mul3A_236 = arith.constant 16 : i32
      %mul3A_237 = arith.muli %scan3A_210, %mul3A_236 : i32
      %swap3A_238 = arith.constant 2 : i32
      %swap3A_239 = arith.index_cast %swap3A_238 : i32 to index
      %swap3A_240 = arith.index_cast %mul3A_237 : i32 to index
      %swap3A_241 = tpu.vector_load %arg15[%swap3A_239, %swap3A_240] {strides = array<i32>} : memref<4x768xi32, #tpu.memory_space<vmem>>, vector<16xi32>,
      tpu.vector_store %arg15[%swap3A_239, %swap3A_240], %add3A_235 {strides = array<i32>} : memref<4x768xi32, #tpu.memory_space<vmem>>, vector<16xi32>,
      %add3A_242 = arith.constant 37056 : i32
      %add3A_243 = vector.broadcast %add3A_242 : i32 to vector<16xi32>
      %add3A_244 = arith.addi %get3A_215, %add3A_243 : vector<16xi32>
      %mul3A_245 = arith.constant 16 : i32
      %mul3A_246 = arith.muli %scan3A_210, %mul3A_245 : i32
      %swap3A_247 = arith.constant 3 : i32
      %swap3A_248 = arith.index_cast %swap3A_247 : i32 to index
      %swap3A_249 = arith.index_cast %mul3A_246 : i32 to index
      %swap3A_250 = tpu.vector_load %arg15[%swap3A_248, %swap3A_249] {strides = array<i32>} : memref<4x768xi32, #tpu.memory_space<vmem>>, vector<16xi32>,
      tpu.vector_store %arg15[%swap3A_248, %swap3A_249], %add3A_244 {strides = array<i32>} : memref<4x768xi32, #tpu.memory_space<vmem>>, vector<16xi32>,
    }
    %scan3A_79 = arith.constant 48 : i32
    %dma_start3A_80 = arith.constant 0 : i32
    %dma_start3A_81 = arith.constant 0 : i32
    %dma_start3A_82 = arith.constant 0 : i32
    %dma_start3A_83 = arith.constant 0 : i32
    %dma_start3A_84 = tpu.memref_slice %arg17[%dma_start3A_81, %dma_start3A_82, %dma_start3A_83] : memref<4x768x8xf32, #tpu.memory_space<vmem>> -> memref<1x768x8xf32, #tpu.memory_space<vmem>>
    %dma_start3A_85 = tpu.memref_squeeze %dma_start3A_84 : memref<1x768x8xf32, #tpu.memory_space<vmem>> -> memref<768x8xf32, #tpu.memory_space<vmem>>
    %dma_start3A_86 = arith.constant 0 : i32
    %dma_start3A_87 = tpu.memref_slice %arg15[%dma_start3A_80, %dma_start3A_86] : memref<4x768xi32, #tpu.memory_space<vmem>> -> memref<1x768xi32, #tpu.memory_space<vmem>>
    %dma_start3A_88 = tpu.memref_squeeze %dma_start3A_87 : memref<1x768xi32, #tpu.memory_space<vmem>> -> memref<768xi32, #tpu.memory_space<vmem>>
    %dma_start3A_89 = arith.constant 0 : i32
    %dma_start3A_90 = arith.constant 0 : i32
    %dma_start3A_91 = tpu.memref_slice %arg2[%dma_start3A_89, %dma_start3A_90] : memref<7077888x8xf32, #tpu.memory_space<hbm>> -> memref<7077888x8xf32, #tpu.memory_space<hbm>>
    tpu.enqueue_indirect_dma source(%dma_start3A_91 : memref<7077888x8xf32, #tpu.memory_space<hbm>>) target(%dma_start3A_85 : memref<768x8xf32, #tpu.memory_space<vmem>>) offsets(%dma_start3A_88 : memref<768xi32, #tpu.memory_space<vmem>>) semaphore(%arg23 : memref<!tpu.dma_semaphore, #tpu.memory_space<semaphore_mem>>)
    %dma_start3A_92 = arith.constant 1 : i32
    %dma_start3A_93 = arith.constant 1 : i32
    %dma_start3A_94 = arith.constant 0 : i32
    %dma_start3A_95 = arith.constant 0 : i32
    %dma_start3A_96 = tpu.memref_slice %arg17[%dma_start3A_93, %dma_start3A_94, %dma_start3A_95] : memref<4x768x8xf32, #tpu.memory_space<vmem>> -> memref<1x768x8xf32, #tpu.memory_space<vmem>>
    %dma_start3A_97 = tpu.memref_squeeze %dma_start3A_96 : memref<1x768x8xf32, #tpu.memory_space<vmem>> -> memref<768x8xf32, #tpu.memory_space<vmem>>
    %dma_start3A_98 = arith.constant 0 : i32
    %dma_start3A_99 = tpu.memref_slice %arg15[%dma_start3A_92, %dma_start3A_98] : memref<4x768xi32, #tpu.memory_space<vmem>> -> memref<1x768xi32, #tpu.memory_space<vmem>>
    %dma_start3A_100 = tpu.memref_squeeze %dma_start3A_99 : memref<1x768xi32, #tpu.memory_space<vmem>> -> memref<768xi32, #tpu.memory_space<vmem>>
    %dma_start3A_101 = arith.constant 0 : i32
    %dma_start3A_102 = arith.constant 0 : i32
    %dma_start3A_103 = tpu.memref_slice %arg2[%dma_start3A_101, %dma_start3A_102] : memref<7077888x8xf32, #tpu.memory_space<hbm>> -> memref<7077888x8xf32, #tpu.memory_space<hbm>>
    tpu.enqueue_indirect_dma source(%dma_start3A_103 : memref<7077888x8xf32, #tpu.memory_space<hbm>>) target(%dma_start3A_97 : memref<768x8xf32, #tpu.memory_space<vmem>>) offsets(%dma_start3A_100 : memref<768xi32, #tpu.memory_space<vmem>>) semaphore(%arg23 : memref<!tpu.dma_semaphore, #tpu.memory_space<semaphore_mem>>)
    %dma_start3A_104 = arith.constant 2 : i32
    %dma_start3A_105 = arith.constant 2 : i32
    %dma_start3A_106 = arith.constant 0 : i32
    %dma_start3A_107 = arith.constant 0 : i32
    %dma_start3A_108 = tpu.memref_slice %arg17[%dma_start3A_105, %dma_start3A_106, %dma_start3A_107] : memref<4x768x8xf32, #tpu.memory_space<vmem>> -> memref<1x768x8xf32, #tpu.memory_space<vmem>>
    %dma_start3A_109 = tpu.memref_squeeze %dma_start3A_108 : memref<1x768x8xf32, #tpu.memory_space<vmem>> -> memref<768x8xf32, #tpu.memory_space<vmem>>
    %dma_start3A_110 = arith.constant 0 : i32
    %dma_start3A_111 = tpu.memref_slice %arg15[%dma_start3A_104, %dma_start3A_110] : memref<4x768xi32, #tpu.memory_space<vmem>> -> memref<1x768xi32, #tpu.memory_space<vmem>>
    %dma_start3A_112 = tpu.memref_squeeze %dma_start3A_111 : memref<1x768xi32, #tpu.memory_space<vmem>> -> memref<768xi32, #tpu.memory_space<vmem>>
    %dma_start3A_113 = arith.constant 0 : i32
    %dma_start3A_114 = arith.constant 0 : i32
    %dma_start3A_115 = tpu.memref_slice %arg2[%dma_start3A_113, %dma_start3A_114] : memref<7077888x8xf32, #tpu.memory_space<hbm>> -> memref<7077888x8xf32, #tpu.memory_space<hbm>>
    tpu.enqueue_indirect_dma source(%dma_start3A_115 : memref<7077888x8xf32, #tpu.memory_space<hbm>>) target(%dma_start3A_109 : memref<768x8xf32, #tpu.memory_space<vmem>>) offsets(%dma_start3A_112 : memref<768xi32, #tpu.memory_space<vmem>>) semaphore(%arg23 : memref<!tpu.dma_semaphore, #tpu.memory_space<semaphore_mem>>)
    %dma_start3A_116 = arith.constant 3 : i32
    %dma_start3A_117 = arith.constant 3 : i32
    %dma_start3A_118 = arith.constant 0 : i32
    %dma_start3A_119 = arith.constant 0 : i32
    %dma_start3A_120 = tpu.memref_slice %arg17[%dma_start3A_117, %dma_start3A_118, %dma_start3A_119] : memref<4x768x8xf32, #tpu.memory_space<vmem>> -> memref<1x768x8xf32, #tpu.memory_space<vmem>>
    %dma_start3A_121 = tpu.memref_squeeze %dma_start3A_120 : memref<1x768x8xf32, #tpu.memory_space<vmem>> -> memref<768x8xf32, #tpu.memory_space<vmem>>
    %dma_start3A_122 = arith.constant 0 : i32
    %dma_start3A_123 = tpu.memref_slice %arg15[%dma_start3A_116, %dma_start3A_122] : memref<4x768xi32, #tpu.memory_space<vmem>> -> memref<1x768xi32, #tpu.memory_space<vmem>>
    %dma_start3A_124 = tpu.memref_squeeze %dma_start3A_123 : memref<1x768xi32, #tpu.memory_space<vmem>> -> memref<768xi32, #tpu.memory_space<vmem>>
    %dma_start3A_125 = arith.constant 0 : i32
    %dma_start3A_126 = arith.constant 0 : i32
    %dma_start3A_127 = tpu.memref_slice %arg2[%dma_start3A_125, %dma_start3A_126] : memref<7077888x8xf32, #tpu.memory_space<hbm>> -> memref<7077888x8xf32, #tpu.memory_space<hbm>>
    tpu.enqueue_indirect_dma source(%dma_start3A_127 : memref<7077888x8xf32, #tpu.memory_space<hbm>>) target(%dma_start3A_121 : memref<768x8xf32, #tpu.memory_space<vmem>>) offsets(%dma_start3A_124 : memref<768xi32, #tpu.memory_space<vmem>>) semaphore(%arg23 : memref<!tpu.dma_semaphore, #tpu.memory_space<semaphore_mem>>)
    %scan3A_128 = arith.constant 0 : i32
    %scan3A_129 = arith.constant 0 : i32
    %scan3A_130 = arith.constant 16 : i32
    %scan3A_131 = arith.addi %scan3A_129, %scan3A_130 : i32
    %scan3A_132 = arith.constant 1 : i32
    scf.for %scan3A_210 = %scan3A_129 to %scan3A_131 step %scan3A_132  : i32 {
      %mul3A_211 = arith.constant 2 : i32
      %mul3A_212 = arith.muli %mul3A_211, %scan3A_210 : i32
      %add3A_213 = arith.constant 1 : i32
      %add3A_214 = arith.addi %mul3A_212, %add3A_213 : i32
      %mul3A_215 = arith.constant 768 : i32
      %mul3A_216 = arith.muli %add3A_214, %mul3A_215 : i32
      %add3A_217 = arith.addi %mul3A_2, %mul3A_216 : i32
      %dma_start3A_218 = arith.constant 1 : i32
      %dma_start3A_219 = arith.constant 0 : i32
      %dma_start3A_220 = tpu.memref_slice %arg11[%dma_start3A_218, %dma_start3A_219] : memref<2x768xi32, #tpu.memory_space<vmem>> -> memref<1x768xi32, #tpu.memory_space<vmem>>
      %dma_start3A_221 = tpu.memref_squeeze %dma_start3A_220 : memref<1x768xi32, #tpu.memory_space<vmem>> -> memref<768xi32, #tpu.memory_space<vmem>>
      %dma_start3A_222 = tpu.memref_slice %arg3[%add3A_217] : memref<786432xi32, #tpu.memory_space<hbm>> -> memref<768xi32, #tpu.memory_space<hbm>>
      %dma_start3A_223 = arith.constant 0 : i32
      %dma_start3A_224 = tpu.memref_slice %arg11[%dma_start3A_218, %dma_start3A_223] : memref<2x768xi32, #tpu.memory_space<vmem>> -> memref<1x768xi32, #tpu.memory_space<vmem>>
      %dma_start3A_225 = tpu.memref_squeeze %dma_start3A_224 : memref<1x768xi32, #tpu.memory_space<vmem>> -> memref<768xi32, #tpu.memory_space<vmem>>
      %dma_start3A_226 = tpu.memref_slice %arg3[%add3A_217] : memref<786432xi32, #tpu.memory_space<hbm>> -> memref<768xi32, #tpu.memory_space<hbm>>
      tpu.enqueue_dma source(%dma_start3A_226 : memref<768xi32, #tpu.memory_space<hbm>>) target(%dma_start3A_225 : memref<768xi32, #tpu.memory_space<vmem>>) target_semaphore(%arg27 : memref<!tpu.dma_semaphore, #tpu.memory_space<semaphore_mem>>)
      %dma_start3A_227 = arith.constant 1 : i32
      %dma_start3A_228 = arith.constant 0 : i32
      %dma_start3A_229 = tpu.memref_slice %arg12[%dma_start3A_227, %dma_start3A_228] : memref<2x768xf32, #tpu.memory_space<vmem>> -> memref<1x768xf32, #tpu.memory_space<vmem>>
      %dma_start3A_230 = tpu.memref_squeeze %dma_start3A_229 : memref<1x768xf32, #tpu.memory_space<vmem>> -> memref<768xf32, #tpu.memory_space<vmem>>
      %dma_start3A_231 = tpu.memref_slice %arg4[%add3A_217] : memref<786432xf32, #tpu.memory_space<hbm>> -> memref<768xf32, #tpu.memory_space<hbm>>
      %dma_start3A_232 = arith.constant 0 : i32
      %dma_start3A_233 = tpu.memref_slice %arg12[%dma_start3A_227, %dma_start3A_232] : memref<2x768xf32, #tpu.memory_space<vmem>> -> memref<1x768xf32, #tpu.memory_space<vmem>>
      %dma_start3A_234 = tpu.memref_squeeze %dma_start3A_233 : memref<1x768xf32, #tpu.memory_space<vmem>> -> memref<768xf32, #tpu.memory_space<vmem>>
      %dma_start3A_235 = tpu.memref_slice %arg4[%add3A_217] : memref<786432xf32, #tpu.memory_space<hbm>> -> memref<768xf32, #tpu.memory_space<hbm>>
      tpu.enqueue_dma source(%dma_start3A_235 : memref<768xf32, #tpu.memory_space<hbm>>) target(%dma_start3A_234 : memref<768xf32, #tpu.memory_space<vmem>>) target_semaphore(%arg27 : memref<!tpu.dma_semaphore, #tpu.memory_space<semaphore_mem>>)
      %dma_start3A_236 = arith.constant 1 : i32
      %dma_start3A_237 = arith.constant 0 : i32
      %dma_start3A_238 = tpu.memref_slice %arg13[%dma_start3A_236, %dma_start3A_237] : memref<2x768xf32, #tpu.memory_space<vmem>> -> memref<1x768xf32, #tpu.memory_space<vmem>>
      %dma_start3A_239 = tpu.memref_squeeze %dma_start3A_238 : memref<1x768xf32, #tpu.memory_space<vmem>> -> memref<768xf32, #tpu.memory_space<vmem>>
      %dma_start3A_240 = tpu.memref_slice %arg5[%add3A_217] : memref<786432xf32, #tpu.memory_space<hbm>> -> memref<768xf32, #tpu.memory_space<hbm>>
      %dma_start3A_241 = arith.constant 0 : i32
      %dma_start3A_242 = tpu.memref_slice %arg13[%dma_start3A_236, %dma_start3A_241] : memref<2x768xf32, #tpu.memory_space<vmem>> -> memref<1x768xf32, #tpu.memory_space<vmem>>
      %dma_start3A_243 = tpu.memref_squeeze %dma_start3A_242 : memref<1x768xf32, #tpu.memory_space<vmem>> -> memref<768xf32, #tpu.memory_space<vmem>>
      %dma_start3A_244 = tpu.memref_slice %arg5[%add3A_217] : memref<786432xf32, #tpu.memory_space<hbm>> -> memref<768xf32, #tpu.memory_space<hbm>>
      tpu.enqueue_dma source(%dma_start3A_244 : memref<768xf32, #tpu.memory_space<hbm>>) target(%dma_start3A_243 : memref<768xf32, #tpu.memory_space<vmem>>) target_semaphore(%arg27 : memref<!tpu.dma_semaphore, #tpu.memory_space<semaphore_mem>>)
      %dma_start3A_245 = arith.constant 1 : i32
      %dma_start3A_246 = arith.constant 0 : i32
      %dma_start3A_247 = tpu.memref_slice %arg14[%dma_start3A_245, %dma_start3A_246] : memref<2x768xf32, #tpu.memory_space<vmem>> -> memref<1x768xf32, #tpu.memory_space<vmem>>
      %dma_start3A_248 = tpu.memref_squeeze %dma_start3A_247 : memref<1x768xf32, #tpu.memory_space<vmem>> -> memref<768xf32, #tpu.memory_space<vmem>>
      %dma_start3A_249 = tpu.memref_slice %arg6[%add3A_217] : memref<786432xf32, #tpu.memory_space<hbm>> -> memref<768xf32, #tpu.memory_space<hbm>>
      %dma_start3A_250 = arith.constant 0 : i32
      %dma_start3A_251 = tpu.memref_slice %arg14[%dma_start3A_245, %dma_start3A_250] : memref<2x768xf32, #tpu.memory_space<vmem>> -> memref<1x768xf32, #tpu.memory_space<vmem>>
      %dma_start3A_252 = tpu.memref_squeeze %dma_start3A_251 : memref<1x768xf32, #tpu.memory_space<vmem>> -> memref<768xf32, #tpu.memory_space<vmem>>
      %dma_start3A_253 = tpu.memref_slice %arg6[%add3A_217] : memref<786432xf32, #tpu.memory_space<hbm>> -> memref<768xf32, #tpu.memory_space<hbm>>
      tpu.enqueue_dma source(%dma_start3A_253 : memref<768xf32, #tpu.memory_space<hbm>>) target(%dma_start3A_252 : memref<768xf32, #tpu.memory_space<vmem>>) target_semaphore(%arg27 : memref<!tpu.dma_semaphore, #tpu.memory_space<semaphore_mem>>)
      %dma_wait3A_254 = arith.constant 1 : i32
      %dma_wait3A_255 = arith.constant 0 : i32
      %dma_wait3A_256 = tpu.memref_slice %arg11[%dma_wait3A_254, %dma_wait3A_255] : memref<2x768xi32, #tpu.memory_space<vmem>> -> memref<1x768xi32, #tpu.memory_space<vmem>>
      %dma_wait3A_257 = tpu.memref_squeeze %dma_wait3A_256 : memref<1x768xi32, #tpu.memory_space<vmem>> -> memref<768xi32, #tpu.memory_space<vmem>>
      %dma_wait3A_258 = tpu.memref_slice %arg3[%add3A_217] : memref<786432xi32, #tpu.memory_space<hbm>> -> memref<768xi32, #tpu.memory_space<hbm>>
      %dma_wait3A_259 = arith.constant 0 : i32
      %dma_wait3A_260 = tpu.memref_slice %arg11[%dma_wait3A_254, %dma_wait3A_259] : memref<2x768xi32, #tpu.memory_space<vmem>> -> memref<1x768xi32, #tpu.memory_space<vmem>>
      %dma_wait3A_261 = tpu.memref_squeeze %dma_wait3A_260 : memref<1x768xi32, #tpu.memory_space<vmem>> -> memref<768xi32, #tpu.memory_space<vmem>>
      %dma_wait3A_262 = tpu.memref_slice %arg3[%add3A_217] : memref<786432xi32, #tpu.memory_space<hbm>> -> memref<768xi32, #tpu.memory_space<hbm>>
      tpu.wait_dma2 semaphore(%arg27 : memref<!tpu.dma_semaphore, #tpu.memory_space<semaphore_mem>>) src(%dma_wait3A_262 : memref<768xi32, #tpu.memory_space<hbm>>) dst(%dma_wait3A_261 : memref<768xi32, #tpu.memory_space<vmem>>)
      %dma_wait3A_263 = arith.constant 1 : i32
      %dma_wait3A_264 = arith.constant 0 : i32
      %dma_wait3A_265 = tpu.memref_slice %arg12[%dma_wait3A_263, %dma_wait3A_264] : memref<2x768xf32, #tpu.memory_space<vmem>> -> memref<1x768xf32, #tpu.memory_space<vmem>>
      %dma_wait3A_266 = tpu.memref_squeeze %dma_wait3A_265 : memref<1x768xf32, #tpu.memory_space<vmem>> -> memref<768xf32, #tpu.memory_space<vmem>>
      %dma_wait3A_267 = tpu.memref_slice %arg4[%add3A_217] : memref<786432xf32, #tpu.memory_space<hbm>> -> memref<768xf32, #tpu.memory_space<hbm>>
      %dma_wait3A_268 = arith.constant 0 : i32
      %dma_wait3A_269 = tpu.memref_slice %arg12[%dma_wait3A_263, %dma_wait3A_268] : memref<2x768xf32, #tpu.memory_space<vmem>> -> memref<1x768xf32, #tpu.memory_space<vmem>>
      %dma_wait3A_270 = tpu.memref_squeeze %dma_wait3A_269 : memref<1x768xf32, #tpu.memory_space<vmem>> -> memref<768xf32, #tpu.memory_space<vmem>>
      %dma_wait3A_271 = tpu.memref_slice %arg4[%add3A_217] : memref<786432xf32, #tpu.memory_space<hbm>> -> memref<768xf32, #tpu.memory_space<hbm>>
      tpu.wait_dma2 semaphore(%arg27 : memref<!tpu.dma_semaphore, #tpu.memory_space<semaphore_mem>>) src(%dma_wait3A_271 : memref<768xf32, #tpu.memory_space<hbm>>) dst(%dma_wait3A_270 : memref<768xf32, #tpu.memory_space<vmem>>)
      %dma_wait3A_272 = arith.constant 1 : i32
      %dma_wait3A_273 = arith.constant 0 : i32
      %dma_wait3A_274 = tpu.memref_slice %arg13[%dma_wait3A_272, %dma_wait3A_273] : memref<2x768xf32, #tpu.memory_space<vmem>> -> memref<1x768xf32, #tpu.memory_space<vmem>>
      %dma_wait3A_275 = tpu.memref_squeeze %dma_wait3A_274 : memref<1x768xf32, #tpu.memory_space<vmem>> -> memref<768xf32, #tpu.memory_space<vmem>>
      %dma_wait3A_276 = tpu.memref_slice %arg5[%add3A_217] : memref<786432xf32, #tpu.memory_space<hbm>> -> memref<768xf32, #tpu.memory_space<hbm>>
      %dma_wait3A_277 = arith.constant 0 : i32
      %dma_wait3A_278 = tpu.memref_slice %arg13[%dma_wait3A_272, %dma_wait3A_277] : memref<2x768xf32, #tpu.memory_space<vmem>> -> memref<1x768xf32, #tpu.memory_space<vmem>>
      %dma_wait3A_279 = tpu.memref_squeeze %dma_wait3A_278 : memref<1x768xf32, #tpu.memory_space<vmem>> -> memref<768xf32, #tpu.memory_space<vmem>>
      %dma_wait3A_280 = tpu.memref_slice %arg5[%add3A_217] : memref<786432xf32, #tpu.memory_space<hbm>> -> memref<768xf32, #tpu.memory_space<hbm>>
      tpu.wait_dma2 semaphore(%arg27 : memref<!tpu.dma_semaphore, #tpu.memory_space<semaphore_mem>>) src(%dma_wait3A_280 : memref<768xf32, #tpu.memory_space<hbm>>) dst(%dma_wait3A_279 : memref<768xf32, #tpu.memory_space<vmem>>)
      %dma_wait3A_281 = arith.constant 1 : i32
      %dma_wait3A_282 = arith.constant 0 : i32
      %dma_wait3A_283 = tpu.memref_slice %arg14[%dma_wait3A_281, %dma_wait3A_282] : memref<2x768xf32, #tpu.memory_space<vmem>> -> memref<1x768xf32, #tpu.memory_space<vmem>>
      %dma_wait3A_284 = tpu.memref_squeeze %dma_wait3A_283 : memref<1x768xf32, #tpu.memory_space<vmem>> -> memref<768xf32, #tpu.memory_space<vmem>>
      %dma_wait3A_285 = tpu.memref_slice %arg6[%add3A_217] : memref<786432xf32, #tpu.memory_space<hbm>> -> memref<768xf32, #tpu.memory_space<hbm>>
      %dma_wait3A_286 = arith.constant 0 : i32
      %dma_wait3A_287 = tpu.memref_slice %arg14[%dma_wait3A_281, %dma_wait3A_286] : memref<2x768xf32, #tpu.memory_space<vmem>> -> memref<1x768xf32, #tpu.memory_space<vmem>>
      %dma_wait3A_288 = tpu.memref_squeeze %dma_wait3A_287 : memref<1x768xf32, #tpu.memory_space<vmem>> -> memref<768xf32, #tpu.memory_space<vmem>>
      %dma_wait3A_289 = tpu.memref_slice %arg6[%add3A_217] : memref<786432xf32, #tpu.memory_space<hbm>> -> memref<768xf32, #tpu.memory_space<hbm>>
      tpu.wait_dma2 semaphore(%arg27 : memref<!tpu.dma_semaphore, #tpu.memory_space<semaphore_mem>>) src(%dma_wait3A_289 : memref<768xf32, #tpu.memory_space<hbm>>) dst(%dma_wait3A_288 : memref<768xf32, #tpu.memory_space<vmem>>)
      %scan3A_290 = arith.constant 0 : i32
      %scan3A_291 = arith.constant 0 : i32
      %scan3A_292 = arith.constant 48 : i32
      %scan3A_293 = arith.addi %scan3A_291, %scan3A_292 : i32
      %scan3A_294 = arith.constant 1 : i32
      scf.for %scan3A_543 = %scan3A_291 to %scan3A_293 step %scan3A_294  : i32 {
        %mul3A_544 = arith.constant 16 : i32
        %mul3A_545 = arith.muli %scan3A_543, %mul3A_544 : i32
        %get3A = arith.constant 1 : i32
        %get3A_546 = arith.index_cast %get3A : i32 to index
        %get3A_547 = arith.index_cast %mul3A_545 : i32 to index
        %get3A_548 = tpu.vector_load %arg11[%get3A_546, %get3A_547] {strides = array<i32>} : memref<2x768xi32, #tpu.memory_space<vmem>>, vector<16xi32>,
        %add3A_549 = arith.constant 0 : i32
        %add3A_550 = vector.broadcast %add3A_549 : i32 to vector<16xi32>
        %add3A_551 = arith.addi %get3A_548, %add3A_550 : vector<16xi32>
        %mul3A_552 = arith.constant 16 : i32
        %mul3A_553 = arith.muli %scan3A_543, %mul3A_552 : i32
        %swap3A = arith.constant 0 : i32
        %swap3A_554 = arith.index_cast %swap3A : i32 to index
        %swap3A_555 = arith.index_cast %mul3A_553 : i32 to index
        %swap3A_556 = tpu.vector_load %arg16[%swap3A_554, %swap3A_555] {strides = array<i32>} : memref<4x768xi32, #tpu.memory_space<vmem>>, vector<16xi32>,
        tpu.vector_store %arg16[%swap3A_554, %swap3A_555], %add3A_551 {strides = array<i32>} : memref<4x768xi32, #tpu.memory_space<vmem>>, vector<16xi32>,
        %add3A_557 = arith.constant 192 : i32
        %add3A_558 = vector.broadcast %add3A_557 : i32 to vector<16xi32>
        %add3A_559 = arith.addi %get3A_548, %add3A_558 : vector<16xi32>
        %mul3A_560 = arith.constant 16 : i32
        %mul3A_561 = arith.muli %scan3A_543, %mul3A_560 : i32
        %swap3A_562 = arith.constant 1 : i32
        %swap3A_563 = arith.index_cast %swap3A_562 : i32 to index
        %swap3A_564 = arith.index_cast %mul3A_561 : i32 to index
        %swap3A_565 = tpu.vector_load %arg16[%swap3A_563, %swap3A_564] {strides = array<i32>} : memref<4x768xi32, #tpu.memory_space<vmem>>, vector<16xi32>,
        tpu.vector_store %arg16[%swap3A_563, %swap3A_564], %add3A_559 {strides = array<i32>} : memref<4x768xi32, #tpu.memory_space<vmem>>, vector<16xi32>,
        %add3A_566 = arith.constant 36864 : i32
        %add3A_567 = vector.broadcast %add3A_566 : i32 to vector<16xi32>
        %add3A_568 = arith.addi %get3A_548, %add3A_567 : vector<16xi32>
        %mul3A_569 = arith.constant 16 : i32
        %mul3A_570 = arith.muli %scan3A_543, %mul3A_569 : i32
        %swap3A_571 = arith.constant 2 : i32
        %swap3A_572 = arith.index_cast %swap3A_571 : i32 to index
        %swap3A_573 = arith.index_cast %mul3A_570 : i32 to index
        %swap3A_574 = tpu.vector_load %arg16[%swap3A_572, %swap3A_573] {strides = array<i32>} : memref<4x768xi32, #tpu.memory_space<vmem>>, vector<16xi32>,
        tpu.vector_store %arg16[%swap3A_572, %swap3A_573], %add3A_568 {strides = array<i32>} : memref<4x768xi32, #tpu.memory_space<vmem>>, vector<16xi32>,
        %add3A_575 = arith.constant 37056 : i32
        %add3A_576 = vector.broadcast %add3A_575 : i32 to vector<16xi32>
        %add3A_577 = arith.addi %get3A_548, %add3A_576 : vector<16xi32>
        %mul3A_578 = arith.constant 16 : i32
        %mul3A_579 = arith.muli %scan3A_543, %mul3A_578 : i32
        %swap3A_580 = arith.constant 3 : i32
        %swap3A_581 = arith.index_cast %swap3A_580 : i32 to index
        %swap3A_582 = arith.index_cast %mul3A_579 : i32 to index
        %swap3A_583 = tpu.vector_load %arg16[%swap3A_581, %swap3A_582] {strides = array<i32>} : memref<4x768xi32, #tpu.memory_space<vmem>>, vector<16xi32>,
        tpu.vector_store %arg16[%swap3A_581, %swap3A_582], %add3A_577 {strides = array<i32>} : memref<4x768xi32, #tpu.memory_space<vmem>>, vector<16xi32>,
      }
      %scan3A_295 = arith.constant 48 : i32
      %dma_start3A_296 = arith.constant 0 : i32
      %dma_start3A_297 = arith.constant 0 : i32
      %dma_start3A_298 = arith.constant 0 : i32
      %dma_start3A_299 = arith.constant 0 : i32
      %dma_start3A_300 = tpu.memref_slice %arg18[%dma_start3A_297, %dma_start3A_298, %dma_start3A_299] : memref<4x768x8xf32, #tpu.memory_space<vmem>> -> memref<1x768x8xf32, #tpu.memory_space<vmem>>
      %dma_start3A_301 = tpu.memref_squeeze %dma_start3A_300 : memref<1x768x8xf32, #tpu.memory_space<vmem>> -> memref<768x8xf32, #tpu.memory_space<vmem>>
      %dma_start3A_302 = arith.constant 0 : i32
      %dma_start3A_303 = tpu.memref_slice %arg16[%dma_start3A_296, %dma_start3A_302] : memref<4x768xi32, #tpu.memory_space<vmem>> -> memref<1x768xi32, #tpu.memory_space<vmem>>
      %dma_start3A_304 = tpu.memref_squeeze %dma_start3A_303 : memref<1x768xi32, #tpu.memory_space<vmem>> -> memref<768xi32, #tpu.memory_space<vmem>>
      %dma_start3A_305 = arith.constant 0 : i32
      %dma_start3A_306 = arith.constant 0 : i32
      %dma_start3A_307 = tpu.memref_slice %arg2[%dma_start3A_305, %dma_start3A_306] : memref<7077888x8xf32, #tpu.memory_space<hbm>> -> memref<7077888x8xf32, #tpu.memory_space<hbm>>
      tpu.enqueue_indirect_dma source(%dma_start3A_307 : memref<7077888x8xf32, #tpu.memory_space<hbm>>) target(%dma_start3A_301 : memref<768x8xf32, #tpu.memory_space<vmem>>) offsets(%dma_start3A_304 : memref<768xi32, #tpu.memory_space<vmem>>) semaphore(%arg24 : memref<!tpu.dma_semaphore, #tpu.memory_space<semaphore_mem>>)
      %dma_start3A_308 = arith.constant 1 : i32
      %dma_start3A_309 = arith.constant 1 : i32
      %dma_start3A_310 = arith.constant 0 : i32
      %dma_start3A_311 = arith.constant 0 : i32
      %dma_start3A_312 = tpu.memref_slice %arg18[%dma_start3A_309, %dma_start3A_310, %dma_start3A_311] : memref<4x768x8xf32, #tpu.memory_space<vmem>> -> memref<1x768x8xf32, #tpu.memory_space<vmem>>
      %dma_start3A_313 = tpu.memref_squeeze %dma_start3A_312 : memref<1x768x8xf32, #tpu.memory_space<vmem>> -> memref<768x8xf32, #tpu.memory_space<vmem>>
      %dma_start3A_314 = arith.constant 0 : i32
      %dma_start3A_315 = tpu.memref_slice %arg16[%dma_start3A_308, %dma_start3A_314] : memref<4x768xi32, #tpu.memory_space<vmem>> -> memref<1x768xi32, #tpu.memory_space<vmem>>
      %dma_start3A_316 = tpu.memref_squeeze %dma_start3A_315 : memref<1x768xi32, #tpu.memory_space<vmem>> -> memref<768xi32, #tpu.memory_space<vmem>>
      %dma_start3A_317 = arith.constant 0 : i32
      %dma_start3A_318 = arith.constant 0 : i32
      %dma_start3A_319 = tpu.memref_slice %arg2[%dma_start3A_317, %dma_start3A_318] : memref<7077888x8xf32, #tpu.memory_space<hbm>> -> memref<7077888x8xf32, #tpu.memory_space<hbm>>
      tpu.enqueue_indirect_dma source(%dma_start3A_319 : memref<7077888x8xf32, #tpu.memory_space<hbm>>) target(%dma_start3A_313 : memref<768x8xf32, #tpu.memory_space<vmem>>) offsets(%dma_start3A_316 : memref<768xi32, #tpu.memory_space<vmem>>) semaphore(%arg24 : memref<!tpu.dma_semaphore, #tpu.memory_space<semaphore_mem>>)
      %dma_start3A_320 = arith.constant 2 : i32
      %dma_start3A_321 = arith.constant 2 : i32
      %dma_start3A_322 = arith.constant 0 : i32
      %dma_start3A_323 = arith.constant 0 : i32
      %dma_start3A_324 = tpu.memref_slice %arg18[%dma_start3A_321, %dma_start3A_322, %dma_start3A_323] : memref<4x768x8xf32, #tpu.memory_space<vmem>> -> memref<1x768x8xf32, #tpu.memory_space<vmem>>
      %dma_start3A_325 = tpu.memref_squeeze %dma_start3A_324 : memref<1x768x8xf32, #tpu.memory_space<vmem>> -> memref<768x8xf32, #tpu.memory_space<vmem>>
      %dma_start3A_326 = arith.constant 0 : i32
      %dma_start3A_327 = tpu.memref_slice %arg16[%dma_start3A_320, %dma_start3A_326] : memref<4x768xi32, #tpu.memory_space<vmem>> -> memref<1x768xi32, #tpu.memory_space<vmem>>
      %dma_start3A_328 = tpu.memref_squeeze %dma_start3A_327 : memref<1x768xi32, #tpu.memory_space<vmem>> -> memref<768xi32, #tpu.memory_space<vmem>>
      %dma_start3A_329 = arith.constant 0 : i32
      %dma_start3A_330 = arith.constant 0 : i32
      %dma_start3A_331 = tpu.memref_slice %arg2[%dma_start3A_329, %dma_start3A_330] : memref<7077888x8xf32, #tpu.memory_space<hbm>> -> memref<7077888x8xf32, #tpu.memory_space<hbm>>
      tpu.enqueue_indirect_dma source(%dma_start3A_331 : memref<7077888x8xf32, #tpu.memory_space<hbm>>) target(%dma_start3A_325 : memref<768x8xf32, #tpu.memory_space<vmem>>) offsets(%dma_start3A_328 : memref<768xi32, #tpu.memory_space<vmem>>) semaphore(%arg24 : memref<!tpu.dma_semaphore, #tpu.memory_space<semaphore_mem>>)
      %dma_start3A_332 = arith.constant 3 : i32
      %dma_start3A_333 = arith.constant 3 : i32
      %dma_start3A_334 = arith.constant 0 : i32
      %dma_start3A_335 = arith.constant 0 : i32
      %dma_start3A_336 = tpu.memref_slice %arg18[%dma_start3A_333, %dma_start3A_334, %dma_start3A_335] : memref<4x768x8xf32, #tpu.memory_space<vmem>> -> memref<1x768x8xf32, #tpu.memory_space<vmem>>
      %dma_start3A_337 = tpu.memref_squeeze %dma_start3A_336 : memref<1x768x8xf32, #tpu.memory_space<vmem>> -> memref<768x8xf32, #tpu.memory_space<vmem>>
      %dma_start3A_338 = arith.constant 0 : i32
      %dma_start3A_339 = tpu.memref_slice %arg16[%dma_start3A_332, %dma_start3A_338] : memref<4x768xi32, #tpu.memory_space<vmem>> -> memref<1x768xi32, #tpu.memory_space<vmem>>
      %dma_start3A_340 = tpu.memref_squeeze %dma_start3A_339 : memref<1x768xi32, #tpu.memory_space<vmem>> -> memref<768xi32, #tpu.memory_space<vmem>>
      %dma_start3A_341 = arith.constant 0 : i32
      %dma_start3A_342 = arith.constant 0 : i32
      %dma_start3A_343 = tpu.memref_slice %arg2[%dma_start3A_341, %dma_start3A_342] : memref<7077888x8xf32, #tpu.memory_space<hbm>> -> memref<7077888x8xf32, #tpu.memory_space<hbm>>
      tpu.enqueue_indirect_dma source(%dma_start3A_343 : memref<7077888x8xf32, #tpu.memory_space<hbm>>) target(%dma_start3A_337 : memref<768x8xf32, #tpu.memory_space<vmem>>) offsets(%dma_start3A_340 : memref<768xi32, #tpu.memory_space<vmem>>) semaphore(%arg24 : memref<!tpu.dma_semaphore, #tpu.memory_space<semaphore_mem>>)
      %dma_wait3A_344 = arith.constant 0 : i32
      %dma_wait3A_345 = arith.constant 0 : i32
      %dma_wait3A_346 = arith.constant 0 : i32
      %dma_wait3A_347 = arith.constant 0 : i32
      %dma_wait3A_348 = tpu.memref_slice %arg17[%dma_wait3A_345, %dma_wait3A_346, %dma_wait3A_347] : memref<4x768x8xf32, #tpu.memory_space<vmem>> -> memref<1x768x8xf32, #tpu.memory_space<vmem>>
      %dma_wait3A_349 = tpu.memref_squeeze %dma_wait3A_348 : memref<1x768x8xf32, #tpu.memory_space<vmem>> -> memref<768x8xf32, #tpu.memory_space<vmem>>
      %dma_wait3A_350 = arith.constant 0 : i32
      %dma_wait3A_351 = tpu.memref_slice %arg15[%dma_wait3A_344, %dma_wait3A_350] : memref<4x768xi32, #tpu.memory_space<vmem>> -> memref<1x768xi32, #tpu.memory_space<vmem>>
      %dma_wait3A_352 = tpu.memref_squeeze %dma_wait3A_351 : memref<1x768xi32, #tpu.memory_space<vmem>> -> memref<768xi32, #tpu.memory_space<vmem>>
      %dma_wait3A_353 = arith.constant 0 : i32
      %dma_wait3A_354 = arith.constant 0 : i32
      %dma_wait3A_355 = tpu.memref_slice %arg2[%dma_wait3A_353, %dma_wait3A_354] : memref<7077888x8xf32, #tpu.memory_space<hbm>> -> memref<7077888x8xf32, #tpu.memory_space<hbm>>
      tpu.wait_indirect_dma semaphore(%arg23 : memref<!tpu.dma_semaphore, #tpu.memory_space<semaphore_mem>>) src(%dma_wait3A_355 : memref<7077888x8xf32, #tpu.memory_space<hbm>>) dst(%dma_wait3A_349 : memref<768x8xf32, #tpu.memory_space<vmem>>)
      %dma_wait3A_356 = arith.constant 1 : i32
      %dma_wait3A_357 = arith.constant 1 : i32
      %dma_wait3A_358 = arith.constant 0 : i32
      %dma_wait3A_359 = arith.constant 0 : i32
      %dma_wait3A_360 = tpu.memref_slice %arg17[%dma_wait3A_357, %dma_wait3A_358, %dma_wait3A_359] : memref<4x768x8xf32, #tpu.memory_space<vmem>> -> memref<1x768x8xf32, #tpu.memory_space<vmem>>
      %dma_wait3A_361 = tpu.memref_squeeze %dma_wait3A_360 : memref<1x768x8xf32, #tpu.memory_space<vmem>> -> memref<768x8xf32, #tpu.memory_space<vmem>>
      %dma_wait3A_362 = arith.constant 0 : i32
      %dma_wait3A_363 = tpu.memref_slice %arg15[%dma_wait3A_356, %dma_wait3A_362] : memref<4x768xi32, #tpu.memory_space<vmem>> -> memref<1x768xi32, #tpu.memory_space<vmem>>
      %dma_wait3A_364 = tpu.memref_squeeze %dma_wait3A_363 : memref<1x768xi32, #tpu.memory_space<vmem>> -> memref<768xi32, #tpu.memory_space<vmem>>
      %dma_wait3A_365 = arith.constant 0 : i32
      %dma_wait3A_366 = arith.constant 0 : i32
      %dma_wait3A_367 = tpu.memref_slice %arg2[%dma_wait3A_365, %dma_wait3A_366] : memref<7077888x8xf32, #tpu.memory_space<hbm>> -> memref<7077888x8xf32, #tpu.memory_space<hbm>>
      tpu.wait_indirect_dma semaphore(%arg23 : memref<!tpu.dma_semaphore, #tpu.memory_space<semaphore_mem>>) src(%dma_wait3A_367 : memref<7077888x8xf32, #tpu.memory_space<hbm>>) dst(%dma_wait3A_361 : memref<768x8xf32, #tpu.memory_space<vmem>>)
      %dma_wait3A_368 = arith.constant 2 : i32
      %dma_wait3A_369 = arith.constant 2 : i32
      %dma_wait3A_370 = arith.constant 0 : i32
      %dma_wait3A_371 = arith.constant 0 : i32
      %dma_wait3A_372 = tpu.memref_slice %arg17[%dma_wait3A_369, %dma_wait3A_370, %dma_wait3A_371] : memref<4x768x8xf32, #tpu.memory_space<vmem>> -> memref<1x768x8xf32, #tpu.memory_space<vmem>>
      %dma_wait3A_373 = tpu.memref_squeeze %dma_wait3A_372 : memref<1x768x8xf32, #tpu.memory_space<vmem>> -> memref<768x8xf32, #tpu.memory_space<vmem>>
      %dma_wait3A_374 = arith.constant 0 : i32
      %dma_wait3A_375 = tpu.memref_slice %arg15[%dma_wait3A_368, %dma_wait3A_374] : memref<4x768xi32, #tpu.memory_space<vmem>> -> memref<1x768xi32, #tpu.memory_space<vmem>>
      %dma_wait3A_376 = tpu.memref_squeeze %dma_wait3A_375 : memref<1x768xi32, #tpu.memory_space<vmem>> -> memref<768xi32, #tpu.memory_space<vmem>>
      %dma_wait3A_377 = arith.constant 0 : i32
      %dma_wait3A_378 = arith.constant 0 : i32
      %dma_wait3A_379 = tpu.memref_slice %arg2[%dma_wait3A_377, %dma_wait3A_378] : memref<7077888x8xf32, #tpu.memory_space<hbm>> -> memref<7077888x8xf32, #tpu.memory_space<hbm>>
      tpu.wait_indirect_dma semaphore(%arg23 : memref<!tpu.dma_semaphore, #tpu.memory_space<semaphore_mem>>) src(%dma_wait3A_379 : memref<7077888x8xf32, #tpu.memory_space<hbm>>) dst(%dma_wait3A_373 : memref<768x8xf32, #tpu.memory_space<vmem>>)
      %dma_wait3A_380 = arith.constant 3 : i32
      %dma_wait3A_381 = arith.constant 3 : i32
      %dma_wait3A_382 = arith.constant 0 : i32
      %dma_wait3A_383 = arith.constant 0 : i32
      %dma_wait3A_384 = tpu.memref_slice %arg17[%dma_wait3A_381, %dma_wait3A_382, %dma_wait3A_383] : memref<4x768x8xf32, #tpu.memory_space<vmem>> -> memref<1x768x8xf32, #tpu.memory_space<vmem>>
      %dma_wait3A_385 = tpu.memref_squeeze %dma_wait3A_384 : memref<1x768x8xf32, #tpu.memory_space<vmem>> -> memref<768x8xf32, #tpu.memory_space<vmem>>
      %dma_wait3A_386 = arith.constant 0 : i32
      %dma_wait3A_387 = tpu.memref_slice %arg15[%dma_wait3A_380, %dma_wait3A_386] : memref<4x768xi32, #tpu.memory_space<vmem>> -> memref<1x768xi32, #tpu.memory_space<vmem>>
      %dma_wait3A_388 = tpu.memref_squeeze %dma_wait3A_387 : memref<1x768xi32, #tpu.memory_space<vmem>> -> memref<768xi32, #tpu.memory_space<vmem>>
      %dma_wait3A_389 = arith.constant 0 : i32
      %dma_wait3A_390 = arith.constant 0 : i32
      %dma_wait3A_391 = tpu.memref_slice %arg2[%dma_wait3A_389, %dma_wait3A_390] : memref<7077888x8xf32, #tpu.memory_space<hbm>> -> memref<7077888x8xf32, #tpu.memory_space<hbm>>
      tpu.wait_indirect_dma semaphore(%arg23 : memref<!tpu.dma_semaphore, #tpu.memory_space<semaphore_mem>>) src(%dma_wait3A_391 : memref<7077888x8xf32, #tpu.memory_space<hbm>>) dst(%dma_wait3A_385 : memref<768x8xf32, #tpu.memory_space<vmem>>)
      %ge3A = arith.constant 1 : i32
      %ge3A_392 = arith.cmpi sge, %scan3A_210, %ge3A : i32
      %convert_element_type3A = arith.extui %ge3A_392 : i1 to i32
      %cond3A = arith.constant 0 : i32
      %cond3A_393 = arith.cmpi ne, %convert_element_type3A, %cond3A : i32
      scf.if %cond3A_393 {
        %sub3A = arith.constant 2 : i32
        %sub3A_543 = arith.subi %mul3A_212, %sub3A : i32
        %mul3A_544 = arith.constant 768 : i32
        %mul3A_545 = arith.muli %sub3A_543, %mul3A_544 : i32
        %add3A_546 = arith.addi %mul3A_2, %mul3A_545 : i32
        %dma_wait3A_547 = arith.constant 0 : i32
        %dma_wait3A_548 = arith.constant 0 : i32
        %dma_wait3A_549 = tpu.memref_slice %arg19[%dma_wait3A_547, %dma_wait3A_548] : memref<2x768xf32, #tpu.memory_space<vmem>> -> memref<1x768xf32, #tpu.memory_space<vmem>>
        %dma_wait3A_550 = tpu.memref_squeeze %dma_wait3A_549 : memref<1x768xf32, #tpu.memory_space<vmem>> -> memref<768xf32, #tpu.memory_space<vmem>>
        %dma_wait3A_551 = tpu.memref_slice %arg7[%add3A_546] : memref<786432xf32, #tpu.memory_space<hbm>> -> memref<768xf32, #tpu.memory_space<hbm>>
        %dma_wait3A_552 = tpu.memref_slice %arg7[%add3A_546] : memref<786432xf32, #tpu.memory_space<hbm>> -> memref<768xf32, #tpu.memory_space<hbm>>
        %dma_wait3A_553 = arith.constant 0 : i32
        %dma_wait3A_554 = tpu.memref_slice %arg19[%dma_wait3A_547, %dma_wait3A_553] : memref<2x768xf32, #tpu.memory_space<vmem>> -> memref<1x768xf32, #tpu.memory_space<vmem>>
        %dma_wait3A_555 = tpu.memref_squeeze %dma_wait3A_554 : memref<1x768xf32, #tpu.memory_space<vmem>> -> memref<768xf32, #tpu.memory_space<vmem>>
        tpu.wait_dma2 semaphore(%arg25 : memref<!tpu.dma_semaphore, #tpu.memory_space<semaphore_mem>>) src(%dma_wait3A_555 : memref<768xf32, #tpu.memory_space<vmem>>) dst(%dma_wait3A_552 : memref<768xf32, #tpu.memory_space<hbm>>)
        %dma_wait3A_556 = arith.constant 0 : i32
        %dma_wait3A_557 = arith.constant 0 : i32
        %dma_wait3A_558 = tpu.memref_slice %arg20[%dma_wait3A_556, %dma_wait3A_557] : memref<2x768xf32, #tpu.memory_space<vmem>> -> memref<1x768xf32, #tpu.memory_space<vmem>>
        %dma_wait3A_559 = tpu.memref_squeeze %dma_wait3A_558 : memref<1x768xf32, #tpu.memory_space<vmem>> -> memref<768xf32, #tpu.memory_space<vmem>>
        %dma_wait3A_560 = tpu.memref_slice %arg8[%add3A_546] : memref<786432xf32, #tpu.memory_space<hbm>> -> memref<768xf32, #tpu.memory_space<hbm>>
        %dma_wait3A_561 = tpu.memref_slice %arg8[%add3A_546] : memref<786432xf32, #tpu.memory_space<hbm>> -> memref<768xf32, #tpu.memory_space<hbm>>
        %dma_wait3A_562 = arith.constant 0 : i32
        %dma_wait3A_563 = tpu.memref_slice %arg20[%dma_wait3A_556, %dma_wait3A_562] : memref<2x768xf32, #tpu.memory_space<vmem>> -> memref<1x768xf32, #tpu.memory_space<vmem>>
        %dma_wait3A_564 = tpu.memref_squeeze %dma_wait3A_563 : memref<1x768xf32, #tpu.memory_space<vmem>> -> memref<768xf32, #tpu.memory_space<vmem>>
        tpu.wait_dma2 semaphore(%arg25 : memref<!tpu.dma_semaphore, #tpu.memory_space<semaphore_mem>>) src(%dma_wait3A_564 : memref<768xf32, #tpu.memory_space<vmem>>) dst(%dma_wait3A_561 : memref<768xf32, #tpu.memory_space<hbm>>)
        %dma_wait3A_565 = arith.constant 0 : i32
        %dma_wait3A_566 = arith.constant 0 : i32
        %dma_wait3A_567 = tpu.memref_slice %arg21[%dma_wait3A_565, %dma_wait3A_566] : memref<2x768xf32, #tpu.memory_space<vmem>> -> memref<1x768xf32, #tpu.memory_space<vmem>>
        %dma_wait3A_568 = tpu.memref_squeeze %dma_wait3A_567 : memref<1x768xf32, #tpu.memory_space<vmem>> -> memref<768xf32, #tpu.memory_space<vmem>>
        %dma_wait3A_569 = tpu.memref_slice %arg9[%add3A_546] : memref<786432xf32, #tpu.memory_space<hbm>> -> memref<768xf32, #tpu.memory_space<hbm>>
        %dma_wait3A_570 = tpu.memref_slice %arg9[%add3A_546] : memref<786432xf32, #tpu.memory_space<hbm>> -> memref<768xf32, #tpu.memory_space<hbm>>
        %dma_wait3A_571 = arith.constant 0 : i32
        %dma_wait3A_572 = tpu.memref_slice %arg21[%dma_wait3A_565, %dma_wait3A_571] : memref<2x768xf32, #tpu.memory_space<vmem>> -> memref<1x768xf32, #tpu.memory_space<vmem>>
        %dma_wait3A_573 = tpu.memref_squeeze %dma_wait3A_572 : memref<1x768xf32, #tpu.memory_space<vmem>> -> memref<768xf32, #tpu.memory_space<vmem>>
        tpu.wait_dma2 semaphore(%arg25 : memref<!tpu.dma_semaphore, #tpu.memory_space<semaphore_mem>>) src(%dma_wait3A_573 : memref<768xf32, #tpu.memory_space<vmem>>) dst(%dma_wait3A_570 : memref<768xf32, #tpu.memory_space<hbm>>)
        %dma_wait3A_574 = arith.constant 0 : i32
        %dma_wait3A_575 = arith.constant 0 : i32
        %dma_wait3A_576 = tpu.memref_slice %arg22[%dma_wait3A_574, %dma_wait3A_575] : memref<2x768xf32, #tpu.memory_space<vmem>> -> memref<1x768xf32, #tpu.memory_space<vmem>>
        %dma_wait3A_577 = tpu.memref_squeeze %dma_wait3A_576 : memref<1x768xf32, #tpu.memory_space<vmem>> -> memref<768xf32, #tpu.memory_space<vmem>>
        %dma_wait3A_578 = tpu.memref_slice %arg10[%add3A_546] : memref<786432xf32, #tpu.memory_space<hbm>> -> memref<768xf32, #tpu.memory_space<hbm>>
        %dma_wait3A_579 = tpu.memref_slice %arg10[%add3A_546] : memref<786432xf32, #tpu.memory_space<hbm>> -> memref<768xf32, #tpu.memory_space<hbm>>
        %dma_wait3A_580 = arith.constant 0 : i32
        %dma_wait3A_581 = tpu.memref_slice %arg22[%dma_wait3A_574, %dma_wait3A_580] : memref<2x768xf32, #tpu.memory_space<vmem>> -> memref<1x768xf32, #tpu.memory_space<vmem>>
        %dma_wait3A_582 = tpu.memref_squeeze %dma_wait3A_581 : memref<1x768xf32, #tpu.memory_space<vmem>> -> memref<768xf32, #tpu.memory_space<vmem>>
        tpu.wait_dma2 semaphore(%arg25 : memref<!tpu.dma_semaphore, #tpu.memory_space<semaphore_mem>>) src(%dma_wait3A_582 : memref<768xf32, #tpu.memory_space<vmem>>) dst(%dma_wait3A_579 : memref<768xf32, #tpu.memory_space<hbm>>)
      } else {
      }
      %scan3A_394 = arith.constant 0 : i32
      %scan3A_395 = arith.constant 0 : i32
      %scan3A_396 = arith.constant 48 : i32
      %scan3A_397 = arith.addi %scan3A_395, %scan3A_396 : i32
      %scan3A_398 = arith.constant 1 : i32
      scf.for %scan3A_543 = %scan3A_395 to %scan3A_397 step %scan3A_398  : i32 {
        %mul3A_544 = arith.constant 16 : i32
        %mul3A_545 = arith.muli %scan3A_543, %mul3A_544 : i32
        %get3A = arith.constant 0 : i32
        %get3A_546 = arith.index_cast %get3A : i32 to index
        %get3A_547 = arith.index_cast %mul3A_545 : i32 to index
        %get3A_548 = tpu.vector_load %arg12[%get3A_546, %get3A_547] {strides = array<i32>} : memref<2x768xf32, #tpu.memory_space<vmem>>, vector<16xf32>,
        %get3A_549 = arith.constant 0 : i32
        %get3A_550 = arith.index_cast %get3A_549 : i32 to index
        %get3A_551 = arith.index_cast %mul3A_545 : i32 to index
        %get3A_552 = tpu.vector_load %arg13[%get3A_550, %get3A_551] {strides = array<i32>} : memref<2x768xf32, #tpu.memory_space<vmem>>, vector<16xf32>,
        %get3A_553 = arith.constant 0 : i32
        %get3A_554 = arith.index_cast %get3A_553 : i32 to index
        %get3A_555 = arith.index_cast %mul3A_545 : i32 to index
        %get3A_556 = tpu.vector_load %arg14[%get3A_554, %get3A_555] {strides = array<i32>} : memref<2x768xf32, #tpu.memory_space<vmem>>, vector<16xf32>,
        %sub3A = arith.constant 1.000000e+00 : f32
        %sub3A_557 = vector.broadcast %sub3A : f32 to vector<16xf32>
        %sub3A_558 = arith.subf %sub3A_557, %get3A_548 : vector<16xf32>
        %sub3A_559 = arith.constant 1.000000e+00 : f32
        %sub3A_560 = vector.broadcast %sub3A_559 : f32 to vector<16xf32>
        %sub3A_561 = arith.subf %sub3A_560, %get3A_552 : vector<16xf32>
        %sub3A_562 = arith.constant 1.000000e+00 : f32
        %sub3A_563 = vector.broadcast %sub3A_562 : f32 to vector<16xf32>
        %sub3A_564 = arith.subf %sub3A_563, %get3A_556 : vector<16xf32>
        %mul3A_565 = arith.mulf %sub3A_558, %sub3A_561 : vector<16xf32>
        %mul3A_566 = arith.mulf %sub3A_558, %get3A_552 : vector<16xf32>
        %mul3A_567 = arith.mulf %get3A_548, %sub3A_561 : vector<16xf32>
        %mul3A_568 = arith.mulf %get3A_548, %get3A_552 : vector<16xf32>
        %mul3A_569 = arith.mulf %mul3A_565, %sub3A_564 : vector<16xf32>
        %mul3A_570 = arith.mulf %mul3A_565, %get3A_556 : vector<16xf32>
        %mul3A_571 = arith.mulf %mul3A_566, %sub3A_564 : vector<16xf32>
        %mul3A_572 = arith.mulf %mul3A_566, %get3A_556 : vector<16xf32>
        %mul3A_573 = arith.mulf %mul3A_567, %sub3A_564 : vector<16xf32>
        %mul3A_574 = arith.mulf %mul3A_567, %get3A_556 : vector<16xf32>
        %mul3A_575 = arith.mulf %mul3A_568, %sub3A_564 : vector<16xf32>
        %mul3A_576 = arith.mulf %mul3A_568, %get3A_556 : vector<16xf32>
        %iota3A = tpu.iota {dimensions = array<i32: 0>} : vector<16xi32>
        %mul3A_577 = arith.constant 16 : i32
        %mul3A_578 = arith.muli %scan3A_543, %mul3A_577 : i32
        %add3A_579 = vector.broadcast %mul3A_578 : i32 to vector<16xi32>
        %add3A_580 = arith.addi %iota3A, %add3A_579 : vector<16xi32>
        %broadcast_in_dim3A = arith.constant 0 : i32
        %broadcast_in_dim3A_581 = vector.broadcast %broadcast_in_dim3A : i32 to vector<16xi32>
        %broadcast_in_dim3A_582 = arith.constant 0 : i32
        %broadcast_in_dim3A_583 = vector.broadcast %broadcast_in_dim3A_582 : i32 to vector<16xi32>
        %gather3A = tpu.vector_load_idx %arg17[%broadcast_in_dim3A_581, %add3A_580, %broadcast_in_dim3A_583] : memref<4x768x8xf32, #tpu.memory_space<vmem>>[vector<16xi32>, vector<16xi32>, vector<16xi32>], vector<16xf32>,
        %mul3A_584 = arith.mulf %mul3A_569, %gather3A : vector<16xf32>
        %broadcast_in_dim3A_585 = arith.constant 0 : i32
        %broadcast_in_dim3A_586 = vector.broadcast %broadcast_in_dim3A_585 : i32 to vector<16xi32>
        %broadcast_in_dim3A_587 = arith.constant 4 : i32
        %broadcast_in_dim3A_588 = vector.broadcast %broadcast_in_dim3A_587 : i32 to vector<16xi32>
        %gather3A_589 = tpu.vector_load_idx %arg17[%broadcast_in_dim3A_586, %add3A_580, %broadcast_in_dim3A_588] : memref<4x768x8xf32, #tpu.memory_space<vmem>>[vector<16xi32>, vector<16xi32>, vector<16xi32>], vector<16xf32>,
        %mul3A_590 = arith.mulf %mul3A_570, %gather3A_589 : vector<16xf32>
        %add3A_591 = arith.addf %mul3A_584, %mul3A_590 : vector<16xf32>
        %broadcast_in_dim3A_592 = arith.constant 1 : i32
        %broadcast_in_dim3A_593 = vector.broadcast %broadcast_in_dim3A_592 : i32 to vector<16xi32>
        %broadcast_in_dim3A_594 = arith.constant 0 : i32
        %broadcast_in_dim3A_595 = vector.broadcast %broadcast_in_dim3A_594 : i32 to vector<16xi32>
        %gather3A_596 = tpu.vector_load_idx %arg17[%broadcast_in_dim3A_593, %add3A_580, %broadcast_in_dim3A_595] : memref<4x768x8xf32, #tpu.memory_space<vmem>>[vector<16xi32>, vector<16xi32>, vector<16xi32>], vector<16xf32>,
        %mul3A_597 = arith.mulf %mul3A_571, %gather3A_596 : vector<16xf32>
        %add3A_598 = arith.addf %add3A_591, %mul3A_597 : vector<16xf32>
        %broadcast_in_dim3A_599 = arith.constant 1 : i32
        %broadcast_in_dim3A_600 = vector.broadcast %broadcast_in_dim3A_599 : i32 to vector<16xi32>
        %broadcast_in_dim3A_601 = arith.constant 4 : i32
        %broadcast_in_dim3A_602 = vector.broadcast %broadcast_in_dim3A_601 : i32 to vector<16xi32>
        %gather3A_603 = tpu.vector_load_idx %arg17[%broadcast_in_dim3A_600, %add3A_580, %broadcast_in_dim3A_602] : memref<4x768x8xf32, #tpu.memory_space<vmem>>[vector<16xi32>, vector<16xi32>, vector<16xi32>], vector<16xf32>,
        %mul3A_604 = arith.mulf %mul3A_572, %gather3A_603 : vector<16xf32>
        %add3A_605 = arith.addf %add3A_598, %mul3A_604 : vector<16xf32>
        %broadcast_in_dim3A_606 = arith.constant 2 : i32
        %broadcast_in_dim3A_607 = vector.broadcast %broadcast_in_dim3A_606 : i32 to vector<16xi32>
        %broadcast_in_dim3A_608 = arith.constant 0 : i32
        %broadcast_in_dim3A_609 = vector.broadcast %broadcast_in_dim3A_608 : i32 to vector<16xi32>
        %gather3A_610 = tpu.vector_load_idx %arg17[%broadcast_in_dim3A_607, %add3A_580, %broadcast_in_dim3A_609] : memref<4x768x8xf32, #tpu.memory_space<vmem>>[vector<16xi32>, vector<16xi32>, vector<16xi32>], vector<16xf32>,
        %mul3A_611 = arith.mulf %mul3A_573, %gather3A_610 : vector<16xf32>
        %add3A_612 = arith.addf %add3A_605, %mul3A_611 : vector<16xf32>
        %broadcast_in_dim3A_613 = arith.constant 2 : i32
        %broadcast_in_dim3A_614 = vector.broadcast %broadcast_in_dim3A_613 : i32 to vector<16xi32>
        %broadcast_in_dim3A_615 = arith.constant 4 : i32
        %broadcast_in_dim3A_616 = vector.broadcast %broadcast_in_dim3A_615 : i32 to vector<16xi32>
        %gather3A_617 = tpu.vector_load_idx %arg17[%broadcast_in_dim3A_614, %add3A_580, %broadcast_in_dim3A_616] : memref<4x768x8xf32, #tpu.memory_space<vmem>>[vector<16xi32>, vector<16xi32>, vector<16xi32>], vector<16xf32>,
        %mul3A_618 = arith.mulf %mul3A_574, %gather3A_617 : vector<16xf32>
        %add3A_619 = arith.addf %add3A_612, %mul3A_618 : vector<16xf32>
        %broadcast_in_dim3A_620 = arith.constant 3 : i32
        %broadcast_in_dim3A_621 = vector.broadcast %broadcast_in_dim3A_620 : i32 to vector<16xi32>
        %broadcast_in_dim3A_622 = arith.constant 0 : i32
        %broadcast_in_dim3A_623 = vector.broadcast %broadcast_in_dim3A_622 : i32 to vector<16xi32>
        %gather3A_624 = tpu.vector_load_idx %arg17[%broadcast_in_dim3A_621, %add3A_580, %broadcast_in_dim3A_623] : memref<4x768x8xf32, #tpu.memory_space<vmem>>[vector<16xi32>, vector<16xi32>, vector<16xi32>], vector<16xf32>,
        %mul3A_625 = arith.mulf %mul3A_575, %gather3A_624 : vector<16xf32>
        %add3A_626 = arith.addf %add3A_619, %mul3A_625 : vector<16xf32>
        %broadcast_in_dim3A_627 = arith.constant 3 : i32
        %broadcast_in_dim3A_628 = vector.broadcast %broadcast_in_dim3A_627 : i32 to vector<16xi32>
        %broadcast_in_dim3A_629 = arith.constant 4 : i32
        %broadcast_in_dim3A_630 = vector.broadcast %broadcast_in_dim3A_629 : i32 to vector<16xi32>
        %gather3A_631 = tpu.vector_load_idx %arg17[%broadcast_in_dim3A_628, %add3A_580, %broadcast_in_dim3A_630] : memref<4x768x8xf32, #tpu.memory_space<vmem>>[vector<16xi32>, vector<16xi32>, vector<16xi32>], vector<16xf32>,
        %mul3A_632 = arith.mulf %mul3A_576, %gather3A_631 : vector<16xf32>
        %add3A_633 = arith.addf %add3A_626, %mul3A_632 : vector<16xf32>
        %swap3A = arith.constant 0 : i32
        %swap3A_634 = arith.index_cast %swap3A : i32 to index
        %swap3A_635 = arith.index_cast %mul3A_545 : i32 to index
        %swap3A_636 = tpu.vector_load %arg19[%swap3A_634, %swap3A_635] {strides = array<i32>} : memref<2x768xf32, #tpu.memory_space<vmem>>, vector<16xf32>,
        tpu.vector_store %arg19[%swap3A_634, %swap3A_635], %add3A_633 {strides = array<i32>} : memref<2x768xf32, #tpu.memory_space<vmem>>, vector<16xf32>,
        %broadcast_in_dim3A_637 = arith.constant 0 : i32
        %broadcast_in_dim3A_638 = vector.broadcast %broadcast_in_dim3A_637 : i32 to vector<16xi32>
        %broadcast_in_dim3A_639 = arith.constant 1 : i32
        %broadcast_in_dim3A_640 = vector.broadcast %broadcast_in_dim3A_639 : i32 to vector<16xi32>
        %gather3A_641 = tpu.vector_load_idx %arg17[%broadcast_in_dim3A_638, %add3A_580, %broadcast_in_dim3A_640] : memref<4x768x8xf32, #tpu.memory_space<vmem>>[vector<16xi32>, vector<16xi32>, vector<16xi32>], vector<16xf32>,
        %mul3A_642 = arith.mulf %mul3A_569, %gather3A_641 : vector<16xf32>
        %broadcast_in_dim3A_643 = arith.constant 0 : i32
        %broadcast_in_dim3A_644 = vector.broadcast %broadcast_in_dim3A_643 : i32 to vector<16xi32>
        %broadcast_in_dim3A_645 = arith.constant 5 : i32
        %broadcast_in_dim3A_646 = vector.broadcast %broadcast_in_dim3A_645 : i32 to vector<16xi32>
        %gather3A_647 = tpu.vector_load_idx %arg17[%broadcast_in_dim3A_644, %add3A_580, %broadcast_in_dim3A_646] : memref<4x768x8xf32, #tpu.memory_space<vmem>>[vector<16xi32>, vector<16xi32>, vector<16xi32>], vector<16xf32>,
        %mul3A_648 = arith.mulf %mul3A_570, %gather3A_647 : vector<16xf32>
        %add3A_649 = arith.addf %mul3A_642, %mul3A_648 : vector<16xf32>
        %broadcast_in_dim3A_650 = arith.constant 1 : i32
        %broadcast_in_dim3A_651 = vector.broadcast %broadcast_in_dim3A_650 : i32 to vector<16xi32>
        %broadcast_in_dim3A_652 = arith.constant 1 : i32
        %broadcast_in_dim3A_653 = vector.broadcast %broadcast_in_dim3A_652 : i32 to vector<16xi32>
        %gather3A_654 = tpu.vector_load_idx %arg17[%broadcast_in_dim3A_651, %add3A_580, %broadcast_in_dim3A_653] : memref<4x768x8xf32, #tpu.memory_space<vmem>>[vector<16xi32>, vector<16xi32>, vector<16xi32>], vector<16xf32>,
        %mul3A_655 = arith.mulf %mul3A_571, %gather3A_654 : vector<16xf32>
        %add3A_656 = arith.addf %add3A_649, %mul3A_655 : vector<16xf32>
        %broadcast_in_dim3A_657 = arith.constant 1 : i32
        %broadcast_in_dim3A_658 = vector.broadcast %broadcast_in_dim3A_657 : i32 to vector<16xi32>
        %broadcast_in_dim3A_659 = arith.constant 5 : i32
        %broadcast_in_dim3A_660 = vector.broadcast %broadcast_in_dim3A_659 : i32 to vector<16xi32>
        %gather3A_661 = tpu.vector_load_idx %arg17[%broadcast_in_dim3A_658, %add3A_580, %broadcast_in_dim3A_660] : memref<4x768x8xf32, #tpu.memory_space<vmem>>[vector<16xi32>, vector<16xi32>, vector<16xi32>], vector<16xf32>,
        %mul3A_662 = arith.mulf %mul3A_572, %gather3A_661 : vector<16xf32>
        %add3A_663 = arith.addf %add3A_656, %mul3A_662 : vector<16xf32>
        %broadcast_in_dim3A_664 = arith.constant 2 : i32
        %broadcast_in_dim3A_665 = vector.broadcast %broadcast_in_dim3A_664 : i32 to vector<16xi32>
        %broadcast_in_dim3A_666 = arith.constant 1 : i32
        %broadcast_in_dim3A_667 = vector.broadcast %broadcast_in_dim3A_666 : i32 to vector<16xi32>
        %gather3A_668 = tpu.vector_load_idx %arg17[%broadcast_in_dim3A_665, %add3A_580, %broadcast_in_dim3A_667] : memref<4x768x8xf32, #tpu.memory_space<vmem>>[vector<16xi32>, vector<16xi32>, vector<16xi32>], vector<16xf32>,
        %mul3A_669 = arith.mulf %mul3A_573, %gather3A_668 : vector<16xf32>
        %add3A_670 = arith.addf %add3A_663, %mul3A_669 : vector<16xf32>
        %broadcast_in_dim3A_671 = arith.constant 2 : i32
        %broadcast_in_dim3A_672 = vector.broadcast %broadcast_in_dim3A_671 : i32 to vector<16xi32>
        %broadcast_in_dim3A_673 = arith.constant 5 : i32
        %broadcast_in_dim3A_674 = vector.broadcast %broadcast_in_dim3A_673 : i32 to vector<16xi32>
        %gather3A_675 = tpu.vector_load_idx %arg17[%broadcast_in_dim3A_672, %add3A_580, %broadcast_in_dim3A_674] : memref<4x768x8xf32, #tpu.memory_space<vmem>>[vector<16xi32>, vector<16xi32>, vector<16xi32>], vector<16xf32>,
        %mul3A_676 = arith.mulf %mul3A_574, %gather3A_675 : vector<16xf32>
        %add3A_677 = arith.addf %add3A_670, %mul3A_676 : vector<16xf32>
        %broadcast_in_dim3A_678 = arith.constant 3 : i32
        %broadcast_in_dim3A_679 = vector.broadcast %broadcast_in_dim3A_678 : i32 to vector<16xi32>
        %broadcast_in_dim3A_680 = arith.constant 1 : i32
        %broadcast_in_dim3A_681 = vector.broadcast %broadcast_in_dim3A_680 : i32 to vector<16xi32>
        %gather3A_682 = tpu.vector_load_idx %arg17[%broadcast_in_dim3A_679, %add3A_580, %broadcast_in_dim3A_681] : memref<4x768x8xf32, #tpu.memory_space<vmem>>[vector<16xi32>, vector<16xi32>, vector<16xi32>], vector<16xf32>,
        %mul3A_683 = arith.mulf %mul3A_575, %gather3A_682 : vector<16xf32>
        %add3A_684 = arith.addf %add3A_677, %mul3A_683 : vector<16xf32>
        %broadcast_in_dim3A_685 = arith.constant 3 : i32
        %broadcast_in_dim3A_686 = vector.broadcast %broadcast_in_dim3A_685 : i32 to vector<16xi32>
        %broadcast_in_dim3A_687 = arith.constant 5 : i32
        %broadcast_in_dim3A_688 = vector.broadcast %broadcast_in_dim3A_687 : i32 to vector<16xi32>
        %gather3A_689 = tpu.vector_load_idx %arg17[%broadcast_in_dim3A_686, %add3A_580, %broadcast_in_dim3A_688] : memref<4x768x8xf32, #tpu.memory_space<vmem>>[vector<16xi32>, vector<16xi32>, vector<16xi32>], vector<16xf32>,
        %mul3A_690 = arith.mulf %mul3A_576, %gather3A_689 : vector<16xf32>
        %add3A_691 = arith.addf %add3A_684, %mul3A_690 : vector<16xf32>
        %swap3A_692 = arith.constant 0 : i32
        %swap3A_693 = arith.index_cast %swap3A_692 : i32 to index
        %swap3A_694 = arith.index_cast %mul3A_545 : i32 to index
        %swap3A_695 = tpu.vector_load %arg20[%swap3A_693, %swap3A_694] {strides = array<i32>} : memref<2x768xf32, #tpu.memory_space<vmem>>, vector<16xf32>,
        tpu.vector_store %arg20[%swap3A_693, %swap3A_694], %add3A_691 {strides = array<i32>} : memref<2x768xf32, #tpu.memory_space<vmem>>, vector<16xf32>,
        %broadcast_in_dim3A_696 = arith.constant 0 : i32
        %broadcast_in_dim3A_697 = vector.broadcast %broadcast_in_dim3A_696 : i32 to vector<16xi32>
        %broadcast_in_dim3A_698 = arith.constant 2 : i32
        %broadcast_in_dim3A_699 = vector.broadcast %broadcast_in_dim3A_698 : i32 to vector<16xi32>
        %gather3A_700 = tpu.vector_load_idx %arg17[%broadcast_in_dim3A_697, %add3A_580, %broadcast_in_dim3A_699] : memref<4x768x8xf32, #tpu.memory_space<vmem>>[vector<16xi32>, vector<16xi32>, vector<16xi32>], vector<16xf32>,
        %mul3A_701 = arith.mulf %mul3A_569, %gather3A_700 : vector<16xf32>
        %broadcast_in_dim3A_702 = arith.constant 0 : i32
        %broadcast_in_dim3A_703 = vector.broadcast %broadcast_in_dim3A_702 : i32 to vector<16xi32>
        %broadcast_in_dim3A_704 = arith.constant 6 : i32
        %broadcast_in_dim3A_705 = vector.broadcast %broadcast_in_dim3A_704 : i32 to vector<16xi32>
        %gather3A_706 = tpu.vector_load_idx %arg17[%broadcast_in_dim3A_703, %add3A_580, %broadcast_in_dim3A_705] : memref<4x768x8xf32, #tpu.memory_space<vmem>>[vector<16xi32>, vector<16xi32>, vector<16xi32>], vector<16xf32>,
        %mul3A_707 = arith.mulf %mul3A_570, %gather3A_706 : vector<16xf32>
        %add3A_708 = arith.addf %mul3A_701, %mul3A_707 : vector<16xf32>
        %broadcast_in_dim3A_709 = arith.constant 1 : i32
        %broadcast_in_dim3A_710 = vector.broadcast %broadcast_in_dim3A_709 : i32 to vector<16xi32>
        %broadcast_in_dim3A_711 = arith.constant 2 : i32
        %broadcast_in_dim3A_712 = vector.broadcast %broadcast_in_dim3A_711 : i32 to vector<16xi32>
        %gather3A_713 = tpu.vector_load_idx %arg17[%broadcast_in_dim3A_710, %add3A_580, %broadcast_in_dim3A_712] : memref<4x768x8xf32, #tpu.memory_space<vmem>>[vector<16xi32>, vector<16xi32>, vector<16xi32>], vector<16xf32>,
        %mul3A_714 = arith.mulf %mul3A_571, %gather3A_713 : vector<16xf32>
        %add3A_715 = arith.addf %add3A_708, %mul3A_714 : vector<16xf32>
        %broadcast_in_dim3A_716 = arith.constant 1 : i32
        %broadcast_in_dim3A_717 = vector.broadcast %broadcast_in_dim3A_716 : i32 to vector<16xi32>
        %broadcast_in_dim3A_718 = arith.constant 6 : i32
        %broadcast_in_dim3A_719 = vector.broadcast %broadcast_in_dim3A_718 : i32 to vector<16xi32>
        %gather3A_720 = tpu.vector_load_idx %arg17[%broadcast_in_dim3A_717, %add3A_580, %broadcast_in_dim3A_719] : memref<4x768x8xf32, #tpu.memory_space<vmem>>[vector<16xi32>, vector<16xi32>, vector<16xi32>], vector<16xf32>,
        %mul3A_721 = arith.mulf %mul3A_572, %gather3A_720 : vector<16xf32>
        %add3A_722 = arith.addf %add3A_715, %mul3A_721 : vector<16xf32>
        %broadcast_in_dim3A_723 = arith.constant 2 : i32
        %broadcast_in_dim3A_724 = vector.broadcast %broadcast_in_dim3A_723 : i32 to vector<16xi32>
        %broadcast_in_dim3A_725 = arith.constant 2 : i32
        %broadcast_in_dim3A_726 = vector.broadcast %broadcast_in_dim3A_725 : i32 to vector<16xi32>
        %gather3A_727 = tpu.vector_load_idx %arg17[%broadcast_in_dim3A_724, %add3A_580, %broadcast_in_dim3A_726] : memref<4x768x8xf32, #tpu.memory_space<vmem>>[vector<16xi32>, vector<16xi32>, vector<16xi32>], vector<16xf32>,
        %mul3A_728 = arith.mulf %mul3A_573, %gather3A_727 : vector<16xf32>
        %add3A_729 = arith.addf %add3A_722, %mul3A_728 : vector<16xf32>
        %broadcast_in_dim3A_730 = arith.constant 2 : i32
        %broadcast_in_dim3A_731 = vector.broadcast %broadcast_in_dim3A_730 : i32 to vector<16xi32>
        %broadcast_in_dim3A_732 = arith.constant 6 : i32
        %broadcast_in_dim3A_733 = vector.broadcast %broadcast_in_dim3A_732 : i32 to vector<16xi32>
        %gather3A_734 = tpu.vector_load_idx %arg17[%broadcast_in_dim3A_731, %add3A_580, %broadcast_in_dim3A_733] : memref<4x768x8xf32, #tpu.memory_space<vmem>>[vector<16xi32>, vector<16xi32>, vector<16xi32>], vector<16xf32>,
        %mul3A_735 = arith.mulf %mul3A_574, %gather3A_734 : vector<16xf32>
        %add3A_736 = arith.addf %add3A_729, %mul3A_735 : vector<16xf32>
        %broadcast_in_dim3A_737 = arith.constant 3 : i32
        %broadcast_in_dim3A_738 = vector.broadcast %broadcast_in_dim3A_737 : i32 to vector<16xi32>
        %broadcast_in_dim3A_739 = arith.constant 2 : i32
        %broadcast_in_dim3A_740 = vector.broadcast %broadcast_in_dim3A_739 : i32 to vector<16xi32>
        %gather3A_741 = tpu.vector_load_idx %arg17[%broadcast_in_dim3A_738, %add3A_580, %broadcast_in_dim3A_740] : memref<4x768x8xf32, #tpu.memory_space<vmem>>[vector<16xi32>, vector<16xi32>, vector<16xi32>], vector<16xf32>,
        %mul3A_742 = arith.mulf %mul3A_575, %gather3A_741 : vector<16xf32>
        %add3A_743 = arith.addf %add3A_736, %mul3A_742 : vector<16xf32>
        %broadcast_in_dim3A_744 = arith.constant 3 : i32
        %broadcast_in_dim3A_745 = vector.broadcast %broadcast_in_dim3A_744 : i32 to vector<16xi32>
        %broadcast_in_dim3A_746 = arith.constant 6 : i32
        %broadcast_in_dim3A_747 = vector.broadcast %broadcast_in_dim3A_746 : i32 to vector<16xi32>
        %gather3A_748 = tpu.vector_load_idx %arg17[%broadcast_in_dim3A_745, %add3A_580, %broadcast_in_dim3A_747] : memref<4x768x8xf32, #tpu.memory_space<vmem>>[vector<16xi32>, vector<16xi32>, vector<16xi32>], vector<16xf32>,
        %mul3A_749 = arith.mulf %mul3A_576, %gather3A_748 : vector<16xf32>
        %add3A_750 = arith.addf %add3A_743, %mul3A_749 : vector<16xf32>
        %swap3A_751 = arith.constant 0 : i32
        %swap3A_752 = arith.index_cast %swap3A_751 : i32 to index
        %swap3A_753 = arith.index_cast %mul3A_545 : i32 to index
        %swap3A_754 = tpu.vector_load %arg21[%swap3A_752, %swap3A_753] {strides = array<i32>} : memref<2x768xf32, #tpu.memory_space<vmem>>, vector<16xf32>,
        tpu.vector_store %arg21[%swap3A_752, %swap3A_753], %add3A_750 {strides = array<i32>} : memref<2x768xf32, #tpu.memory_space<vmem>>, vector<16xf32>,
        %broadcast_in_dim3A_755 = arith.constant 0 : i32
        %broadcast_in_dim3A_756 = vector.broadcast %broadcast_in_dim3A_755 : i32 to vector<16xi32>
        %broadcast_in_dim3A_757 = arith.constant 3 : i32
        %broadcast_in_dim3A_758 = vector.broadcast %broadcast_in_dim3A_757 : i32 to vector<16xi32>
        %gather3A_759 = tpu.vector_load_idx %arg17[%broadcast_in_dim3A_756, %add3A_580, %broadcast_in_dim3A_758] : memref<4x768x8xf32, #tpu.memory_space<vmem>>[vector<16xi32>, vector<16xi32>, vector<16xi32>], vector<16xf32>,
        %mul3A_760 = arith.mulf %mul3A_569, %gather3A_759 : vector<16xf32>
        %broadcast_in_dim3A_761 = arith.constant 0 : i32
        %broadcast_in_dim3A_762 = vector.broadcast %broadcast_in_dim3A_761 : i32 to vector<16xi32>
        %broadcast_in_dim3A_763 = arith.constant 7 : i32
        %broadcast_in_dim3A_764 = vector.broadcast %broadcast_in_dim3A_763 : i32 to vector<16xi32>
        %gather3A_765 = tpu.vector_load_idx %arg17[%broadcast_in_dim3A_762, %add3A_580, %broadcast_in_dim3A_764] : memref<4x768x8xf32, #tpu.memory_space<vmem>>[vector<16xi32>, vector<16xi32>, vector<16xi32>], vector<16xf32>,
        %mul3A_766 = arith.mulf %mul3A_570, %gather3A_765 : vector<16xf32>
        %add3A_767 = arith.addf %mul3A_760, %mul3A_766 : vector<16xf32>
        %broadcast_in_dim3A_768 = arith.constant 1 : i32
        %broadcast_in_dim3A_769 = vector.broadcast %broadcast_in_dim3A_768 : i32 to vector<16xi32>
        %broadcast_in_dim3A_770 = arith.constant 3 : i32
        %broadcast_in_dim3A_771 = vector.broadcast %broadcast_in_dim3A_770 : i32 to vector<16xi32>
        %gather3A_772 = tpu.vector_load_idx %arg17[%broadcast_in_dim3A_769, %add3A_580, %broadcast_in_dim3A_771] : memref<4x768x8xf32, #tpu.memory_space<vmem>>[vector<16xi32>, vector<16xi32>, vector<16xi32>], vector<16xf32>,
        %mul3A_773 = arith.mulf %mul3A_571, %gather3A_772 : vector<16xf32>
        %add3A_774 = arith.addf %add3A_767, %mul3A_773 : vector<16xf32>
        %broadcast_in_dim3A_775 = arith.constant 1 : i32
        %broadcast_in_dim3A_776 = vector.broadcast %broadcast_in_dim3A_775 : i32 to vector<16xi32>
        %broadcast_in_dim3A_777 = arith.constant 7 : i32
        %broadcast_in_dim3A_778 = vector.broadcast %broadcast_in_dim3A_777 : i32 to vector<16xi32>
        %gather3A_779 = tpu.vector_load_idx %arg17[%broadcast_in_dim3A_776, %add3A_580, %broadcast_in_dim3A_778] : memref<4x768x8xf32, #tpu.memory_space<vmem>>[vector<16xi32>, vector<16xi32>, vector<16xi32>], vector<16xf32>,
        %mul3A_780 = arith.mulf %mul3A_572, %gather3A_779 : vector<16xf32>
        %add3A_781 = arith.addf %add3A_774, %mul3A_780 : vector<16xf32>
        %broadcast_in_dim3A_782 = arith.constant 2 : i32
        %broadcast_in_dim3A_783 = vector.broadcast %broadcast_in_dim3A_782 : i32 to vector<16xi32>
        %broadcast_in_dim3A_784 = arith.constant 3 : i32
        %broadcast_in_dim3A_785 = vector.broadcast %broadcast_in_dim3A_784 : i32 to vector<16xi32>
        %gather3A_786 = tpu.vector_load_idx %arg17[%broadcast_in_dim3A_783, %add3A_580, %broadcast_in_dim3A_785] : memref<4x768x8xf32, #tpu.memory_space<vmem>>[vector<16xi32>, vector<16xi32>, vector<16xi32>], vector<16xf32>,
        %mul3A_787 = arith.mulf %mul3A_573, %gather3A_786 : vector<16xf32>
        %add3A_788 = arith.addf %add3A_781, %mul3A_787 : vector<16xf32>
        %broadcast_in_dim3A_789 = arith.constant 2 : i32
        %broadcast_in_dim3A_790 = vector.broadcast %broadcast_in_dim3A_789 : i32 to vector<16xi32>
        %broadcast_in_dim3A_791 = arith.constant 7 : i32
        %broadcast_in_dim3A_792 = vector.broadcast %broadcast_in_dim3A_791 : i32 to vector<16xi32>
        %gather3A_793 = tpu.vector_load_idx %arg17[%broadcast_in_dim3A_790, %add3A_580, %broadcast_in_dim3A_792] : memref<4x768x8xf32, #tpu.memory_space<vmem>>[vector<16xi32>, vector<16xi32>, vector<16xi32>], vector<16xf32>,
        %mul3A_794 = arith.mulf %mul3A_574, %gather3A_793 : vector<16xf32>
        %add3A_795 = arith.addf %add3A_788, %mul3A_794 : vector<16xf32>
        %broadcast_in_dim3A_796 = arith.constant 3 : i32
        %broadcast_in_dim3A_797 = vector.broadcast %broadcast_in_dim3A_796 : i32 to vector<16xi32>
        %broadcast_in_dim3A_798 = arith.constant 3 : i32
        %broadcast_in_dim3A_799 = vector.broadcast %broadcast_in_dim3A_798 : i32 to vector<16xi32>
        %gather3A_800 = tpu.vector_load_idx %arg17[%broadcast_in_dim3A_797, %add3A_580, %broadcast_in_dim3A_799] : memref<4x768x8xf32, #tpu.memory_space<vmem>>[vector<16xi32>, vector<16xi32>, vector<16xi32>], vector<16xf32>,
        %mul3A_801 = arith.mulf %mul3A_575, %gather3A_800 : vector<16xf32>
        %add3A_802 = arith.addf %add3A_795, %mul3A_801 : vector<16xf32>
        %broadcast_in_dim3A_803 = arith.constant 3 : i32
        %broadcast_in_dim3A_804 = vector.broadcast %broadcast_in_dim3A_803 : i32 to vector<16xi32>
        %broadcast_in_dim3A_805 = arith.constant 7 : i32
        %broadcast_in_dim3A_806 = vector.broadcast %broadcast_in_dim3A_805 : i32 to vector<16xi32>
        %gather3A_807 = tpu.vector_load_idx %arg17[%broadcast_in_dim3A_804, %add3A_580, %broadcast_in_dim3A_806] : memref<4x768x8xf32, #tpu.memory_space<vmem>>[vector<16xi32>, vector<16xi32>, vector<16xi32>], vector<16xf32>,
        %mul3A_808 = arith.mulf %mul3A_576, %gather3A_807 : vector<16xf32>
        %add3A_809 = arith.addf %add3A_802, %mul3A_808 : vector<16xf32>
        %swap3A_810 = arith.constant 0 : i32
        %swap3A_811 = arith.index_cast %swap3A_810 : i32 to index
        %swap3A_812 = arith.index_cast %mul3A_545 : i32 to index
        %swap3A_813 = tpu.vector_load %arg22[%swap3A_811, %swap3A_812] {strides = array<i32>} : memref<2x768xf32, #tpu.memory_space<vmem>>, vector<16xf32>,
        tpu.vector_store %arg22[%swap3A_811, %swap3A_812], %add3A_809 {strides = array<i32>} : memref<2x768xf32, #tpu.memory_space<vmem>>, vector<16xf32>,
      }
      %scan3A_399 = arith.constant 48 : i32
      %mul3A_400 = arith.constant 768 : i32
      %mul3A_401 = arith.muli %mul3A_212, %mul3A_400 : i32
      %add3A_402 = arith.addi %mul3A_2, %mul3A_401 : i32
      %dma_start3A_403 = arith.constant 0 : i32
      %dma_start3A_404 = arith.constant 0 : i32
      %dma_start3A_405 = tpu.memref_slice %arg19[%dma_start3A_403, %dma_start3A_404] : memref<2x768xf32, #tpu.memory_space<vmem>> -> memref<1x768xf32, #tpu.memory_space<vmem>>
      %dma_start3A_406 = tpu.memref_squeeze %dma_start3A_405 : memref<1x768xf32, #tpu.memory_space<vmem>> -> memref<768xf32, #tpu.memory_space<vmem>>
      %dma_start3A_407 = tpu.memref_slice %arg7[%add3A_402] : memref<786432xf32, #tpu.memory_space<hbm>> -> memref<768xf32, #tpu.memory_space<hbm>>
      %dma_start3A_408 = tpu.memref_slice %arg7[%add3A_402] : memref<786432xf32, #tpu.memory_space<hbm>> -> memref<768xf32, #tpu.memory_space<hbm>>
      %dma_start3A_409 = arith.constant 0 : i32
      %dma_start3A_410 = tpu.memref_slice %arg19[%dma_start3A_403, %dma_start3A_409] : memref<2x768xf32, #tpu.memory_space<vmem>> -> memref<1x768xf32, #tpu.memory_space<vmem>>
      %dma_start3A_411 = tpu.memref_squeeze %dma_start3A_410 : memref<1x768xf32, #tpu.memory_space<vmem>> -> memref<768xf32, #tpu.memory_space<vmem>>
      tpu.enqueue_dma source(%dma_start3A_411 : memref<768xf32, #tpu.memory_space<vmem>>) target(%dma_start3A_408 : memref<768xf32, #tpu.memory_space<hbm>>) target_semaphore(%arg25 : memref<!tpu.dma_semaphore, #tpu.memory_space<semaphore_mem>>)
      %dma_start3A_412 = arith.constant 0 : i32
      %dma_start3A_413 = arith.constant 0 : i32
      %dma_start3A_414 = tpu.memref_slice %arg20[%dma_start3A_412, %dma_start3A_413] : memref<2x768xf32, #tpu.memory_space<vmem>> -> memref<1x768xf32, #tpu.memory_space<vmem>>
      %dma_start3A_415 = tpu.memref_squeeze %dma_start3A_414 : memref<1x768xf32, #tpu.memory_space<vmem>> -> memref<768xf32, #tpu.memory_space<vmem>>
      %dma_start3A_416 = tpu.memref_slice %arg8[%add3A_402] : memref<786432xf32, #tpu.memory_space<hbm>> -> memref<768xf32, #tpu.memory_space<hbm>>
      %dma_start3A_417 = tpu.memref_slice %arg8[%add3A_402] : memref<786432xf32, #tpu.memory_space<hbm>> -> memref<768xf32, #tpu.memory_space<hbm>>
      %dma_start3A_418 = arith.constant 0 : i32
      %dma_start3A_419 = tpu.memref_slice %arg20[%dma_start3A_412, %dma_start3A_418] : memref<2x768xf32, #tpu.memory_space<vmem>> -> memref<1x768xf32, #tpu.memory_space<vmem>>
      %dma_start3A_420 = tpu.memref_squeeze %dma_start3A_419 : memref<1x768xf32, #tpu.memory_space<vmem>> -> memref<768xf32, #tpu.memory_space<vmem>>
      tpu.enqueue_dma source(%dma_start3A_420 : memref<768xf32, #tpu.memory_space<vmem>>) target(%dma_start3A_417 : memref<768xf32, #tpu.memory_space<hbm>>) target_semaphore(%arg25 : memref<!tpu.dma_semaphore, #tpu.memory_space<semaphore_mem>>)
      %dma_start3A_421 = arith.constant 0 : i32
      %dma_start3A_422 = arith.constant 0 : i32
      %dma_start3A_423 = tpu.memref_slice %arg21[%dma_start3A_421, %dma_start3A_422] : memref<2x768xf32, #tpu.memory_space<vmem>> -> memref<1x768xf32, #tpu.memory_space<vmem>>
      %dma_start3A_424 = tpu.memref_squeeze %dma_start3A_423 : memref<1x768xf32, #tpu.memory_space<vmem>> -> memref<768xf32, #tpu.memory_space<vmem>>
      %dma_start3A_425 = tpu.memref_slice %arg9[%add3A_402] : memref<786432xf32, #tpu.memory_space<hbm>> -> memref<768xf32, #tpu.memory_space<hbm>>
      %dma_start3A_426 = tpu.memref_slice %arg9[%add3A_402] : memref<786432xf32, #tpu.memory_space<hbm>> -> memref<768xf32, #tpu.memory_space<hbm>>
      %dma_start3A_427 = arith.constant 0 : i32
      %dma_start3A_428 = tpu.memref_slice %arg21[%dma_start3A_421, %dma_start3A_427] : memref<2x768xf32, #tpu.memory_space<vmem>> -> memref<1x768xf32, #tpu.memory_space<vmem>>
      %dma_start3A_429 = tpu.memref_squeeze %dma_start3A_428 : memref<1x768xf32, #tpu.memory_space<vmem>> -> memref<768xf32, #tpu.memory_space<vmem>>
      tpu.enqueue_dma source(%dma_start3A_429 : memref<768xf32, #tpu.memory_space<vmem>>) target(%dma_start3A_426 : memref<768xf32, #tpu.memory_space<hbm>>) target_semaphore(%arg25 : memref<!tpu.dma_semaphore, #tpu.memory_space<semaphore_mem>>)
      %dma_start3A_430 = arith.constant 0 : i32
      %dma_start3A_431 = arith.constant 0 : i32
      %dma_start3A_432 = tpu.memref_slice %arg22[%dma_start3A_430, %dma_start3A_431] : memref<2x768xf32, #tpu.memory_space<vmem>> -> memref<1x768xf32, #tpu.memory_space<vmem>>
      %dma_start3A_433 = tpu.memref_squeeze %dma_start3A_432 : memref<1x768xf32, #tpu.memory_space<vmem>> -> memref<768xf32, #tpu.memory_space<vmem>>
      %dma_start3A_434 = tpu.memref_slice %arg10[%add3A_402] : memref<786432xf32, #tpu.memory_space<hbm>> -> memref<768xf32, #tpu.memory_space<hbm>>
      %dma_start3A_435 = tpu.memref_slice %arg10[%add3A_402] : memref<786432xf32, #tpu.memory_space<hbm>> -> memref<768xf32, #tpu.memory_space<hbm>>
      %dma_start3A_436 = arith.constant 0 : i32
      %dma_start3A_437 = tpu.memref_slice %arg22[%dma_start3A_430, %dma_start3A_436] : memref<2x768xf32, #tpu.memory_space<vmem>> -> memref<1x768xf32, #tpu.memory_space<vmem>>
      %dma_start3A_438 = tpu.memref_squeeze %dma_start3A_437 : memref<1x768xf32, #tpu.memory_space<vmem>> -> memref<768xf32, #tpu.memory_space<vmem>>
      tpu.enqueue_dma source(%dma_start3A_438 : memref<768xf32, #tpu.memory_space<vmem>>) target(%dma_start3A_435 : memref<768xf32, #tpu.memory_space<hbm>>) target_semaphore(%arg25 : memref<!tpu.dma_semaphore, #tpu.memory_space<semaphore_mem>>)
      %lt3A = arith.constant 15 : i32
      %lt3A_439 = arith.cmpi slt, %scan3A_210, %lt3A : i32
      %convert_element_type3A_440 = arith.extui %lt3A_439 : i1 to i32
      %cond3A_441 = arith.constant 0 : i32
      %cond3A_442 = arith.cmpi ne, %convert_element_type3A_440, %cond3A_441 : i32
      scf.if %cond3A_442 {
        %add3A_543 = arith.constant 2 : i32
        %add3A_544 = arith.addi %mul3A_212, %add3A_543 : i32
        %mul3A_545 = arith.constant 768 : i32
        %mul3A_546 = arith.muli %add3A_544, %mul3A_545 : i32
        %add3A_547 = arith.addi %mul3A_2, %mul3A_546 : i32
        %dma_start3A_548 = arith.constant 0 : i32
        %dma_start3A_549 = arith.constant 0 : i32
        %dma_start3A_550 = tpu.memref_slice %arg11[%dma_start3A_548, %dma_start3A_549] : memref<2x768xi32, #tpu.memory_space<vmem>> -> memref<1x768xi32, #tpu.memory_space<vmem>>
        %dma_start3A_551 = tpu.memref_squeeze %dma_start3A_550 : memref<1x768xi32, #tpu.memory_space<vmem>> -> memref<768xi32, #tpu.memory_space<vmem>>
        %dma_start3A_552 = tpu.memref_slice %arg3[%add3A_547] : memref<786432xi32, #tpu.memory_space<hbm>> -> memref<768xi32, #tpu.memory_space<hbm>>
        %dma_start3A_553 = arith.constant 0 : i32
        %dma_start3A_554 = tpu.memref_slice %arg11[%dma_start3A_548, %dma_start3A_553] : memref<2x768xi32, #tpu.memory_space<vmem>> -> memref<1x768xi32, #tpu.memory_space<vmem>>
        %dma_start3A_555 = tpu.memref_squeeze %dma_start3A_554 : memref<1x768xi32, #tpu.memory_space<vmem>> -> memref<768xi32, #tpu.memory_space<vmem>>
        %dma_start3A_556 = tpu.memref_slice %arg3[%add3A_547] : memref<786432xi32, #tpu.memory_space<hbm>> -> memref<768xi32, #tpu.memory_space<hbm>>
        tpu.enqueue_dma source(%dma_start3A_556 : memref<768xi32, #tpu.memory_space<hbm>>) target(%dma_start3A_555 : memref<768xi32, #tpu.memory_space<vmem>>) target_semaphore(%arg27 : memref<!tpu.dma_semaphore, #tpu.memory_space<semaphore_mem>>)
        %dma_start3A_557 = arith.constant 0 : i32
        %dma_start3A_558 = arith.constant 0 : i32
        %dma_start3A_559 = tpu.memref_slice %arg12[%dma_start3A_557, %dma_start3A_558] : memref<2x768xf32, #tpu.memory_space<vmem>> -> memref<1x768xf32, #tpu.memory_space<vmem>>
        %dma_start3A_560 = tpu.memref_squeeze %dma_start3A_559 : memref<1x768xf32, #tpu.memory_space<vmem>> -> memref<768xf32, #tpu.memory_space<vmem>>
        %dma_start3A_561 = tpu.memref_slice %arg4[%add3A_547] : memref<786432xf32, #tpu.memory_space<hbm>> -> memref<768xf32, #tpu.memory_space<hbm>>
        %dma_start3A_562 = arith.constant 0 : i32
        %dma_start3A_563 = tpu.memref_slice %arg12[%dma_start3A_557, %dma_start3A_562] : memref<2x768xf32, #tpu.memory_space<vmem>> -> memref<1x768xf32, #tpu.memory_space<vmem>>
        %dma_start3A_564 = tpu.memref_squeeze %dma_start3A_563 : memref<1x768xf32, #tpu.memory_space<vmem>> -> memref<768xf32, #tpu.memory_space<vmem>>
        %dma_start3A_565 = tpu.memref_slice %arg4[%add3A_547] : memref<786432xf32, #tpu.memory_space<hbm>> -> memref<768xf32, #tpu.memory_space<hbm>>
        tpu.enqueue_dma source(%dma_start3A_565 : memref<768xf32, #tpu.memory_space<hbm>>) target(%dma_start3A_564 : memref<768xf32, #tpu.memory_space<vmem>>) target_semaphore(%arg27 : memref<!tpu.dma_semaphore, #tpu.memory_space<semaphore_mem>>)
        %dma_start3A_566 = arith.constant 0 : i32
        %dma_start3A_567 = arith.constant 0 : i32
        %dma_start3A_568 = tpu.memref_slice %arg13[%dma_start3A_566, %dma_start3A_567] : memref<2x768xf32, #tpu.memory_space<vmem>> -> memref<1x768xf32, #tpu.memory_space<vmem>>
        %dma_start3A_569 = tpu.memref_squeeze %dma_start3A_568 : memref<1x768xf32, #tpu.memory_space<vmem>> -> memref<768xf32, #tpu.memory_space<vmem>>
        %dma_start3A_570 = tpu.memref_slice %arg5[%add3A_547] : memref<786432xf32, #tpu.memory_space<hbm>> -> memref<768xf32, #tpu.memory_space<hbm>>
        %dma_start3A_571 = arith.constant 0 : i32
        %dma_start3A_572 = tpu.memref_slice %arg13[%dma_start3A_566, %dma_start3A_571] : memref<2x768xf32, #tpu.memory_space<vmem>> -> memref<1x768xf32, #tpu.memory_space<vmem>>
        %dma_start3A_573 = tpu.memref_squeeze %dma_start3A_572 : memref<1x768xf32, #tpu.memory_space<vmem>> -> memref<768xf32, #tpu.memory_space<vmem>>
        %dma_start3A_574 = tpu.memref_slice %arg5[%add3A_547] : memref<786432xf32, #tpu.memory_space<hbm>> -> memref<768xf32, #tpu.memory_space<hbm>>
        tpu.enqueue_dma source(%dma_start3A_574 : memref<768xf32, #tpu.memory_space<hbm>>) target(%dma_start3A_573 : memref<768xf32, #tpu.memory_space<vmem>>) target_semaphore(%arg27 : memref<!tpu.dma_semaphore, #tpu.memory_space<semaphore_mem>>)
        %dma_start3A_575 = arith.constant 0 : i32
        %dma_start3A_576 = arith.constant 0 : i32
        %dma_start3A_577 = tpu.memref_slice %arg14[%dma_start3A_575, %dma_start3A_576] : memref<2x768xf32, #tpu.memory_space<vmem>> -> memref<1x768xf32, #tpu.memory_space<vmem>>
        %dma_start3A_578 = tpu.memref_squeeze %dma_start3A_577 : memref<1x768xf32, #tpu.memory_space<vmem>> -> memref<768xf32, #tpu.memory_space<vmem>>
        %dma_start3A_579 = tpu.memref_slice %arg6[%add3A_547] : memref<786432xf32, #tpu.memory_space<hbm>> -> memref<768xf32, #tpu.memory_space<hbm>>
        %dma_start3A_580 = arith.constant 0 : i32
        %dma_start3A_581 = tpu.memref_slice %arg14[%dma_start3A_575, %dma_start3A_580] : memref<2x768xf32, #tpu.memory_space<vmem>> -> memref<1x768xf32, #tpu.memory_space<vmem>>
        %dma_start3A_582 = tpu.memref_squeeze %dma_start3A_581 : memref<1x768xf32, #tpu.memory_space<vmem>> -> memref<768xf32, #tpu.memory_space<vmem>>
        %dma_start3A_583 = tpu.memref_slice %arg6[%add3A_547] : memref<786432xf32, #tpu.memory_space<hbm>> -> memref<768xf32, #tpu.memory_space<hbm>>
        tpu.enqueue_dma source(%dma_start3A_583 : memref<768xf32, #tpu.memory_space<hbm>>) target(%dma_start3A_582 : memref<768xf32, #tpu.memory_space<vmem>>) target_semaphore(%arg27 : memref<!tpu.dma_semaphore, #tpu.memory_space<semaphore_mem>>)
        %dma_wait3A_584 = arith.constant 0 : i32
        %dma_wait3A_585 = arith.constant 0 : i32
        %dma_wait3A_586 = tpu.memref_slice %arg11[%dma_wait3A_584, %dma_wait3A_585] : memref<2x768xi32, #tpu.memory_space<vmem>> -> memref<1x768xi32, #tpu.memory_space<vmem>>
        %dma_wait3A_587 = tpu.memref_squeeze %dma_wait3A_586 : memref<1x768xi32, #tpu.memory_space<vmem>> -> memref<768xi32, #tpu.memory_space<vmem>>
        %dma_wait3A_588 = tpu.memref_slice %arg3[%add3A_547] : memref<786432xi32, #tpu.memory_space<hbm>> -> memref<768xi32, #tpu.memory_space<hbm>>
        %dma_wait3A_589 = arith.constant 0 : i32
        %dma_wait3A_590 = tpu.memref_slice %arg11[%dma_wait3A_584, %dma_wait3A_589] : memref<2x768xi32, #tpu.memory_space<vmem>> -> memref<1x768xi32, #tpu.memory_space<vmem>>
        %dma_wait3A_591 = tpu.memref_squeeze %dma_wait3A_590 : memref<1x768xi32, #tpu.memory_space<vmem>> -> memref<768xi32, #tpu.memory_space<vmem>>
        %dma_wait3A_592 = tpu.memref_slice %arg3[%add3A_547] : memref<786432xi32, #tpu.memory_space<hbm>> -> memref<768xi32, #tpu.memory_space<hbm>>
        tpu.wait_dma2 semaphore(%arg27 : memref<!tpu.dma_semaphore, #tpu.memory_space<semaphore_mem>>) src(%dma_wait3A_592 : memref<768xi32, #tpu.memory_space<hbm>>) dst(%dma_wait3A_591 : memref<768xi32, #tpu.memory_space<vmem>>)
        %dma_wait3A_593 = arith.constant 0 : i32
        %dma_wait3A_594 = arith.constant 0 : i32
        %dma_wait3A_595 = tpu.memref_slice %arg12[%dma_wait3A_593, %dma_wait3A_594] : memref<2x768xf32, #tpu.memory_space<vmem>> -> memref<1x768xf32, #tpu.memory_space<vmem>>
        %dma_wait3A_596 = tpu.memref_squeeze %dma_wait3A_595 : memref<1x768xf32, #tpu.memory_space<vmem>> -> memref<768xf32, #tpu.memory_space<vmem>>
        %dma_wait3A_597 = tpu.memref_slice %arg4[%add3A_547] : memref<786432xf32, #tpu.memory_space<hbm>> -> memref<768xf32, #tpu.memory_space<hbm>>
        %dma_wait3A_598 = arith.constant 0 : i32
        %dma_wait3A_599 = tpu.memref_slice %arg12[%dma_wait3A_593, %dma_wait3A_598] : memref<2x768xf32, #tpu.memory_space<vmem>> -> memref<1x768xf32, #tpu.memory_space<vmem>>
        %dma_wait3A_600 = tpu.memref_squeeze %dma_wait3A_599 : memref<1x768xf32, #tpu.memory_space<vmem>> -> memref<768xf32, #tpu.memory_space<vmem>>
        %dma_wait3A_601 = tpu.memref_slice %arg4[%add3A_547] : memref<786432xf32, #tpu.memory_space<hbm>> -> memref<768xf32, #tpu.memory_space<hbm>>
        tpu.wait_dma2 semaphore(%arg27 : memref<!tpu.dma_semaphore, #tpu.memory_space<semaphore_mem>>) src(%dma_wait3A_601 : memref<768xf32, #tpu.memory_space<hbm>>) dst(%dma_wait3A_600 : memref<768xf32, #tpu.memory_space<vmem>>)
        %dma_wait3A_602 = arith.constant 0 : i32
        %dma_wait3A_603 = arith.constant 0 : i32
        %dma_wait3A_604 = tpu.memref_slice %arg13[%dma_wait3A_602, %dma_wait3A_603] : memref<2x768xf32, #tpu.memory_space<vmem>> -> memref<1x768xf32, #tpu.memory_space<vmem>>
        %dma_wait3A_605 = tpu.memref_squeeze %dma_wait3A_604 : memref<1x768xf32, #tpu.memory_space<vmem>> -> memref<768xf32, #tpu.memory_space<vmem>>
        %dma_wait3A_606 = tpu.memref_slice %arg5[%add3A_547] : memref<786432xf32, #tpu.memory_space<hbm>> -> memref<768xf32, #tpu.memory_space<hbm>>
        %dma_wait3A_607 = arith.constant 0 : i32
        %dma_wait3A_608 = tpu.memref_slice %arg13[%dma_wait3A_602, %dma_wait3A_607] : memref<2x768xf32, #tpu.memory_space<vmem>> -> memref<1x768xf32, #tpu.memory_space<vmem>>
        %dma_wait3A_609 = tpu.memref_squeeze %dma_wait3A_608 : memref<1x768xf32, #tpu.memory_space<vmem>> -> memref<768xf32, #tpu.memory_space<vmem>>
        %dma_wait3A_610 = tpu.memref_slice %arg5[%add3A_547] : memref<786432xf32, #tpu.memory_space<hbm>> -> memref<768xf32, #tpu.memory_space<hbm>>
        tpu.wait_dma2 semaphore(%arg27 : memref<!tpu.dma_semaphore, #tpu.memory_space<semaphore_mem>>) src(%dma_wait3A_610 : memref<768xf32, #tpu.memory_space<hbm>>) dst(%dma_wait3A_609 : memref<768xf32, #tpu.memory_space<vmem>>)
        %dma_wait3A_611 = arith.constant 0 : i32
        %dma_wait3A_612 = arith.constant 0 : i32
        %dma_wait3A_613 = tpu.memref_slice %arg14[%dma_wait3A_611, %dma_wait3A_612] : memref<2x768xf32, #tpu.memory_space<vmem>> -> memref<1x768xf32, #tpu.memory_space<vmem>>
        %dma_wait3A_614 = tpu.memref_squeeze %dma_wait3A_613 : memref<1x768xf32, #tpu.memory_space<vmem>> -> memref<768xf32, #tpu.memory_space<vmem>>
        %dma_wait3A_615 = tpu.memref_slice %arg6[%add3A_547] : memref<786432xf32, #tpu.memory_space<hbm>> -> memref<768xf32, #tpu.memory_space<hbm>>
        %dma_wait3A_616 = arith.constant 0 : i32
        %dma_wait3A_617 = tpu.memref_slice %arg14[%dma_wait3A_611, %dma_wait3A_616] : memref<2x768xf32, #tpu.memory_space<vmem>> -> memref<1x768xf32, #tpu.memory_space<vmem>>
        %dma_wait3A_618 = tpu.memref_squeeze %dma_wait3A_617 : memref<1x768xf32, #tpu.memory_space<vmem>> -> memref<768xf32, #tpu.memory_space<vmem>>
        %dma_wait3A_619 = tpu.memref_slice %arg6[%add3A_547] : memref<786432xf32, #tpu.memory_space<hbm>> -> memref<768xf32, #tpu.memory_space<hbm>>
        tpu.wait_dma2 semaphore(%arg27 : memref<!tpu.dma_semaphore, #tpu.memory_space<semaphore_mem>>) src(%dma_wait3A_619 : memref<768xf32, #tpu.memory_space<hbm>>) dst(%dma_wait3A_618 : memref<768xf32, #tpu.memory_space<vmem>>)
        %scan3A_620 = arith.constant 0 : i32
        %scan3A_621 = arith.constant 0 : i32
        %scan3A_622 = arith.constant 48 : i32
        %scan3A_623 = arith.addi %scan3A_621, %scan3A_622 : i32
        %scan3A_624 = arith.constant 1 : i32
        scf.for %scan3A_674 = %scan3A_621 to %scan3A_623 step %scan3A_624  : i32 {
          %mul3A_675 = arith.constant 16 : i32
          %mul3A_676 = arith.muli %scan3A_674, %mul3A_675 : i32
          %get3A = arith.constant 0 : i32
          %get3A_677 = arith.index_cast %get3A : i32 to index
          %get3A_678 = arith.index_cast %mul3A_676 : i32 to index
          %get3A_679 = tpu.vector_load %arg11[%get3A_677, %get3A_678] {strides = array<i32>} : memref<2x768xi32, #tpu.memory_space<vmem>>, vector<16xi32>,
          %add3A_680 = arith.constant 0 : i32
          %add3A_681 = vector.broadcast %add3A_680 : i32 to vector<16xi32>
          %add3A_682 = arith.addi %get3A_679, %add3A_681 : vector<16xi32>
          %mul3A_683 = arith.constant 16 : i32
          %mul3A_684 = arith.muli %scan3A_674, %mul3A_683 : i32
          %swap3A = arith.constant 0 : i32
          %swap3A_685 = arith.index_cast %swap3A : i32 to index
          %swap3A_686 = arith.index_cast %mul3A_684 : i32 to index
          %swap3A_687 = tpu.vector_load %arg15[%swap3A_685, %swap3A_686] {strides = array<i32>} : memref<4x768xi32, #tpu.memory_space<vmem>>, vector<16xi32>,
          tpu.vector_store %arg15[%swap3A_685, %swap3A_686], %add3A_682 {strides = array<i32>} : memref<4x768xi32, #tpu.memory_space<vmem>>, vector<16xi32>,
          %add3A_688 = arith.constant 192 : i32
          %add3A_689 = vector.broadcast %add3A_688 : i32 to vector<16xi32>
          %add3A_690 = arith.addi %get3A_679, %add3A_689 : vector<16xi32>
          %mul3A_691 = arith.constant 16 : i32
          %mul3A_692 = arith.muli %scan3A_674, %mul3A_691 : i32
          %swap3A_693 = arith.constant 1 : i32
          %swap3A_694 = arith.index_cast %swap3A_693 : i32 to index
          %swap3A_695 = arith.index_cast %mul3A_692 : i32 to index
          %swap3A_696 = tpu.vector_load %arg15[%swap3A_694, %swap3A_695] {strides = array<i32>} : memref<4x768xi32, #tpu.memory_space<vmem>>, vector<16xi32>,
          tpu.vector_store %arg15[%swap3A_694, %swap3A_695], %add3A_690 {strides = array<i32>} : memref<4x768xi32, #tpu.memory_space<vmem>>, vector<16xi32>,
          %add3A_697 = arith.constant 36864 : i32
          %add3A_698 = vector.broadcast %add3A_697 : i32 to vector<16xi32>
          %add3A_699 = arith.addi %get3A_679, %add3A_698 : vector<16xi32>
          %mul3A_700 = arith.constant 16 : i32
          %mul3A_701 = arith.muli %scan3A_674, %mul3A_700 : i32
          %swap3A_702 = arith.constant 2 : i32
          %swap3A_703 = arith.index_cast %swap3A_702 : i32 to index
          %swap3A_704 = arith.index_cast %mul3A_701 : i32 to index
          %swap3A_705 = tpu.vector_load %arg15[%swap3A_703, %swap3A_704] {strides = array<i32>} : memref<4x768xi32, #tpu.memory_space<vmem>>, vector<16xi32>,
          tpu.vector_store %arg15[%swap3A_703, %swap3A_704], %add3A_699 {strides = array<i32>} : memref<4x768xi32, #tpu.memory_space<vmem>>, vector<16xi32>,
          %add3A_706 = arith.constant 37056 : i32
          %add3A_707 = vector.broadcast %add3A_706 : i32 to vector<16xi32>
          %add3A_708 = arith.addi %get3A_679, %add3A_707 : vector<16xi32>
          %mul3A_709 = arith.constant 16 : i32
          %mul3A_710 = arith.muli %scan3A_674, %mul3A_709 : i32
          %swap3A_711 = arith.constant 3 : i32
          %swap3A_712 = arith.index_cast %swap3A_711 : i32 to index
          %swap3A_713 = arith.index_cast %mul3A_710 : i32 to index
          %swap3A_714 = tpu.vector_load %arg15[%swap3A_712, %swap3A_713] {strides = array<i32>} : memref<4x768xi32, #tpu.memory_space<vmem>>, vector<16xi32>,
          tpu.vector_store %arg15[%swap3A_712, %swap3A_713], %add3A_708 {strides = array<i32>} : memref<4x768xi32, #tpu.memory_space<vmem>>, vector<16xi32>,
        }
        %scan3A_625 = arith.constant 48 : i32
        %dma_start3A_626 = arith.constant 0 : i32
        %dma_start3A_627 = arith.constant 0 : i32
        %dma_start3A_628 = arith.constant 0 : i32
        %dma_start3A_629 = arith.constant 0 : i32
        %dma_start3A_630 = tpu.memref_slice %arg17[%dma_start3A_627, %dma_start3A_628, %dma_start3A_629] : memref<4x768x8xf32, #tpu.memory_space<vmem>> -> memref<1x768x8xf32, #tpu.memory_space<vmem>>
        %dma_start3A_631 = tpu.memref_squeeze %dma_start3A_630 : memref<1x768x8xf32, #tpu.memory_space<vmem>> -> memref<768x8xf32, #tpu.memory_space<vmem>>
        %dma_start3A_632 = arith.constant 0 : i32
        %dma_start3A_633 = tpu.memref_slice %arg15[%dma_start3A_626, %dma_start3A_632] : memref<4x768xi32, #tpu.memory_space<vmem>> -> memref<1x768xi32, #tpu.memory_space<vmem>>
        %dma_start3A_634 = tpu.memref_squeeze %dma_start3A_633 : memref<1x768xi32, #tpu.memory_space<vmem>> -> memref<768xi32, #tpu.memory_space<vmem>>
        %dma_start3A_635 = arith.constant 0 : i32
        %dma_start3A_636 = arith.constant 0 : i32
        %dma_start3A_637 = tpu.memref_slice %arg2[%dma_start3A_635, %dma_start3A_636] : memref<7077888x8xf32, #tpu.memory_space<hbm>> -> memref<7077888x8xf32, #tpu.memory_space<hbm>>
        tpu.enqueue_indirect_dma source(%dma_start3A_637 : memref<7077888x8xf32, #tpu.memory_space<hbm>>) target(%dma_start3A_631 : memref<768x8xf32, #tpu.memory_space<vmem>>) offsets(%dma_start3A_634 : memref<768xi32, #tpu.memory_space<vmem>>) semaphore(%arg23 : memref<!tpu.dma_semaphore, #tpu.memory_space<semaphore_mem>>)
        %dma_start3A_638 = arith.constant 1 : i32
        %dma_start3A_639 = arith.constant 1 : i32
        %dma_start3A_640 = arith.constant 0 : i32
        %dma_start3A_641 = arith.constant 0 : i32
        %dma_start3A_642 = tpu.memref_slice %arg17[%dma_start3A_639, %dma_start3A_640, %dma_start3A_641] : memref<4x768x8xf32, #tpu.memory_space<vmem>> -> memref<1x768x8xf32, #tpu.memory_space<vmem>>
        %dma_start3A_643 = tpu.memref_squeeze %dma_start3A_642 : memref<1x768x8xf32, #tpu.memory_space<vmem>> -> memref<768x8xf32, #tpu.memory_space<vmem>>
        %dma_start3A_644 = arith.constant 0 : i32
        %dma_start3A_645 = tpu.memref_slice %arg15[%dma_start3A_638, %dma_start3A_644] : memref<4x768xi32, #tpu.memory_space<vmem>> -> memref<1x768xi32, #tpu.memory_space<vmem>>
        %dma_start3A_646 = tpu.memref_squeeze %dma_start3A_645 : memref<1x768xi32, #tpu.memory_space<vmem>> -> memref<768xi32, #tpu.memory_space<vmem>>
        %dma_start3A_647 = arith.constant 0 : i32
        %dma_start3A_648 = arith.constant 0 : i32
        %dma_start3A_649 = tpu.memref_slice %arg2[%dma_start3A_647, %dma_start3A_648] : memref<7077888x8xf32, #tpu.memory_space<hbm>> -> memref<7077888x8xf32, #tpu.memory_space<hbm>>
        tpu.enqueue_indirect_dma source(%dma_start3A_649 : memref<7077888x8xf32, #tpu.memory_space<hbm>>) target(%dma_start3A_643 : memref<768x8xf32, #tpu.memory_space<vmem>>) offsets(%dma_start3A_646 : memref<768xi32, #tpu.memory_space<vmem>>) semaphore(%arg23 : memref<!tpu.dma_semaphore, #tpu.memory_space<semaphore_mem>>)
        %dma_start3A_650 = arith.constant 2 : i32
        %dma_start3A_651 = arith.constant 2 : i32
        %dma_start3A_652 = arith.constant 0 : i32
        %dma_start3A_653 = arith.constant 0 : i32
        %dma_start3A_654 = tpu.memref_slice %arg17[%dma_start3A_651, %dma_start3A_652, %dma_start3A_653] : memref<4x768x8xf32, #tpu.memory_space<vmem>> -> memref<1x768x8xf32, #tpu.memory_space<vmem>>
        %dma_start3A_655 = tpu.memref_squeeze %dma_start3A_654 : memref<1x768x8xf32, #tpu.memory_space<vmem>> -> memref<768x8xf32, #tpu.memory_space<vmem>>
        %dma_start3A_656 = arith.constant 0 : i32
        %dma_start3A_657 = tpu.memref_slice %arg15[%dma_start3A_650, %dma_start3A_656] : memref<4x768xi32, #tpu.memory_space<vmem>> -> memref<1x768xi32, #tpu.memory_space<vmem>>
        %dma_start3A_658 = tpu.memref_squeeze %dma_start3A_657 : memref<1x768xi32, #tpu.memory_space<vmem>> -> memref<768xi32, #tpu.memory_space<vmem>>
        %dma_start3A_659 = arith.constant 0 : i32
        %dma_start3A_660 = arith.constant 0 : i32
        %dma_start3A_661 = tpu.memref_slice %arg2[%dma_start3A_659, %dma_start3A_660] : memref<7077888x8xf32, #tpu.memory_space<hbm>> -> memref<7077888x8xf32, #tpu.memory_space<hbm>>
        tpu.enqueue_indirect_dma source(%dma_start3A_661 : memref<7077888x8xf32, #tpu.memory_space<hbm>>) target(%dma_start3A_655 : memref<768x8xf32, #tpu.memory_space<vmem>>) offsets(%dma_start3A_658 : memref<768xi32, #tpu.memory_space<vmem>>) semaphore(%arg23 : memref<!tpu.dma_semaphore, #tpu.memory_space<semaphore_mem>>)
        %dma_start3A_662 = arith.constant 3 : i32
        %dma_start3A_663 = arith.constant 3 : i32
        %dma_start3A_664 = arith.constant 0 : i32
        %dma_start3A_665 = arith.constant 0 : i32
        %dma_start3A_666 = tpu.memref_slice %arg17[%dma_start3A_663, %dma_start3A_664, %dma_start3A_665] : memref<4x768x8xf32, #tpu.memory_space<vmem>> -> memref<1x768x8xf32, #tpu.memory_space<vmem>>
        %dma_start3A_667 = tpu.memref_squeeze %dma_start3A_666 : memref<1x768x8xf32, #tpu.memory_space<vmem>> -> memref<768x8xf32, #tpu.memory_space<vmem>>
        %dma_start3A_668 = arith.constant 0 : i32
        %dma_start3A_669 = tpu.memref_slice %arg15[%dma_start3A_662, %dma_start3A_668] : memref<4x768xi32, #tpu.memory_space<vmem>> -> memref<1x768xi32, #tpu.memory_space<vmem>>
        %dma_start3A_670 = tpu.memref_squeeze %dma_start3A_669 : memref<1x768xi32, #tpu.memory_space<vmem>> -> memref<768xi32, #tpu.memory_space<vmem>>
        %dma_start3A_671 = arith.constant 0 : i32
        %dma_start3A_672 = arith.constant 0 : i32
        %dma_start3A_673 = tpu.memref_slice %arg2[%dma_start3A_671, %dma_start3A_672] : memref<7077888x8xf32, #tpu.memory_space<hbm>> -> memref<7077888x8xf32, #tpu.memory_space<hbm>>
        tpu.enqueue_indirect_dma source(%dma_start3A_673 : memref<7077888x8xf32, #tpu.memory_space<hbm>>) target(%dma_start3A_667 : memref<768x8xf32, #tpu.memory_space<vmem>>) offsets(%dma_start3A_670 : memref<768xi32, #tpu.memory_space<vmem>>) semaphore(%arg23 : memref<!tpu.dma_semaphore, #tpu.memory_space<semaphore_mem>>)
      } else {
      }
      %dma_wait3A_443 = arith.constant 0 : i32
      %dma_wait3A_444 = arith.constant 0 : i32
      %dma_wait3A_445 = arith.constant 0 : i32
      %dma_wait3A_446 = arith.constant 0 : i32
      %dma_wait3A_447 = tpu.memref_slice %arg18[%dma_wait3A_444, %dma_wait3A_445, %dma_wait3A_446] : memref<4x768x8xf32, #tpu.memory_space<vmem>> -> memref<1x768x8xf32, #tpu.memory_space<vmem>>
      %dma_wait3A_448 = tpu.memref_squeeze %dma_wait3A_447 : memref<1x768x8xf32, #tpu.memory_space<vmem>> -> memref<768x8xf32, #tpu.memory_space<vmem>>
      %dma_wait3A_449 = arith.constant 0 : i32
      %dma_wait3A_450 = tpu.memref_slice %arg16[%dma_wait3A_443, %dma_wait3A_449] : memref<4x768xi32, #tpu.memory_space<vmem>> -> memref<1x768xi32, #tpu.memory_space<vmem>>
      %dma_wait3A_451 = tpu.memref_squeeze %dma_wait3A_450 : memref<1x768xi32, #tpu.memory_space<vmem>> -> memref<768xi32, #tpu.memory_space<vmem>>
      %dma_wait3A_452 = arith.constant 0 : i32
      %dma_wait3A_453 = arith.constant 0 : i32
      %dma_wait3A_454 = tpu.memref_slice %arg2[%dma_wait3A_452, %dma_wait3A_453] : memref<7077888x8xf32, #tpu.memory_space<hbm>> -> memref<7077888x8xf32, #tpu.memory_space<hbm>>
      tpu.wait_indirect_dma semaphore(%arg24 : memref<!tpu.dma_semaphore, #tpu.memory_space<semaphore_mem>>) src(%dma_wait3A_454 : memref<7077888x8xf32, #tpu.memory_space<hbm>>) dst(%dma_wait3A_448 : memref<768x8xf32, #tpu.memory_space<vmem>>)
      %dma_wait3A_455 = arith.constant 1 : i32
      %dma_wait3A_456 = arith.constant 1 : i32
      %dma_wait3A_457 = arith.constant 0 : i32
      %dma_wait3A_458 = arith.constant 0 : i32
      %dma_wait3A_459 = tpu.memref_slice %arg18[%dma_wait3A_456, %dma_wait3A_457, %dma_wait3A_458] : memref<4x768x8xf32, #tpu.memory_space<vmem>> -> memref<1x768x8xf32, #tpu.memory_space<vmem>>
      %dma_wait3A_460 = tpu.memref_squeeze %dma_wait3A_459 : memref<1x768x8xf32, #tpu.memory_space<vmem>> -> memref<768x8xf32, #tpu.memory_space<vmem>>
      %dma_wait3A_461 = arith.constant 0 : i32
      %dma_wait3A_462 = tpu.memref_slice %arg16[%dma_wait3A_455, %dma_wait3A_461] : memref<4x768xi32, #tpu.memory_space<vmem>> -> memref<1x768xi32, #tpu.memory_space<vmem>>
      %dma_wait3A_463 = tpu.memref_squeeze %dma_wait3A_462 : memref<1x768xi32, #tpu.memory_space<vmem>> -> memref<768xi32, #tpu.memory_space<vmem>>
      %dma_wait3A_464 = arith.constant 0 : i32
      %dma_wait3A_465 = arith.constant 0 : i32
      %dma_wait3A_466 = tpu.memref_slice %arg2[%dma_wait3A_464, %dma_wait3A_465] : memref<7077888x8xf32, #tpu.memory_space<hbm>> -> memref<7077888x8xf32, #tpu.memory_space<hbm>>
      tpu.wait_indirect_dma semaphore(%arg24 : memref<!tpu.dma_semaphore, #tpu.memory_space<semaphore_mem>>) src(%dma_wait3A_466 : memref<7077888x8xf32, #tpu.memory_space<hbm>>) dst(%dma_wait3A_460 : memref<768x8xf32, #tpu.memory_space<vmem>>)
      %dma_wait3A_467 = arith.constant 2 : i32
      %dma_wait3A_468 = arith.constant 2 : i32
      %dma_wait3A_469 = arith.constant 0 : i32
      %dma_wait3A_470 = arith.constant 0 : i32
      %dma_wait3A_471 = tpu.memref_slice %arg18[%dma_wait3A_468, %dma_wait3A_469, %dma_wait3A_470] : memref<4x768x8xf32, #tpu.memory_space<vmem>> -> memref<1x768x8xf32, #tpu.memory_space<vmem>>
      %dma_wait3A_472 = tpu.memref_squeeze %dma_wait3A_471 : memref<1x768x8xf32, #tpu.memory_space<vmem>> -> memref<768x8xf32, #tpu.memory_space<vmem>>
      %dma_wait3A_473 = arith.constant 0 : i32
      %dma_wait3A_474 = tpu.memref_slice %arg16[%dma_wait3A_467, %dma_wait3A_473] : memref<4x768xi32, #tpu.memory_space<vmem>> -> memref<1x768xi32, #tpu.memory_space<vmem>>
      %dma_wait3A_475 = tpu.memref_squeeze %dma_wait3A_474 : memref<1x768xi32, #tpu.memory_space<vmem>> -> memref<768xi32, #tpu.memory_space<vmem>>
      %dma_wait3A_476 = arith.constant 0 : i32
      %dma_wait3A_477 = arith.constant 0 : i32
      %dma_wait3A_478 = tpu.memref_slice %arg2[%dma_wait3A_476, %dma_wait3A_477] : memref<7077888x8xf32, #tpu.memory_space<hbm>> -> memref<7077888x8xf32, #tpu.memory_space<hbm>>
      tpu.wait_indirect_dma semaphore(%arg24 : memref<!tpu.dma_semaphore, #tpu.memory_space<semaphore_mem>>) src(%dma_wait3A_478 : memref<7077888x8xf32, #tpu.memory_space<hbm>>) dst(%dma_wait3A_472 : memref<768x8xf32, #tpu.memory_space<vmem>>)
      %dma_wait3A_479 = arith.constant 3 : i32
      %dma_wait3A_480 = arith.constant 3 : i32
      %dma_wait3A_481 = arith.constant 0 : i32
      %dma_wait3A_482 = arith.constant 0 : i32
      %dma_wait3A_483 = tpu.memref_slice %arg18[%dma_wait3A_480, %dma_wait3A_481, %dma_wait3A_482] : memref<4x768x8xf32, #tpu.memory_space<vmem>> -> memref<1x768x8xf32, #tpu.memory_space<vmem>>
      %dma_wait3A_484 = tpu.memref_squeeze %dma_wait3A_483 : memref<1x768x8xf32, #tpu.memory_space<vmem>> -> memref<768x8xf32, #tpu.memory_space<vmem>>
      %dma_wait3A_485 = arith.constant 0 : i32
      %dma_wait3A_486 = tpu.memref_slice %arg16[%dma_wait3A_479, %dma_wait3A_485] : memref<4x768xi32, #tpu.memory_space<vmem>> -> memref<1x768xi32, #tpu.memory_space<vmem>>
      %dma_wait3A_487 = tpu.memref_squeeze %dma_wait3A_486 : memref<1x768xi32, #tpu.memory_space<vmem>> -> memref<768xi32, #tpu.memory_space<vmem>>
      %dma_wait3A_488 = arith.constant 0 : i32
      %dma_wait3A_489 = arith.constant 0 : i32
      %dma_wait3A_490 = tpu.memref_slice %arg2[%dma_wait3A_488, %dma_wait3A_489] : memref<7077888x8xf32, #tpu.memory_space<hbm>> -> memref<7077888x8xf32, #tpu.memory_space<hbm>>
      tpu.wait_indirect_dma semaphore(%arg24 : memref<!tpu.dma_semaphore, #tpu.memory_space<semaphore_mem>>) src(%dma_wait3A_490 : memref<7077888x8xf32, #tpu.memory_space<hbm>>) dst(%dma_wait3A_484 : memref<768x8xf32, #tpu.memory_space<vmem>>)
      %ge3A_491 = arith.constant 1 : i32
      %ge3A_492 = arith.cmpi sge, %scan3A_210, %ge3A_491 : i32
      %convert_element_type3A_493 = arith.extui %ge3A_492 : i1 to i32
      %cond3A_494 = arith.constant 0 : i32
      %cond3A_495 = arith.cmpi ne, %convert_element_type3A_493, %cond3A_494 : i32
      scf.if %cond3A_495 {
        %sub3A = arith.constant 1 : i32
        %sub3A_543 = arith.subi %mul3A_212, %sub3A : i32
        %mul3A_544 = arith.constant 768 : i32
        %mul3A_545 = arith.muli %sub3A_543, %mul3A_544 : i32
        %add3A_546 = arith.addi %mul3A_2, %mul3A_545 : i32
        %dma_wait3A_547 = arith.constant 1 : i32
        %dma_wait3A_548 = arith.constant 0 : i32
        %dma_wait3A_549 = tpu.memref_slice %arg19[%dma_wait3A_547, %dma_wait3A_548] : memref<2x768xf32, #tpu.memory_space<vmem>> -> memref<1x768xf32, #tpu.memory_space<vmem>>
        %dma_wait3A_550 = tpu.memref_squeeze %dma_wait3A_549 : memref<1x768xf32, #tpu.memory_space<vmem>> -> memref<768xf32, #tpu.memory_space<vmem>>
        %dma_wait3A_551 = tpu.memref_slice %arg7[%add3A_546] : memref<786432xf32, #tpu.memory_space<hbm>> -> memref<768xf32, #tpu.memory_space<hbm>>
        %dma_wait3A_552 = tpu.memref_slice %arg7[%add3A_546] : memref<786432xf32, #tpu.memory_space<hbm>> -> memref<768xf32, #tpu.memory_space<hbm>>
        %dma_wait3A_553 = arith.constant 0 : i32
        %dma_wait3A_554 = tpu.memref_slice %arg19[%dma_wait3A_547, %dma_wait3A_553] : memref<2x768xf32, #tpu.memory_space<vmem>> -> memref<1x768xf32, #tpu.memory_space<vmem>>
        %dma_wait3A_555 = tpu.memref_squeeze %dma_wait3A_554 : memref<1x768xf32, #tpu.memory_space<vmem>> -> memref<768xf32, #tpu.memory_space<vmem>>
        tpu.wait_dma2 semaphore(%arg26 : memref<!tpu.dma_semaphore, #tpu.memory_space<semaphore_mem>>) src(%dma_wait3A_555 : memref<768xf32, #tpu.memory_space<vmem>>) dst(%dma_wait3A_552 : memref<768xf32, #tpu.memory_space<hbm>>)
        %dma_wait3A_556 = arith.constant 1 : i32
        %dma_wait3A_557 = arith.constant 0 : i32
        %dma_wait3A_558 = tpu.memref_slice %arg20[%dma_wait3A_556, %dma_wait3A_557] : memref<2x768xf32, #tpu.memory_space<vmem>> -> memref<1x768xf32, #tpu.memory_space<vmem>>
        %dma_wait3A_559 = tpu.memref_squeeze %dma_wait3A_558 : memref<1x768xf32, #tpu.memory_space<vmem>> -> memref<768xf32, #tpu.memory_space<vmem>>
        %dma_wait3A_560 = tpu.memref_slice %arg8[%add3A_546] : memref<786432xf32, #tpu.memory_space<hbm>> -> memref<768xf32, #tpu.memory_space<hbm>>
        %dma_wait3A_561 = tpu.memref_slice %arg8[%add3A_546] : memref<786432xf32, #tpu.memory_space<hbm>> -> memref<768xf32, #tpu.memory_space<hbm>>
        %dma_wait3A_562 = arith.constant 0 : i32
        %dma_wait3A_563 = tpu.memref_slice %arg20[%dma_wait3A_556, %dma_wait3A_562] : memref<2x768xf32, #tpu.memory_space<vmem>> -> memref<1x768xf32, #tpu.memory_space<vmem>>
        %dma_wait3A_564 = tpu.memref_squeeze %dma_wait3A_563 : memref<1x768xf32, #tpu.memory_space<vmem>> -> memref<768xf32, #tpu.memory_space<vmem>>
        tpu.wait_dma2 semaphore(%arg26 : memref<!tpu.dma_semaphore, #tpu.memory_space<semaphore_mem>>) src(%dma_wait3A_564 : memref<768xf32, #tpu.memory_space<vmem>>) dst(%dma_wait3A_561 : memref<768xf32, #tpu.memory_space<hbm>>)
        %dma_wait3A_565 = arith.constant 1 : i32
        %dma_wait3A_566 = arith.constant 0 : i32
        %dma_wait3A_567 = tpu.memref_slice %arg21[%dma_wait3A_565, %dma_wait3A_566] : memref<2x768xf32, #tpu.memory_space<vmem>> -> memref<1x768xf32, #tpu.memory_space<vmem>>
        %dma_wait3A_568 = tpu.memref_squeeze %dma_wait3A_567 : memref<1x768xf32, #tpu.memory_space<vmem>> -> memref<768xf32, #tpu.memory_space<vmem>>
        %dma_wait3A_569 = tpu.memref_slice %arg9[%add3A_546] : memref<786432xf32, #tpu.memory_space<hbm>> -> memref<768xf32, #tpu.memory_space<hbm>>
        %dma_wait3A_570 = tpu.memref_slice %arg9[%add3A_546] : memref<786432xf32, #tpu.memory_space<hbm>> -> memref<768xf32, #tpu.memory_space<hbm>>
        %dma_wait3A_571 = arith.constant 0 : i32
        %dma_wait3A_572 = tpu.memref_slice %arg21[%dma_wait3A_565, %dma_wait3A_571] : memref<2x768xf32, #tpu.memory_space<vmem>> -> memref<1x768xf32, #tpu.memory_space<vmem>>
        %dma_wait3A_573 = tpu.memref_squeeze %dma_wait3A_572 : memref<1x768xf32, #tpu.memory_space<vmem>> -> memref<768xf32, #tpu.memory_space<vmem>>
        tpu.wait_dma2 semaphore(%arg26 : memref<!tpu.dma_semaphore, #tpu.memory_space<semaphore_mem>>) src(%dma_wait3A_573 : memref<768xf32, #tpu.memory_space<vmem>>) dst(%dma_wait3A_570 : memref<768xf32, #tpu.memory_space<hbm>>)
        %dma_wait3A_574 = arith.constant 1 : i32
        %dma_wait3A_575 = arith.constant 0 : i32
        %dma_wait3A_576 = tpu.memref_slice %arg22[%dma_wait3A_574, %dma_wait3A_575] : memref<2x768xf32, #tpu.memory_space<vmem>> -> memref<1x768xf32, #tpu.memory_space<vmem>>
        %dma_wait3A_577 = tpu.memref_squeeze %dma_wait3A_576 : memref<1x768xf32, #tpu.memory_space<vmem>> -> memref<768xf32, #tpu.memory_space<vmem>>
        %dma_wait3A_578 = tpu.memref_slice %arg10[%add3A_546] : memref<786432xf32, #tpu.memory_space<hbm>> -> memref<768xf32, #tpu.memory_space<hbm>>
        %dma_wait3A_579 = tpu.memref_slice %arg10[%add3A_546] : memref<786432xf32, #tpu.memory_space<hbm>> -> memref<768xf32, #tpu.memory_space<hbm>>
        %dma_wait3A_580 = arith.constant 0 : i32
        %dma_wait3A_581 = tpu.memref_slice %arg22[%dma_wait3A_574, %dma_wait3A_580] : memref<2x768xf32, #tpu.memory_space<vmem>> -> memref<1x768xf32, #tpu.memory_space<vmem>>
        %dma_wait3A_582 = tpu.memref_squeeze %dma_wait3A_581 : memref<1x768xf32, #tpu.memory_space<vmem>> -> memref<768xf32, #tpu.memory_space<vmem>>
        tpu.wait_dma2 semaphore(%arg26 : memref<!tpu.dma_semaphore, #tpu.memory_space<semaphore_mem>>) src(%dma_wait3A_582 : memref<768xf32, #tpu.memory_space<vmem>>) dst(%dma_wait3A_579 : memref<768xf32, #tpu.memory_space<hbm>>)
      } else {
      }
      %add3A_496 = arith.constant 1 : i32
      %add3A_497 = arith.addi %mul3A_212, %add3A_496 : i32
      %scan3A_498 = arith.constant 0 : i32
      %scan3A_499 = arith.constant 0 : i32
      %scan3A_500 = arith.constant 48 : i32
      %scan3A_501 = arith.addi %scan3A_499, %scan3A_500 : i32
      %scan3A_502 = arith.constant 1 : i32
      scf.for %scan3A_543 = %scan3A_499 to %scan3A_501 step %scan3A_502  : i32 {
        %mul3A_544 = arith.constant 16 : i32
        %mul3A_545 = arith.muli %scan3A_543, %mul3A_544 : i32
        %get3A = arith.constant 1 : i32
        %get3A_546 = arith.index_cast %get3A : i32 to index
        %get3A_547 = arith.index_cast %mul3A_545 : i32 to index
        %get3A_548 = tpu.vector_load %arg12[%get3A_546, %get3A_547] {strides = array<i32>} : memref<2x768xf32, #tpu.memory_space<vmem>>, vector<16xf32>,
        %get3A_549 = arith.constant 1 : i32
        %get3A_550 = arith.index_cast %get3A_549 : i32 to index
        %get3A_551 = arith.index_cast %mul3A_545 : i32 to index
        %get3A_552 = tpu.vector_load %arg13[%get3A_550, %get3A_551] {strides = array<i32>} : memref<2x768xf32, #tpu.memory_space<vmem>>, vector<16xf32>,
        %get3A_553 = arith.constant 1 : i32
        %get3A_554 = arith.index_cast %get3A_553 : i32 to index
        %get3A_555 = arith.index_cast %mul3A_545 : i32 to index
        %get3A_556 = tpu.vector_load %arg14[%get3A_554, %get3A_555] {strides = array<i32>} : memref<2x768xf32, #tpu.memory_space<vmem>>, vector<16xf32>,
        %sub3A = arith.constant 1.000000e+00 : f32
        %sub3A_557 = vector.broadcast %sub3A : f32 to vector<16xf32>
        %sub3A_558 = arith.subf %sub3A_557, %get3A_548 : vector<16xf32>
        %sub3A_559 = arith.constant 1.000000e+00 : f32
        %sub3A_560 = vector.broadcast %sub3A_559 : f32 to vector<16xf32>
        %sub3A_561 = arith.subf %sub3A_560, %get3A_552 : vector<16xf32>
        %sub3A_562 = arith.constant 1.000000e+00 : f32
        %sub3A_563 = vector.broadcast %sub3A_562 : f32 to vector<16xf32>
        %sub3A_564 = arith.subf %sub3A_563, %get3A_556 : vector<16xf32>
        %mul3A_565 = arith.mulf %sub3A_558, %sub3A_561 : vector<16xf32>
        %mul3A_566 = arith.mulf %sub3A_558, %get3A_552 : vector<16xf32>
        %mul3A_567 = arith.mulf %get3A_548, %sub3A_561 : vector<16xf32>
        %mul3A_568 = arith.mulf %get3A_548, %get3A_552 : vector<16xf32>
        %mul3A_569 = arith.mulf %mul3A_565, %sub3A_564 : vector<16xf32>
        %mul3A_570 = arith.mulf %mul3A_565, %get3A_556 : vector<16xf32>
        %mul3A_571 = arith.mulf %mul3A_566, %sub3A_564 : vector<16xf32>
        %mul3A_572 = arith.mulf %mul3A_566, %get3A_556 : vector<16xf32>
        %mul3A_573 = arith.mulf %mul3A_567, %sub3A_564 : vector<16xf32>
        %mul3A_574 = arith.mulf %mul3A_567, %get3A_556 : vector<16xf32>
        %mul3A_575 = arith.mulf %mul3A_568, %sub3A_564 : vector<16xf32>
        %mul3A_576 = arith.mulf %mul3A_568, %get3A_556 : vector<16xf32>
        %iota3A = tpu.iota {dimensions = array<i32: 0>} : vector<16xi32>
        %mul3A_577 = arith.constant 16 : i32
        %mul3A_578 = arith.muli %scan3A_543, %mul3A_577 : i32
        %add3A_579 = vector.broadcast %mul3A_578 : i32 to vector<16xi32>
        %add3A_580 = arith.addi %iota3A, %add3A_579 : vector<16xi32>
        %broadcast_in_dim3A = arith.constant 0 : i32
        %broadcast_in_dim3A_581 = vector.broadcast %broadcast_in_dim3A : i32 to vector<16xi32>
        %broadcast_in_dim3A_582 = arith.constant 0 : i32
        %broadcast_in_dim3A_583 = vector.broadcast %broadcast_in_dim3A_582 : i32 to vector<16xi32>
        %gather3A = tpu.vector_load_idx %arg18[%broadcast_in_dim3A_581, %add3A_580, %broadcast_in_dim3A_583] : memref<4x768x8xf32, #tpu.memory_space<vmem>>[vector<16xi32>, vector<16xi32>, vector<16xi32>], vector<16xf32>,
        %mul3A_584 = arith.mulf %mul3A_569, %gather3A : vector<16xf32>
        %broadcast_in_dim3A_585 = arith.constant 0 : i32
        %broadcast_in_dim3A_586 = vector.broadcast %broadcast_in_dim3A_585 : i32 to vector<16xi32>
        %broadcast_in_dim3A_587 = arith.constant 4 : i32
        %broadcast_in_dim3A_588 = vector.broadcast %broadcast_in_dim3A_587 : i32 to vector<16xi32>
        %gather3A_589 = tpu.vector_load_idx %arg18[%broadcast_in_dim3A_586, %add3A_580, %broadcast_in_dim3A_588] : memref<4x768x8xf32, #tpu.memory_space<vmem>>[vector<16xi32>, vector<16xi32>, vector<16xi32>], vector<16xf32>,
        %mul3A_590 = arith.mulf %mul3A_570, %gather3A_589 : vector<16xf32>
        %add3A_591 = arith.addf %mul3A_584, %mul3A_590 : vector<16xf32>
        %broadcast_in_dim3A_592 = arith.constant 1 : i32
        %broadcast_in_dim3A_593 = vector.broadcast %broadcast_in_dim3A_592 : i32 to vector<16xi32>
        %broadcast_in_dim3A_594 = arith.constant 0 : i32
        %broadcast_in_dim3A_595 = vector.broadcast %broadcast_in_dim3A_594 : i32 to vector<16xi32>
        %gather3A_596 = tpu.vector_load_idx %arg18[%broadcast_in_dim3A_593, %add3A_580, %broadcast_in_dim3A_595] : memref<4x768x8xf32, #tpu.memory_space<vmem>>[vector<16xi32>, vector<16xi32>, vector<16xi32>], vector<16xf32>,
        %mul3A_597 = arith.mulf %mul3A_571, %gather3A_596 : vector<16xf32>
        %add3A_598 = arith.addf %add3A_591, %mul3A_597 : vector<16xf32>
        %broadcast_in_dim3A_599 = arith.constant 1 : i32
        %broadcast_in_dim3A_600 = vector.broadcast %broadcast_in_dim3A_599 : i32 to vector<16xi32>
        %broadcast_in_dim3A_601 = arith.constant 4 : i32
        %broadcast_in_dim3A_602 = vector.broadcast %broadcast_in_dim3A_601 : i32 to vector<16xi32>
        %gather3A_603 = tpu.vector_load_idx %arg18[%broadcast_in_dim3A_600, %add3A_580, %broadcast_in_dim3A_602] : memref<4x768x8xf32, #tpu.memory_space<vmem>>[vector<16xi32>, vector<16xi32>, vector<16xi32>], vector<16xf32>,
        %mul3A_604 = arith.mulf %mul3A_572, %gather3A_603 : vector<16xf32>
        %add3A_605 = arith.addf %add3A_598, %mul3A_604 : vector<16xf32>
        %broadcast_in_dim3A_606 = arith.constant 2 : i32
        %broadcast_in_dim3A_607 = vector.broadcast %broadcast_in_dim3A_606 : i32 to vector<16xi32>
        %broadcast_in_dim3A_608 = arith.constant 0 : i32
        %broadcast_in_dim3A_609 = vector.broadcast %broadcast_in_dim3A_608 : i32 to vector<16xi32>
        %gather3A_610 = tpu.vector_load_idx %arg18[%broadcast_in_dim3A_607, %add3A_580, %broadcast_in_dim3A_609] : memref<4x768x8xf32, #tpu.memory_space<vmem>>[vector<16xi32>, vector<16xi32>, vector<16xi32>], vector<16xf32>,
        %mul3A_611 = arith.mulf %mul3A_573, %gather3A_610 : vector<16xf32>
        %add3A_612 = arith.addf %add3A_605, %mul3A_611 : vector<16xf32>
        %broadcast_in_dim3A_613 = arith.constant 2 : i32
        %broadcast_in_dim3A_614 = vector.broadcast %broadcast_in_dim3A_613 : i32 to vector<16xi32>
        %broadcast_in_dim3A_615 = arith.constant 4 : i32
        %broadcast_in_dim3A_616 = vector.broadcast %broadcast_in_dim3A_615 : i32 to vector<16xi32>
        %gather3A_617 = tpu.vector_load_idx %arg18[%broadcast_in_dim3A_614, %add3A_580, %broadcast_in_dim3A_616] : memref<4x768x8xf32, #tpu.memory_space<vmem>>[vector<16xi32>, vector<16xi32>, vector<16xi32>], vector<16xf32>,
        %mul3A_618 = arith.mulf %mul3A_574, %gather3A_617 : vector<16xf32>
        %add3A_619 = arith.addf %add3A_612, %mul3A_618 : vector<16xf32>
        %broadcast_in_dim3A_620 = arith.constant 3 : i32
        %broadcast_in_dim3A_621 = vector.broadcast %broadcast_in_dim3A_620 : i32 to vector<16xi32>
        %broadcast_in_dim3A_622 = arith.constant 0 : i32
        %broadcast_in_dim3A_623 = vector.broadcast %broadcast_in_dim3A_622 : i32 to vector<16xi32>
        %gather3A_624 = tpu.vector_load_idx %arg18[%broadcast_in_dim3A_621, %add3A_580, %broadcast_in_dim3A_623] : memref<4x768x8xf32, #tpu.memory_space<vmem>>[vector<16xi32>, vector<16xi32>, vector<16xi32>], vector<16xf32>,
        %mul3A_625 = arith.mulf %mul3A_575, %gather3A_624 : vector<16xf32>
        %add3A_626 = arith.addf %add3A_619, %mul3A_625 : vector<16xf32>
        %broadcast_in_dim3A_627 = arith.constant 3 : i32
        %broadcast_in_dim3A_628 = vector.broadcast %broadcast_in_dim3A_627 : i32 to vector<16xi32>
        %broadcast_in_dim3A_629 = arith.constant 4 : i32
        %broadcast_in_dim3A_630 = vector.broadcast %broadcast_in_dim3A_629 : i32 to vector<16xi32>
        %gather3A_631 = tpu.vector_load_idx %arg18[%broadcast_in_dim3A_628, %add3A_580, %broadcast_in_dim3A_630] : memref<4x768x8xf32, #tpu.memory_space<vmem>>[vector<16xi32>, vector<16xi32>, vector<16xi32>], vector<16xf32>,
        %mul3A_632 = arith.mulf %mul3A_576, %gather3A_631 : vector<16xf32>
        %add3A_633 = arith.addf %add3A_626, %mul3A_632 : vector<16xf32>
        %swap3A = arith.constant 1 : i32
        %swap3A_634 = arith.index_cast %swap3A : i32 to index
        %swap3A_635 = arith.index_cast %mul3A_545 : i32 to index
        %swap3A_636 = tpu.vector_load %arg19[%swap3A_634, %swap3A_635] {strides = array<i32>} : memref<2x768xf32, #tpu.memory_space<vmem>>, vector<16xf32>,
        tpu.vector_store %arg19[%swap3A_634, %swap3A_635], %add3A_633 {strides = array<i32>} : memref<2x768xf32, #tpu.memory_space<vmem>>, vector<16xf32>,
        %broadcast_in_dim3A_637 = arith.constant 0 : i32
        %broadcast_in_dim3A_638 = vector.broadcast %broadcast_in_dim3A_637 : i32 to vector<16xi32>
        %broadcast_in_dim3A_639 = arith.constant 1 : i32
        %broadcast_in_dim3A_640 = vector.broadcast %broadcast_in_dim3A_639 : i32 to vector<16xi32>
        %gather3A_641 = tpu.vector_load_idx %arg18[%broadcast_in_dim3A_638, %add3A_580, %broadcast_in_dim3A_640] : memref<4x768x8xf32, #tpu.memory_space<vmem>>[vector<16xi32>, vector<16xi32>, vector<16xi32>], vector<16xf32>,
        %mul3A_642 = arith.mulf %mul3A_569, %gather3A_641 : vector<16xf32>
        %broadcast_in_dim3A_643 = arith.constant 0 : i32
        %broadcast_in_dim3A_644 = vector.broadcast %broadcast_in_dim3A_643 : i32 to vector<16xi32>
        %broadcast_in_dim3A_645 = arith.constant 5 : i32
        %broadcast_in_dim3A_646 = vector.broadcast %broadcast_in_dim3A_645 : i32 to vector<16xi32>
        %gather3A_647 = tpu.vector_load_idx %arg18[%broadcast_in_dim3A_644, %add3A_580, %broadcast_in_dim3A_646] : memref<4x768x8xf32, #tpu.memory_space<vmem>>[vector<16xi32>, vector<16xi32>, vector<16xi32>], vector<16xf32>,
        %mul3A_648 = arith.mulf %mul3A_570, %gather3A_647 : vector<16xf32>
        %add3A_649 = arith.addf %mul3A_642, %mul3A_648 : vector<16xf32>
        %broadcast_in_dim3A_650 = arith.constant 1 : i32
        %broadcast_in_dim3A_651 = vector.broadcast %broadcast_in_dim3A_650 : i32 to vector<16xi32>
        %broadcast_in_dim3A_652 = arith.constant 1 : i32
        %broadcast_in_dim3A_653 = vector.broadcast %broadcast_in_dim3A_652 : i32 to vector<16xi32>
        %gather3A_654 = tpu.vector_load_idx %arg18[%broadcast_in_dim3A_651, %add3A_580, %broadcast_in_dim3A_653] : memref<4x768x8xf32, #tpu.memory_space<vmem>>[vector<16xi32>, vector<16xi32>, vector<16xi32>], vector<16xf32>,
        %mul3A_655 = arith.mulf %mul3A_571, %gather3A_654 : vector<16xf32>
        %add3A_656 = arith.addf %add3A_649, %mul3A_655 : vector<16xf32>
        %broadcast_in_dim3A_657 = arith.constant 1 : i32
        %broadcast_in_dim3A_658 = vector.broadcast %broadcast_in_dim3A_657 : i32 to vector<16xi32>
        %broadcast_in_dim3A_659 = arith.constant 5 : i32
        %broadcast_in_dim3A_660 = vector.broadcast %broadcast_in_dim3A_659 : i32 to vector<16xi32>
        %gather3A_661 = tpu.vector_load_idx %arg18[%broadcast_in_dim3A_658, %add3A_580, %broadcast_in_dim3A_660] : memref<4x768x8xf32, #tpu.memory_space<vmem>>[vector<16xi32>, vector<16xi32>, vector<16xi32>], vector<16xf32>,
        %mul3A_662 = arith.mulf %mul3A_572, %gather3A_661 : vector<16xf32>
        %add3A_663 = arith.addf %add3A_656, %mul3A_662 : vector<16xf32>
        %broadcast_in_dim3A_664 = arith.constant 2 : i32
        %broadcast_in_dim3A_665 = vector.broadcast %broadcast_in_dim3A_664 : i32 to vector<16xi32>
        %broadcast_in_dim3A_666 = arith.constant 1 : i32
        %broadcast_in_dim3A_667 = vector.broadcast %broadcast_in_dim3A_666 : i32 to vector<16xi32>
        %gather3A_668 = tpu.vector_load_idx %arg18[%broadcast_in_dim3A_665, %add3A_580, %broadcast_in_dim3A_667] : memref<4x768x8xf32, #tpu.memory_space<vmem>>[vector<16xi32>, vector<16xi32>, vector<16xi32>], vector<16xf32>,
        %mul3A_669 = arith.mulf %mul3A_573, %gather3A_668 : vector<16xf32>
        %add3A_670 = arith.addf %add3A_663, %mul3A_669 : vector<16xf32>
        %broadcast_in_dim3A_671 = arith.constant 2 : i32
        %broadcast_in_dim3A_672 = vector.broadcast %broadcast_in_dim3A_671 : i32 to vector<16xi32>
        %broadcast_in_dim3A_673 = arith.constant 5 : i32
        %broadcast_in_dim3A_674 = vector.broadcast %broadcast_in_dim3A_673 : i32 to vector<16xi32>
        %gather3A_675 = tpu.vector_load_idx %arg18[%broadcast_in_dim3A_672, %add3A_580, %broadcast_in_dim3A_674] : memref<4x768x8xf32, #tpu.memory_space<vmem>>[vector<16xi32>, vector<16xi32>, vector<16xi32>], vector<16xf32>,
        %mul3A_676 = arith.mulf %mul3A_574, %gather3A_675 : vector<16xf32>
        %add3A_677 = arith.addf %add3A_670, %mul3A_676 : vector<16xf32>
        %broadcast_in_dim3A_678 = arith.constant 3 : i32
        %broadcast_in_dim3A_679 = vector.broadcast %broadcast_in_dim3A_678 : i32 to vector<16xi32>
        %broadcast_in_dim3A_680 = arith.constant 1 : i32
        %broadcast_in_dim3A_681 = vector.broadcast %broadcast_in_dim3A_680 : i32 to vector<16xi32>
        %gather3A_682 = tpu.vector_load_idx %arg18[%broadcast_in_dim3A_679, %add3A_580, %broadcast_in_dim3A_681] : memref<4x768x8xf32, #tpu.memory_space<vmem>>[vector<16xi32>, vector<16xi32>, vector<16xi32>], vector<16xf32>,
        %mul3A_683 = arith.mulf %mul3A_575, %gather3A_682 : vector<16xf32>
        %add3A_684 = arith.addf %add3A_677, %mul3A_683 : vector<16xf32>
        %broadcast_in_dim3A_685 = arith.constant 3 : i32
        %broadcast_in_dim3A_686 = vector.broadcast %broadcast_in_dim3A_685 : i32 to vector<16xi32>
        %broadcast_in_dim3A_687 = arith.constant 5 : i32
        %broadcast_in_dim3A_688 = vector.broadcast %broadcast_in_dim3A_687 : i32 to vector<16xi32>
        %gather3A_689 = tpu.vector_load_idx %arg18[%broadcast_in_dim3A_686, %add3A_580, %broadcast_in_dim3A_688] : memref<4x768x8xf32, #tpu.memory_space<vmem>>[vector<16xi32>, vector<16xi32>, vector<16xi32>], vector<16xf32>,
        %mul3A_690 = arith.mulf %mul3A_576, %gather3A_689 : vector<16xf32>
        %add3A_691 = arith.addf %add3A_684, %mul3A_690 : vector<16xf32>
        %swap3A_692 = arith.constant 1 : i32
        %swap3A_693 = arith.index_cast %swap3A_692 : i32 to index
        %swap3A_694 = arith.index_cast %mul3A_545 : i32 to index
        %swap3A_695 = tpu.vector_load %arg20[%swap3A_693, %swap3A_694] {strides = array<i32>} : memref<2x768xf32, #tpu.memory_space<vmem>>, vector<16xf32>,
        tpu.vector_store %arg20[%swap3A_693, %swap3A_694], %add3A_691 {strides = array<i32>} : memref<2x768xf32, #tpu.memory_space<vmem>>, vector<16xf32>,
        %broadcast_in_dim3A_696 = arith.constant 0 : i32
        %broadcast_in_dim3A_697 = vector.broadcast %broadcast_in_dim3A_696 : i32 to vector<16xi32>
        %broadcast_in_dim3A_698 = arith.constant 2 : i32
        %broadcast_in_dim3A_699 = vector.broadcast %broadcast_in_dim3A_698 : i32 to vector<16xi32>
        %gather3A_700 = tpu.vector_load_idx %arg18[%broadcast_in_dim3A_697, %add3A_580, %broadcast_in_dim3A_699] : memref<4x768x8xf32, #tpu.memory_space<vmem>>[vector<16xi32>, vector<16xi32>, vector<16xi32>], vector<16xf32>,
        %mul3A_701 = arith.mulf %mul3A_569, %gather3A_700 : vector<16xf32>
        %broadcast_in_dim3A_702 = arith.constant 0 : i32
        %broadcast_in_dim3A_703 = vector.broadcast %broadcast_in_dim3A_702 : i32 to vector<16xi32>
        %broadcast_in_dim3A_704 = arith.constant 6 : i32
        %broadcast_in_dim3A_705 = vector.broadcast %broadcast_in_dim3A_704 : i32 to vector<16xi32>
        %gather3A_706 = tpu.vector_load_idx %arg18[%broadcast_in_dim3A_703, %add3A_580, %broadcast_in_dim3A_705] : memref<4x768x8xf32, #tpu.memory_space<vmem>>[vector<16xi32>, vector<16xi32>, vector<16xi32>], vector<16xf32>,
        %mul3A_707 = arith.mulf %mul3A_570, %gather3A_706 : vector<16xf32>
        %add3A_708 = arith.addf %mul3A_701, %mul3A_707 : vector<16xf32>
        %broadcast_in_dim3A_709 = arith.constant 1 : i32
        %broadcast_in_dim3A_710 = vector.broadcast %broadcast_in_dim3A_709 : i32 to vector<16xi32>
        %broadcast_in_dim3A_711 = arith.constant 2 : i32
        %broadcast_in_dim3A_712 = vector.broadcast %broadcast_in_dim3A_711 : i32 to vector<16xi32>
        %gather3A_713 = tpu.vector_load_idx %arg18[%broadcast_in_dim3A_710, %add3A_580, %broadcast_in_dim3A_712] : memref<4x768x8xf32, #tpu.memory_space<vmem>>[vector<16xi32>, vector<16xi32>, vector<16xi32>], vector<16xf32>,
        %mul3A_714 = arith.mulf %mul3A_571, %gather3A_713 : vector<16xf32>
        %add3A_715 = arith.addf %add3A_708, %mul3A_714 : vector<16xf32>
        %broadcast_in_dim3A_716 = arith.constant 1 : i32
        %broadcast_in_dim3A_717 = vector.broadcast %broadcast_in_dim3A_716 : i32 to vector<16xi32>
        %broadcast_in_dim3A_718 = arith.constant 6 : i32
        %broadcast_in_dim3A_719 = vector.broadcast %broadcast_in_dim3A_718 : i32 to vector<16xi32>
        %gather3A_720 = tpu.vector_load_idx %arg18[%broadcast_in_dim3A_717, %add3A_580, %broadcast_in_dim3A_719] : memref<4x768x8xf32, #tpu.memory_space<vmem>>[vector<16xi32>, vector<16xi32>, vector<16xi32>], vector<16xf32>,
        %mul3A_721 = arith.mulf %mul3A_572, %gather3A_720 : vector<16xf32>
        %add3A_722 = arith.addf %add3A_715, %mul3A_721 : vector<16xf32>
        %broadcast_in_dim3A_723 = arith.constant 2 : i32
        %broadcast_in_dim3A_724 = vector.broadcast %broadcast_in_dim3A_723 : i32 to vector<16xi32>
        %broadcast_in_dim3A_725 = arith.constant 2 : i32
        %broadcast_in_dim3A_726 = vector.broadcast %broadcast_in_dim3A_725 : i32 to vector<16xi32>
        %gather3A_727 = tpu.vector_load_idx %arg18[%broadcast_in_dim3A_724, %add3A_580, %broadcast_in_dim3A_726] : memref<4x768x8xf32, #tpu.memory_space<vmem>>[vector<16xi32>, vector<16xi32>, vector<16xi32>], vector<16xf32>,
        %mul3A_728 = arith.mulf %mul3A_573, %gather3A_727 : vector<16xf32>
        %add3A_729 = arith.addf %add3A_722, %mul3A_728 : vector<16xf32>
        %broadcast_in_dim3A_730 = arith.constant 2 : i32
        %broadcast_in_dim3A_731 = vector.broadcast %broadcast_in_dim3A_730 : i32 to vector<16xi32>
        %broadcast_in_dim3A_732 = arith.constant 6 : i32
        %broadcast_in_dim3A_733 = vector.broadcast %broadcast_in_dim3A_732 : i32 to vector<16xi32>
        %gather3A_734 = tpu.vector_load_idx %arg18[%broadcast_in_dim3A_731, %add3A_580, %broadcast_in_dim3A_733] : memref<4x768x8xf32, #tpu.memory_space<vmem>>[vector<16xi32>, vector<16xi32>, vector<16xi32>], vector<16xf32>,
        %mul3A_735 = arith.mulf %mul3A_574, %gather3A_734 : vector<16xf32>
        %add3A_736 = arith.addf %add3A_729, %mul3A_735 : vector<16xf32>
        %broadcast_in_dim3A_737 = arith.constant 3 : i32
        %broadcast_in_dim3A_738 = vector.broadcast %broadcast_in_dim3A_737 : i32 to vector<16xi32>
        %broadcast_in_dim3A_739 = arith.constant 2 : i32
        %broadcast_in_dim3A_740 = vector.broadcast %broadcast_in_dim3A_739 : i32 to vector<16xi32>
        %gather3A_741 = tpu.vector_load_idx %arg18[%broadcast_in_dim3A_738, %add3A_580, %broadcast_in_dim3A_740] : memref<4x768x8xf32, #tpu.memory_space<vmem>>[vector<16xi32>, vector<16xi32>, vector<16xi32>], vector<16xf32>,
        %mul3A_742 = arith.mulf %mul3A_575, %gather3A_741 : vector<16xf32>
        %add3A_743 = arith.addf %add3A_736, %mul3A_742 : vector<16xf32>
        %broadcast_in_dim3A_744 = arith.constant 3 : i32
        %broadcast_in_dim3A_745 = vector.broadcast %broadcast_in_dim3A_744 : i32 to vector<16xi32>
        %broadcast_in_dim3A_746 = arith.constant 6 : i32
        %broadcast_in_dim3A_747 = vector.broadcast %broadcast_in_dim3A_746 : i32 to vector<16xi32>
        %gather3A_748 = tpu.vector_load_idx %arg18[%broadcast_in_dim3A_745, %add3A_580, %broadcast_in_dim3A_747] : memref<4x768x8xf32, #tpu.memory_space<vmem>>[vector<16xi32>, vector<16xi32>, vector<16xi32>], vector<16xf32>,
        %mul3A_749 = arith.mulf %mul3A_576, %gather3A_748 : vector<16xf32>
        %add3A_750 = arith.addf %add3A_743, %mul3A_749 : vector<16xf32>
        %swap3A_751 = arith.constant 1 : i32
        %swap3A_752 = arith.index_cast %swap3A_751 : i32 to index
        %swap3A_753 = arith.index_cast %mul3A_545 : i32 to index
        %swap3A_754 = tpu.vector_load %arg21[%swap3A_752, %swap3A_753] {strides = array<i32>} : memref<2x768xf32, #tpu.memory_space<vmem>>, vector<16xf32>,
        tpu.vector_store %arg21[%swap3A_752, %swap3A_753], %add3A_750 {strides = array<i32>} : memref<2x768xf32, #tpu.memory_space<vmem>>, vector<16xf32>,
        %broadcast_in_dim3A_755 = arith.constant 0 : i32
        %broadcast_in_dim3A_756 = vector.broadcast %broadcast_in_dim3A_755 : i32 to vector<16xi32>
        %broadcast_in_dim3A_757 = arith.constant 3 : i32
        %broadcast_in_dim3A_758 = vector.broadcast %broadcast_in_dim3A_757 : i32 to vector<16xi32>
        %gather3A_759 = tpu.vector_load_idx %arg18[%broadcast_in_dim3A_756, %add3A_580, %broadcast_in_dim3A_758] : memref<4x768x8xf32, #tpu.memory_space<vmem>>[vector<16xi32>, vector<16xi32>, vector<16xi32>], vector<16xf32>,
        %mul3A_760 = arith.mulf %mul3A_569, %gather3A_759 : vector<16xf32>
        %broadcast_in_dim3A_761 = arith.constant 0 : i32
        %broadcast_in_dim3A_762 = vector.broadcast %broadcast_in_dim3A_761 : i32 to vector<16xi32>
        %broadcast_in_dim3A_763 = arith.constant 7 : i32
        %broadcast_in_dim3A_764 = vector.broadcast %broadcast_in_dim3A_763 : i32 to vector<16xi32>
        %gather3A_765 = tpu.vector_load_idx %arg18[%broadcast_in_dim3A_762, %add3A_580, %broadcast_in_dim3A_764] : memref<4x768x8xf32, #tpu.memory_space<vmem>>[vector<16xi32>, vector<16xi32>, vector<16xi32>], vector<16xf32>,
        %mul3A_766 = arith.mulf %mul3A_570, %gather3A_765 : vector<16xf32>
        %add3A_767 = arith.addf %mul3A_760, %mul3A_766 : vector<16xf32>
        %broadcast_in_dim3A_768 = arith.constant 1 : i32
        %broadcast_in_dim3A_769 = vector.broadcast %broadcast_in_dim3A_768 : i32 to vector<16xi32>
        %broadcast_in_dim3A_770 = arith.constant 3 : i32
        %broadcast_in_dim3A_771 = vector.broadcast %broadcast_in_dim3A_770 : i32 to vector<16xi32>
        %gather3A_772 = tpu.vector_load_idx %arg18[%broadcast_in_dim3A_769, %add3A_580, %broadcast_in_dim3A_771] : memref<4x768x8xf32, #tpu.memory_space<vmem>>[vector<16xi32>, vector<16xi32>, vector<16xi32>], vector<16xf32>,
        %mul3A_773 = arith.mulf %mul3A_571, %gather3A_772 : vector<16xf32>
        %add3A_774 = arith.addf %add3A_767, %mul3A_773 : vector<16xf32>
        %broadcast_in_dim3A_775 = arith.constant 1 : i32
        %broadcast_in_dim3A_776 = vector.broadcast %broadcast_in_dim3A_775 : i32 to vector<16xi32>
        %broadcast_in_dim3A_777 = arith.constant 7 : i32
        %broadcast_in_dim3A_778 = vector.broadcast %broadcast_in_dim3A_777 : i32 to vector<16xi32>
        %gather3A_779 = tpu.vector_load_idx %arg18[%broadcast_in_dim3A_776, %add3A_580, %broadcast_in_dim3A_778] : memref<4x768x8xf32, #tpu.memory_space<vmem>>[vector<16xi32>, vector<16xi32>, vector<16xi32>], vector<16xf32>,
        %mul3A_780 = arith.mulf %mul3A_572, %gather3A_779 : vector<16xf32>
        %add3A_781 = arith.addf %add3A_774, %mul3A_780 : vector<16xf32>
        %broadcast_in_dim3A_782 = arith.constant 2 : i32
        %broadcast_in_dim3A_783 = vector.broadcast %broadcast_in_dim3A_782 : i32 to vector<16xi32>
        %broadcast_in_dim3A_784 = arith.constant 3 : i32
        %broadcast_in_dim3A_785 = vector.broadcast %broadcast_in_dim3A_784 : i32 to vector<16xi32>
        %gather3A_786 = tpu.vector_load_idx %arg18[%broadcast_in_dim3A_783, %add3A_580, %broadcast_in_dim3A_785] : memref<4x768x8xf32, #tpu.memory_space<vmem>>[vector<16xi32>, vector<16xi32>, vector<16xi32>], vector<16xf32>,
        %mul3A_787 = arith.mulf %mul3A_573, %gather3A_786 : vector<16xf32>
        %add3A_788 = arith.addf %add3A_781, %mul3A_787 : vector<16xf32>
        %broadcast_in_dim3A_789 = arith.constant 2 : i32
        %broadcast_in_dim3A_790 = vector.broadcast %broadcast_in_dim3A_789 : i32 to vector<16xi32>
        %broadcast_in_dim3A_791 = arith.constant 7 : i32
        %broadcast_in_dim3A_792 = vector.broadcast %broadcast_in_dim3A_791 : i32 to vector<16xi32>
        %gather3A_793 = tpu.vector_load_idx %arg18[%broadcast_in_dim3A_790, %add3A_580, %broadcast_in_dim3A_792] : memref<4x768x8xf32, #tpu.memory_space<vmem>>[vector<16xi32>, vector<16xi32>, vector<16xi32>], vector<16xf32>,
        %mul3A_794 = arith.mulf %mul3A_574, %gather3A_793 : vector<16xf32>
        %add3A_795 = arith.addf %add3A_788, %mul3A_794 : vector<16xf32>
        %broadcast_in_dim3A_796 = arith.constant 3 : i32
        %broadcast_in_dim3A_797 = vector.broadcast %broadcast_in_dim3A_796 : i32 to vector<16xi32>
        %broadcast_in_dim3A_798 = arith.constant 3 : i32
        %broadcast_in_dim3A_799 = vector.broadcast %broadcast_in_dim3A_798 : i32 to vector<16xi32>
        %gather3A_800 = tpu.vector_load_idx %arg18[%broadcast_in_dim3A_797, %add3A_580, %broadcast_in_dim3A_799] : memref<4x768x8xf32, #tpu.memory_space<vmem>>[vector<16xi32>, vector<16xi32>, vector<16xi32>], vector<16xf32>,
        %mul3A_801 = arith.mulf %mul3A_575, %gather3A_800 : vector<16xf32>
        %add3A_802 = arith.addf %add3A_795, %mul3A_801 : vector<16xf32>
        %broadcast_in_dim3A_803 = arith.constant 3 : i32
        %broadcast_in_dim3A_804 = vector.broadcast %broadcast_in_dim3A_803 : i32 to vector<16xi32>
        %broadcast_in_dim3A_805 = arith.constant 7 : i32
        %broadcast_in_dim3A_806 = vector.broadcast %broadcast_in_dim3A_805 : i32 to vector<16xi32>
        %gather3A_807 = tpu.vector_load_idx %arg18[%broadcast_in_dim3A_804, %add3A_580, %broadcast_in_dim3A_806] : memref<4x768x8xf32, #tpu.memory_space<vmem>>[vector<16xi32>, vector<16xi32>, vector<16xi32>], vector<16xf32>,
        %mul3A_808 = arith.mulf %mul3A_576, %gather3A_807 : vector<16xf32>
        %add3A_809 = arith.addf %add3A_802, %mul3A_808 : vector<16xf32>
        %swap3A_810 = arith.constant 1 : i32
        %swap3A_811 = arith.index_cast %swap3A_810 : i32 to index
        %swap3A_812 = arith.index_cast %mul3A_545 : i32 to index
        %swap3A_813 = tpu.vector_load %arg22[%swap3A_811, %swap3A_812] {strides = array<i32>} : memref<2x768xf32, #tpu.memory_space<vmem>>, vector<16xf32>,
        tpu.vector_store %arg22[%swap3A_811, %swap3A_812], %add3A_809 {strides = array<i32>} : memref<2x768xf32, #tpu.memory_space<vmem>>, vector<16xf32>,
      }
      %scan3A_503 = arith.constant 48 : i32
      %mul3A_504 = arith.constant 768 : i32
      %mul3A_505 = arith.muli %add3A_497, %mul3A_504 : i32
      %add3A_506 = arith.addi %mul3A_2, %mul3A_505 : i32
      %dma_start3A_507 = arith.constant 1 : i32
      %dma_start3A_508 = arith.constant 0 : i32
      %dma_start3A_509 = tpu.memref_slice %arg19[%dma_start3A_507, %dma_start3A_508] : memref<2x768xf32, #tpu.memory_space<vmem>> -> memref<1x768xf32, #tpu.memory_space<vmem>>
      %dma_start3A_510 = tpu.memref_squeeze %dma_start3A_509 : memref<1x768xf32, #tpu.memory_space<vmem>> -> memref<768xf32, #tpu.memory_space<vmem>>
      %dma_start3A_511 = tpu.memref_slice %arg7[%add3A_506] : memref<786432xf32, #tpu.memory_space<hbm>> -> memref<768xf32, #tpu.memory_space<hbm>>
      %dma_start3A_512 = tpu.memref_slice %arg7[%add3A_506] : memref<786432xf32, #tpu.memory_space<hbm>> -> memref<768xf32, #tpu.memory_space<hbm>>
      %dma_start3A_513 = arith.constant 0 : i32
      %dma_start3A_514 = tpu.memref_slice %arg19[%dma_start3A_507, %dma_start3A_513] : memref<2x768xf32, #tpu.memory_space<vmem>> -> memref<1x768xf32, #tpu.memory_space<vmem>>
      %dma_start3A_515 = tpu.memref_squeeze %dma_start3A_514 : memref<1x768xf32, #tpu.memory_space<vmem>> -> memref<768xf32, #tpu.memory_space<vmem>>
      tpu.enqueue_dma source(%dma_start3A_515 : memref<768xf32, #tpu.memory_space<vmem>>) target(%dma_start3A_512 : memref<768xf32, #tpu.memory_space<hbm>>) target_semaphore(%arg26 : memref<!tpu.dma_semaphore, #tpu.memory_space<semaphore_mem>>)
      %dma_start3A_516 = arith.constant 1 : i32
      %dma_start3A_517 = arith.constant 0 : i32
      %dma_start3A_518 = tpu.memref_slice %arg20[%dma_start3A_516, %dma_start3A_517] : memref<2x768xf32, #tpu.memory_space<vmem>> -> memref<1x768xf32, #tpu.memory_space<vmem>>
      %dma_start3A_519 = tpu.memref_squeeze %dma_start3A_518 : memref<1x768xf32, #tpu.memory_space<vmem>> -> memref<768xf32, #tpu.memory_space<vmem>>
      %dma_start3A_520 = tpu.memref_slice %arg8[%add3A_506] : memref<786432xf32, #tpu.memory_space<hbm>> -> memref<768xf32, #tpu.memory_space<hbm>>
      %dma_start3A_521 = tpu.memref_slice %arg8[%add3A_506] : memref<786432xf32, #tpu.memory_space<hbm>> -> memref<768xf32, #tpu.memory_space<hbm>>
      %dma_start3A_522 = arith.constant 0 : i32
      %dma_start3A_523 = tpu.memref_slice %arg20[%dma_start3A_516, %dma_start3A_522] : memref<2x768xf32, #tpu.memory_space<vmem>> -> memref<1x768xf32, #tpu.memory_space<vmem>>
      %dma_start3A_524 = tpu.memref_squeeze %dma_start3A_523 : memref<1x768xf32, #tpu.memory_space<vmem>> -> memref<768xf32, #tpu.memory_space<vmem>>
      tpu.enqueue_dma source(%dma_start3A_524 : memref<768xf32, #tpu.memory_space<vmem>>) target(%dma_start3A_521 : memref<768xf32, #tpu.memory_space<hbm>>) target_semaphore(%arg26 : memref<!tpu.dma_semaphore, #tpu.memory_space<semaphore_mem>>)
      %dma_start3A_525 = arith.constant 1 : i32
      %dma_start3A_526 = arith.constant 0 : i32
      %dma_start3A_527 = tpu.memref_slice %arg21[%dma_start3A_525, %dma_start3A_526] : memref<2x768xf32, #tpu.memory_space<vmem>> -> memref<1x768xf32, #tpu.memory_space<vmem>>
      %dma_start3A_528 = tpu.memref_squeeze %dma_start3A_527 : memref<1x768xf32, #tpu.memory_space<vmem>> -> memref<768xf32, #tpu.memory_space<vmem>>
      %dma_start3A_529 = tpu.memref_slice %arg9[%add3A_506] : memref<786432xf32, #tpu.memory_space<hbm>> -> memref<768xf32, #tpu.memory_space<hbm>>
      %dma_start3A_530 = tpu.memref_slice %arg9[%add3A_506] : memref<786432xf32, #tpu.memory_space<hbm>> -> memref<768xf32, #tpu.memory_space<hbm>>
      %dma_start3A_531 = arith.constant 0 : i32
      %dma_start3A_532 = tpu.memref_slice %arg21[%dma_start3A_525, %dma_start3A_531] : memref<2x768xf32, #tpu.memory_space<vmem>> -> memref<1x768xf32, #tpu.memory_space<vmem>>
      %dma_start3A_533 = tpu.memref_squeeze %dma_start3A_532 : memref<1x768xf32, #tpu.memory_space<vmem>> -> memref<768xf32, #tpu.memory_space<vmem>>
      tpu.enqueue_dma source(%dma_start3A_533 : memref<768xf32, #tpu.memory_space<vmem>>) target(%dma_start3A_530 : memref<768xf32, #tpu.memory_space<hbm>>) target_semaphore(%arg26 : memref<!tpu.dma_semaphore, #tpu.memory_space<semaphore_mem>>)
      %dma_start3A_534 = arith.constant 1 : i32
      %dma_start3A_535 = arith.constant 0 : i32
      %dma_start3A_536 = tpu.memref_slice %arg22[%dma_start3A_534, %dma_start3A_535] : memref<2x768xf32, #tpu.memory_space<vmem>> -> memref<1x768xf32, #tpu.memory_space<vmem>>
      %dma_start3A_537 = tpu.memref_squeeze %dma_start3A_536 : memref<1x768xf32, #tpu.memory_space<vmem>> -> memref<768xf32, #tpu.memory_space<vmem>>
      %dma_start3A_538 = tpu.memref_slice %arg10[%add3A_506] : memref<786432xf32, #tpu.memory_space<hbm>> -> memref<768xf32, #tpu.memory_space<hbm>>
      %dma_start3A_539 = tpu.memref_slice %arg10[%add3A_506] : memref<786432xf32, #tpu.memory_space<hbm>> -> memref<768xf32, #tpu.memory_space<hbm>>
      %dma_start3A_540 = arith.constant 0 : i32
      %dma_start3A_541 = tpu.memref_slice %arg22[%dma_start3A_534, %dma_start3A_540] : memref<2x768xf32, #tpu.memory_space<vmem>> -> memref<1x768xf32, #tpu.memory_space<vmem>>
      %dma_start3A_542 = tpu.memref_squeeze %dma_start3A_541 : memref<1x768xf32, #tpu.memory_space<vmem>> -> memref<768xf32, #tpu.memory_space<vmem>>
      tpu.enqueue_dma source(%dma_start3A_542 : memref<768xf32, #tpu.memory_space<vmem>>) target(%dma_start3A_539 : memref<768xf32, #tpu.memory_space<hbm>>) target_semaphore(%arg26 : memref<!tpu.dma_semaphore, #tpu.memory_space<semaphore_mem>>)
    }
    %scan3A_133 = arith.constant 16 : i32
    %add3A_134 = arith.constant 23040 : i32
    %add3A_135 = arith.addi %mul3A_2, %add3A_134 : i32
    %dma_wait3A_136 = arith.constant 0 : i32
    %dma_wait3A_137 = arith.constant 0 : i32
    %dma_wait3A_138 = tpu.memref_slice %arg19[%dma_wait3A_136, %dma_wait3A_137] : memref<2x768xf32, #tpu.memory_space<vmem>> -> memref<1x768xf32, #tpu.memory_space<vmem>>
    %dma_wait3A_139 = tpu.memref_squeeze %dma_wait3A_138 : memref<1x768xf32, #tpu.memory_space<vmem>> -> memref<768xf32, #tpu.memory_space<vmem>>
    %dma_wait3A_140 = tpu.memref_slice %arg7[%add3A_135] : memref<786432xf32, #tpu.memory_space<hbm>> -> memref<768xf32, #tpu.memory_space<hbm>>
    %dma_wait3A_141 = tpu.memref_slice %arg7[%add3A_135] : memref<786432xf32, #tpu.memory_space<hbm>> -> memref<768xf32, #tpu.memory_space<hbm>>
    %dma_wait3A_142 = arith.constant 0 : i32
    %dma_wait3A_143 = tpu.memref_slice %arg19[%dma_wait3A_136, %dma_wait3A_142] : memref<2x768xf32, #tpu.memory_space<vmem>> -> memref<1x768xf32, #tpu.memory_space<vmem>>
    %dma_wait3A_144 = tpu.memref_squeeze %dma_wait3A_143 : memref<1x768xf32, #tpu.memory_space<vmem>> -> memref<768xf32, #tpu.memory_space<vmem>>
    tpu.wait_dma2 semaphore(%arg25 : memref<!tpu.dma_semaphore, #tpu.memory_space<semaphore_mem>>) src(%dma_wait3A_144 : memref<768xf32, #tpu.memory_space<vmem>>) dst(%dma_wait3A_141 : memref<768xf32, #tpu.memory_space<hbm>>)
    %dma_wait3A_145 = arith.constant 0 : i32
    %dma_wait3A_146 = arith.constant 0 : i32
    %dma_wait3A_147 = tpu.memref_slice %arg20[%dma_wait3A_145, %dma_wait3A_146] : memref<2x768xf32, #tpu.memory_space<vmem>> -> memref<1x768xf32, #tpu.memory_space<vmem>>
    %dma_wait3A_148 = tpu.memref_squeeze %dma_wait3A_147 : memref<1x768xf32, #tpu.memory_space<vmem>> -> memref<768xf32, #tpu.memory_space<vmem>>
    %dma_wait3A_149 = tpu.memref_slice %arg8[%add3A_135] : memref<786432xf32, #tpu.memory_space<hbm>> -> memref<768xf32, #tpu.memory_space<hbm>>
    %dma_wait3A_150 = tpu.memref_slice %arg8[%add3A_135] : memref<786432xf32, #tpu.memory_space<hbm>> -> memref<768xf32, #tpu.memory_space<hbm>>
    %dma_wait3A_151 = arith.constant 0 : i32
    %dma_wait3A_152 = tpu.memref_slice %arg20[%dma_wait3A_145, %dma_wait3A_151] : memref<2x768xf32, #tpu.memory_space<vmem>> -> memref<1x768xf32, #tpu.memory_space<vmem>>
    %dma_wait3A_153 = tpu.memref_squeeze %dma_wait3A_152 : memref<1x768xf32, #tpu.memory_space<vmem>> -> memref<768xf32, #tpu.memory_space<vmem>>
    tpu.wait_dma2 semaphore(%arg25 : memref<!tpu.dma_semaphore, #tpu.memory_space<semaphore_mem>>) src(%dma_wait3A_153 : memref<768xf32, #tpu.memory_space<vmem>>) dst(%dma_wait3A_150 : memref<768xf32, #tpu.memory_space<hbm>>)
    %dma_wait3A_154 = arith.constant 0 : i32
    %dma_wait3A_155 = arith.constant 0 : i32
    %dma_wait3A_156 = tpu.memref_slice %arg21[%dma_wait3A_154, %dma_wait3A_155] : memref<2x768xf32, #tpu.memory_space<vmem>> -> memref<1x768xf32, #tpu.memory_space<vmem>>
    %dma_wait3A_157 = tpu.memref_squeeze %dma_wait3A_156 : memref<1x768xf32, #tpu.memory_space<vmem>> -> memref<768xf32, #tpu.memory_space<vmem>>
    %dma_wait3A_158 = tpu.memref_slice %arg9[%add3A_135] : memref<786432xf32, #tpu.memory_space<hbm>> -> memref<768xf32, #tpu.memory_space<hbm>>
    %dma_wait3A_159 = tpu.memref_slice %arg9[%add3A_135] : memref<786432xf32, #tpu.memory_space<hbm>> -> memref<768xf32, #tpu.memory_space<hbm>>
    %dma_wait3A_160 = arith.constant 0 : i32
    %dma_wait3A_161 = tpu.memref_slice %arg21[%dma_wait3A_154, %dma_wait3A_160] : memref<2x768xf32, #tpu.memory_space<vmem>> -> memref<1x768xf32, #tpu.memory_space<vmem>>
    %dma_wait3A_162 = tpu.memref_squeeze %dma_wait3A_161 : memref<1x768xf32, #tpu.memory_space<vmem>> -> memref<768xf32, #tpu.memory_space<vmem>>
    tpu.wait_dma2 semaphore(%arg25 : memref<!tpu.dma_semaphore, #tpu.memory_space<semaphore_mem>>) src(%dma_wait3A_162 : memref<768xf32, #tpu.memory_space<vmem>>) dst(%dma_wait3A_159 : memref<768xf32, #tpu.memory_space<hbm>>)
    %dma_wait3A_163 = arith.constant 0 : i32
    %dma_wait3A_164 = arith.constant 0 : i32
    %dma_wait3A_165 = tpu.memref_slice %arg22[%dma_wait3A_163, %dma_wait3A_164] : memref<2x768xf32, #tpu.memory_space<vmem>> -> memref<1x768xf32, #tpu.memory_space<vmem>>
    %dma_wait3A_166 = tpu.memref_squeeze %dma_wait3A_165 : memref<1x768xf32, #tpu.memory_space<vmem>> -> memref<768xf32, #tpu.memory_space<vmem>>
    %dma_wait3A_167 = tpu.memref_slice %arg10[%add3A_135] : memref<786432xf32, #tpu.memory_space<hbm>> -> memref<768xf32, #tpu.memory_space<hbm>>
    %dma_wait3A_168 = tpu.memref_slice %arg10[%add3A_135] : memref<786432xf32, #tpu.memory_space<hbm>> -> memref<768xf32, #tpu.memory_space<hbm>>
    %dma_wait3A_169 = arith.constant 0 : i32
    %dma_wait3A_170 = tpu.memref_slice %arg22[%dma_wait3A_163, %dma_wait3A_169] : memref<2x768xf32, #tpu.memory_space<vmem>> -> memref<1x768xf32, #tpu.memory_space<vmem>>
    %dma_wait3A_171 = tpu.memref_squeeze %dma_wait3A_170 : memref<1x768xf32, #tpu.memory_space<vmem>> -> memref<768xf32, #tpu.memory_space<vmem>>
    tpu.wait_dma2 semaphore(%arg25 : memref<!tpu.dma_semaphore, #tpu.memory_space<semaphore_mem>>) src(%dma_wait3A_171 : memref<768xf32, #tpu.memory_space<vmem>>) dst(%dma_wait3A_168 : memref<768xf32, #tpu.memory_space<hbm>>)
    %add3A_172 = arith.constant 23808 : i32
    %add3A_173 = arith.addi %mul3A_2, %add3A_172 : i32
    %dma_wait3A_174 = arith.constant 1 : i32
    %dma_wait3A_175 = arith.constant 0 : i32
    %dma_wait3A_176 = tpu.memref_slice %arg19[%dma_wait3A_174, %dma_wait3A_175] : memref<2x768xf32, #tpu.memory_space<vmem>> -> memref<1x768xf32, #tpu.memory_space<vmem>>
    %dma_wait3A_177 = tpu.memref_squeeze %dma_wait3A_176 : memref<1x768xf32, #tpu.memory_space<vmem>> -> memref<768xf32, #tpu.memory_space<vmem>>
    %dma_wait3A_178 = tpu.memref_slice %arg7[%add3A_173] : memref<786432xf32, #tpu.memory_space<hbm>> -> memref<768xf32, #tpu.memory_space<hbm>>
    %dma_wait3A_179 = tpu.memref_slice %arg7[%add3A_173] : memref<786432xf32, #tpu.memory_space<hbm>> -> memref<768xf32, #tpu.memory_space<hbm>>
    %dma_wait3A_180 = arith.constant 0 : i32
    %dma_wait3A_181 = tpu.memref_slice %arg19[%dma_wait3A_174, %dma_wait3A_180] : memref<2x768xf32, #tpu.memory_space<vmem>> -> memref<1x768xf32, #tpu.memory_space<vmem>>
    %dma_wait3A_182 = tpu.memref_squeeze %dma_wait3A_181 : memref<1x768xf32, #tpu.memory_space<vmem>> -> memref<768xf32, #tpu.memory_space<vmem>>
    tpu.wait_dma2 semaphore(%arg26 : memref<!tpu.dma_semaphore, #tpu.memory_space<semaphore_mem>>) src(%dma_wait3A_182 : memref<768xf32, #tpu.memory_space<vmem>>) dst(%dma_wait3A_179 : memref<768xf32, #tpu.memory_space<hbm>>)
    %dma_wait3A_183 = arith.constant 1 : i32
    %dma_wait3A_184 = arith.constant 0 : i32
    %dma_wait3A_185 = tpu.memref_slice %arg20[%dma_wait3A_183, %dma_wait3A_184] : memref<2x768xf32, #tpu.memory_space<vmem>> -> memref<1x768xf32, #tpu.memory_space<vmem>>
    %dma_wait3A_186 = tpu.memref_squeeze %dma_wait3A_185 : memref<1x768xf32, #tpu.memory_space<vmem>> -> memref<768xf32, #tpu.memory_space<vmem>>
    %dma_wait3A_187 = tpu.memref_slice %arg8[%add3A_173] : memref<786432xf32, #tpu.memory_space<hbm>> -> memref<768xf32, #tpu.memory_space<hbm>>
    %dma_wait3A_188 = tpu.memref_slice %arg8[%add3A_173] : memref<786432xf32, #tpu.memory_space<hbm>> -> memref<768xf32, #tpu.memory_space<hbm>>
    %dma_wait3A_189 = arith.constant 0 : i32
    %dma_wait3A_190 = tpu.memref_slice %arg20[%dma_wait3A_183, %dma_wait3A_189] : memref<2x768xf32, #tpu.memory_space<vmem>> -> memref<1x768xf32, #tpu.memory_space<vmem>>
    %dma_wait3A_191 = tpu.memref_squeeze %dma_wait3A_190 : memref<1x768xf32, #tpu.memory_space<vmem>> -> memref<768xf32, #tpu.memory_space<vmem>>
    tpu.wait_dma2 semaphore(%arg26 : memref<!tpu.dma_semaphore, #tpu.memory_space<semaphore_mem>>) src(%dma_wait3A_191 : memref<768xf32, #tpu.memory_space<vmem>>) dst(%dma_wait3A_188 : memref<768xf32, #tpu.memory_space<hbm>>)
    %dma_wait3A_192 = arith.constant 1 : i32
    %dma_wait3A_193 = arith.constant 0 : i32
    %dma_wait3A_194 = tpu.memref_slice %arg21[%dma_wait3A_192, %dma_wait3A_193] : memref<2x768xf32, #tpu.memory_space<vmem>> -> memref<1x768xf32, #tpu.memory_space<vmem>>
    %dma_wait3A_195 = tpu.memref_squeeze %dma_wait3A_194 : memref<1x768xf32, #tpu.memory_space<vmem>> -> memref<768xf32, #tpu.memory_space<vmem>>
    %dma_wait3A_196 = tpu.memref_slice %arg9[%add3A_173] : memref<786432xf32, #tpu.memory_space<hbm>> -> memref<768xf32, #tpu.memory_space<hbm>>
    %dma_wait3A_197 = tpu.memref_slice %arg9[%add3A_173] : memref<786432xf32, #tpu.memory_space<hbm>> -> memref<768xf32, #tpu.memory_space<hbm>>
    %dma_wait3A_198 = arith.constant 0 : i32
    %dma_wait3A_199 = tpu.memref_slice %arg21[%dma_wait3A_192, %dma_wait3A_198] : memref<2x768xf32, #tpu.memory_space<vmem>> -> memref<1x768xf32, #tpu.memory_space<vmem>>
    %dma_wait3A_200 = tpu.memref_squeeze %dma_wait3A_199 : memref<1x768xf32, #tpu.memory_space<vmem>> -> memref<768xf32, #tpu.memory_space<vmem>>
    tpu.wait_dma2 semaphore(%arg26 : memref<!tpu.dma_semaphore, #tpu.memory_space<semaphore_mem>>) src(%dma_wait3A_200 : memref<768xf32, #tpu.memory_space<vmem>>) dst(%dma_wait3A_197 : memref<768xf32, #tpu.memory_space<hbm>>)
    %dma_wait3A_201 = arith.constant 1 : i32
    %dma_wait3A_202 = arith.constant 0 : i32
    %dma_wait3A_203 = tpu.memref_slice %arg22[%dma_wait3A_201, %dma_wait3A_202] : memref<2x768xf32, #tpu.memory_space<vmem>> -> memref<1x768xf32, #tpu.memory_space<vmem>>
    %dma_wait3A_204 = tpu.memref_squeeze %dma_wait3A_203 : memref<1x768xf32, #tpu.memory_space<vmem>> -> memref<768xf32, #tpu.memory_space<vmem>>
    %dma_wait3A_205 = tpu.memref_slice %arg10[%add3A_173] : memref<786432xf32, #tpu.memory_space<hbm>> -> memref<768xf32, #tpu.memory_space<hbm>>
    %dma_wait3A_206 = tpu.memref_slice %arg10[%add3A_173] : memref<786432xf32, #tpu.memory_space<hbm>> -> memref<768xf32, #tpu.memory_space<hbm>>
    %dma_wait3A_207 = arith.constant 0 : i32
    %dma_wait3A_208 = tpu.memref_slice %arg22[%dma_wait3A_201, %dma_wait3A_207] : memref<2x768xf32, #tpu.memory_space<vmem>> -> memref<1x768xf32, #tpu.memory_space<vmem>>
    %dma_wait3A_209 = tpu.memref_squeeze %dma_wait3A_208 : memref<1x768xf32, #tpu.memory_space<vmem>> -> memref<768xf32, #tpu.memory_space<vmem>>
    tpu.wait_dma2 semaphore(%arg26 : memref<!tpu.dma_semaphore, #tpu.memory_space<semaphore_mem>>) src(%dma_wait3A_209 : memref<768xf32, #tpu.memory_space<vmem>>) dst(%dma_wait3A_206 : memref<768xf32, #tpu.memory_space<hbm>>)
    return
  }
}

#map = affine_map<(d0, d1) -> (0)>
#map1 = affine_map<(d0, d1) -> (0, 0)>
module attributes {stable_mosaic.version = 14 : i64} {
  func.func @_sc_build(%arg0: i32, %arg1: i32, %arg2: memref<7077888xf32, #tpu.memory_space<hbm>>, %arg3: memref<7077888xf32, #tpu.memory_space<hbm>>, %arg4: memref<7077888xf32, #tpu.memory_space<hbm>>, %arg5: memref<7077888xf32, #tpu.memory_space<hbm>>, %arg6: memref<7077888x8xf32, #tpu.memory_space<hbm>>, %arg7: memref<2x4104xf32, #tpu.memory_space<vmem>>, %arg8: memref<2x4104xf32, #tpu.memory_space<vmem>>, %arg9: memref<2x4104xf32, #tpu.memory_space<vmem>>, %arg10: memref<2x4104xf32, #tpu.memory_space<vmem>>, %arg11: memref<4096x8xf32, #tpu.memory_space<vmem>>, %arg12: memref<4096x8xf32, #tpu.memory_space<vmem>>, %arg13: memref<!tpu.dma_semaphore, #tpu.memory_space<semaphore_mem>>, %arg14: memref<!tpu.dma_semaphore, #tpu.memory_space<semaphore_mem>>, %arg15: memref<!tpu.dma_semaphore, #tpu.memory_space<semaphore_mem>>, %arg16: memref<!tpu.dma_semaphore, #tpu.memory_space<semaphore_mem>>) attributes {dimension_semantics = [#tpu.dimension_semantics<core_parallel>, #tpu.dimension_semantics<subcore_parallel>], iteration_bounds = array<i64: 2, 16>, scalar_prefetch = 0 : i64, scratch_operands = 10 : i64, tpu.core_type = #tpu.core_type<sc_vector_subcore>, window_params = [{transform_indices = #map}, {transform_indices = #map}, {transform_indices = #map}, {transform_indices = #map}, {transform_indices = #map1}]} {
    %mul3A = arith.constant 2 : i32
    %mul3A_0 = arith.muli %arg1, %mul3A : i32
    %add3A = arith.addi %mul3A_0, %arg0 : i32
    %mul3A_1 = arith.constant 221184 : i32
    %mul3A_2 = arith.muli %add3A, %mul3A_1 : i32
    %iota3A = tpu.iota {dimensions = array<i32: 0>} : vector<16xi32>
    %add3A_3 = arith.constant 4096 : i32
    %add3A_4 = arith.addi %mul3A_2, %add3A_3 : i32
    %min3A = arith.constant 7077880 : i32
    %min3A_5 = arith.minsi %add3A_4, %min3A : i32
    %dma_start3A = arith.constant 0 : i32
    %dma_start3A_6 = arith.constant 0 : i32
    %dma_start3A_7 = tpu.memref_slice %arg7[%dma_start3A, %dma_start3A_6] : memref<2x4104xf32, #tpu.memory_space<vmem>> -> memref<1x4096xf32, #tpu.memory_space<vmem>>
    %dma_start3A_8 = tpu.memref_squeeze %dma_start3A_7 : memref<1x4096xf32, #tpu.memory_space<vmem>> -> memref<4096xf32, #tpu.memory_space<vmem>>
    %dma_start3A_9 = tpu.memref_slice %arg2[%mul3A_2] : memref<7077888xf32, #tpu.memory_space<hbm>> -> memref<4096xf32, #tpu.memory_space<hbm>>
    %dma_start3A_10 = arith.constant 0 : i32
    %dma_start3A_11 = tpu.memref_slice %arg7[%dma_start3A, %dma_start3A_10] : memref<2x4104xf32, #tpu.memory_space<vmem>> -> memref<1x4096xf32, #tpu.memory_space<vmem>>
    %dma_start3A_12 = tpu.memref_squeeze %dma_start3A_11 : memref<1x4096xf32, #tpu.memory_space<vmem>> -> memref<4096xf32, #tpu.memory_space<vmem>>
    %dma_start3A_13 = tpu.memref_slice %arg2[%mul3A_2] : memref<7077888xf32, #tpu.memory_space<hbm>> -> memref<4096xf32, #tpu.memory_space<hbm>>
    tpu.enqueue_dma source(%dma_start3A_13 : memref<4096xf32, #tpu.memory_space<hbm>>) target(%dma_start3A_12 : memref<4096xf32, #tpu.memory_space<vmem>>) target_semaphore(%arg13 : memref<!tpu.dma_semaphore, #tpu.memory_space<semaphore_mem>>)
    %dma_start3A_14 = arith.constant 0 : i32
    %dma_start3A_15 = arith.constant 4096 : i32
    %dma_start3A_16 = tpu.memref_slice %arg7[%dma_start3A_14, %dma_start3A_15] : memref<2x4104xf32, #tpu.memory_space<vmem>> -> memref<1x8xf32, #tpu.memory_space<vmem>>
    %dma_start3A_17 = tpu.memref_squeeze %dma_start3A_16 : memref<1x8xf32, #tpu.memory_space<vmem>> -> memref<8xf32, #tpu.memory_space<vmem>>
    %dma_start3A_18 = tpu.memref_slice %arg2[%min3A_5] : memref<7077888xf32, #tpu.memory_space<hbm>> -> memref<8xf32, #tpu.memory_space<hbm>>
    %dma_start3A_19 = arith.constant 4096 : i32
    %dma_start3A_20 = tpu.memref_slice %arg7[%dma_start3A_14, %dma_start3A_19] : memref<2x4104xf32, #tpu.memory_space<vmem>> -> memref<1x8xf32, #tpu.memory_space<vmem>>
    %dma_start3A_21 = tpu.memref_squeeze %dma_start3A_20 : memref<1x8xf32, #tpu.memory_space<vmem>> -> memref<8xf32, #tpu.memory_space<vmem>>
    %dma_start3A_22 = tpu.memref_slice %arg2[%min3A_5] : memref<7077888xf32, #tpu.memory_space<hbm>> -> memref<8xf32, #tpu.memory_space<hbm>>
    tpu.enqueue_dma source(%dma_start3A_22 : memref<8xf32, #tpu.memory_space<hbm>>) target(%dma_start3A_21 : memref<8xf32, #tpu.memory_space<vmem>>) target_semaphore(%arg13 : memref<!tpu.dma_semaphore, #tpu.memory_space<semaphore_mem>>)
    %dma_start3A_23 = arith.constant 0 : i32
    %dma_start3A_24 = arith.constant 0 : i32
    %dma_start3A_25 = tpu.memref_slice %arg8[%dma_start3A_23, %dma_start3A_24] : memref<2x4104xf32, #tpu.memory_space<vmem>> -> memref<1x4096xf32, #tpu.memory_space<vmem>>
    %dma_start3A_26 = tpu.memref_squeeze %dma_start3A_25 : memref<1x4096xf32, #tpu.memory_space<vmem>> -> memref<4096xf32, #tpu.memory_space<vmem>>
    %dma_start3A_27 = tpu.memref_slice %arg3[%mul3A_2] : memref<7077888xf32, #tpu.memory_space<hbm>> -> memref<4096xf32, #tpu.memory_space<hbm>>
    %dma_start3A_28 = arith.constant 0 : i32
    %dma_start3A_29 = tpu.memref_slice %arg8[%dma_start3A_23, %dma_start3A_28] : memref<2x4104xf32, #tpu.memory_space<vmem>> -> memref<1x4096xf32, #tpu.memory_space<vmem>>
    %dma_start3A_30 = tpu.memref_squeeze %dma_start3A_29 : memref<1x4096xf32, #tpu.memory_space<vmem>> -> memref<4096xf32, #tpu.memory_space<vmem>>
    %dma_start3A_31 = tpu.memref_slice %arg3[%mul3A_2] : memref<7077888xf32, #tpu.memory_space<hbm>> -> memref<4096xf32, #tpu.memory_space<hbm>>
    tpu.enqueue_dma source(%dma_start3A_31 : memref<4096xf32, #tpu.memory_space<hbm>>) target(%dma_start3A_30 : memref<4096xf32, #tpu.memory_space<vmem>>) target_semaphore(%arg13 : memref<!tpu.dma_semaphore, #tpu.memory_space<semaphore_mem>>)
    %dma_start3A_32 = arith.constant 0 : i32
    %dma_start3A_33 = arith.constant 4096 : i32
    %dma_start3A_34 = tpu.memref_slice %arg8[%dma_start3A_32, %dma_start3A_33] : memref<2x4104xf32, #tpu.memory_space<vmem>> -> memref<1x8xf32, #tpu.memory_space<vmem>>
    %dma_start3A_35 = tpu.memref_squeeze %dma_start3A_34 : memref<1x8xf32, #tpu.memory_space<vmem>> -> memref<8xf32, #tpu.memory_space<vmem>>
    %dma_start3A_36 = tpu.memref_slice %arg3[%min3A_5] : memref<7077888xf32, #tpu.memory_space<hbm>> -> memref<8xf32, #tpu.memory_space<hbm>>
    %dma_start3A_37 = arith.constant 4096 : i32
    %dma_start3A_38 = tpu.memref_slice %arg8[%dma_start3A_32, %dma_start3A_37] : memref<2x4104xf32, #tpu.memory_space<vmem>> -> memref<1x8xf32, #tpu.memory_space<vmem>>
    %dma_start3A_39 = tpu.memref_squeeze %dma_start3A_38 : memref<1x8xf32, #tpu.memory_space<vmem>> -> memref<8xf32, #tpu.memory_space<vmem>>
    %dma_start3A_40 = tpu.memref_slice %arg3[%min3A_5] : memref<7077888xf32, #tpu.memory_space<hbm>> -> memref<8xf32, #tpu.memory_space<hbm>>
    tpu.enqueue_dma source(%dma_start3A_40 : memref<8xf32, #tpu.memory_space<hbm>>) target(%dma_start3A_39 : memref<8xf32, #tpu.memory_space<vmem>>) target_semaphore(%arg13 : memref<!tpu.dma_semaphore, #tpu.memory_space<semaphore_mem>>)
    %dma_start3A_41 = arith.constant 0 : i32
    %dma_start3A_42 = arith.constant 0 : i32
    %dma_start3A_43 = tpu.memref_slice %arg9[%dma_start3A_41, %dma_start3A_42] : memref<2x4104xf32, #tpu.memory_space<vmem>> -> memref<1x4096xf32, #tpu.memory_space<vmem>>
    %dma_start3A_44 = tpu.memref_squeeze %dma_start3A_43 : memref<1x4096xf32, #tpu.memory_space<vmem>> -> memref<4096xf32, #tpu.memory_space<vmem>>
    %dma_start3A_45 = tpu.memref_slice %arg4[%mul3A_2] : memref<7077888xf32, #tpu.memory_space<hbm>> -> memref<4096xf32, #tpu.memory_space<hbm>>
    %dma_start3A_46 = arith.constant 0 : i32
    %dma_start3A_47 = tpu.memref_slice %arg9[%dma_start3A_41, %dma_start3A_46] : memref<2x4104xf32, #tpu.memory_space<vmem>> -> memref<1x4096xf32, #tpu.memory_space<vmem>>
    %dma_start3A_48 = tpu.memref_squeeze %dma_start3A_47 : memref<1x4096xf32, #tpu.memory_space<vmem>> -> memref<4096xf32, #tpu.memory_space<vmem>>
    %dma_start3A_49 = tpu.memref_slice %arg4[%mul3A_2] : memref<7077888xf32, #tpu.memory_space<hbm>> -> memref<4096xf32, #tpu.memory_space<hbm>>
    tpu.enqueue_dma source(%dma_start3A_49 : memref<4096xf32, #tpu.memory_space<hbm>>) target(%dma_start3A_48 : memref<4096xf32, #tpu.memory_space<vmem>>) target_semaphore(%arg13 : memref<!tpu.dma_semaphore, #tpu.memory_space<semaphore_mem>>)
    %dma_start3A_50 = arith.constant 0 : i32
    %dma_start3A_51 = arith.constant 4096 : i32
    %dma_start3A_52 = tpu.memref_slice %arg9[%dma_start3A_50, %dma_start3A_51] : memref<2x4104xf32, #tpu.memory_space<vmem>> -> memref<1x8xf32, #tpu.memory_space<vmem>>
    %dma_start3A_53 = tpu.memref_squeeze %dma_start3A_52 : memref<1x8xf32, #tpu.memory_space<vmem>> -> memref<8xf32, #tpu.memory_space<vmem>>
    %dma_start3A_54 = tpu.memref_slice %arg4[%min3A_5] : memref<7077888xf32, #tpu.memory_space<hbm>> -> memref<8xf32, #tpu.memory_space<hbm>>
    %dma_start3A_55 = arith.constant 4096 : i32
    %dma_start3A_56 = tpu.memref_slice %arg9[%dma_start3A_50, %dma_start3A_55] : memref<2x4104xf32, #tpu.memory_space<vmem>> -> memref<1x8xf32, #tpu.memory_space<vmem>>
    %dma_start3A_57 = tpu.memref_squeeze %dma_start3A_56 : memref<1x8xf32, #tpu.memory_space<vmem>> -> memref<8xf32, #tpu.memory_space<vmem>>
    %dma_start3A_58 = tpu.memref_slice %arg4[%min3A_5] : memref<7077888xf32, #tpu.memory_space<hbm>> -> memref<8xf32, #tpu.memory_space<hbm>>
    tpu.enqueue_dma source(%dma_start3A_58 : memref<8xf32, #tpu.memory_space<hbm>>) target(%dma_start3A_57 : memref<8xf32, #tpu.memory_space<vmem>>) target_semaphore(%arg13 : memref<!tpu.dma_semaphore, #tpu.memory_space<semaphore_mem>>)
    %dma_start3A_59 = arith.constant 0 : i32
    %dma_start3A_60 = arith.constant 0 : i32
    %dma_start3A_61 = tpu.memref_slice %arg10[%dma_start3A_59, %dma_start3A_60] : memref<2x4104xf32, #tpu.memory_space<vmem>> -> memref<1x4096xf32, #tpu.memory_space<vmem>>
    %dma_start3A_62 = tpu.memref_squeeze %dma_start3A_61 : memref<1x4096xf32, #tpu.memory_space<vmem>> -> memref<4096xf32, #tpu.memory_space<vmem>>
    %dma_start3A_63 = tpu.memref_slice %arg5[%mul3A_2] : memref<7077888xf32, #tpu.memory_space<hbm>> -> memref<4096xf32, #tpu.memory_space<hbm>>
    %dma_start3A_64 = arith.constant 0 : i32
    %dma_start3A_65 = tpu.memref_slice %arg10[%dma_start3A_59, %dma_start3A_64] : memref<2x4104xf32, #tpu.memory_space<vmem>> -> memref<1x4096xf32, #tpu.memory_space<vmem>>
    %dma_start3A_66 = tpu.memref_squeeze %dma_start3A_65 : memref<1x4096xf32, #tpu.memory_space<vmem>> -> memref<4096xf32, #tpu.memory_space<vmem>>
    %dma_start3A_67 = tpu.memref_slice %arg5[%mul3A_2] : memref<7077888xf32, #tpu.memory_space<hbm>> -> memref<4096xf32, #tpu.memory_space<hbm>>
    tpu.enqueue_dma source(%dma_start3A_67 : memref<4096xf32, #tpu.memory_space<hbm>>) target(%dma_start3A_66 : memref<4096xf32, #tpu.memory_space<vmem>>) target_semaphore(%arg13 : memref<!tpu.dma_semaphore, #tpu.memory_space<semaphore_mem>>)
    %dma_start3A_68 = arith.constant 0 : i32
    %dma_start3A_69 = arith.constant 4096 : i32
    %dma_start3A_70 = tpu.memref_slice %arg10[%dma_start3A_68, %dma_start3A_69] : memref<2x4104xf32, #tpu.memory_space<vmem>> -> memref<1x8xf32, #tpu.memory_space<vmem>>
    %dma_start3A_71 = tpu.memref_squeeze %dma_start3A_70 : memref<1x8xf32, #tpu.memory_space<vmem>> -> memref<8xf32, #tpu.memory_space<vmem>>
    %dma_start3A_72 = tpu.memref_slice %arg5[%min3A_5] : memref<7077888xf32, #tpu.memory_space<hbm>> -> memref<8xf32, #tpu.memory_space<hbm>>
    %dma_start3A_73 = arith.constant 4096 : i32
    %dma_start3A_74 = tpu.memref_slice %arg10[%dma_start3A_68, %dma_start3A_73] : memref<2x4104xf32, #tpu.memory_space<vmem>> -> memref<1x8xf32, #tpu.memory_space<vmem>>
    %dma_start3A_75 = tpu.memref_squeeze %dma_start3A_74 : memref<1x8xf32, #tpu.memory_space<vmem>> -> memref<8xf32, #tpu.memory_space<vmem>>
    %dma_start3A_76 = tpu.memref_slice %arg5[%min3A_5] : memref<7077888xf32, #tpu.memory_space<hbm>> -> memref<8xf32, #tpu.memory_space<hbm>>
    tpu.enqueue_dma source(%dma_start3A_76 : memref<8xf32, #tpu.memory_space<hbm>>) target(%dma_start3A_75 : memref<8xf32, #tpu.memory_space<vmem>>) target_semaphore(%arg13 : memref<!tpu.dma_semaphore, #tpu.memory_space<semaphore_mem>>)
    %add3A_77 = arith.constant 4096 : i32
    %add3A_78 = arith.addi %mul3A_2, %add3A_77 : i32
    %add3A_79 = arith.constant 4096 : i32
    %add3A_80 = arith.addi %add3A_78, %add3A_79 : i32
    %min3A_81 = arith.constant 7077880 : i32
    %min3A_82 = arith.minsi %add3A_80, %min3A_81 : i32
    %dma_start3A_83 = arith.constant 1 : i32
    %dma_start3A_84 = arith.constant 0 : i32
    %dma_start3A_85 = tpu.memref_slice %arg7[%dma_start3A_83, %dma_start3A_84] : memref<2x4104xf32, #tpu.memory_space<vmem>> -> memref<1x4096xf32, #tpu.memory_space<vmem>>
    %dma_start3A_86 = tpu.memref_squeeze %dma_start3A_85 : memref<1x4096xf32, #tpu.memory_space<vmem>> -> memref<4096xf32, #tpu.memory_space<vmem>>
    %dma_start3A_87 = tpu.memref_slice %arg2[%add3A_78] : memref<7077888xf32, #tpu.memory_space<hbm>> -> memref<4096xf32, #tpu.memory_space<hbm>>
    %dma_start3A_88 = arith.constant 0 : i32
    %dma_start3A_89 = tpu.memref_slice %arg7[%dma_start3A_83, %dma_start3A_88] : memref<2x4104xf32, #tpu.memory_space<vmem>> -> memref<1x4096xf32, #tpu.memory_space<vmem>>
    %dma_start3A_90 = tpu.memref_squeeze %dma_start3A_89 : memref<1x4096xf32, #tpu.memory_space<vmem>> -> memref<4096xf32, #tpu.memory_space<vmem>>
    %dma_start3A_91 = tpu.memref_slice %arg2[%add3A_78] : memref<7077888xf32, #tpu.memory_space<hbm>> -> memref<4096xf32, #tpu.memory_space<hbm>>
    tpu.enqueue_dma source(%dma_start3A_91 : memref<4096xf32, #tpu.memory_space<hbm>>) target(%dma_start3A_90 : memref<4096xf32, #tpu.memory_space<vmem>>) target_semaphore(%arg14 : memref<!tpu.dma_semaphore, #tpu.memory_space<semaphore_mem>>)
    %dma_start3A_92 = arith.constant 1 : i32
    %dma_start3A_93 = arith.constant 4096 : i32
    %dma_start3A_94 = tpu.memref_slice %arg7[%dma_start3A_92, %dma_start3A_93] : memref<2x4104xf32, #tpu.memory_space<vmem>> -> memref<1x8xf32, #tpu.memory_space<vmem>>
    %dma_start3A_95 = tpu.memref_squeeze %dma_start3A_94 : memref<1x8xf32, #tpu.memory_space<vmem>> -> memref<8xf32, #tpu.memory_space<vmem>>
    %dma_start3A_96 = tpu.memref_slice %arg2[%min3A_82] : memref<7077888xf32, #tpu.memory_space<hbm>> -> memref<8xf32, #tpu.memory_space<hbm>>
    %dma_start3A_97 = arith.constant 4096 : i32
    %dma_start3A_98 = tpu.memref_slice %arg7[%dma_start3A_92, %dma_start3A_97] : memref<2x4104xf32, #tpu.memory_space<vmem>> -> memref<1x8xf32, #tpu.memory_space<vmem>>
    %dma_start3A_99 = tpu.memref_squeeze %dma_start3A_98 : memref<1x8xf32, #tpu.memory_space<vmem>> -> memref<8xf32, #tpu.memory_space<vmem>>
    %dma_start3A_100 = tpu.memref_slice %arg2[%min3A_82] : memref<7077888xf32, #tpu.memory_space<hbm>> -> memref<8xf32, #tpu.memory_space<hbm>>
    tpu.enqueue_dma source(%dma_start3A_100 : memref<8xf32, #tpu.memory_space<hbm>>) target(%dma_start3A_99 : memref<8xf32, #tpu.memory_space<vmem>>) target_semaphore(%arg14 : memref<!tpu.dma_semaphore, #tpu.memory_space<semaphore_mem>>)
    %dma_start3A_101 = arith.constant 1 : i32
    %dma_start3A_102 = arith.constant 0 : i32
    %dma_start3A_103 = tpu.memref_slice %arg8[%dma_start3A_101, %dma_start3A_102] : memref<2x4104xf32, #tpu.memory_space<vmem>> -> memref<1x4096xf32, #tpu.memory_space<vmem>>
    %dma_start3A_104 = tpu.memref_squeeze %dma_start3A_103 : memref<1x4096xf32, #tpu.memory_space<vmem>> -> memref<4096xf32, #tpu.memory_space<vmem>>
    %dma_start3A_105 = tpu.memref_slice %arg3[%add3A_78] : memref<7077888xf32, #tpu.memory_space<hbm>> -> memref<4096xf32, #tpu.memory_space<hbm>>
    %dma_start3A_106 = arith.constant 0 : i32
    %dma_start3A_107 = tpu.memref_slice %arg8[%dma_start3A_101, %dma_start3A_106] : memref<2x4104xf32, #tpu.memory_space<vmem>> -> memref<1x4096xf32, #tpu.memory_space<vmem>>
    %dma_start3A_108 = tpu.memref_squeeze %dma_start3A_107 : memref<1x4096xf32, #tpu.memory_space<vmem>> -> memref<4096xf32, #tpu.memory_space<vmem>>
    %dma_start3A_109 = tpu.memref_slice %arg3[%add3A_78] : memref<7077888xf32, #tpu.memory_space<hbm>> -> memref<4096xf32, #tpu.memory_space<hbm>>
    tpu.enqueue_dma source(%dma_start3A_109 : memref<4096xf32, #tpu.memory_space<hbm>>) target(%dma_start3A_108 : memref<4096xf32, #tpu.memory_space<vmem>>) target_semaphore(%arg14 : memref<!tpu.dma_semaphore, #tpu.memory_space<semaphore_mem>>)
    %dma_start3A_110 = arith.constant 1 : i32
    %dma_start3A_111 = arith.constant 4096 : i32
    %dma_start3A_112 = tpu.memref_slice %arg8[%dma_start3A_110, %dma_start3A_111] : memref<2x4104xf32, #tpu.memory_space<vmem>> -> memref<1x8xf32, #tpu.memory_space<vmem>>
    %dma_start3A_113 = tpu.memref_squeeze %dma_start3A_112 : memref<1x8xf32, #tpu.memory_space<vmem>> -> memref<8xf32, #tpu.memory_space<vmem>>
    %dma_start3A_114 = tpu.memref_slice %arg3[%min3A_82] : memref<7077888xf32, #tpu.memory_space<hbm>> -> memref<8xf32, #tpu.memory_space<hbm>>
    %dma_start3A_115 = arith.constant 4096 : i32
    %dma_start3A_116 = tpu.memref_slice %arg8[%dma_start3A_110, %dma_start3A_115] : memref<2x4104xf32, #tpu.memory_space<vmem>> -> memref<1x8xf32, #tpu.memory_space<vmem>>
    %dma_start3A_117 = tpu.memref_squeeze %dma_start3A_116 : memref<1x8xf32, #tpu.memory_space<vmem>> -> memref<8xf32, #tpu.memory_space<vmem>>
    %dma_start3A_118 = tpu.memref_slice %arg3[%min3A_82] : memref<7077888xf32, #tpu.memory_space<hbm>> -> memref<8xf32, #tpu.memory_space<hbm>>
    tpu.enqueue_dma source(%dma_start3A_118 : memref<8xf32, #tpu.memory_space<hbm>>) target(%dma_start3A_117 : memref<8xf32, #tpu.memory_space<vmem>>) target_semaphore(%arg14 : memref<!tpu.dma_semaphore, #tpu.memory_space<semaphore_mem>>)
    %dma_start3A_119 = arith.constant 1 : i32
    %dma_start3A_120 = arith.constant 0 : i32
    %dma_start3A_121 = tpu.memref_slice %arg9[%dma_start3A_119, %dma_start3A_120] : memref<2x4104xf32, #tpu.memory_space<vmem>> -> memref<1x4096xf32, #tpu.memory_space<vmem>>
    %dma_start3A_122 = tpu.memref_squeeze %dma_start3A_121 : memref<1x4096xf32, #tpu.memory_space<vmem>> -> memref<4096xf32, #tpu.memory_space<vmem>>
    %dma_start3A_123 = tpu.memref_slice %arg4[%add3A_78] : memref<7077888xf32, #tpu.memory_space<hbm>> -> memref<4096xf32, #tpu.memory_space<hbm>>
    %dma_start3A_124 = arith.constant 0 : i32
    %dma_start3A_125 = tpu.memref_slice %arg9[%dma_start3A_119, %dma_start3A_124] : memref<2x4104xf32, #tpu.memory_space<vmem>> -> memref<1x4096xf32, #tpu.memory_space<vmem>>
    %dma_start3A_126 = tpu.memref_squeeze %dma_start3A_125 : memref<1x4096xf32, #tpu.memory_space<vmem>> -> memref<4096xf32, #tpu.memory_space<vmem>>
    %dma_start3A_127 = tpu.memref_slice %arg4[%add3A_78] : memref<7077888xf32, #tpu.memory_space<hbm>> -> memref<4096xf32, #tpu.memory_space<hbm>>
    tpu.enqueue_dma source(%dma_start3A_127 : memref<4096xf32, #tpu.memory_space<hbm>>) target(%dma_start3A_126 : memref<4096xf32, #tpu.memory_space<vmem>>) target_semaphore(%arg14 : memref<!tpu.dma_semaphore, #tpu.memory_space<semaphore_mem>>)
    %dma_start3A_128 = arith.constant 1 : i32
    %dma_start3A_129 = arith.constant 4096 : i32
    %dma_start3A_130 = tpu.memref_slice %arg9[%dma_start3A_128, %dma_start3A_129] : memref<2x4104xf32, #tpu.memory_space<vmem>> -> memref<1x8xf32, #tpu.memory_space<vmem>>
    %dma_start3A_131 = tpu.memref_squeeze %dma_start3A_130 : memref<1x8xf32, #tpu.memory_space<vmem>> -> memref<8xf32, #tpu.memory_space<vmem>>
    %dma_start3A_132 = tpu.memref_slice %arg4[%min3A_82] : memref<7077888xf32, #tpu.memory_space<hbm>> -> memref<8xf32, #tpu.memory_space<hbm>>
    %dma_start3A_133 = arith.constant 4096 : i32
    %dma_start3A_134 = tpu.memref_slice %arg9[%dma_start3A_128, %dma_start3A_133] : memref<2x4104xf32, #tpu.memory_space<vmem>> -> memref<1x8xf32, #tpu.memory_space<vmem>>
    %dma_start3A_135 = tpu.memref_squeeze %dma_start3A_134 : memref<1x8xf32, #tpu.memory_space<vmem>> -> memref<8xf32, #tpu.memory_space<vmem>>
    %dma_start3A_136 = tpu.memref_slice %arg4[%min3A_82] : memref<7077888xf32, #tpu.memory_space<hbm>> -> memref<8xf32, #tpu.memory_space<hbm>>
    tpu.enqueue_dma source(%dma_start3A_136 : memref<8xf32, #tpu.memory_space<hbm>>) target(%dma_start3A_135 : memref<8xf32, #tpu.memory_space<vmem>>) target_semaphore(%arg14 : memref<!tpu.dma_semaphore, #tpu.memory_space<semaphore_mem>>)
    %dma_start3A_137 = arith.constant 1 : i32
    %dma_start3A_138 = arith.constant 0 : i32
    %dma_start3A_139 = tpu.memref_slice %arg10[%dma_start3A_137, %dma_start3A_138] : memref<2x4104xf32, #tpu.memory_space<vmem>> -> memref<1x4096xf32, #tpu.memory_space<vmem>>
    %dma_start3A_140 = tpu.memref_squeeze %dma_start3A_139 : memref<1x4096xf32, #tpu.memory_space<vmem>> -> memref<4096xf32, #tpu.memory_space<vmem>>
    %dma_start3A_141 = tpu.memref_slice %arg5[%add3A_78] : memref<7077888xf32, #tpu.memory_space<hbm>> -> memref<4096xf32, #tpu.memory_space<hbm>>
    %dma_start3A_142 = arith.constant 0 : i32
    %dma_start3A_143 = tpu.memref_slice %arg10[%dma_start3A_137, %dma_start3A_142] : memref<2x4104xf32, #tpu.memory_space<vmem>> -> memref<1x4096xf32, #tpu.memory_space<vmem>>
    %dma_start3A_144 = tpu.memref_squeeze %dma_start3A_143 : memref<1x4096xf32, #tpu.memory_space<vmem>> -> memref<4096xf32, #tpu.memory_space<vmem>>
    %dma_start3A_145 = tpu.memref_slice %arg5[%add3A_78] : memref<7077888xf32, #tpu.memory_space<hbm>> -> memref<4096xf32, #tpu.memory_space<hbm>>
    tpu.enqueue_dma source(%dma_start3A_145 : memref<4096xf32, #tpu.memory_space<hbm>>) target(%dma_start3A_144 : memref<4096xf32, #tpu.memory_space<vmem>>) target_semaphore(%arg14 : memref<!tpu.dma_semaphore, #tpu.memory_space<semaphore_mem>>)
    %dma_start3A_146 = arith.constant 1 : i32
    %dma_start3A_147 = arith.constant 4096 : i32
    %dma_start3A_148 = tpu.memref_slice %arg10[%dma_start3A_146, %dma_start3A_147] : memref<2x4104xf32, #tpu.memory_space<vmem>> -> memref<1x8xf32, #tpu.memory_space<vmem>>
    %dma_start3A_149 = tpu.memref_squeeze %dma_start3A_148 : memref<1x8xf32, #tpu.memory_space<vmem>> -> memref<8xf32, #tpu.memory_space<vmem>>
    %dma_start3A_150 = tpu.memref_slice %arg5[%min3A_82] : memref<7077888xf32, #tpu.memory_space<hbm>> -> memref<8xf32, #tpu.memory_space<hbm>>
    %dma_start3A_151 = arith.constant 4096 : i32
    %dma_start3A_152 = tpu.memref_slice %arg10[%dma_start3A_146, %dma_start3A_151] : memref<2x4104xf32, #tpu.memory_space<vmem>> -> memref<1x8xf32, #tpu.memory_space<vmem>>
    %dma_start3A_153 = tpu.memref_squeeze %dma_start3A_152 : memref<1x8xf32, #tpu.memory_space<vmem>> -> memref<8xf32, #tpu.memory_space<vmem>>
    %dma_start3A_154 = tpu.memref_slice %arg5[%min3A_82] : memref<7077888xf32, #tpu.memory_space<hbm>> -> memref<8xf32, #tpu.memory_space<hbm>>
    tpu.enqueue_dma source(%dma_start3A_154 : memref<8xf32, #tpu.memory_space<hbm>>) target(%dma_start3A_153 : memref<8xf32, #tpu.memory_space<vmem>>) target_semaphore(%arg14 : memref<!tpu.dma_semaphore, #tpu.memory_space<semaphore_mem>>)
    %scan3A = arith.constant 0 : i32
    %scan3A_155 = arith.constant 0 : i32
    %scan3A_156 = arith.constant 27 : i32
    %scan3A_157 = arith.addi %scan3A_155, %scan3A_156 : i32
    %scan3A_158 = arith.constant 1 : i32
    scf.for %scan3A_171 = %scan3A_155 to %scan3A_157 step %scan3A_158  : i32 {
      %mul3A_172 = arith.constant 2 : i32
      %mul3A_173 = arith.muli %mul3A_172, %scan3A_171 : i32
      %mul3A_174 = arith.constant 4096 : i32
      %mul3A_175 = arith.muli %mul3A_173, %mul3A_174 : i32
      %add3A_176 = arith.addi %mul3A_2, %mul3A_175 : i32
      %add3A_177 = arith.constant 4096 : i32
      %add3A_178 = arith.addi %add3A_176, %add3A_177 : i32
      %min3A_179 = arith.constant 7077880 : i32
      %min3A_180 = arith.minsi %add3A_178, %min3A_179 : i32
      %dma_wait3A_181 = arith.constant 0 : i32
      %dma_wait3A_182 = arith.constant 0 : i32
      %dma_wait3A_183 = tpu.memref_slice %arg7[%dma_wait3A_181, %dma_wait3A_182] : memref<2x4104xf32, #tpu.memory_space<vmem>> -> memref<1x4096xf32, #tpu.memory_space<vmem>>
      %dma_wait3A_184 = tpu.memref_squeeze %dma_wait3A_183 : memref<1x4096xf32, #tpu.memory_space<vmem>> -> memref<4096xf32, #tpu.memory_space<vmem>>
      %dma_wait3A_185 = tpu.memref_slice %arg2[%add3A_176] : memref<7077888xf32, #tpu.memory_space<hbm>> -> memref<4096xf32, #tpu.memory_space<hbm>>
      %dma_wait3A_186 = arith.constant 0 : i32
      %dma_wait3A_187 = tpu.memref_slice %arg7[%dma_wait3A_181, %dma_wait3A_186] : memref<2x4104xf32, #tpu.memory_space<vmem>> -> memref<1x4096xf32, #tpu.memory_space<vmem>>
      %dma_wait3A_188 = tpu.memref_squeeze %dma_wait3A_187 : memref<1x4096xf32, #tpu.memory_space<vmem>> -> memref<4096xf32, #tpu.memory_space<vmem>>
      %dma_wait3A_189 = tpu.memref_slice %arg2[%add3A_176] : memref<7077888xf32, #tpu.memory_space<hbm>> -> memref<4096xf32, #tpu.memory_space<hbm>>
      tpu.wait_dma2 semaphore(%arg13 : memref<!tpu.dma_semaphore, #tpu.memory_space<semaphore_mem>>) src(%dma_wait3A_189 : memref<4096xf32, #tpu.memory_space<hbm>>) dst(%dma_wait3A_188 : memref<4096xf32, #tpu.memory_space<vmem>>)
      %dma_wait3A_190 = arith.constant 0 : i32
      %dma_wait3A_191 = arith.constant 4096 : i32
      %dma_wait3A_192 = tpu.memref_slice %arg7[%dma_wait3A_190, %dma_wait3A_191] : memref<2x4104xf32, #tpu.memory_space<vmem>> -> memref<1x8xf32, #tpu.memory_space<vmem>>
      %dma_wait3A_193 = tpu.memref_squeeze %dma_wait3A_192 : memref<1x8xf32, #tpu.memory_space<vmem>> -> memref<8xf32, #tpu.memory_space<vmem>>
      %dma_wait3A_194 = tpu.memref_slice %arg2[%min3A_180] : memref<7077888xf32, #tpu.memory_space<hbm>> -> memref<8xf32, #tpu.memory_space<hbm>>
      %dma_wait3A_195 = arith.constant 4096 : i32
      %dma_wait3A_196 = tpu.memref_slice %arg7[%dma_wait3A_190, %dma_wait3A_195] : memref<2x4104xf32, #tpu.memory_space<vmem>> -> memref<1x8xf32, #tpu.memory_space<vmem>>
      %dma_wait3A_197 = tpu.memref_squeeze %dma_wait3A_196 : memref<1x8xf32, #tpu.memory_space<vmem>> -> memref<8xf32, #tpu.memory_space<vmem>>
      %dma_wait3A_198 = tpu.memref_slice %arg2[%min3A_180] : memref<7077888xf32, #tpu.memory_space<hbm>> -> memref<8xf32, #tpu.memory_space<hbm>>
      tpu.wait_dma2 semaphore(%arg13 : memref<!tpu.dma_semaphore, #tpu.memory_space<semaphore_mem>>) src(%dma_wait3A_198 : memref<8xf32, #tpu.memory_space<hbm>>) dst(%dma_wait3A_197 : memref<8xf32, #tpu.memory_space<vmem>>)
      %dma_wait3A_199 = arith.constant 0 : i32
      %dma_wait3A_200 = arith.constant 0 : i32
      %dma_wait3A_201 = tpu.memref_slice %arg8[%dma_wait3A_199, %dma_wait3A_200] : memref<2x4104xf32, #tpu.memory_space<vmem>> -> memref<1x4096xf32, #tpu.memory_space<vmem>>
      %dma_wait3A_202 = tpu.memref_squeeze %dma_wait3A_201 : memref<1x4096xf32, #tpu.memory_space<vmem>> -> memref<4096xf32, #tpu.memory_space<vmem>>
      %dma_wait3A_203 = tpu.memref_slice %arg3[%add3A_176] : memref<7077888xf32, #tpu.memory_space<hbm>> -> memref<4096xf32, #tpu.memory_space<hbm>>
      %dma_wait3A_204 = arith.constant 0 : i32
      %dma_wait3A_205 = tpu.memref_slice %arg8[%dma_wait3A_199, %dma_wait3A_204] : memref<2x4104xf32, #tpu.memory_space<vmem>> -> memref<1x4096xf32, #tpu.memory_space<vmem>>
      %dma_wait3A_206 = tpu.memref_squeeze %dma_wait3A_205 : memref<1x4096xf32, #tpu.memory_space<vmem>> -> memref<4096xf32, #tpu.memory_space<vmem>>
      %dma_wait3A_207 = tpu.memref_slice %arg3[%add3A_176] : memref<7077888xf32, #tpu.memory_space<hbm>> -> memref<4096xf32, #tpu.memory_space<hbm>>
      tpu.wait_dma2 semaphore(%arg13 : memref<!tpu.dma_semaphore, #tpu.memory_space<semaphore_mem>>) src(%dma_wait3A_207 : memref<4096xf32, #tpu.memory_space<hbm>>) dst(%dma_wait3A_206 : memref<4096xf32, #tpu.memory_space<vmem>>)
      %dma_wait3A_208 = arith.constant 0 : i32
      %dma_wait3A_209 = arith.constant 4096 : i32
      %dma_wait3A_210 = tpu.memref_slice %arg8[%dma_wait3A_208, %dma_wait3A_209] : memref<2x4104xf32, #tpu.memory_space<vmem>> -> memref<1x8xf32, #tpu.memory_space<vmem>>
      %dma_wait3A_211 = tpu.memref_squeeze %dma_wait3A_210 : memref<1x8xf32, #tpu.memory_space<vmem>> -> memref<8xf32, #tpu.memory_space<vmem>>
      %dma_wait3A_212 = tpu.memref_slice %arg3[%min3A_180] : memref<7077888xf32, #tpu.memory_space<hbm>> -> memref<8xf32, #tpu.memory_space<hbm>>
      %dma_wait3A_213 = arith.constant 4096 : i32
      %dma_wait3A_214 = tpu.memref_slice %arg8[%dma_wait3A_208, %dma_wait3A_213] : memref<2x4104xf32, #tpu.memory_space<vmem>> -> memref<1x8xf32, #tpu.memory_space<vmem>>
      %dma_wait3A_215 = tpu.memref_squeeze %dma_wait3A_214 : memref<1x8xf32, #tpu.memory_space<vmem>> -> memref<8xf32, #tpu.memory_space<vmem>>
      %dma_wait3A_216 = tpu.memref_slice %arg3[%min3A_180] : memref<7077888xf32, #tpu.memory_space<hbm>> -> memref<8xf32, #tpu.memory_space<hbm>>
      tpu.wait_dma2 semaphore(%arg13 : memref<!tpu.dma_semaphore, #tpu.memory_space<semaphore_mem>>) src(%dma_wait3A_216 : memref<8xf32, #tpu.memory_space<hbm>>) dst(%dma_wait3A_215 : memref<8xf32, #tpu.memory_space<vmem>>)
      %dma_wait3A_217 = arith.constant 0 : i32
      %dma_wait3A_218 = arith.constant 0 : i32
      %dma_wait3A_219 = tpu.memref_slice %arg9[%dma_wait3A_217, %dma_wait3A_218] : memref<2x4104xf32, #tpu.memory_space<vmem>> -> memref<1x4096xf32, #tpu.memory_space<vmem>>
      %dma_wait3A_220 = tpu.memref_squeeze %dma_wait3A_219 : memref<1x4096xf32, #tpu.memory_space<vmem>> -> memref<4096xf32, #tpu.memory_space<vmem>>
      %dma_wait3A_221 = tpu.memref_slice %arg4[%add3A_176] : memref<7077888xf32, #tpu.memory_space<hbm>> -> memref<4096xf32, #tpu.memory_space<hbm>>
      %dma_wait3A_222 = arith.constant 0 : i32
      %dma_wait3A_223 = tpu.memref_slice %arg9[%dma_wait3A_217, %dma_wait3A_222] : memref<2x4104xf32, #tpu.memory_space<vmem>> -> memref<1x4096xf32, #tpu.memory_space<vmem>>
      %dma_wait3A_224 = tpu.memref_squeeze %dma_wait3A_223 : memref<1x4096xf32, #tpu.memory_space<vmem>> -> memref<4096xf32, #tpu.memory_space<vmem>>
      %dma_wait3A_225 = tpu.memref_slice %arg4[%add3A_176] : memref<7077888xf32, #tpu.memory_space<hbm>> -> memref<4096xf32, #tpu.memory_space<hbm>>
      tpu.wait_dma2 semaphore(%arg13 : memref<!tpu.dma_semaphore, #tpu.memory_space<semaphore_mem>>) src(%dma_wait3A_225 : memref<4096xf32, #tpu.memory_space<hbm>>) dst(%dma_wait3A_224 : memref<4096xf32, #tpu.memory_space<vmem>>)
      %dma_wait3A_226 = arith.constant 0 : i32
      %dma_wait3A_227 = arith.constant 4096 : i32
      %dma_wait3A_228 = tpu.memref_slice %arg9[%dma_wait3A_226, %dma_wait3A_227] : memref<2x4104xf32, #tpu.memory_space<vmem>> -> memref<1x8xf32, #tpu.memory_space<vmem>>
      %dma_wait3A_229 = tpu.memref_squeeze %dma_wait3A_228 : memref<1x8xf32, #tpu.memory_space<vmem>> -> memref<8xf32, #tpu.memory_space<vmem>>
      %dma_wait3A_230 = tpu.memref_slice %arg4[%min3A_180] : memref<7077888xf32, #tpu.memory_space<hbm>> -> memref<8xf32, #tpu.memory_space<hbm>>
      %dma_wait3A_231 = arith.constant 4096 : i32
      %dma_wait3A_232 = tpu.memref_slice %arg9[%dma_wait3A_226, %dma_wait3A_231] : memref<2x4104xf32, #tpu.memory_space<vmem>> -> memref<1x8xf32, #tpu.memory_space<vmem>>
      %dma_wait3A_233 = tpu.memref_squeeze %dma_wait3A_232 : memref<1x8xf32, #tpu.memory_space<vmem>> -> memref<8xf32, #tpu.memory_space<vmem>>
      %dma_wait3A_234 = tpu.memref_slice %arg4[%min3A_180] : memref<7077888xf32, #tpu.memory_space<hbm>> -> memref<8xf32, #tpu.memory_space<hbm>>
      tpu.wait_dma2 semaphore(%arg13 : memref<!tpu.dma_semaphore, #tpu.memory_space<semaphore_mem>>) src(%dma_wait3A_234 : memref<8xf32, #tpu.memory_space<hbm>>) dst(%dma_wait3A_233 : memref<8xf32, #tpu.memory_space<vmem>>)
      %dma_wait3A_235 = arith.constant 0 : i32
      %dma_wait3A_236 = arith.constant 0 : i32
      %dma_wait3A_237 = tpu.memref_slice %arg10[%dma_wait3A_235, %dma_wait3A_236] : memref<2x4104xf32, #tpu.memory_space<vmem>> -> memref<1x4096xf32, #tpu.memory_space<vmem>>
      %dma_wait3A_238 = tpu.memref_squeeze %dma_wait3A_237 : memref<1x4096xf32, #tpu.memory_space<vmem>> -> memref<4096xf32, #tpu.memory_space<vmem>>
      %dma_wait3A_239 = tpu.memref_slice %arg5[%add3A_176] : memref<7077888xf32, #tpu.memory_space<hbm>> -> memref<4096xf32, #tpu.memory_space<hbm>>
      %dma_wait3A_240 = arith.constant 0 : i32
      %dma_wait3A_241 = tpu.memref_slice %arg10[%dma_wait3A_235, %dma_wait3A_240] : memref<2x4104xf32, #tpu.memory_space<vmem>> -> memref<1x4096xf32, #tpu.memory_space<vmem>>
      %dma_wait3A_242 = tpu.memref_squeeze %dma_wait3A_241 : memref<1x4096xf32, #tpu.memory_space<vmem>> -> memref<4096xf32, #tpu.memory_space<vmem>>
      %dma_wait3A_243 = tpu.memref_slice %arg5[%add3A_176] : memref<7077888xf32, #tpu.memory_space<hbm>> -> memref<4096xf32, #tpu.memory_space<hbm>>
      tpu.wait_dma2 semaphore(%arg13 : memref<!tpu.dma_semaphore, #tpu.memory_space<semaphore_mem>>) src(%dma_wait3A_243 : memref<4096xf32, #tpu.memory_space<hbm>>) dst(%dma_wait3A_242 : memref<4096xf32, #tpu.memory_space<vmem>>)
      %dma_wait3A_244 = arith.constant 0 : i32
      %dma_wait3A_245 = arith.constant 4096 : i32
      %dma_wait3A_246 = tpu.memref_slice %arg10[%dma_wait3A_244, %dma_wait3A_245] : memref<2x4104xf32, #tpu.memory_space<vmem>> -> memref<1x8xf32, #tpu.memory_space<vmem>>
      %dma_wait3A_247 = tpu.memref_squeeze %dma_wait3A_246 : memref<1x8xf32, #tpu.memory_space<vmem>> -> memref<8xf32, #tpu.memory_space<vmem>>
      %dma_wait3A_248 = tpu.memref_slice %arg5[%min3A_180] : memref<7077888xf32, #tpu.memory_space<hbm>> -> memref<8xf32, #tpu.memory_space<hbm>>
      %dma_wait3A_249 = arith.constant 4096 : i32
      %dma_wait3A_250 = tpu.memref_slice %arg10[%dma_wait3A_244, %dma_wait3A_249] : memref<2x4104xf32, #tpu.memory_space<vmem>> -> memref<1x8xf32, #tpu.memory_space<vmem>>
      %dma_wait3A_251 = tpu.memref_squeeze %dma_wait3A_250 : memref<1x8xf32, #tpu.memory_space<vmem>> -> memref<8xf32, #tpu.memory_space<vmem>>
      %dma_wait3A_252 = tpu.memref_slice %arg5[%min3A_180] : memref<7077888xf32, #tpu.memory_space<hbm>> -> memref<8xf32, #tpu.memory_space<hbm>>
      tpu.wait_dma2 semaphore(%arg13 : memref<!tpu.dma_semaphore, #tpu.memory_space<semaphore_mem>>) src(%dma_wait3A_252 : memref<8xf32, #tpu.memory_space<hbm>>) dst(%dma_wait3A_251 : memref<8xf32, #tpu.memory_space<vmem>>)
      %ge3A = arith.constant 1 : i32
      %ge3A_253 = arith.cmpi sge, %scan3A_171, %ge3A : i32
      %convert_element_type3A = arith.extui %ge3A_253 : i1 to i32
      %cond3A = arith.constant 0 : i32
      %cond3A_254 = arith.cmpi ne, %convert_element_type3A, %cond3A : i32
      scf.if %cond3A_254 {
        %sub3A = arith.constant 2 : i32
        %sub3A_433 = arith.subi %mul3A_173, %sub3A : i32
        %mul3A_434 = arith.constant 4096 : i32
        %mul3A_435 = arith.muli %sub3A_433, %mul3A_434 : i32
        %add3A_436 = arith.addi %mul3A_2, %mul3A_435 : i32
        %dma_wait3A_437 = arith.constant 0 : i32
        %dma_wait3A_438 = tpu.memref_slice %arg6[%add3A_436, %dma_wait3A_437] : memref<7077888x8xf32, #tpu.memory_space<hbm>> -> memref<4096x8xf32, #tpu.memory_space<hbm>>
        %dma_wait3A_439 = arith.constant 0 : i32
        %dma_wait3A_440 = tpu.memref_slice %arg6[%add3A_436, %dma_wait3A_439] : memref<7077888x8xf32, #tpu.memory_space<hbm>> -> memref<4096x8xf32, #tpu.memory_space<hbm>>
        tpu.wait_dma2 semaphore(%arg15 : memref<!tpu.dma_semaphore, #tpu.memory_space<semaphore_mem>>) src(%arg11 : memref<4096x8xf32, #tpu.memory_space<vmem>>) dst(%dma_wait3A_440 : memref<4096x8xf32, #tpu.memory_space<hbm>>)
      } else {
      }
      %scan3A_255 = arith.constant 0 : i32
      %scan3A_256 = arith.constant 0 : i32
      %scan3A_257 = arith.constant 256 : i32
      %scan3A_258 = arith.addi %scan3A_256, %scan3A_257 : i32
      %scan3A_259 = arith.constant 1 : i32
      scf.for %scan3A_433 = %scan3A_256 to %scan3A_258 step %scan3A_259  : i32 {
        %mul3A_434 = arith.constant 16 : i32
        %mul3A_435 = arith.muli %scan3A_433, %mul3A_434 : i32
        %mul3A_436 = arith.constant 16 : i32
        %mul3A_437 = arith.muli %scan3A_433, %mul3A_436 : i32
        %add3A_438 = vector.broadcast %mul3A_437 : i32 to vector<16xi32>
        %add3A_439 = arith.addi %iota3A, %add3A_438 : vector<16xi32>
        %sub3A = arith.constant 1 : i32
        %sub3A_440 = vector.broadcast %sub3A : i32 to vector<16xi32>
        %sub3A_441 = arith.subi %add3A_439, %sub3A_440 : vector<16xi32>
        %ge3A_442 = arith.constant 0 : i32
        %ge3A_443 = vector.broadcast %ge3A_442 : i32 to vector<16xi32>
        %ge3A_444 = arith.cmpi sge, %sub3A_441, %ge3A_443 : vector<16xi32>
        %get3A_445 = arith.constant 0 : i32
        %get3A_446 = arith.index_cast %get3A_445 : i32 to index
        %get3A_447 = arith.index_cast %mul3A_435 : i32 to index
        %get3A_448 = tpu.vector_load %arg7[%get3A_446, %get3A_447] {strides = array<i32>} : memref<2x4104xf32, #tpu.memory_space<vmem>>, vector<16xf32>,
        %broadcast_in_dim3A_449 = arith.constant 0 : i32
        %broadcast_in_dim3A_450 = vector.broadcast %broadcast_in_dim3A_449 : i32 to vector<16xi32>
        tpu.vector_store_idx %arg11[%add3A_439, %broadcast_in_dim3A_450], %get3A_448 : memref<4096x8xf32, #tpu.memory_space<vmem>>[vector<16xi32>, vector<16xi32>], vector<16xf32>,
        %broadcast_in_dim3A_451 = arith.constant 4 : i32
        %broadcast_in_dim3A_452 = vector.broadcast %broadcast_in_dim3A_451 : i32 to vector<16xi32>
        tpu.vector_store_idx %arg11[%sub3A_441, %broadcast_in_dim3A_452], %get3A_448 masked %ge3A_444 : memref<4096x8xf32, #tpu.memory_space<vmem>>[vector<16xi32>, vector<16xi32>], vector<16xf32>, vector<16xi1>
        %get3A_453 = arith.constant 0 : i32
        %get3A_454 = arith.index_cast %get3A_453 : i32 to index
        %get3A_455 = arith.index_cast %mul3A_435 : i32 to index
        %get3A_456 = tpu.vector_load %arg8[%get3A_454, %get3A_455] {strides = array<i32>} : memref<2x4104xf32, #tpu.memory_space<vmem>>, vector<16xf32>,
        %broadcast_in_dim3A_457 = arith.constant 1 : i32
        %broadcast_in_dim3A_458 = vector.broadcast %broadcast_in_dim3A_457 : i32 to vector<16xi32>
        tpu.vector_store_idx %arg11[%add3A_439, %broadcast_in_dim3A_458], %get3A_456 : memref<4096x8xf32, #tpu.memory_space<vmem>>[vector<16xi32>, vector<16xi32>], vector<16xf32>,
        %broadcast_in_dim3A_459 = arith.constant 5 : i32
        %broadcast_in_dim3A_460 = vector.broadcast %broadcast_in_dim3A_459 : i32 to vector<16xi32>
        tpu.vector_store_idx %arg11[%sub3A_441, %broadcast_in_dim3A_460], %get3A_456 masked %ge3A_444 : memref<4096x8xf32, #tpu.memory_space<vmem>>[vector<16xi32>, vector<16xi32>], vector<16xf32>, vector<16xi1>
        %get3A_461 = arith.constant 0 : i32
        %get3A_462 = arith.index_cast %get3A_461 : i32 to index
        %get3A_463 = arith.index_cast %mul3A_435 : i32 to index
        %get3A_464 = tpu.vector_load %arg9[%get3A_462, %get3A_463] {strides = array<i32>} : memref<2x4104xf32, #tpu.memory_space<vmem>>, vector<16xf32>,
        %broadcast_in_dim3A_465 = arith.constant 2 : i32
        %broadcast_in_dim3A_466 = vector.broadcast %broadcast_in_dim3A_465 : i32 to vector<16xi32>
        tpu.vector_store_idx %arg11[%add3A_439, %broadcast_in_dim3A_466], %get3A_464 : memref<4096x8xf32, #tpu.memory_space<vmem>>[vector<16xi32>, vector<16xi32>], vector<16xf32>,
        %broadcast_in_dim3A_467 = arith.constant 6 : i32
        %broadcast_in_dim3A_468 = vector.broadcast %broadcast_in_dim3A_467 : i32 to vector<16xi32>
        tpu.vector_store_idx %arg11[%sub3A_441, %broadcast_in_dim3A_468], %get3A_464 masked %ge3A_444 : memref<4096x8xf32, #tpu.memory_space<vmem>>[vector<16xi32>, vector<16xi32>], vector<16xf32>, vector<16xi1>
        %get3A_469 = arith.constant 0 : i32
        %get3A_470 = arith.index_cast %get3A_469 : i32 to index
        %get3A_471 = arith.index_cast %mul3A_435 : i32 to index
        %get3A_472 = tpu.vector_load %arg10[%get3A_470, %get3A_471] {strides = array<i32>} : memref<2x4104xf32, #tpu.memory_space<vmem>>, vector<16xf32>,
        %broadcast_in_dim3A_473 = arith.constant 3 : i32
        %broadcast_in_dim3A_474 = vector.broadcast %broadcast_in_dim3A_473 : i32 to vector<16xi32>
        tpu.vector_store_idx %arg11[%add3A_439, %broadcast_in_dim3A_474], %get3A_472 : memref<4096x8xf32, #tpu.memory_space<vmem>>[vector<16xi32>, vector<16xi32>], vector<16xf32>,
        %broadcast_in_dim3A_475 = arith.constant 7 : i32
        %broadcast_in_dim3A_476 = vector.broadcast %broadcast_in_dim3A_475 : i32 to vector<16xi32>
        tpu.vector_store_idx %arg11[%sub3A_441, %broadcast_in_dim3A_476], %get3A_472 masked %ge3A_444 : memref<4096x8xf32, #tpu.memory_space<vmem>>[vector<16xi32>, vector<16xi32>], vector<16xf32>, vector<16xi1>
      }
      %scan3A_260 = arith.constant 256 : i32
      %add3A_261 = arith.constant 4087 : i32
      %add3A_262 = vector.broadcast %add3A_261 : i32 to vector<16xi32>
      %add3A_263 = arith.addi %iota3A, %add3A_262 : vector<16xi32>
      %eq3A = arith.constant 8 : i32
      %eq3A_264 = vector.broadcast %eq3A : i32 to vector<16xi32>
      %eq3A_265 = arith.cmpi eq, %iota3A, %eq3A_264 : vector<16xi32>
      %broadcast_in_dim3A = arith.constant 4 : i32
      %broadcast_in_dim3A_266 = vector.broadcast %broadcast_in_dim3A : i32 to vector<16xi32>
      %get3A = arith.constant 0 : i32
      %get3A_267 = arith.index_cast %get3A : i32 to index
      %get3A_268 = arith.constant 4088 : index
      %get3A_269 = tpu.vector_load %arg7[%get3A_267, %get3A_268] {strides = array<i32>} : memref<2x4104xf32, #tpu.memory_space<vmem>>, vector<16xf32>,
      tpu.vector_store_idx %arg11[%add3A_263, %broadcast_in_dim3A_266], %get3A_269 masked %eq3A_265 : memref<4096x8xf32, #tpu.memory_space<vmem>>[vector<16xi32>, vector<16xi32>], vector<16xf32>, vector<16xi1>
      %broadcast_in_dim3A_270 = arith.constant 5 : i32
      %broadcast_in_dim3A_271 = vector.broadcast %broadcast_in_dim3A_270 : i32 to vector<16xi32>
      %get3A_272 = arith.constant 0 : i32
      %get3A_273 = arith.index_cast %get3A_272 : i32 to index
      %get3A_274 = arith.constant 4088 : index
      %get3A_275 = tpu.vector_load %arg8[%get3A_273, %get3A_274] {strides = array<i32>} : memref<2x4104xf32, #tpu.memory_space<vmem>>, vector<16xf32>,
      tpu.vector_store_idx %arg11[%add3A_263, %broadcast_in_dim3A_271], %get3A_275 masked %eq3A_265 : memref<4096x8xf32, #tpu.memory_space<vmem>>[vector<16xi32>, vector<16xi32>], vector<16xf32>, vector<16xi1>
      %broadcast_in_dim3A_276 = arith.constant 6 : i32
      %broadcast_in_dim3A_277 = vector.broadcast %broadcast_in_dim3A_276 : i32 to vector<16xi32>
      %get3A_278 = arith.constant 0 : i32
      %get3A_279 = arith.index_cast %get3A_278 : i32 to index
      %get3A_280 = arith.constant 4088 : index
      %get3A_281 = tpu.vector_load %arg9[%get3A_279, %get3A_280] {strides = array<i32>} : memref<2x4104xf32, #tpu.memory_space<vmem>>, vector<16xf32>,
      tpu.vector_store_idx %arg11[%add3A_263, %broadcast_in_dim3A_277], %get3A_281 masked %eq3A_265 : memref<4096x8xf32, #tpu.memory_space<vmem>>[vector<16xi32>, vector<16xi32>], vector<16xf32>, vector<16xi1>
      %broadcast_in_dim3A_282 = arith.constant 7 : i32
      %broadcast_in_dim3A_283 = vector.broadcast %broadcast_in_dim3A_282 : i32 to vector<16xi32>
      %get3A_284 = arith.constant 0 : i32
      %get3A_285 = arith.index_cast %get3A_284 : i32 to index
      %get3A_286 = arith.constant 4088 : index
      %get3A_287 = tpu.vector_load %arg10[%get3A_285, %get3A_286] {strides = array<i32>} : memref<2x4104xf32, #tpu.memory_space<vmem>>, vector<16xf32>,
      tpu.vector_store_idx %arg11[%add3A_263, %broadcast_in_dim3A_283], %get3A_287 masked %eq3A_265 : memref<4096x8xf32, #tpu.memory_space<vmem>>[vector<16xi32>, vector<16xi32>], vector<16xf32>, vector<16xi1>
      %mul3A_288 = arith.constant 4096 : i32
      %mul3A_289 = arith.muli %mul3A_173, %mul3A_288 : i32
      %add3A_290 = arith.addi %mul3A_2, %mul3A_289 : i32
      %dma_start3A_291 = arith.constant 0 : i32
      %dma_start3A_292 = tpu.memref_slice %arg6[%add3A_290, %dma_start3A_291] : memref<7077888x8xf32, #tpu.memory_space<hbm>> -> memref<4096x8xf32, #tpu.memory_space<hbm>>
      %dma_start3A_293 = arith.constant 0 : i32
      %dma_start3A_294 = tpu.memref_slice %arg6[%add3A_290, %dma_start3A_293] : memref<7077888x8xf32, #tpu.memory_space<hbm>> -> memref<4096x8xf32, #tpu.memory_space<hbm>>
      tpu.enqueue_dma source(%arg11 : memref<4096x8xf32, #tpu.memory_space<vmem>>) target(%dma_start3A_294 : memref<4096x8xf32, #tpu.memory_space<hbm>>) target_semaphore(%arg15 : memref<!tpu.dma_semaphore, #tpu.memory_space<semaphore_mem>>)
      %lt3A = arith.constant 26 : i32
      %lt3A_295 = arith.cmpi slt, %scan3A_171, %lt3A : i32
      %convert_element_type3A_296 = arith.extui %lt3A_295 : i1 to i32
      %cond3A_297 = arith.constant 0 : i32
      %cond3A_298 = arith.cmpi ne, %convert_element_type3A_296, %cond3A_297 : i32
      scf.if %cond3A_298 {
        %add3A_433 = arith.constant 2 : i32
        %add3A_434 = arith.addi %mul3A_173, %add3A_433 : i32
        %mul3A_435 = arith.constant 4096 : i32
        %mul3A_436 = arith.muli %add3A_434, %mul3A_435 : i32
        %add3A_437 = arith.addi %mul3A_2, %mul3A_436 : i32
        %add3A_438 = arith.constant 4096 : i32
        %add3A_439 = arith.addi %add3A_437, %add3A_438 : i32
        %min3A_440 = arith.constant 7077880 : i32
        %min3A_441 = arith.minsi %add3A_439, %min3A_440 : i32
        %dma_start3A_442 = arith.constant 0 : i32
        %dma_start3A_443 = arith.constant 0 : i32
        %dma_start3A_444 = tpu.memref_slice %arg7[%dma_start3A_442, %dma_start3A_443] : memref<2x4104xf32, #tpu.memory_space<vmem>> -> memref<1x4096xf32, #tpu.memory_space<vmem>>
        %dma_start3A_445 = tpu.memref_squeeze %dma_start3A_444 : memref<1x4096xf32, #tpu.memory_space<vmem>> -> memref<4096xf32, #tpu.memory_space<vmem>>
        %dma_start3A_446 = tpu.memref_slice %arg2[%add3A_437] : memref<7077888xf32, #tpu.memory_space<hbm>> -> memref<4096xf32, #tpu.memory_space<hbm>>
        %dma_start3A_447 = arith.constant 0 : i32
        %dma_start3A_448 = tpu.memref_slice %arg7[%dma_start3A_442, %dma_start3A_447] : memref<2x4104xf32, #tpu.memory_space<vmem>> -> memref<1x4096xf32, #tpu.memory_space<vmem>>
        %dma_start3A_449 = tpu.memref_squeeze %dma_start3A_448 : memref<1x4096xf32, #tpu.memory_space<vmem>> -> memref<4096xf32, #tpu.memory_space<vmem>>
        %dma_start3A_450 = tpu.memref_slice %arg2[%add3A_437] : memref<7077888xf32, #tpu.memory_space<hbm>> -> memref<4096xf32, #tpu.memory_space<hbm>>
        tpu.enqueue_dma source(%dma_start3A_450 : memref<4096xf32, #tpu.memory_space<hbm>>) target(%dma_start3A_449 : memref<4096xf32, #tpu.memory_space<vmem>>) target_semaphore(%arg13 : memref<!tpu.dma_semaphore, #tpu.memory_space<semaphore_mem>>)
        %dma_start3A_451 = arith.constant 0 : i32
        %dma_start3A_452 = arith.constant 4096 : i32
        %dma_start3A_453 = tpu.memref_slice %arg7[%dma_start3A_451, %dma_start3A_452] : memref<2x4104xf32, #tpu.memory_space<vmem>> -> memref<1x8xf32, #tpu.memory_space<vmem>>
        %dma_start3A_454 = tpu.memref_squeeze %dma_start3A_453 : memref<1x8xf32, #tpu.memory_space<vmem>> -> memref<8xf32, #tpu.memory_space<vmem>>
        %dma_start3A_455 = tpu.memref_slice %arg2[%min3A_441] : memref<7077888xf32, #tpu.memory_space<hbm>> -> memref<8xf32, #tpu.memory_space<hbm>>
        %dma_start3A_456 = arith.constant 4096 : i32
        %dma_start3A_457 = tpu.memref_slice %arg7[%dma_start3A_451, %dma_start3A_456] : memref<2x4104xf32, #tpu.memory_space<vmem>> -> memref<1x8xf32, #tpu.memory_space<vmem>>
        %dma_start3A_458 = tpu.memref_squeeze %dma_start3A_457 : memref<1x8xf32, #tpu.memory_space<vmem>> -> memref<8xf32, #tpu.memory_space<vmem>>
        %dma_start3A_459 = tpu.memref_slice %arg2[%min3A_441] : memref<7077888xf32, #tpu.memory_space<hbm>> -> memref<8xf32, #tpu.memory_space<hbm>>
        tpu.enqueue_dma source(%dma_start3A_459 : memref<8xf32, #tpu.memory_space<hbm>>) target(%dma_start3A_458 : memref<8xf32, #tpu.memory_space<vmem>>) target_semaphore(%arg13 : memref<!tpu.dma_semaphore, #tpu.memory_space<semaphore_mem>>)
        %dma_start3A_460 = arith.constant 0 : i32
        %dma_start3A_461 = arith.constant 0 : i32
        %dma_start3A_462 = tpu.memref_slice %arg8[%dma_start3A_460, %dma_start3A_461] : memref<2x4104xf32, #tpu.memory_space<vmem>> -> memref<1x4096xf32, #tpu.memory_space<vmem>>
        %dma_start3A_463 = tpu.memref_squeeze %dma_start3A_462 : memref<1x4096xf32, #tpu.memory_space<vmem>> -> memref<4096xf32, #tpu.memory_space<vmem>>
        %dma_start3A_464 = tpu.memref_slice %arg3[%add3A_437] : memref<7077888xf32, #tpu.memory_space<hbm>> -> memref<4096xf32, #tpu.memory_space<hbm>>
        %dma_start3A_465 = arith.constant 0 : i32
        %dma_start3A_466 = tpu.memref_slice %arg8[%dma_start3A_460, %dma_start3A_465] : memref<2x4104xf32, #tpu.memory_space<vmem>> -> memref<1x4096xf32, #tpu.memory_space<vmem>>
        %dma_start3A_467 = tpu.memref_squeeze %dma_start3A_466 : memref<1x4096xf32, #tpu.memory_space<vmem>> -> memref<4096xf32, #tpu.memory_space<vmem>>
        %dma_start3A_468 = tpu.memref_slice %arg3[%add3A_437] : memref<7077888xf32, #tpu.memory_space<hbm>> -> memref<4096xf32, #tpu.memory_space<hbm>>
        tpu.enqueue_dma source(%dma_start3A_468 : memref<4096xf32, #tpu.memory_space<hbm>>) target(%dma_start3A_467 : memref<4096xf32, #tpu.memory_space<vmem>>) target_semaphore(%arg13 : memref<!tpu.dma_semaphore, #tpu.memory_space<semaphore_mem>>)
        %dma_start3A_469 = arith.constant 0 : i32
        %dma_start3A_470 = arith.constant 4096 : i32
        %dma_start3A_471 = tpu.memref_slice %arg8[%dma_start3A_469, %dma_start3A_470] : memref<2x4104xf32, #tpu.memory_space<vmem>> -> memref<1x8xf32, #tpu.memory_space<vmem>>
        %dma_start3A_472 = tpu.memref_squeeze %dma_start3A_471 : memref<1x8xf32, #tpu.memory_space<vmem>> -> memref<8xf32, #tpu.memory_space<vmem>>
        %dma_start3A_473 = tpu.memref_slice %arg3[%min3A_441] : memref<7077888xf32, #tpu.memory_space<hbm>> -> memref<8xf32, #tpu.memory_space<hbm>>
        %dma_start3A_474 = arith.constant 4096 : i32
        %dma_start3A_475 = tpu.memref_slice %arg8[%dma_start3A_469, %dma_start3A_474] : memref<2x4104xf32, #tpu.memory_space<vmem>> -> memref<1x8xf32, #tpu.memory_space<vmem>>
        %dma_start3A_476 = tpu.memref_squeeze %dma_start3A_475 : memref<1x8xf32, #tpu.memory_space<vmem>> -> memref<8xf32, #tpu.memory_space<vmem>>
        %dma_start3A_477 = tpu.memref_slice %arg3[%min3A_441] : memref<7077888xf32, #tpu.memory_space<hbm>> -> memref<8xf32, #tpu.memory_space<hbm>>
        tpu.enqueue_dma source(%dma_start3A_477 : memref<8xf32, #tpu.memory_space<hbm>>) target(%dma_start3A_476 : memref<8xf32, #tpu.memory_space<vmem>>) target_semaphore(%arg13 : memref<!tpu.dma_semaphore, #tpu.memory_space<semaphore_mem>>)
        %dma_start3A_478 = arith.constant 0 : i32
        %dma_start3A_479 = arith.constant 0 : i32
        %dma_start3A_480 = tpu.memref_slice %arg9[%dma_start3A_478, %dma_start3A_479] : memref<2x4104xf32, #tpu.memory_space<vmem>> -> memref<1x4096xf32, #tpu.memory_space<vmem>>
        %dma_start3A_481 = tpu.memref_squeeze %dma_start3A_480 : memref<1x4096xf32, #tpu.memory_space<vmem>> -> memref<4096xf32, #tpu.memory_space<vmem>>
        %dma_start3A_482 = tpu.memref_slice %arg4[%add3A_437] : memref<7077888xf32, #tpu.memory_space<hbm>> -> memref<4096xf32, #tpu.memory_space<hbm>>
        %dma_start3A_483 = arith.constant 0 : i32
        %dma_start3A_484 = tpu.memref_slice %arg9[%dma_start3A_478, %dma_start3A_483] : memref<2x4104xf32, #tpu.memory_space<vmem>> -> memref<1x4096xf32, #tpu.memory_space<vmem>>
        %dma_start3A_485 = tpu.memref_squeeze %dma_start3A_484 : memref<1x4096xf32, #tpu.memory_space<vmem>> -> memref<4096xf32, #tpu.memory_space<vmem>>
        %dma_start3A_486 = tpu.memref_slice %arg4[%add3A_437] : memref<7077888xf32, #tpu.memory_space<hbm>> -> memref<4096xf32, #tpu.memory_space<hbm>>
        tpu.enqueue_dma source(%dma_start3A_486 : memref<4096xf32, #tpu.memory_space<hbm>>) target(%dma_start3A_485 : memref<4096xf32, #tpu.memory_space<vmem>>) target_semaphore(%arg13 : memref<!tpu.dma_semaphore, #tpu.memory_space<semaphore_mem>>)
        %dma_start3A_487 = arith.constant 0 : i32
        %dma_start3A_488 = arith.constant 4096 : i32
        %dma_start3A_489 = tpu.memref_slice %arg9[%dma_start3A_487, %dma_start3A_488] : memref<2x4104xf32, #tpu.memory_space<vmem>> -> memref<1x8xf32, #tpu.memory_space<vmem>>
        %dma_start3A_490 = tpu.memref_squeeze %dma_start3A_489 : memref<1x8xf32, #tpu.memory_space<vmem>> -> memref<8xf32, #tpu.memory_space<vmem>>
        %dma_start3A_491 = tpu.memref_slice %arg4[%min3A_441] : memref<7077888xf32, #tpu.memory_space<hbm>> -> memref<8xf32, #tpu.memory_space<hbm>>
        %dma_start3A_492 = arith.constant 4096 : i32
        %dma_start3A_493 = tpu.memref_slice %arg9[%dma_start3A_487, %dma_start3A_492] : memref<2x4104xf32, #tpu.memory_space<vmem>> -> memref<1x8xf32, #tpu.memory_space<vmem>>
        %dma_start3A_494 = tpu.memref_squeeze %dma_start3A_493 : memref<1x8xf32, #tpu.memory_space<vmem>> -> memref<8xf32, #tpu.memory_space<vmem>>
        %dma_start3A_495 = tpu.memref_slice %arg4[%min3A_441] : memref<7077888xf32, #tpu.memory_space<hbm>> -> memref<8xf32, #tpu.memory_space<hbm>>
        tpu.enqueue_dma source(%dma_start3A_495 : memref<8xf32, #tpu.memory_space<hbm>>) target(%dma_start3A_494 : memref<8xf32, #tpu.memory_space<vmem>>) target_semaphore(%arg13 : memref<!tpu.dma_semaphore, #tpu.memory_space<semaphore_mem>>)
        %dma_start3A_496 = arith.constant 0 : i32
        %dma_start3A_497 = arith.constant 0 : i32
        %dma_start3A_498 = tpu.memref_slice %arg10[%dma_start3A_496, %dma_start3A_497] : memref<2x4104xf32, #tpu.memory_space<vmem>> -> memref<1x4096xf32, #tpu.memory_space<vmem>>
        %dma_start3A_499 = tpu.memref_squeeze %dma_start3A_498 : memref<1x4096xf32, #tpu.memory_space<vmem>> -> memref<4096xf32, #tpu.memory_space<vmem>>
        %dma_start3A_500 = tpu.memref_slice %arg5[%add3A_437] : memref<7077888xf32, #tpu.memory_space<hbm>> -> memref<4096xf32, #tpu.memory_space<hbm>>
        %dma_start3A_501 = arith.constant 0 : i32
        %dma_start3A_502 = tpu.memref_slice %arg10[%dma_start3A_496, %dma_start3A_501] : memref<2x4104xf32, #tpu.memory_space<vmem>> -> memref<1x4096xf32, #tpu.memory_space<vmem>>
        %dma_start3A_503 = tpu.memref_squeeze %dma_start3A_502 : memref<1x4096xf32, #tpu.memory_space<vmem>> -> memref<4096xf32, #tpu.memory_space<vmem>>
        %dma_start3A_504 = tpu.memref_slice %arg5[%add3A_437] : memref<7077888xf32, #tpu.memory_space<hbm>> -> memref<4096xf32, #tpu.memory_space<hbm>>
        tpu.enqueue_dma source(%dma_start3A_504 : memref<4096xf32, #tpu.memory_space<hbm>>) target(%dma_start3A_503 : memref<4096xf32, #tpu.memory_space<vmem>>) target_semaphore(%arg13 : memref<!tpu.dma_semaphore, #tpu.memory_space<semaphore_mem>>)
        %dma_start3A_505 = arith.constant 0 : i32
        %dma_start3A_506 = arith.constant 4096 : i32
        %dma_start3A_507 = tpu.memref_slice %arg10[%dma_start3A_505, %dma_start3A_506] : memref<2x4104xf32, #tpu.memory_space<vmem>> -> memref<1x8xf32, #tpu.memory_space<vmem>>
        %dma_start3A_508 = tpu.memref_squeeze %dma_start3A_507 : memref<1x8xf32, #tpu.memory_space<vmem>> -> memref<8xf32, #tpu.memory_space<vmem>>
        %dma_start3A_509 = tpu.memref_slice %arg5[%min3A_441] : memref<7077888xf32, #tpu.memory_space<hbm>> -> memref<8xf32, #tpu.memory_space<hbm>>
        %dma_start3A_510 = arith.constant 4096 : i32
        %dma_start3A_511 = tpu.memref_slice %arg10[%dma_start3A_505, %dma_start3A_510] : memref<2x4104xf32, #tpu.memory_space<vmem>> -> memref<1x8xf32, #tpu.memory_space<vmem>>
        %dma_start3A_512 = tpu.memref_squeeze %dma_start3A_511 : memref<1x8xf32, #tpu.memory_space<vmem>> -> memref<8xf32, #tpu.memory_space<vmem>>
        %dma_start3A_513 = tpu.memref_slice %arg5[%min3A_441] : memref<7077888xf32, #tpu.memory_space<hbm>> -> memref<8xf32, #tpu.memory_space<hbm>>
        tpu.enqueue_dma source(%dma_start3A_513 : memref<8xf32, #tpu.memory_space<hbm>>) target(%dma_start3A_512 : memref<8xf32, #tpu.memory_space<vmem>>) target_semaphore(%arg13 : memref<!tpu.dma_semaphore, #tpu.memory_space<semaphore_mem>>)
      } else {
      }
      %add3A_299 = arith.constant 1 : i32
      %add3A_300 = arith.addi %mul3A_173, %add3A_299 : i32
      %mul3A_301 = arith.constant 4096 : i32
      %mul3A_302 = arith.muli %add3A_300, %mul3A_301 : i32
      %add3A_303 = arith.addi %mul3A_2, %mul3A_302 : i32
      %add3A_304 = arith.constant 4096 : i32
      %add3A_305 = arith.addi %add3A_303, %add3A_304 : i32
      %min3A_306 = arith.constant 7077880 : i32
      %min3A_307 = arith.minsi %add3A_305, %min3A_306 : i32
      %dma_wait3A_308 = arith.constant 1 : i32
      %dma_wait3A_309 = arith.constant 0 : i32
      %dma_wait3A_310 = tpu.memref_slice %arg7[%dma_wait3A_308, %dma_wait3A_309] : memref<2x4104xf32, #tpu.memory_space<vmem>> -> memref<1x4096xf32, #tpu.memory_space<vmem>>
      %dma_wait3A_311 = tpu.memref_squeeze %dma_wait3A_310 : memref<1x4096xf32, #tpu.memory_space<vmem>> -> memref<4096xf32, #tpu.memory_space<vmem>>
      %dma_wait3A_312 = tpu.memref_slice %arg2[%add3A_303] : memref<7077888xf32, #tpu.memory_space<hbm>> -> memref<4096xf32, #tpu.memory_space<hbm>>
      %dma_wait3A_313 = arith.constant 0 : i32
      %dma_wait3A_314 = tpu.memref_slice %arg7[%dma_wait3A_308, %dma_wait3A_313] : memref<2x4104xf32, #tpu.memory_space<vmem>> -> memref<1x4096xf32, #tpu.memory_space<vmem>>
      %dma_wait3A_315 = tpu.memref_squeeze %dma_wait3A_314 : memref<1x4096xf32, #tpu.memory_space<vmem>> -> memref<4096xf32, #tpu.memory_space<vmem>>
      %dma_wait3A_316 = tpu.memref_slice %arg2[%add3A_303] : memref<7077888xf32, #tpu.memory_space<hbm>> -> memref<4096xf32, #tpu.memory_space<hbm>>
      tpu.wait_dma2 semaphore(%arg14 : memref<!tpu.dma_semaphore, #tpu.memory_space<semaphore_mem>>) src(%dma_wait3A_316 : memref<4096xf32, #tpu.memory_space<hbm>>) dst(%dma_wait3A_315 : memref<4096xf32, #tpu.memory_space<vmem>>)
      %dma_wait3A_317 = arith.constant 1 : i32
      %dma_wait3A_318 = arith.constant 4096 : i32
      %dma_wait3A_319 = tpu.memref_slice %arg7[%dma_wait3A_317, %dma_wait3A_318] : memref<2x4104xf32, #tpu.memory_space<vmem>> -> memref<1x8xf32, #tpu.memory_space<vmem>>
      %dma_wait3A_320 = tpu.memref_squeeze %dma_wait3A_319 : memref<1x8xf32, #tpu.memory_space<vmem>> -> memref<8xf32, #tpu.memory_space<vmem>>
      %dma_wait3A_321 = tpu.memref_slice %arg2[%min3A_307] : memref<7077888xf32, #tpu.memory_space<hbm>> -> memref<8xf32, #tpu.memory_space<hbm>>
      %dma_wait3A_322 = arith.constant 4096 : i32
      %dma_wait3A_323 = tpu.memref_slice %arg7[%dma_wait3A_317, %dma_wait3A_322] : memref<2x4104xf32, #tpu.memory_space<vmem>> -> memref<1x8xf32, #tpu.memory_space<vmem>>
      %dma_wait3A_324 = tpu.memref_squeeze %dma_wait3A_323 : memref<1x8xf32, #tpu.memory_space<vmem>> -> memref<8xf32, #tpu.memory_space<vmem>>
      %dma_wait3A_325 = tpu.memref_slice %arg2[%min3A_307] : memref<7077888xf32, #tpu.memory_space<hbm>> -> memref<8xf32, #tpu.memory_space<hbm>>
      tpu.wait_dma2 semaphore(%arg14 : memref<!tpu.dma_semaphore, #tpu.memory_space<semaphore_mem>>) src(%dma_wait3A_325 : memref<8xf32, #tpu.memory_space<hbm>>) dst(%dma_wait3A_324 : memref<8xf32, #tpu.memory_space<vmem>>)
      %dma_wait3A_326 = arith.constant 1 : i32
      %dma_wait3A_327 = arith.constant 0 : i32
      %dma_wait3A_328 = tpu.memref_slice %arg8[%dma_wait3A_326, %dma_wait3A_327] : memref<2x4104xf32, #tpu.memory_space<vmem>> -> memref<1x4096xf32, #tpu.memory_space<vmem>>
      %dma_wait3A_329 = tpu.memref_squeeze %dma_wait3A_328 : memref<1x4096xf32, #tpu.memory_space<vmem>> -> memref<4096xf32, #tpu.memory_space<vmem>>
      %dma_wait3A_330 = tpu.memref_slice %arg3[%add3A_303] : memref<7077888xf32, #tpu.memory_space<hbm>> -> memref<4096xf32, #tpu.memory_space<hbm>>
      %dma_wait3A_331 = arith.constant 0 : i32
      %dma_wait3A_332 = tpu.memref_slice %arg8[%dma_wait3A_326, %dma_wait3A_331] : memref<2x4104xf32, #tpu.memory_space<vmem>> -> memref<1x4096xf32, #tpu.memory_space<vmem>>
      %dma_wait3A_333 = tpu.memref_squeeze %dma_wait3A_332 : memref<1x4096xf32, #tpu.memory_space<vmem>> -> memref<4096xf32, #tpu.memory_space<vmem>>
      %dma_wait3A_334 = tpu.memref_slice %arg3[%add3A_303] : memref<7077888xf32, #tpu.memory_space<hbm>> -> memref<4096xf32, #tpu.memory_space<hbm>>
      tpu.wait_dma2 semaphore(%arg14 : memref<!tpu.dma_semaphore, #tpu.memory_space<semaphore_mem>>) src(%dma_wait3A_334 : memref<4096xf32, #tpu.memory_space<hbm>>) dst(%dma_wait3A_333 : memref<4096xf32, #tpu.memory_space<vmem>>)
      %dma_wait3A_335 = arith.constant 1 : i32
      %dma_wait3A_336 = arith.constant 4096 : i32
      %dma_wait3A_337 = tpu.memref_slice %arg8[%dma_wait3A_335, %dma_wait3A_336] : memref<2x4104xf32, #tpu.memory_space<vmem>> -> memref<1x8xf32, #tpu.memory_space<vmem>>
      %dma_wait3A_338 = tpu.memref_squeeze %dma_wait3A_337 : memref<1x8xf32, #tpu.memory_space<vmem>> -> memref<8xf32, #tpu.memory_space<vmem>>
      %dma_wait3A_339 = tpu.memref_slice %arg3[%min3A_307] : memref<7077888xf32, #tpu.memory_space<hbm>> -> memref<8xf32, #tpu.memory_space<hbm>>
      %dma_wait3A_340 = arith.constant 4096 : i32
      %dma_wait3A_341 = tpu.memref_slice %arg8[%dma_wait3A_335, %dma_wait3A_340] : memref<2x4104xf32, #tpu.memory_space<vmem>> -> memref<1x8xf32, #tpu.memory_space<vmem>>
      %dma_wait3A_342 = tpu.memref_squeeze %dma_wait3A_341 : memref<1x8xf32, #tpu.memory_space<vmem>> -> memref<8xf32, #tpu.memory_space<vmem>>
      %dma_wait3A_343 = tpu.memref_slice %arg3[%min3A_307] : memref<7077888xf32, #tpu.memory_space<hbm>> -> memref<8xf32, #tpu.memory_space<hbm>>
      tpu.wait_dma2 semaphore(%arg14 : memref<!tpu.dma_semaphore, #tpu.memory_space<semaphore_mem>>) src(%dma_wait3A_343 : memref<8xf32, #tpu.memory_space<hbm>>) dst(%dma_wait3A_342 : memref<8xf32, #tpu.memory_space<vmem>>)
      %dma_wait3A_344 = arith.constant 1 : i32
      %dma_wait3A_345 = arith.constant 0 : i32
      %dma_wait3A_346 = tpu.memref_slice %arg9[%dma_wait3A_344, %dma_wait3A_345] : memref<2x4104xf32, #tpu.memory_space<vmem>> -> memref<1x4096xf32, #tpu.memory_space<vmem>>
      %dma_wait3A_347 = tpu.memref_squeeze %dma_wait3A_346 : memref<1x4096xf32, #tpu.memory_space<vmem>> -> memref<4096xf32, #tpu.memory_space<vmem>>
      %dma_wait3A_348 = tpu.memref_slice %arg4[%add3A_303] : memref<7077888xf32, #tpu.memory_space<hbm>> -> memref<4096xf32, #tpu.memory_space<hbm>>
      %dma_wait3A_349 = arith.constant 0 : i32
      %dma_wait3A_350 = tpu.memref_slice %arg9[%dma_wait3A_344, %dma_wait3A_349] : memref<2x4104xf32, #tpu.memory_space<vmem>> -> memref<1x4096xf32, #tpu.memory_space<vmem>>
      %dma_wait3A_351 = tpu.memref_squeeze %dma_wait3A_350 : memref<1x4096xf32, #tpu.memory_space<vmem>> -> memref<4096xf32, #tpu.memory_space<vmem>>
      %dma_wait3A_352 = tpu.memref_slice %arg4[%add3A_303] : memref<7077888xf32, #tpu.memory_space<hbm>> -> memref<4096xf32, #tpu.memory_space<hbm>>
      tpu.wait_dma2 semaphore(%arg14 : memref<!tpu.dma_semaphore, #tpu.memory_space<semaphore_mem>>) src(%dma_wait3A_352 : memref<4096xf32, #tpu.memory_space<hbm>>) dst(%dma_wait3A_351 : memref<4096xf32, #tpu.memory_space<vmem>>)
      %dma_wait3A_353 = arith.constant 1 : i32
      %dma_wait3A_354 = arith.constant 4096 : i32
      %dma_wait3A_355 = tpu.memref_slice %arg9[%dma_wait3A_353, %dma_wait3A_354] : memref<2x4104xf32, #tpu.memory_space<vmem>> -> memref<1x8xf32, #tpu.memory_space<vmem>>
      %dma_wait3A_356 = tpu.memref_squeeze %dma_wait3A_355 : memref<1x8xf32, #tpu.memory_space<vmem>> -> memref<8xf32, #tpu.memory_space<vmem>>
      %dma_wait3A_357 = tpu.memref_slice %arg4[%min3A_307] : memref<7077888xf32, #tpu.memory_space<hbm>> -> memref<8xf32, #tpu.memory_space<hbm>>
      %dma_wait3A_358 = arith.constant 4096 : i32
      %dma_wait3A_359 = tpu.memref_slice %arg9[%dma_wait3A_353, %dma_wait3A_358] : memref<2x4104xf32, #tpu.memory_space<vmem>> -> memref<1x8xf32, #tpu.memory_space<vmem>>
      %dma_wait3A_360 = tpu.memref_squeeze %dma_wait3A_359 : memref<1x8xf32, #tpu.memory_space<vmem>> -> memref<8xf32, #tpu.memory_space<vmem>>
      %dma_wait3A_361 = tpu.memref_slice %arg4[%min3A_307] : memref<7077888xf32, #tpu.memory_space<hbm>> -> memref<8xf32, #tpu.memory_space<hbm>>
      tpu.wait_dma2 semaphore(%arg14 : memref<!tpu.dma_semaphore, #tpu.memory_space<semaphore_mem>>) src(%dma_wait3A_361 : memref<8xf32, #tpu.memory_space<hbm>>) dst(%dma_wait3A_360 : memref<8xf32, #tpu.memory_space<vmem>>)
      %dma_wait3A_362 = arith.constant 1 : i32
      %dma_wait3A_363 = arith.constant 0 : i32
      %dma_wait3A_364 = tpu.memref_slice %arg10[%dma_wait3A_362, %dma_wait3A_363] : memref<2x4104xf32, #tpu.memory_space<vmem>> -> memref<1x4096xf32, #tpu.memory_space<vmem>>
      %dma_wait3A_365 = tpu.memref_squeeze %dma_wait3A_364 : memref<1x4096xf32, #tpu.memory_space<vmem>> -> memref<4096xf32, #tpu.memory_space<vmem>>
      %dma_wait3A_366 = tpu.memref_slice %arg5[%add3A_303] : memref<7077888xf32, #tpu.memory_space<hbm>> -> memref<4096xf32, #tpu.memory_space<hbm>>
      %dma_wait3A_367 = arith.constant 0 : i32
      %dma_wait3A_368 = tpu.memref_slice %arg10[%dma_wait3A_362, %dma_wait3A_367] : memref<2x4104xf32, #tpu.memory_space<vmem>> -> memref<1x4096xf32, #tpu.memory_space<vmem>>
      %dma_wait3A_369 = tpu.memref_squeeze %dma_wait3A_368 : memref<1x4096xf32, #tpu.memory_space<vmem>> -> memref<4096xf32, #tpu.memory_space<vmem>>
      %dma_wait3A_370 = tpu.memref_slice %arg5[%add3A_303] : memref<7077888xf32, #tpu.memory_space<hbm>> -> memref<4096xf32, #tpu.memory_space<hbm>>
      tpu.wait_dma2 semaphore(%arg14 : memref<!tpu.dma_semaphore, #tpu.memory_space<semaphore_mem>>) src(%dma_wait3A_370 : memref<4096xf32, #tpu.memory_space<hbm>>) dst(%dma_wait3A_369 : memref<4096xf32, #tpu.memory_space<vmem>>)
      %dma_wait3A_371 = arith.constant 1 : i32
      %dma_wait3A_372 = arith.constant 4096 : i32
      %dma_wait3A_373 = tpu.memref_slice %arg10[%dma_wait3A_371, %dma_wait3A_372] : memref<2x4104xf32, #tpu.memory_space<vmem>> -> memref<1x8xf32, #tpu.memory_space<vmem>>
      %dma_wait3A_374 = tpu.memref_squeeze %dma_wait3A_373 : memref<1x8xf32, #tpu.memory_space<vmem>> -> memref<8xf32, #tpu.memory_space<vmem>>
      %dma_wait3A_375 = tpu.memref_slice %arg5[%min3A_307] : memref<7077888xf32, #tpu.memory_space<hbm>> -> memref<8xf32, #tpu.memory_space<hbm>>
      %dma_wait3A_376 = arith.constant 4096 : i32
      %dma_wait3A_377 = tpu.memref_slice %arg10[%dma_wait3A_371, %dma_wait3A_376] : memref<2x4104xf32, #tpu.memory_space<vmem>> -> memref<1x8xf32, #tpu.memory_space<vmem>>
      %dma_wait3A_378 = tpu.memref_squeeze %dma_wait3A_377 : memref<1x8xf32, #tpu.memory_space<vmem>> -> memref<8xf32, #tpu.memory_space<vmem>>
      %dma_wait3A_379 = tpu.memref_slice %arg5[%min3A_307] : memref<7077888xf32, #tpu.memory_space<hbm>> -> memref<8xf32, #tpu.memory_space<hbm>>
      tpu.wait_dma2 semaphore(%arg14 : memref<!tpu.dma_semaphore, #tpu.memory_space<semaphore_mem>>) src(%dma_wait3A_379 : memref<8xf32, #tpu.memory_space<hbm>>) dst(%dma_wait3A_378 : memref<8xf32, #tpu.memory_space<vmem>>)
      %ge3A_380 = arith.constant 1 : i32
      %ge3A_381 = arith.cmpi sge, %scan3A_171, %ge3A_380 : i32
      %convert_element_type3A_382 = arith.extui %ge3A_381 : i1 to i32
      %cond3A_383 = arith.constant 0 : i32
      %cond3A_384 = arith.cmpi ne, %convert_element_type3A_382, %cond3A_383 : i32
      scf.if %cond3A_384 {
        %sub3A = arith.constant 2 : i32
        %sub3A_433 = arith.subi %add3A_300, %sub3A : i32
        %mul3A_434 = arith.constant 4096 : i32
        %mul3A_435 = arith.muli %sub3A_433, %mul3A_434 : i32
        %add3A_436 = arith.addi %mul3A_2, %mul3A_435 : i32
        %dma_wait3A_437 = arith.constant 0 : i32
        %dma_wait3A_438 = tpu.memref_slice %arg6[%add3A_436, %dma_wait3A_437] : memref<7077888x8xf32, #tpu.memory_space<hbm>> -> memref<4096x8xf32, #tpu.memory_space<hbm>>
        %dma_wait3A_439 = arith.constant 0 : i32
        %dma_wait3A_440 = tpu.memref_slice %arg6[%add3A_436, %dma_wait3A_439] : memref<7077888x8xf32, #tpu.memory_space<hbm>> -> memref<4096x8xf32, #tpu.memory_space<hbm>>
        tpu.wait_dma2 semaphore(%arg16 : memref<!tpu.dma_semaphore, #tpu.memory_space<semaphore_mem>>) src(%arg12 : memref<4096x8xf32, #tpu.memory_space<vmem>>) dst(%dma_wait3A_440 : memref<4096x8xf32, #tpu.memory_space<hbm>>)
      } else {
      }
      %scan3A_385 = arith.constant 0 : i32
      %scan3A_386 = arith.constant 0 : i32
      %scan3A_387 = arith.constant 256 : i32
      %scan3A_388 = arith.addi %scan3A_386, %scan3A_387 : i32
      %scan3A_389 = arith.constant 1 : i32
      scf.for %scan3A_433 = %scan3A_386 to %scan3A_388 step %scan3A_389  : i32 {
        %mul3A_434 = arith.constant 16 : i32
        %mul3A_435 = arith.muli %scan3A_433, %mul3A_434 : i32
        %mul3A_436 = arith.constant 16 : i32
        %mul3A_437 = arith.muli %scan3A_433, %mul3A_436 : i32
        %add3A_438 = vector.broadcast %mul3A_437 : i32 to vector<16xi32>
        %add3A_439 = arith.addi %iota3A, %add3A_438 : vector<16xi32>
        %sub3A = arith.constant 1 : i32
        %sub3A_440 = vector.broadcast %sub3A : i32 to vector<16xi32>
        %sub3A_441 = arith.subi %add3A_439, %sub3A_440 : vector<16xi32>
        %ge3A_442 = arith.constant 0 : i32
        %ge3A_443 = vector.broadcast %ge3A_442 : i32 to vector<16xi32>
        %ge3A_444 = arith.cmpi sge, %sub3A_441, %ge3A_443 : vector<16xi32>
        %get3A_445 = arith.constant 1 : i32
        %get3A_446 = arith.index_cast %get3A_445 : i32 to index
        %get3A_447 = arith.index_cast %mul3A_435 : i32 to index
        %get3A_448 = tpu.vector_load %arg7[%get3A_446, %get3A_447] {strides = array<i32>} : memref<2x4104xf32, #tpu.memory_space<vmem>>, vector<16xf32>,
        %broadcast_in_dim3A_449 = arith.constant 0 : i32
        %broadcast_in_dim3A_450 = vector.broadcast %broadcast_in_dim3A_449 : i32 to vector<16xi32>
        tpu.vector_store_idx %arg12[%add3A_439, %broadcast_in_dim3A_450], %get3A_448 : memref<4096x8xf32, #tpu.memory_space<vmem>>[vector<16xi32>, vector<16xi32>], vector<16xf32>,
        %broadcast_in_dim3A_451 = arith.constant 4 : i32
        %broadcast_in_dim3A_452 = vector.broadcast %broadcast_in_dim3A_451 : i32 to vector<16xi32>
        tpu.vector_store_idx %arg12[%sub3A_441, %broadcast_in_dim3A_452], %get3A_448 masked %ge3A_444 : memref<4096x8xf32, #tpu.memory_space<vmem>>[vector<16xi32>, vector<16xi32>], vector<16xf32>, vector<16xi1>
        %get3A_453 = arith.constant 1 : i32
        %get3A_454 = arith.index_cast %get3A_453 : i32 to index
        %get3A_455 = arith.index_cast %mul3A_435 : i32 to index
        %get3A_456 = tpu.vector_load %arg8[%get3A_454, %get3A_455] {strides = array<i32>} : memref<2x4104xf32, #tpu.memory_space<vmem>>, vector<16xf32>,
        %broadcast_in_dim3A_457 = arith.constant 1 : i32
        %broadcast_in_dim3A_458 = vector.broadcast %broadcast_in_dim3A_457 : i32 to vector<16xi32>
        tpu.vector_store_idx %arg12[%add3A_439, %broadcast_in_dim3A_458], %get3A_456 : memref<4096x8xf32, #tpu.memory_space<vmem>>[vector<16xi32>, vector<16xi32>], vector<16xf32>,
        %broadcast_in_dim3A_459 = arith.constant 5 : i32
        %broadcast_in_dim3A_460 = vector.broadcast %broadcast_in_dim3A_459 : i32 to vector<16xi32>
        tpu.vector_store_idx %arg12[%sub3A_441, %broadcast_in_dim3A_460], %get3A_456 masked %ge3A_444 : memref<4096x8xf32, #tpu.memory_space<vmem>>[vector<16xi32>, vector<16xi32>], vector<16xf32>, vector<16xi1>
        %get3A_461 = arith.constant 1 : i32
        %get3A_462 = arith.index_cast %get3A_461 : i32 to index
        %get3A_463 = arith.index_cast %mul3A_435 : i32 to index
        %get3A_464 = tpu.vector_load %arg9[%get3A_462, %get3A_463] {strides = array<i32>} : memref<2x4104xf32, #tpu.memory_space<vmem>>, vector<16xf32>,
        %broadcast_in_dim3A_465 = arith.constant 2 : i32
        %broadcast_in_dim3A_466 = vector.broadcast %broadcast_in_dim3A_465 : i32 to vector<16xi32>
        tpu.vector_store_idx %arg12[%add3A_439, %broadcast_in_dim3A_466], %get3A_464 : memref<4096x8xf32, #tpu.memory_space<vmem>>[vector<16xi32>, vector<16xi32>], vector<16xf32>,
        %broadcast_in_dim3A_467 = arith.constant 6 : i32
        %broadcast_in_dim3A_468 = vector.broadcast %broadcast_in_dim3A_467 : i32 to vector<16xi32>
        tpu.vector_store_idx %arg12[%sub3A_441, %broadcast_in_dim3A_468], %get3A_464 masked %ge3A_444 : memref<4096x8xf32, #tpu.memory_space<vmem>>[vector<16xi32>, vector<16xi32>], vector<16xf32>, vector<16xi1>
        %get3A_469 = arith.constant 1 : i32
        %get3A_470 = arith.index_cast %get3A_469 : i32 to index
        %get3A_471 = arith.index_cast %mul3A_435 : i32 to index
        %get3A_472 = tpu.vector_load %arg10[%get3A_470, %get3A_471] {strides = array<i32>} : memref<2x4104xf32, #tpu.memory_space<vmem>>, vector<16xf32>,
        %broadcast_in_dim3A_473 = arith.constant 3 : i32
        %broadcast_in_dim3A_474 = vector.broadcast %broadcast_in_dim3A_473 : i32 to vector<16xi32>
        tpu.vector_store_idx %arg12[%add3A_439, %broadcast_in_dim3A_474], %get3A_472 : memref<4096x8xf32, #tpu.memory_space<vmem>>[vector<16xi32>, vector<16xi32>], vector<16xf32>,
        %broadcast_in_dim3A_475 = arith.constant 7 : i32
        %broadcast_in_dim3A_476 = vector.broadcast %broadcast_in_dim3A_475 : i32 to vector<16xi32>
        tpu.vector_store_idx %arg12[%sub3A_441, %broadcast_in_dim3A_476], %get3A_472 masked %ge3A_444 : memref<4096x8xf32, #tpu.memory_space<vmem>>[vector<16xi32>, vector<16xi32>], vector<16xf32>, vector<16xi1>
      }
      %scan3A_390 = arith.constant 256 : i32
      %add3A_391 = arith.constant 4087 : i32
      %add3A_392 = vector.broadcast %add3A_391 : i32 to vector<16xi32>
      %add3A_393 = arith.addi %iota3A, %add3A_392 : vector<16xi32>
      %eq3A_394 = arith.constant 8 : i32
      %eq3A_395 = vector.broadcast %eq3A_394 : i32 to vector<16xi32>
      %eq3A_396 = arith.cmpi eq, %iota3A, %eq3A_395 : vector<16xi32>
      %broadcast_in_dim3A_397 = arith.constant 4 : i32
      %broadcast_in_dim3A_398 = vector.broadcast %broadcast_in_dim3A_397 : i32 to vector<16xi32>
      %get3A_399 = arith.constant 1 : i32
      %get3A_400 = arith.index_cast %get3A_399 : i32 to index
      %get3A_401 = arith.constant 4088 : index
      %get3A_402 = tpu.vector_load %arg7[%get3A_400, %get3A_401] {strides = array<i32>} : memref<2x4104xf32, #tpu.memory_space<vmem>>, vector<16xf32>,
      tpu.vector_store_idx %arg12[%add3A_393, %broadcast_in_dim3A_398], %get3A_402 masked %eq3A_396 : memref<4096x8xf32, #tpu.memory_space<vmem>>[vector<16xi32>, vector<16xi32>], vector<16xf32>, vector<16xi1>
      %broadcast_in_dim3A_403 = arith.constant 5 : i32
      %broadcast_in_dim3A_404 = vector.broadcast %broadcast_in_dim3A_403 : i32 to vector<16xi32>
      %get3A_405 = arith.constant 1 : i32
      %get3A_406 = arith.index_cast %get3A_405 : i32 to index
      %get3A_407 = arith.constant 4088 : index
      %get3A_408 = tpu.vector_load %arg8[%get3A_406, %get3A_407] {strides = array<i32>} : memref<2x4104xf32, #tpu.memory_space<vmem>>, vector<16xf32>,
      tpu.vector_store_idx %arg12[%add3A_393, %broadcast_in_dim3A_404], %get3A_408 masked %eq3A_396 : memref<4096x8xf32, #tpu.memory_space<vmem>>[vector<16xi32>, vector<16xi32>], vector<16xf32>, vector<16xi1>
      %broadcast_in_dim3A_409 = arith.constant 6 : i32
      %broadcast_in_dim3A_410 = vector.broadcast %broadcast_in_dim3A_409 : i32 to vector<16xi32>
      %get3A_411 = arith.constant 1 : i32
      %get3A_412 = arith.index_cast %get3A_411 : i32 to index
      %get3A_413 = arith.constant 4088 : index
      %get3A_414 = tpu.vector_load %arg9[%get3A_412, %get3A_413] {strides = array<i32>} : memref<2x4104xf32, #tpu.memory_space<vmem>>, vector<16xf32>,
      tpu.vector_store_idx %arg12[%add3A_393, %broadcast_in_dim3A_410], %get3A_414 masked %eq3A_396 : memref<4096x8xf32, #tpu.memory_space<vmem>>[vector<16xi32>, vector<16xi32>], vector<16xf32>, vector<16xi1>
      %broadcast_in_dim3A_415 = arith.constant 7 : i32
      %broadcast_in_dim3A_416 = vector.broadcast %broadcast_in_dim3A_415 : i32 to vector<16xi32>
      %get3A_417 = arith.constant 1 : i32
      %get3A_418 = arith.index_cast %get3A_417 : i32 to index
      %get3A_419 = arith.constant 4088 : index
      %get3A_420 = tpu.vector_load %arg10[%get3A_418, %get3A_419] {strides = array<i32>} : memref<2x4104xf32, #tpu.memory_space<vmem>>, vector<16xf32>,
      tpu.vector_store_idx %arg12[%add3A_393, %broadcast_in_dim3A_416], %get3A_420 masked %eq3A_396 : memref<4096x8xf32, #tpu.memory_space<vmem>>[vector<16xi32>, vector<16xi32>], vector<16xf32>, vector<16xi1>
      %mul3A_421 = arith.constant 4096 : i32
      %mul3A_422 = arith.muli %add3A_300, %mul3A_421 : i32
      %add3A_423 = arith.addi %mul3A_2, %mul3A_422 : i32
      %dma_start3A_424 = arith.constant 0 : i32
      %dma_start3A_425 = tpu.memref_slice %arg6[%add3A_423, %dma_start3A_424] : memref<7077888x8xf32, #tpu.memory_space<hbm>> -> memref<4096x8xf32, #tpu.memory_space<hbm>>
      %dma_start3A_426 = arith.constant 0 : i32
      %dma_start3A_427 = tpu.memref_slice %arg6[%add3A_423, %dma_start3A_426] : memref<7077888x8xf32, #tpu.memory_space<hbm>> -> memref<4096x8xf32, #tpu.memory_space<hbm>>
      tpu.enqueue_dma source(%arg12 : memref<4096x8xf32, #tpu.memory_space<vmem>>) target(%dma_start3A_427 : memref<4096x8xf32, #tpu.memory_space<hbm>>) target_semaphore(%arg16 : memref<!tpu.dma_semaphore, #tpu.memory_space<semaphore_mem>>)
      %lt3A_428 = arith.constant 26 : i32
      %lt3A_429 = arith.cmpi slt, %scan3A_171, %lt3A_428 : i32
      %convert_element_type3A_430 = arith.extui %lt3A_429 : i1 to i32
      %cond3A_431 = arith.constant 0 : i32
      %cond3A_432 = arith.cmpi ne, %convert_element_type3A_430, %cond3A_431 : i32
      scf.if %cond3A_432 {
        %add3A_433 = arith.constant 2 : i32
        %add3A_434 = arith.addi %add3A_300, %add3A_433 : i32
        %mul3A_435 = arith.constant 4096 : i32
        %mul3A_436 = arith.muli %add3A_434, %mul3A_435 : i32
        %add3A_437 = arith.addi %mul3A_2, %mul3A_436 : i32
        %add3A_438 = arith.constant 4096 : i32
        %add3A_439 = arith.addi %add3A_437, %add3A_438 : i32
        %min3A_440 = arith.constant 7077880 : i32
        %min3A_441 = arith.minsi %add3A_439, %min3A_440 : i32
        %dma_start3A_442 = arith.constant 1 : i32
        %dma_start3A_443 = arith.constant 0 : i32
        %dma_start3A_444 = tpu.memref_slice %arg7[%dma_start3A_442, %dma_start3A_443] : memref<2x4104xf32, #tpu.memory_space<vmem>> -> memref<1x4096xf32, #tpu.memory_space<vmem>>
        %dma_start3A_445 = tpu.memref_squeeze %dma_start3A_444 : memref<1x4096xf32, #tpu.memory_space<vmem>> -> memref<4096xf32, #tpu.memory_space<vmem>>
        %dma_start3A_446 = tpu.memref_slice %arg2[%add3A_437] : memref<7077888xf32, #tpu.memory_space<hbm>> -> memref<4096xf32, #tpu.memory_space<hbm>>
        %dma_start3A_447 = arith.constant 0 : i32
        %dma_start3A_448 = tpu.memref_slice %arg7[%dma_start3A_442, %dma_start3A_447] : memref<2x4104xf32, #tpu.memory_space<vmem>> -> memref<1x4096xf32, #tpu.memory_space<vmem>>
        %dma_start3A_449 = tpu.memref_squeeze %dma_start3A_448 : memref<1x4096xf32, #tpu.memory_space<vmem>> -> memref<4096xf32, #tpu.memory_space<vmem>>
        %dma_start3A_450 = tpu.memref_slice %arg2[%add3A_437] : memref<7077888xf32, #tpu.memory_space<hbm>> -> memref<4096xf32, #tpu.memory_space<hbm>>
        tpu.enqueue_dma source(%dma_start3A_450 : memref<4096xf32, #tpu.memory_space<hbm>>) target(%dma_start3A_449 : memref<4096xf32, #tpu.memory_space<vmem>>) target_semaphore(%arg14 : memref<!tpu.dma_semaphore, #tpu.memory_space<semaphore_mem>>)
        %dma_start3A_451 = arith.constant 1 : i32
        %dma_start3A_452 = arith.constant 4096 : i32
        %dma_start3A_453 = tpu.memref_slice %arg7[%dma_start3A_451, %dma_start3A_452] : memref<2x4104xf32, #tpu.memory_space<vmem>> -> memref<1x8xf32, #tpu.memory_space<vmem>>
        %dma_start3A_454 = tpu.memref_squeeze %dma_start3A_453 : memref<1x8xf32, #tpu.memory_space<vmem>> -> memref<8xf32, #tpu.memory_space<vmem>>
        %dma_start3A_455 = tpu.memref_slice %arg2[%min3A_441] : memref<7077888xf32, #tpu.memory_space<hbm>> -> memref<8xf32, #tpu.memory_space<hbm>>
        %dma_start3A_456 = arith.constant 4096 : i32
        %dma_start3A_457 = tpu.memref_slice %arg7[%dma_start3A_451, %dma_start3A_456] : memref<2x4104xf32, #tpu.memory_space<vmem>> -> memref<1x8xf32, #tpu.memory_space<vmem>>
        %dma_start3A_458 = tpu.memref_squeeze %dma_start3A_457 : memref<1x8xf32, #tpu.memory_space<vmem>> -> memref<8xf32, #tpu.memory_space<vmem>>
        %dma_start3A_459 = tpu.memref_slice %arg2[%min3A_441] : memref<7077888xf32, #tpu.memory_space<hbm>> -> memref<8xf32, #tpu.memory_space<hbm>>
        tpu.enqueue_dma source(%dma_start3A_459 : memref<8xf32, #tpu.memory_space<hbm>>) target(%dma_start3A_458 : memref<8xf32, #tpu.memory_space<vmem>>) target_semaphore(%arg14 : memref<!tpu.dma_semaphore, #tpu.memory_space<semaphore_mem>>)
        %dma_start3A_460 = arith.constant 1 : i32
        %dma_start3A_461 = arith.constant 0 : i32
        %dma_start3A_462 = tpu.memref_slice %arg8[%dma_start3A_460, %dma_start3A_461] : memref<2x4104xf32, #tpu.memory_space<vmem>> -> memref<1x4096xf32, #tpu.memory_space<vmem>>
        %dma_start3A_463 = tpu.memref_squeeze %dma_start3A_462 : memref<1x4096xf32, #tpu.memory_space<vmem>> -> memref<4096xf32, #tpu.memory_space<vmem>>
        %dma_start3A_464 = tpu.memref_slice %arg3[%add3A_437] : memref<7077888xf32, #tpu.memory_space<hbm>> -> memref<4096xf32, #tpu.memory_space<hbm>>
        %dma_start3A_465 = arith.constant 0 : i32
        %dma_start3A_466 = tpu.memref_slice %arg8[%dma_start3A_460, %dma_start3A_465] : memref<2x4104xf32, #tpu.memory_space<vmem>> -> memref<1x4096xf32, #tpu.memory_space<vmem>>
        %dma_start3A_467 = tpu.memref_squeeze %dma_start3A_466 : memref<1x4096xf32, #tpu.memory_space<vmem>> -> memref<4096xf32, #tpu.memory_space<vmem>>
        %dma_start3A_468 = tpu.memref_slice %arg3[%add3A_437] : memref<7077888xf32, #tpu.memory_space<hbm>> -> memref<4096xf32, #tpu.memory_space<hbm>>
        tpu.enqueue_dma source(%dma_start3A_468 : memref<4096xf32, #tpu.memory_space<hbm>>) target(%dma_start3A_467 : memref<4096xf32, #tpu.memory_space<vmem>>) target_semaphore(%arg14 : memref<!tpu.dma_semaphore, #tpu.memory_space<semaphore_mem>>)
        %dma_start3A_469 = arith.constant 1 : i32
        %dma_start3A_470 = arith.constant 4096 : i32
        %dma_start3A_471 = tpu.memref_slice %arg8[%dma_start3A_469, %dma_start3A_470] : memref<2x4104xf32, #tpu.memory_space<vmem>> -> memref<1x8xf32, #tpu.memory_space<vmem>>
        %dma_start3A_472 = tpu.memref_squeeze %dma_start3A_471 : memref<1x8xf32, #tpu.memory_space<vmem>> -> memref<8xf32, #tpu.memory_space<vmem>>
        %dma_start3A_473 = tpu.memref_slice %arg3[%min3A_441] : memref<7077888xf32, #tpu.memory_space<hbm>> -> memref<8xf32, #tpu.memory_space<hbm>>
        %dma_start3A_474 = arith.constant 4096 : i32
        %dma_start3A_475 = tpu.memref_slice %arg8[%dma_start3A_469, %dma_start3A_474] : memref<2x4104xf32, #tpu.memory_space<vmem>> -> memref<1x8xf32, #tpu.memory_space<vmem>>
        %dma_start3A_476 = tpu.memref_squeeze %dma_start3A_475 : memref<1x8xf32, #tpu.memory_space<vmem>> -> memref<8xf32, #tpu.memory_space<vmem>>
        %dma_start3A_477 = tpu.memref_slice %arg3[%min3A_441] : memref<7077888xf32, #tpu.memory_space<hbm>> -> memref<8xf32, #tpu.memory_space<hbm>>
        tpu.enqueue_dma source(%dma_start3A_477 : memref<8xf32, #tpu.memory_space<hbm>>) target(%dma_start3A_476 : memref<8xf32, #tpu.memory_space<vmem>>) target_semaphore(%arg14 : memref<!tpu.dma_semaphore, #tpu.memory_space<semaphore_mem>>)
        %dma_start3A_478 = arith.constant 1 : i32
        %dma_start3A_479 = arith.constant 0 : i32
        %dma_start3A_480 = tpu.memref_slice %arg9[%dma_start3A_478, %dma_start3A_479] : memref<2x4104xf32, #tpu.memory_space<vmem>> -> memref<1x4096xf32, #tpu.memory_space<vmem>>
        %dma_start3A_481 = tpu.memref_squeeze %dma_start3A_480 : memref<1x4096xf32, #tpu.memory_space<vmem>> -> memref<4096xf32, #tpu.memory_space<vmem>>
        %dma_start3A_482 = tpu.memref_slice %arg4[%add3A_437] : memref<7077888xf32, #tpu.memory_space<hbm>> -> memref<4096xf32, #tpu.memory_space<hbm>>
        %dma_start3A_483 = arith.constant 0 : i32
        %dma_start3A_484 = tpu.memref_slice %arg9[%dma_start3A_478, %dma_start3A_483] : memref<2x4104xf32, #tpu.memory_space<vmem>> -> memref<1x4096xf32, #tpu.memory_space<vmem>>
        %dma_start3A_485 = tpu.memref_squeeze %dma_start3A_484 : memref<1x4096xf32, #tpu.memory_space<vmem>> -> memref<4096xf32, #tpu.memory_space<vmem>>
        %dma_start3A_486 = tpu.memref_slice %arg4[%add3A_437] : memref<7077888xf32, #tpu.memory_space<hbm>> -> memref<4096xf32, #tpu.memory_space<hbm>>
        tpu.enqueue_dma source(%dma_start3A_486 : memref<4096xf32, #tpu.memory_space<hbm>>) target(%dma_start3A_485 : memref<4096xf32, #tpu.memory_space<vmem>>) target_semaphore(%arg14 : memref<!tpu.dma_semaphore, #tpu.memory_space<semaphore_mem>>)
        %dma_start3A_487 = arith.constant 1 : i32
        %dma_start3A_488 = arith.constant 4096 : i32
        %dma_start3A_489 = tpu.memref_slice %arg9[%dma_start3A_487, %dma_start3A_488] : memref<2x4104xf32, #tpu.memory_space<vmem>> -> memref<1x8xf32, #tpu.memory_space<vmem>>
        %dma_start3A_490 = tpu.memref_squeeze %dma_start3A_489 : memref<1x8xf32, #tpu.memory_space<vmem>> -> memref<8xf32, #tpu.memory_space<vmem>>
        %dma_start3A_491 = tpu.memref_slice %arg4[%min3A_441] : memref<7077888xf32, #tpu.memory_space<hbm>> -> memref<8xf32, #tpu.memory_space<hbm>>
        %dma_start3A_492 = arith.constant 4096 : i32
        %dma_start3A_493 = tpu.memref_slice %arg9[%dma_start3A_487, %dma_start3A_492] : memref<2x4104xf32, #tpu.memory_space<vmem>> -> memref<1x8xf32, #tpu.memory_space<vmem>>
        %dma_start3A_494 = tpu.memref_squeeze %dma_start3A_493 : memref<1x8xf32, #tpu.memory_space<vmem>> -> memref<8xf32, #tpu.memory_space<vmem>>
        %dma_start3A_495 = tpu.memref_slice %arg4[%min3A_441] : memref<7077888xf32, #tpu.memory_space<hbm>> -> memref<8xf32, #tpu.memory_space<hbm>>
        tpu.enqueue_dma source(%dma_start3A_495 : memref<8xf32, #tpu.memory_space<hbm>>) target(%dma_start3A_494 : memref<8xf32, #tpu.memory_space<vmem>>) target_semaphore(%arg14 : memref<!tpu.dma_semaphore, #tpu.memory_space<semaphore_mem>>)
        %dma_start3A_496 = arith.constant 1 : i32
        %dma_start3A_497 = arith.constant 0 : i32
        %dma_start3A_498 = tpu.memref_slice %arg10[%dma_start3A_496, %dma_start3A_497] : memref<2x4104xf32, #tpu.memory_space<vmem>> -> memref<1x4096xf32, #tpu.memory_space<vmem>>
        %dma_start3A_499 = tpu.memref_squeeze %dma_start3A_498 : memref<1x4096xf32, #tpu.memory_space<vmem>> -> memref<4096xf32, #tpu.memory_space<vmem>>
        %dma_start3A_500 = tpu.memref_slice %arg5[%add3A_437] : memref<7077888xf32, #tpu.memory_space<hbm>> -> memref<4096xf32, #tpu.memory_space<hbm>>
        %dma_start3A_501 = arith.constant 0 : i32
        %dma_start3A_502 = tpu.memref_slice %arg10[%dma_start3A_496, %dma_start3A_501] : memref<2x4104xf32, #tpu.memory_space<vmem>> -> memref<1x4096xf32, #tpu.memory_space<vmem>>
        %dma_start3A_503 = tpu.memref_squeeze %dma_start3A_502 : memref<1x4096xf32, #tpu.memory_space<vmem>> -> memref<4096xf32, #tpu.memory_space<vmem>>
        %dma_start3A_504 = tpu.memref_slice %arg5[%add3A_437] : memref<7077888xf32, #tpu.memory_space<hbm>> -> memref<4096xf32, #tpu.memory_space<hbm>>
        tpu.enqueue_dma source(%dma_start3A_504 : memref<4096xf32, #tpu.memory_space<hbm>>) target(%dma_start3A_503 : memref<4096xf32, #tpu.memory_space<vmem>>) target_semaphore(%arg14 : memref<!tpu.dma_semaphore, #tpu.memory_space<semaphore_mem>>)
        %dma_start3A_505 = arith.constant 1 : i32
        %dma_start3A_506 = arith.constant 4096 : i32
        %dma_start3A_507 = tpu.memref_slice %arg10[%dma_start3A_505, %dma_start3A_506] : memref<2x4104xf32, #tpu.memory_space<vmem>> -> memref<1x8xf32, #tpu.memory_space<vmem>>
        %dma_start3A_508 = tpu.memref_squeeze %dma_start3A_507 : memref<1x8xf32, #tpu.memory_space<vmem>> -> memref<8xf32, #tpu.memory_space<vmem>>
        %dma_start3A_509 = tpu.memref_slice %arg5[%min3A_441] : memref<7077888xf32, #tpu.memory_space<hbm>> -> memref<8xf32, #tpu.memory_space<hbm>>
        %dma_start3A_510 = arith.constant 4096 : i32
        %dma_start3A_511 = tpu.memref_slice %arg10[%dma_start3A_505, %dma_start3A_510] : memref<2x4104xf32, #tpu.memory_space<vmem>> -> memref<1x8xf32, #tpu.memory_space<vmem>>
        %dma_start3A_512 = tpu.memref_squeeze %dma_start3A_511 : memref<1x8xf32, #tpu.memory_space<vmem>> -> memref<8xf32, #tpu.memory_space<vmem>>
        %dma_start3A_513 = tpu.memref_slice %arg5[%min3A_441] : memref<7077888xf32, #tpu.memory_space<hbm>> -> memref<8xf32, #tpu.memory_space<hbm>>
        tpu.enqueue_dma source(%dma_start3A_513 : memref<8xf32, #tpu.memory_space<hbm>>) target(%dma_start3A_512 : memref<8xf32, #tpu.memory_space<vmem>>) target_semaphore(%arg14 : memref<!tpu.dma_semaphore, #tpu.memory_space<semaphore_mem>>)
      } else {
      }
    }
    %scan3A_159 = arith.constant 27 : i32
    %add3A_160 = arith.constant 212992 : i32
    %add3A_161 = arith.addi %mul3A_2, %add3A_160 : i32
    %dma_wait3A = arith.constant 0 : i32
    %dma_wait3A_162 = tpu.memref_slice %arg6[%add3A_161, %dma_wait3A] : memref<7077888x8xf32, #tpu.memory_space<hbm>> -> memref<4096x8xf32, #tpu.memory_space<hbm>>
    %dma_wait3A_163 = arith.constant 0 : i32
    %dma_wait3A_164 = tpu.memref_slice %arg6[%add3A_161, %dma_wait3A_163] : memref<7077888x8xf32, #tpu.memory_space<hbm>> -> memref<4096x8xf32, #tpu.memory_space<hbm>>
    tpu.wait_dma2 semaphore(%arg15 : memref<!tpu.dma_semaphore, #tpu.memory_space<semaphore_mem>>) src(%arg11 : memref<4096x8xf32, #tpu.memory_space<vmem>>) dst(%dma_wait3A_164 : memref<4096x8xf32, #tpu.memory_space<hbm>>)
    %add3A_165 = arith.constant 217088 : i32
    %add3A_166 = arith.addi %mul3A_2, %add3A_165 : i32
    %dma_wait3A_167 = arith.constant 0 : i32
    %dma_wait3A_168 = tpu.memref_slice %arg6[%add3A_166, %dma_wait3A_167] : memref<7077888x8xf32, #tpu.memory_space<hbm>> -> memref<4096x8xf32, #tpu.memory_space<hbm>>
    %dma_wait3A_169 = arith.constant 0 : i32
    %dma_wait3A_170 = tpu.memref_slice %arg6[%add3A_166, %dma_wait3A_169] : memref<7077888x8xf32, #tpu.memory_space<hbm>> -> memref<4096x8xf32, #tpu.memory_space<hbm>>
    tpu.wait_dma2 semaphore(%arg16 : memref<!tpu.dma_semaphore, #tpu.memory_space<semaphore_mem>>) src(%arg12 : memref<4096x8xf32, #tpu.memory_space<vmem>>) dst(%dma_wait3A_170 : memref<4096x8xf32, #tpu.memory_space<hbm>>)
    return
  }
}

module attributes {stable_mosaic.version = 14 : i64} {
  func.func @_stage_a_body(%arg0: memref<4096x3xf32, #tpu.memory_space<vmem>>, %arg1: memref<4096x3xf32, #tpu.memory_space<vmem>>, %arg2: memref<4096x192xi32, #tpu.memory_space<vmem>>, %arg3: memref<4096x192xf32, #tpu.memory_space<vmem>>, %arg4: memref<4096x192xf32, #tpu.memory_space<vmem>>, %arg5: memref<4096x192xf32, #tpu.memory_space<vmem>>, %arg6: memref<4096x1xf32, #tpu.memory_space<vmem>>) attributes {dimension_semantics = [], scalar_prefetch = 0 : i64, scratch_operands = 0 : i64, tpu.core_type = #tpu.core_type<tc>} {
    %get3A = arith.constant 0 : index
    %get3A_0 = arith.constant 0 : index
    %get3A_1 = vector.load %arg0[%get3A, %get3A_0] : memref<4096x3xf32, #tpu.memory_space<vmem>>, vector<4096x3xf32>
    %get3A_2 = arith.constant 0 : index
    %get3A_3 = arith.constant 0 : index
    %get3A_4 = vector.load %arg1[%get3A_2, %get3A_3] : memref<4096x3xf32, #tpu.memory_space<vmem>>, vector<4096x3xf32>
    %sub3A = arith.constant 1.000000e+00 : f32
    %sub3A_5 = vector.broadcast %sub3A : f32 to vector<4096x3xf32>
    %sub3A_6 = arith.subf %sub3A_5, %get3A_1 : vector<4096x3xf32>
    %div3A = arith.divf %sub3A_6, %get3A_4 : vector<4096x3xf32>
    %sub3A_7 = arith.constant -1.000000e+00 : f32
    %sub3A_8 = vector.broadcast %sub3A_7 : f32 to vector<4096x3xf32>
    %sub3A_9 = arith.subf %sub3A_8, %get3A_1 : vector<4096x3xf32>
    %div3A_10 = arith.divf %sub3A_9, %get3A_4 : vector<4096x3xf32>
    %min3A = arith.minimumf %div3A, %div3A_10 : vector<4096x3xf32>
    %reduce_max3A = arith.constant dense<0xFF800000> : vector<4096xf32>
    %reduce_max3A_11 = vector.multi_reduction <maximumf>, %min3A, %reduce_max3A [1] : vector<4096x3xf32> to vector<4096xf32>
    %broadcast_in_dim3A = vector.shape_cast %reduce_max3A_11 : vector<4096xf32> to vector<4096x1xf32>
    %jit3A = arith.constant 2.000000e-01 : f32
    %jit3A_12 = arith.constant 3.000000e+00 : f32
    %max3A = vector.broadcast %jit3A : f32 to vector<4096x1xf32>
    %max3A_13 = arith.maximumf %max3A, %broadcast_in_dim3A : vector<4096x1xf32>
    %min3A_14 = vector.broadcast %jit3A_12 : f32 to vector<4096x1xf32>
    %min3A_15 = arith.minimumf %min3A_14, %max3A_13 : vector<4096x1xf32>
    %swap3A = arith.constant 0 : index
    %swap3A_16 = arith.constant 0 : index
    %swap3A_17 = vector.load %arg6[%swap3A, %swap3A_16] : memref<4096x1xf32, #tpu.memory_space<vmem>>, vector<4096x1xf32>
    tpu.vector_store %arg6[%swap3A, %swap3A_16], %min3A_15 {strides = array<i32>} : memref<4096x1xf32, #tpu.memory_space<vmem>>, vector<4096x1xf32>,
    %iota3A = tpu.iota {dimensions = array<i32: 1>} : vector<1x192xi32>
    %convert_element_type3A = arith.sitofp %iota3A : vector<1x192xi32> to vector<1x192xf32>
    %mul3A = arith.constant 0.0180421956 : f32
    %mul3A_18 = vector.broadcast %mul3A : f32 to vector<1x192xf32>
    %mul3A_19 = arith.mulf %convert_element_type3A, %mul3A_18 : vector<1x192xf32>
    %add3A = vector.broadcast %min3A_15 : vector<4096x1xf32> to vector<4096x192xf32>
    %add3A_20 = vector.broadcast %mul3A_19 : vector<1x192xf32> to vector<4096x192xf32>
    %add3A_21 = arith.addf %add3A, %add3A_20 : vector<4096x192xf32>
    %slice3A = vector.extract_strided_slice %get3A_1 {offsets = [0, 0], sizes = [4096, 1], strides = [1, 1]} : vector<4096x3xf32> to vector<4096x1xf32>
    %slice3A_22 = vector.extract_strided_slice %get3A_4 {offsets = [0, 0], sizes = [4096, 1], strides = [1, 1]} : vector<4096x3xf32> to vector<4096x1xf32>
    %mul3A_23 = vector.broadcast %slice3A_22 : vector<4096x1xf32> to vector<4096x192xf32>
    %mul3A_24 = arith.mulf %mul3A_23, %add3A_21 : vector<4096x192xf32>
    %add3A_25 = vector.broadcast %slice3A : vector<4096x1xf32> to vector<4096x192xf32>
    %add3A_26 = arith.addf %add3A_25, %mul3A_24 : vector<4096x192xf32>
    %add3A_27 = arith.constant 1.000000e+00 : f32
    %add3A_28 = vector.broadcast %add3A_27 : f32 to vector<4096x192xf32>
    %add3A_29 = arith.addf %add3A_26, %add3A_28 : vector<4096x192xf32>
    %mul3A_30 = arith.constant 9.550000e+01 : f32
    %mul3A_31 = vector.broadcast %mul3A_30 : f32 to vector<4096x192xf32>
    %mul3A_32 = arith.mulf %add3A_29, %mul3A_31 : vector<4096x192xf32>
    %jit3A_33 = arith.constant 0.000000e+00 : f32
    %jit3A_34 = arith.constant 1.910000e+02 : f32
    %max3A_35 = vector.broadcast %jit3A_33 : f32 to vector<4096x192xf32>
    %max3A_36 = arith.maximumf %max3A_35, %mul3A_32 : vector<4096x192xf32>
    %min3A_37 = vector.broadcast %jit3A_34 : f32 to vector<4096x192xf32>
    %min3A_38 = arith.minimumf %min3A_37, %max3A_36 : vector<4096x192xf32>
    %floor3A = math.floor %min3A_38 : vector<4096x192xf32>
    %jit3A_39 = arith.constant 0.000000e+00 : f32
    %jit3A_40 = arith.constant 1.900000e+02 : f32
    %max3A_41 = vector.broadcast %jit3A_39 : f32 to vector<4096x192xf32>
    %max3A_42 = arith.maximumf %max3A_41, %floor3A : vector<4096x192xf32>
    %min3A_43 = vector.broadcast %jit3A_40 : f32 to vector<4096x192xf32>
    %min3A_44 = arith.minimumf %min3A_43, %max3A_42 : vector<4096x192xf32>
    %sub3A_45 = arith.subf %min3A_38, %min3A_44 : vector<4096x192xf32>
    %swap3A_46 = arith.constant 0 : index
    %swap3A_47 = arith.constant 0 : index
    %swap3A_48 = vector.load %arg3[%swap3A_46, %swap3A_47] : memref<4096x192xf32, #tpu.memory_space<vmem>>, vector<4096x192xf32>
    tpu.vector_store %arg3[%swap3A_46, %swap3A_47], %sub3A_45 {strides = array<i32>} : memref<4096x192xf32, #tpu.memory_space<vmem>>, vector<4096x192xf32>,
    %convert_element_type3A_49 = arith.fptosi %min3A_44 : vector<4096x192xf32> to vector<4096x192xi32>
    %mul3A_50 = arith.constant 36864 : i32
    %mul3A_51 = vector.broadcast %mul3A_50 : i32 to vector<4096x192xi32>
    %mul3A_52 = arith.muli %convert_element_type3A_49, %mul3A_51 : vector<4096x192xi32>
    %slice3A_53 = vector.extract_strided_slice %get3A_1 {offsets = [0, 1], sizes = [4096, 1], strides = [1, 1]} : vector<4096x3xf32> to vector<4096x1xf32>
    %slice3A_54 = vector.extract_strided_slice %get3A_4 {offsets = [0, 1], sizes = [4096, 1], strides = [1, 1]} : vector<4096x3xf32> to vector<4096x1xf32>
    %mul3A_55 = vector.broadcast %slice3A_54 : vector<4096x1xf32> to vector<4096x192xf32>
    %mul3A_56 = arith.mulf %mul3A_55, %add3A_21 : vector<4096x192xf32>
    %add3A_57 = vector.broadcast %slice3A_53 : vector<4096x1xf32> to vector<4096x192xf32>
    %add3A_58 = arith.addf %add3A_57, %mul3A_56 : vector<4096x192xf32>
    %add3A_59 = arith.constant 1.000000e+00 : f32
    %add3A_60 = vector.broadcast %add3A_59 : f32 to vector<4096x192xf32>
    %add3A_61 = arith.addf %add3A_58, %add3A_60 : vector<4096x192xf32>
    %mul3A_62 = arith.constant 9.550000e+01 : f32
    %mul3A_63 = vector.broadcast %mul3A_62 : f32 to vector<4096x192xf32>
    %mul3A_64 = arith.mulf %add3A_61, %mul3A_63 : vector<4096x192xf32>
    %jit3A_65 = arith.constant 0.000000e+00 : f32
    %jit3A_66 = arith.constant 1.910000e+02 : f32
    %max3A_67 = vector.broadcast %jit3A_65 : f32 to vector<4096x192xf32>
    %max3A_68 = arith.maximumf %max3A_67, %mul3A_64 : vector<4096x192xf32>
    %min3A_69 = vector.broadcast %jit3A_66 : f32 to vector<4096x192xf32>
    %min3A_70 = arith.minimumf %min3A_69, %max3A_68 : vector<4096x192xf32>
    %floor3A_71 = math.floor %min3A_70 : vector<4096x192xf32>
    %jit3A_72 = arith.constant 0.000000e+00 : f32
    %jit3A_73 = arith.constant 1.900000e+02 : f32
    %max3A_74 = vector.broadcast %jit3A_72 : f32 to vector<4096x192xf32>
    %max3A_75 = arith.maximumf %max3A_74, %floor3A_71 : vector<4096x192xf32>
    %min3A_76 = vector.broadcast %jit3A_73 : f32 to vector<4096x192xf32>
    %min3A_77 = arith.minimumf %min3A_76, %max3A_75 : vector<4096x192xf32>
    %sub3A_78 = arith.subf %min3A_70, %min3A_77 : vector<4096x192xf32>
    %swap3A_79 = arith.constant 0 : index
    %swap3A_80 = arith.constant 0 : index
    %swap3A_81 = vector.load %arg4[%swap3A_79, %swap3A_80] : memref<4096x192xf32, #tpu.memory_space<vmem>>, vector<4096x192xf32>
    tpu.vector_store %arg4[%swap3A_79, %swap3A_80], %sub3A_78 {strides = array<i32>} : memref<4096x192xf32, #tpu.memory_space<vmem>>, vector<4096x192xf32>,
    %convert_element_type3A_82 = arith.fptosi %min3A_77 : vector<4096x192xf32> to vector<4096x192xi32>
    %mul3A_83 = arith.constant 192 : i32
    %mul3A_84 = vector.broadcast %mul3A_83 : i32 to vector<4096x192xi32>
    %mul3A_85 = arith.muli %convert_element_type3A_82, %mul3A_84 : vector<4096x192xi32>
    %add3A_86 = arith.addi %mul3A_52, %mul3A_85 : vector<4096x192xi32>
    %slice3A_87 = vector.extract_strided_slice %get3A_1 {offsets = [0, 2], sizes = [4096, 1], strides = [1, 1]} : vector<4096x3xf32> to vector<4096x1xf32>
    %slice3A_88 = vector.extract_strided_slice %get3A_4 {offsets = [0, 2], sizes = [4096, 1], strides = [1, 1]} : vector<4096x3xf32> to vector<4096x1xf32>
    %mul3A_89 = vector.broadcast %slice3A_88 : vector<4096x1xf32> to vector<4096x192xf32>
    %mul3A_90 = arith.mulf %mul3A_89, %add3A_21 : vector<4096x192xf32>
    %add3A_91 = vector.broadcast %slice3A_87 : vector<4096x1xf32> to vector<4096x192xf32>
    %add3A_92 = arith.addf %add3A_91, %mul3A_90 : vector<4096x192xf32>
    %add3A_93 = arith.constant 1.000000e+00 : f32
    %add3A_94 = vector.broadcast %add3A_93 : f32 to vector<4096x192xf32>
    %add3A_95 = arith.addf %add3A_92, %add3A_94 : vector<4096x192xf32>
    %mul3A_96 = arith.constant 9.550000e+01 : f32
    %mul3A_97 = vector.broadcast %mul3A_96 : f32 to vector<4096x192xf32>
    %mul3A_98 = arith.mulf %add3A_95, %mul3A_97 : vector<4096x192xf32>
    %jit3A_99 = arith.constant 0.000000e+00 : f32
    %jit3A_100 = arith.constant 1.910000e+02 : f32
    %max3A_101 = vector.broadcast %jit3A_99 : f32 to vector<4096x192xf32>
    %max3A_102 = arith.maximumf %max3A_101, %mul3A_98 : vector<4096x192xf32>
    %min3A_103 = vector.broadcast %jit3A_100 : f32 to vector<4096x192xf32>
    %min3A_104 = arith.minimumf %min3A_103, %max3A_102 : vector<4096x192xf32>
    %floor3A_105 = math.floor %min3A_104 : vector<4096x192xf32>
    %jit3A_106 = arith.constant 0.000000e+00 : f32
    %jit3A_107 = arith.constant 1.900000e+02 : f32
    %max3A_108 = vector.broadcast %jit3A_106 : f32 to vector<4096x192xf32>
    %max3A_109 = arith.maximumf %max3A_108, %floor3A_105 : vector<4096x192xf32>
    %min3A_110 = vector.broadcast %jit3A_107 : f32 to vector<4096x192xf32>
    %min3A_111 = arith.minimumf %min3A_110, %max3A_109 : vector<4096x192xf32>
    %sub3A_112 = arith.subf %min3A_104, %min3A_111 : vector<4096x192xf32>
    %swap3A_113 = arith.constant 0 : index
    %swap3A_114 = arith.constant 0 : index
    %swap3A_115 = vector.load %arg5[%swap3A_113, %swap3A_114] : memref<4096x192xf32, #tpu.memory_space<vmem>>, vector<4096x192xf32>
    tpu.vector_store %arg5[%swap3A_113, %swap3A_114], %sub3A_112 {strides = array<i32>} : memref<4096x192xf32, #tpu.memory_space<vmem>>, vector<4096x192xf32>,
    %convert_element_type3A_116 = arith.fptosi %min3A_111 : vector<4096x192xf32> to vector<4096x192xi32>
    %mul3A_117 = arith.constant 1 : i32
    %mul3A_118 = vector.broadcast %mul3A_117 : i32 to vector<4096x192xi32>
    %mul3A_119 = arith.muli %convert_element_type3A_116, %mul3A_118 : vector<4096x192xi32>
    %add3A_120 = arith.addi %add3A_86, %mul3A_119 : vector<4096x192xi32>
    %swap3A_121 = arith.constant 0 : index
    %swap3A_122 = arith.constant 0 : index
    %swap3A_123 = vector.load %arg2[%swap3A_121, %swap3A_122] : memref<4096x192xi32, #tpu.memory_space<vmem>>, vector<4096x192xi32>
    tpu.vector_store %arg2[%swap3A_121, %swap3A_122], %add3A_120 {strides = array<i32>} : memref<4096x192xi32, #tpu.memory_space<vmem>>, vector<4096x192xi32>,
    return
  }
}

module attributes {stable_mosaic.version = 14 : i64} {
  func.func @_stage_c_body(%arg0: memref<4096x192xf32, #tpu.memory_space<vmem>>, %arg1: memref<4096x192xf32, #tpu.memory_space<vmem>>, %arg2: memref<4096x192xf32, #tpu.memory_space<vmem>>, %arg3: memref<4096x192xf32, #tpu.memory_space<vmem>>, %arg4: memref<4096x1xf32, #tpu.memory_space<vmem>>, %arg5: memref<4096x4xf32, #tpu.memory_space<vmem>>) attributes {dimension_semantics = [], scalar_prefetch = 0 : i64, scratch_operands = 0 : i64, tpu.core_type = #tpu.core_type<tc>} {
    %get3A = arith.constant 0 : index
    %get3A_0 = arith.constant 0 : index
    %get3A_1 = vector.load %arg0[%get3A, %get3A_0] : memref<4096x192xf32, #tpu.memory_space<vmem>>, vector<4096x192xf32>
    %iota3A = tpu.iota {dimensions = array<i32: 1>} : vector<1x192xi32>
    %lt3A = arith.constant 191 : i32
    %lt3A_2 = vector.broadcast %lt3A : i32 to vector<1x192xi32>
    %lt3A_3 = arith.cmpi slt, %iota3A, %lt3A_2 : vector<1x192xi32>
    %max3A = arith.constant 0.000000e+00 : f32
    %max3A_4 = vector.broadcast %max3A : f32 to vector<4096x192xf32>
    %max3A_5 = arith.maximumf %get3A_1, %max3A_4 : vector<4096x192xf32>
    %abs3A = math.absf %get3A_1 : vector<4096x192xf32>
    %neg3A = arith.constant 0.000000e+00 : f32
    %neg3A_6 = vector.broadcast %neg3A : f32 to vector<4096x192xf32>
    %neg3A_7 = arith.subf %neg3A_6, %abs3A : vector<4096x192xf32>
    %exp3A = math.exp %neg3A_7 : vector<4096x192xf32>
    %add3A = arith.constant 1.000000e+00 : f32
    %add3A_8 = vector.broadcast %add3A : f32 to vector<4096x192xf32>
    %add3A_9 = arith.addf %add3A_8, %exp3A : vector<4096x192xf32>
    %log3A = math.log %add3A_9 : vector<4096x192xf32>
    %add3A_10 = arith.addf %max3A_5, %log3A : vector<4096x192xf32>
    %neg3A_11 = arith.constant 0.000000e+00 : f32
    %neg3A_12 = vector.broadcast %neg3A_11 : f32 to vector<4096x192xf32>
    %neg3A_13 = arith.subf %neg3A_12, %add3A_10 : vector<4096x192xf32>
    %mul3A = arith.constant 0.0180421956 : f32
    %mul3A_14 = vector.broadcast %mul3A : f32 to vector<4096x192xf32>
    %mul3A_15 = arith.mulf %neg3A_13, %mul3A_14 : vector<4096x192xf32>
    %exp3A_16 = math.exp %mul3A_15 : vector<4096x192xf32>
    %sub3A = arith.constant 1.000000e+00 : f32
    %sub3A_17 = vector.broadcast %sub3A : f32 to vector<4096x192xf32>
    %sub3A_18 = arith.subf %sub3A_17, %exp3A_16 : vector<4096x192xf32>
    %jit3A = arith.constant 0.000000e+00 : f32
    %broadcast_in_dim3A = vector.shape_cast %lt3A_3 : vector<1x192xi1> to vector<1x192xi1>
    %broadcast_in_dim3A_19 = vector.broadcast %broadcast_in_dim3A : vector<1x192xi1> to vector<4096x192xi1>
    %broadcast_in_dim3A_20 = vector.broadcast %jit3A : f32 to vector<4096x192xf32>
    %select_n3A = arith.select %broadcast_in_dim3A_19, %sub3A_18, %broadcast_in_dim3A_20 : vector<4096x192xi1>, vector<4096x192xf32>
    %sub3A_21 = arith.constant 1.000000e+00 : f32
    %sub3A_22 = vector.broadcast %sub3A_21 : f32 to vector<4096x192xf32>
    %sub3A_23 = arith.subf %sub3A_22, %select_n3A : vector<4096x192xf32>
    %add3A_24 = arith.constant 1.000000e-10 : f32
    %add3A_25 = vector.broadcast %add3A_24 : f32 to vector<4096x192xf32>
    %add3A_26 = arith.addf %sub3A_23, %add3A_25 : vector<4096x192xf32>
    %log3A_27 = math.log %add3A_26 : vector<4096x192xf32>
    %iota3A_28 = tpu.iota {dimensions = array<i32: 0>} : vector<192x192xi32>
    %iota3A_29 = tpu.iota {dimensions = array<i32: 1>} : vector<192x192xi32>
    %lt3A_30 = arith.cmpi slt, %iota3A_28, %iota3A_29 : vector<192x192xi32>
    %jit3A_31 = arith.constant 1.000000e+00 : f32
    %jit3A_32 = arith.constant 0.000000e+00 : f32
    %broadcast_in_dim3A_33 = vector.broadcast %jit3A_31 : f32 to vector<192x192xf32>
    %broadcast_in_dim3A_34 = vector.broadcast %jit3A_32 : f32 to vector<192x192xf32>
    %select_n3A_35 = arith.select %lt3A_30, %broadcast_in_dim3A_33, %broadcast_in_dim3A_34 : vector<192x192xi1>, vector<192x192xf32>
    %dot_general3A = arith.constant dense<0.000000e+00> : vector<4096x192xf32>
    %dot_general3A_36 = tpu.matmul %log3A_27, %select_n3A_35, %dot_general3A {dimension_numbers = #tpu.dot_dimension_numbers<[1], [0], [0], [1], [0, 0, 1, 1], [], []>, precision = #tpu.contract_precision<fp32>, transpose_lhs_hint = false} : vector<4096x192xf32>, vector<192x192xf32>, vector<4096x192xf32> -> vector<4096x192xf32>
    %exp3A_37 = math.exp %dot_general3A_36 : vector<4096x192xf32>
    %mul3A_38 = arith.mulf %select_n3A, %exp3A_37 : vector<4096x192xf32>
    %get3A_39 = arith.constant 0 : index
    %get3A_40 = arith.constant 0 : index
    %get3A_41 = vector.load %arg1[%get3A_39, %get3A_40] : memref<4096x192xf32, #tpu.memory_space<vmem>>, vector<4096x192xf32>
    %mul3A_42 = arith.constant 0.282094806 : f32
    %mul3A_43 = vector.broadcast %mul3A_42 : f32 to vector<4096x192xf32>
    %mul3A_44 = arith.mulf %get3A_41, %mul3A_43 : vector<4096x192xf32>
    %neg3A_45 = arith.constant 0.000000e+00 : f32
    %neg3A_46 = vector.broadcast %neg3A_45 : f32 to vector<4096x192xf32>
    %neg3A_47 = arith.subf %neg3A_46, %mul3A_44 : vector<4096x192xf32>
    %exp3A_48 = math.exp %neg3A_47 : vector<4096x192xf32>
    %add3A_49 = arith.constant 1.000000e+00 : f32
    %add3A_50 = vector.broadcast %add3A_49 : f32 to vector<4096x192xf32>
    %add3A_51 = arith.addf %add3A_50, %exp3A_48 : vector<4096x192xf32>
    %div3A = arith.constant 1.000000e+00 : f32
    %div3A_52 = vector.broadcast %div3A : f32 to vector<4096x192xf32>
    %div3A_53 = arith.divf %div3A_52, %add3A_51 : vector<4096x192xf32>
    %mul3A_54 = arith.mulf %mul3A_38, %div3A_53 : vector<4096x192xf32>
    %reduce_sum3A = arith.constant dense<0.000000e+00> : vector<4096xf32>
    %reduce_sum3A_55 = vector.multi_reduction <add>, %mul3A_54, %reduce_sum3A [1] : vector<4096x192xf32> to vector<4096xf32>
    %get3A_56 = arith.constant 0 : index
    %get3A_57 = arith.constant 0 : index
    %get3A_58 = vector.load %arg2[%get3A_56, %get3A_57] : memref<4096x192xf32, #tpu.memory_space<vmem>>, vector<4096x192xf32>
    %mul3A_59 = arith.constant 0.282094806 : f32
    %mul3A_60 = vector.broadcast %mul3A_59 : f32 to vector<4096x192xf32>
    %mul3A_61 = arith.mulf %get3A_58, %mul3A_60 : vector<4096x192xf32>
    %neg3A_62 = arith.constant 0.000000e+00 : f32
    %neg3A_63 = vector.broadcast %neg3A_62 : f32 to vector<4096x192xf32>
    %neg3A_64 = arith.subf %neg3A_63, %mul3A_61 : vector<4096x192xf32>
    %exp3A_65 = math.exp %neg3A_64 : vector<4096x192xf32>
    %add3A_66 = arith.constant 1.000000e+00 : f32
    %add3A_67 = vector.broadcast %add3A_66 : f32 to vector<4096x192xf32>
    %add3A_68 = arith.addf %add3A_67, %exp3A_65 : vector<4096x192xf32>
    %div3A_69 = arith.constant 1.000000e+00 : f32
    %div3A_70 = vector.broadcast %div3A_69 : f32 to vector<4096x192xf32>
    %div3A_71 = arith.divf %div3A_70, %add3A_68 : vector<4096x192xf32>
    %mul3A_72 = arith.mulf %mul3A_38, %div3A_71 : vector<4096x192xf32>
    %reduce_sum3A_73 = arith.constant dense<0.000000e+00> : vector<4096xf32>
    %reduce_sum3A_74 = vector.multi_reduction <add>, %mul3A_72, %reduce_sum3A_73 [1] : vector<4096x192xf32> to vector<4096xf32>
    %get3A_75 = arith.constant 0 : index
    %get3A_76 = arith.constant 0 : index
    %get3A_77 = vector.load %arg3[%get3A_75, %get3A_76] : memref<4096x192xf32, #tpu.memory_space<vmem>>, vector<4096x192xf32>
    %mul3A_78 = arith.constant 0.282094806 : f32
    %mul3A_79 = vector.broadcast %mul3A_78 : f32 to vector<4096x192xf32>
    %mul3A_80 = arith.mulf %get3A_77, %mul3A_79 : vector<4096x192xf32>
    %neg3A_81 = arith.constant 0.000000e+00 : f32
    %neg3A_82 = vector.broadcast %neg3A_81 : f32 to vector<4096x192xf32>
    %neg3A_83 = arith.subf %neg3A_82, %mul3A_80 : vector<4096x192xf32>
    %exp3A_84 = math.exp %neg3A_83 : vector<4096x192xf32>
    %add3A_85 = arith.constant 1.000000e+00 : f32
    %add3A_86 = vector.broadcast %add3A_85 : f32 to vector<4096x192xf32>
    %add3A_87 = arith.addf %add3A_86, %exp3A_84 : vector<4096x192xf32>
    %div3A_88 = arith.constant 1.000000e+00 : f32
    %div3A_89 = vector.broadcast %div3A_88 : f32 to vector<4096x192xf32>
    %div3A_90 = arith.divf %div3A_89, %add3A_87 : vector<4096x192xf32>
    %mul3A_91 = arith.mulf %mul3A_38, %div3A_90 : vector<4096x192xf32>
    %reduce_sum3A_92 = arith.constant dense<0.000000e+00> : vector<4096xf32>
    %reduce_sum3A_93 = vector.multi_reduction <add>, %mul3A_91, %reduce_sum3A_92 [1] : vector<4096x192xf32> to vector<4096xf32>
    %reduce_sum3A_94 = arith.constant dense<0.000000e+00> : vector<4096xf32>
    %reduce_sum3A_95 = vector.multi_reduction <add>, %mul3A_38, %reduce_sum3A_94 [1] : vector<4096x192xf32> to vector<4096xf32>
    %get3A_96 = arith.constant 0 : index
    %get3A_97 = arith.constant 0 : index
    %get3A_98 = vector.load %arg4[%get3A_96, %get3A_97] : memref<4096x1xf32, #tpu.memory_space<vmem>>, vector<4096x1xf32>
    %iota3A_99 = tpu.iota {dimensions = array<i32: 1>} : vector<1x192xi32>
    %convert_element_type3A = arith.sitofp %iota3A_99 : vector<1x192xi32> to vector<1x192xf32>
    %mul3A_100 = arith.constant 0.0180421956 : f32
    %mul3A_101 = vector.broadcast %mul3A_100 : f32 to vector<1x192xf32>
    %mul3A_102 = arith.mulf %convert_element_type3A, %mul3A_101 : vector<1x192xf32>
    %add3A_103 = vector.broadcast %get3A_98 : vector<4096x1xf32> to vector<4096x192xf32>
    %add3A_104 = vector.broadcast %mul3A_102 : vector<1x192xf32> to vector<4096x192xf32>
    %add3A_105 = arith.addf %add3A_103, %add3A_104 : vector<4096x192xf32>
    %mul3A_106 = arith.mulf %mul3A_38, %add3A_105 : vector<4096x192xf32>
    %reduce_sum3A_107 = arith.constant dense<0.000000e+00> : vector<4096xf32>
    %reduce_sum3A_108 = vector.multi_reduction <add>, %mul3A_106, %reduce_sum3A_107 [1] : vector<4096x192xf32> to vector<4096xf32>
    %add3A_109 = arith.constant 1.000000e+00 : f32
    %add3A_110 = vector.broadcast %add3A_109 : f32 to vector<4096xf32>
    %add3A_111 = arith.addf %reduce_sum3A_55, %add3A_110 : vector<4096xf32>
    %sub3A_112 = arith.subf %add3A_111, %reduce_sum3A_95 : vector<4096xf32>
    %add3A_113 = arith.constant 1.000000e+00 : f32
    %add3A_114 = vector.broadcast %add3A_113 : f32 to vector<4096xf32>
    %add3A_115 = arith.addf %reduce_sum3A_74, %add3A_114 : vector<4096xf32>
    %sub3A_116 = arith.subf %add3A_115, %reduce_sum3A_95 : vector<4096xf32>
    %add3A_117 = arith.constant 1.000000e+00 : f32
    %add3A_118 = vector.broadcast %add3A_117 : f32 to vector<4096xf32>
    %add3A_119 = arith.addf %reduce_sum3A_93, %add3A_118 : vector<4096xf32>
    %sub3A_120 = arith.subf %add3A_119, %reduce_sum3A_95 : vector<4096xf32>
    %stack3A = vector.shape_cast %sub3A_112 : vector<4096xf32> to vector<4096x1xf32>
    %stack3A_121 = vector.shape_cast %sub3A_116 : vector<4096xf32> to vector<4096x1xf32>
    %stack3A_122 = vector.shape_cast %sub3A_120 : vector<4096xf32> to vector<4096x1xf32>
    %stack3A_123 = vector.shape_cast %reduce_sum3A_108 : vector<4096xf32> to vector<4096x1xf32>
    %stack3A_124 = tpu.concatenate %stack3A, %stack3A_121, %stack3A_122, %stack3A_123 in 1 : vector<4096x1xf32>, vector<4096x1xf32>, vector<4096x1xf32>, vector<4096x1xf32> -> vector<4096x4xf32>
    %swap3A = arith.constant 0 : index
    %swap3A_125 = arith.constant 0 : index
    %swap3A_126 = vector.load %arg5[%swap3A, %swap3A_125] : memref<4096x4xf32, #tpu.memory_space<vmem>>, vector<4096x4xf32>
    tpu.vector_store %arg5[%swap3A, %swap3A_125], %stack3A_124 {strides = array<i32>} : memref<4096x4xf32, #tpu.memory_space<vmem>>, vector<4096x4xf32>,
    return
  }
}

</mosaic_0001>

<sc_bundles>
// kernel: kernel.6.cloned.1.call-start
scs
__scs_entry_jumppad:
0x0: {  	(pc) =	sbr.rel $0x88, $3  }
0x1: {  	(tag) =	ssettag $0x0;
	lr =	simm.s32 $0x1  }
0x2: {  	[smem:$0x3F9D] =	sst lr;
	_ =	strace $0xD0000000  }
0x3: {  	_ = 	snop  }
0x4: {  	_ = 	snop  }
0x5: {  	_ = 	snop  }
0x6: {  	_ = 	snop  }
0x7: {  	_ = 	snop  }
__scs_overlays_trampoline_lowered:
0x8: {  	[smem:$0x3FAC] =	sst s0  }
0x9: {  	[smem:$0x3FAD] =	sst s1  }
0xa: {  	[smem:$0x3FAE] =	sst s2  }
0xb: {  	[smem:$0x3FAF] =	sst s3  }
0xc: {  	[smem:$0x3FB0] =	sst s4  }
0xd: {  	[smem:$0x3FB1] =	sst s5  }
0xe: {  	[smem:$0x3FB2] =	sst s6  }
0xf: {  	[smem:$0x3FB3] =	sst s7  }
0x10: {  	[smem:$0x3FB4] =	sst s8  }
0x11: {  	[smem:$0x3FB5] =	sst s9;
	s0 =	simm.s32 @!p0 $0x0  }
0x12: {  	s1 =	sld [smem:$0x3F9B];
	s0 =	simm.s32 @p0 $0x1  }
0x13: {  	[smem:$0x3FB6] =	sst s0;
	s0 =	simm.s32 @!p1 $0x0  }
0x14: {  	s2 =	sld [smem:$0x3F9A];
	s0 =	simm.s32 @p1 $0x1  }
0x15: {  	[smem:$0x3FB7] =	sst s0;
	s0 =	simm.s32 @!p2 $0x0  }
0x16: {  	s3 =	sld [smem:$0x3FDB];
	s0 =	simm.s32 @p2 $0x1  }
0x17: {  	s4 =	simm.s32 $0x1BF5;
	[smem:$0x3FB9] =	sst s0  }
0x18: {  	s0 =	sld [smem:$0x3F9C];
	_ =	swait.ge [sflag:s4], $0x0  }
0x19: {  	s7 =	sld [smem:$0x3F9D]  }
0x1a: {  	s8 =	sadd.s32 $0xFFFFE003, lr  }
0x1b: {  	s9 =	sadd.s32 $0xFFFFFEF7, lr;
	s5 =	simm.s32 $0xFFFFFFFF;
	p2 =	slt.u32 s8, $0xFFFFF086  }
0x1c: {  	p1 =	slt.u32 s9, $0xF7A;
	s5 =	simm.s32 @!p2 $0x0  }
0x1d: {  	s5 =	simm.s32 @p1 $0x1;
	p0 =	seq.s32 s7, s2  }
0x1e: {  	s7 =	smul.u32 @!p0 $0xF7A, s2;
	p2 =	seq.s32 @!p0 s5, $0x0  }
0x1f: {  	s9 =	smul.u32 $0xF7A, s1;
	s8 =	simm.s32 @!p0 $0x1BF5;
	p2 =	por !p2, p0  }
0x20: {  	[sflag:s8] =	ssyncset.s32 @!p0 $0xFFFFF086;
	s6 =	sadd.s32 @!p0 s3, s7;
	s7 =	simm.s32 @!p0 $0x108  }
0x21: {  	s3 =	sadd.s32 s3, s9;
	s6 =	sadd.s32 @!p0 $0x88, s6;
	s7 =	simm.s32 @p2 $0x1082  }
0x22: {  	[simem:s7], [sflag:s8] =	dma.local @!p0 [hbm:s6], $0xF7A  }
0x23: {  	s9 =	sor.u32 $0xD0000000, s2;
	s6 =	simm.s32 $0x108;
	_ =	swait.ge @!p0 [sflag:s8], $0x0  }
0x24: {  	s3 =	sadd.s32 $0x88, s3;
	s6 =	simm.s32 @!p1 $0x1082;
	[sflag:s4] =	ssyncset.s32 $0xFFFFF086  }
0x25: {  	[simem:s6], [sflag:s4] =	dma.local [hbm:s3], $0xF7A  }
0x26: {  	[smem:$0x3F9D] =	sst s1;
	(tag) =	ssettag s2;
	_ =	strace s9  }
0x27: {  	s1 =	sld [smem:$0x3FAD]  }
0x28: {  	s2 =	sld [smem:$0x3FAE]  }
0x29: {  	s4 =	sld [smem:$0x3FB0]  }
0x2a: {  	p0 =	seq.s32 s5, $0x0;
	s5 =	sld [smem:$0x3FB1]  }
0x2b: {  	s6 =	sld [smem:$0x3FB2]  }
0x2c: {  	s7 =	sld [smem:$0x3FB3]  }
0x2d: {  	s3 =	simm.s32 $0x108;
	s8 =	sld [smem:$0x3FB4]  }
0x2e: {  	s3 =	simm.s32 @!p0 $0x1082;
	s9 =	sld [smem:$0x3FB5]  }
0x2f: {  	lr =	sadd.s32 s0, s3;
	s0 =	sld [smem:$0x3FAC]  }
0x30: {  	s3 =	sld [smem:$0x3FAF]  }
0x31: {  	[smem:$0x3FB8] =	sst s10  }
0x32: {  	s10 =	sld [smem:$0x3FB6];
	_ =	sdelay $0x3  }
0x33: {  	p0 =	seq.s32 s10, $0x1;
	s10 =	sld [smem:$0x3FB8];
	_ =	sdelay $0x3  }
0x34: {  	[smem:$0x3FB8] =	sst s10  }
0x35: {  	s10 =	sld [smem:$0x3FB7];
	_ =	sdelay $0x3  }
0x36: {  	p1 =	seq.s32 s10, $0x1;
	s10 =	sld [smem:$0x3FB8];
	_ =	sdelay $0x3  }
0x37: {  	[smem:$0x3FB8] =	sst s10  }
0x38: {  	s10 =	sld [smem:$0x3FB9]  }
0x39: {  	_ = 	snop;
	(pc) =	sbr.ind lr, $3  }
0x3a: {  	_ = 	snop  }
0x3b: {  	_ = 	snop  }
0x3c: {  	p2 =	seq.s32 s10, $0x1;
	s10 =	sld [smem:$0x3FB8]  }
0x3d: {  	_ =	shalt  }
0x3e: {  	_ =	shalt  }
0x3f: {  	_ =	shalt  }
0x40: {  	_ =	shalt  }
0x41: {  	_ =	shalt  }
0x42: {  	_ =	shalt  }
0x43: {  	_ =	shalt  }
0x44: {  	_ =	shalt  }
0x45: {  	_ =	shalt  }
0x46: {  	_ =	shalt  }
0x47: {  	_ =	shalt  }
0x48: {  	_ =	shalt  }
0x49: {  	_ =	shalt  }
0x4a: {  	_ =	shalt  }
0x4b: {  	_ =	shalt  }
0x4c: {  	_ =	shalt  }
0x4d: {  	_ =	shalt  }
0x4e: {  	_ =	shalt  }
0x4f: {  	_ =	shalt  }
0x50: {  	_ =	shalt  }
0x51: {  	_ =	shalt  }
0x52: {  	_ =	shalt  }
0x53: {  	_ =	shalt  }
0x54: {  	_ =	shalt  }
0x55: {  	_ =	shalt  }
0x56: {  	_ =	shalt  }
0x57: {  	_ =	shalt  }
0x58: {  	_ =	shalt  }
0x59: {  	_ =	shalt  }
0x5a: {  	_ =	shalt  }
0x5b: {  	_ =	shalt  }
0x5c: {  	_ =	shalt  }
0x5d: {  	_ =	shalt  }
0x5e: {  	_ =	shalt  }
0x5f: {  	_ =	shalt  }
0x60: {  	_ =	shalt  }
0x61: {  	_ =	shalt  }
0x62: {  	_ =	shalt  }
0x63: {  	_ =	shalt  }
0x64: {  	_ =	shalt  }
0x65: {  	_ =	shalt  }
0x66: {  	_ =	shalt  }
0x67: {  	_ =	shalt  }
0x68: {  	_ =	shalt  }
0x69: {  	_ =	shalt  }
0x6a: {  	_ =	shalt  }
0x6b: {  	_ =	shalt  }
0x6c: {  	_ =	shalt  }
0x6d: {  	_ =	shalt  }
0x6e: {  	_ =	shalt  }
0x6f: {  	_ =	shalt  }
0x70: {  	_ =	shalt  }
0x71: {  	_ =	shalt  }
0x72: {  	_ =	shalt  }
0x73: {  	_ =	shalt  }
0x74: {  	_ =	shalt  }
0x75: {  	_ =	shalt  }
0x76: {  	_ =	shalt  }
0x77: {  	_ =	shalt  }
0x78: {  	_ =	shalt  }
0x79: {  	_ =	shalt  }
0x7a: {  	_ =	shalt  }
0x7b: {  	_ =	shalt  }
0x7c: {  	_ =	shalt  }
0x7d: {  	_ =	shalt  }
0x7e: {  	_ =	shalt  }
0x7f: {  	_ =	shalt  }
0x80: {  	_ =	shalt  }
0x81: {  	_ =	shalt  }
0x82: {  	_ =	shalt  }
0x83: {  	_ =	shalt  }
0x84: {  	_ =	shalt  }
0x85: {  	_ =	shalt  }
0x86: {  	_ =	shalt  }
0x87: {  	_ =	shalt  }
.Lfunc_end0:
.L_simem_size_0:
called_computation_lowered:
.L_overlay_start_0:
0x88: {  	s2 =	sld [smem:$0x3FD9]  }
0x89: {  	s3 =	sld [smem:$0x3FFE];
	_ =	sdelay $0x1  }
0x8a: {  	s1 =	srdreg.scid  }
0x8b: {  	s0 =	sand.u32 $0x1, s1  }
0x8c: {  	s16 =	sshll.u32 s0, $0xA;
	s2 =	sadd.s32 s3, s2  }
0x8d: {  	s2 =	sadd.s32 s2, s16  }
0x8e: {  	[smem:$0x3FC4] =	sst s2  }
0x8f: {  	_ = 	snop  }
0x90: {  	(tm) =	ssettm $0x1  }
0x91: {  	s17 =	sld [smem:$0x3FFB];
	_ =	sdelay $0x3  }
0x92: {  	_ =	strace s17  }
0x93: {  	s2 =	sld [smem:$0x3FFC];
	_ =	sdelay $0x3  }
0x94: {  	_ =	strace s2  }
0x95: {  	s2 =	sld [smem:$0x3FFD];
	_ =	sdelay $0x3  }
0x96: {  	_ =	strace s2  }
0x97: {  	_ =	strace $0x8FFFFFFF  }
0x98: {  	s18 =	sld [smem:$0x3FDB];
	_ =	sdelay $0x1  }
0x99: {  	s19 =	simm.s32 $_scs_section_size  }
0x9a: {  	s4 =	simm.s32 $_size__tile_overlayer_lowered;
	s5 =	simm.s32 $_tile_overlayer_lowered  }
0x9b: {  	s22 =	simm.s32 $0x1BFF;
	s21 =	sshll.u32 s5, $0x1;
	s2 =	sadd.s32 s19, s18  }
0x9c: {  	s6 =	simm.s32 $0x0;
	s20 =	sshll.u32 s4, $0x1;
	s4 =	sadd.s32 s21, s2  }
0x9d: {  	[timem:s6], [sflag:s22] =	dma.local [hbm:s4], s20  }
0x9e: {  	_ =	swait.ge [sflag:s22], s20  }
0x9f: {  	s3 =	ssub.s32 $0x0, s20;
	[sflag:s22] =	ssyncset.done $0x0  }
0xa0: {  	[sflag:s22] =	ssyncadd.s32 s3;
	_ =	sdelay $0x1  }
0xa1: {  	s23 =	simm.s32 $0x1B8B  }
0xa2: {  	_ =	swait.ge [sflag:s23], $0x1  }
0xa3: {  	[sflag:s23] =	ssyncset.done $0x0  }
0xa4: {  	s25 =	simm.s32 $0x1B8E;
	s24 =	sld [smem:$0x3FFE];
	[sflag:s23] =	ssyncadd.s32 $0xFFFFFFFF  }
0xa5: {  	s26 =	simm.s32 $execute0_lowered;
	[smem:$0x3FD2] =	sst s25  }
0xa6: {  	s4 =	sshll.u32 s26, $0x1;
	_ =	strace $0x80000046;
	[dreg:$0x1] =	wrdreg $0xFFFFFFFF  }
0xa7: {  	s28 =	simm.s32 $_size_execute0_lowered;
	s2 =	sadd.s32 s2, s4;
	[dreg:$0x0] =	wrdreg $0x0  }
0xa8: {  	s4 =	sshll.u32 s28, $0x1;
	[dreg:$0x2] =	wrdreg s2  }
0xa9: {  	[dreg:$0x3] =	wrdreg s4  }
0xaa: {  	[dreg:$0x4] =	wrdreg $0xC0  }
0xab: {  	_ =	task [dreg:s6], $0x5FFFF  }
0xac: {  	[dreg:$0x1] =	wrdreg $0xFFFFFFFF  }
0xad: {  	[dreg:$0x0] =	wrdreg $0x60  }
0xae: {  	[dreg:$0x2] =	wrdreg s24  }
0xaf: {  	[dreg:$0x3] =	wrdreg $0x9  }
0xb0: {  	_ =	task.clear_ibuf [dreg:s6], $0x4FFFF;
	_ =	strace $0x90000046  }
0xb1: {  	s29 =	simm.s32 $0x9;
	_ =	strace $0x80000048  }
0xb2: {  	_ =	swait.ge [sflag:s29], $0x1  }
0xb3: {  	[sflag:s29] =	ssyncadd.s32 $0xFFFFFFFF  }
0xb4: {  	_ =	strace $0x90000048  }
0xb5: {  	_ =	sfence  }
0xb6: {  	s30 =	sld [smem:$0x0];
	_ =	sdelay $0x2  }
0xb7: {  	s31 =	sshll.u32 s1, $0xD;
	s1 =	sshrl.u32 s1, $0x2  }
0xb8: {  	s3 =	sand.u32 $0x4000, s31;
	s1 =	sadd.s32 s1, s30  }
0xb9: {  	s0 =	sor.u32 s3, s0;
	s1 =	sshll.u32 s1, $0x11  }
0xba: {  	s0 =	sor.u32 s1, s0  }
0xbb: {  	s0 =	sadd.s32 $0x8F2B, s0  }
0xbc: {  	[sflag:s0] =	ssyncadd.remote.s32 $0x1  }
0xbd: {  	_ =	sfence.sel $0xFFFF  }
0xbe: {  	[dreg:$0x0] =	wrdreg $0xFFFFFFFF;
	(pc) =	sbr.abs _section_cstart, $3  }
0xbf: {  	[dreg:$0x1] =	wrdreg $0xFFFFFFFF  }
0xc0: {  	_ =	task.clear_ibuf [dreg:s6], $0x2FFFF;
	_ =	strace $0x9FFFFFFF  }
0xc1: {  	(tm) =	ssettm $0x7FFFFFFF  }
tec
execute0_lowered:
.L_overlay_start_1:
0x0: {  	(tag) =	ssettag $0x1  }
0x1: {  	s0 =	rddreg [dreg:$0x0];
	s2 =	simm.s32 $0x0;
	s1 =	srdreg.scid  }
0x2: {  	s3 =	stileid.u32;
	s28 =	simm.s32 $0x4018;
	s29 =	simm.s32 $0x5028  }
0x3: {  	s30 =	simm.s32 $0x6028;
	s31 =	simm.s32 $0x7038;
	s13 =	simm.s32 $0x2  }
0x4: {  	s1 =	sand.u32 $0x1, s1;
	s3 =	sshll.u32 s3, $0x1;
	s4 =	sadd.s32 $0x361E00, s0  }
0x5: {  	s5 =	sadd.s32 $0xD9E00, s0;
	s8 =	sor.u32 s1, s3;
	s1 =	ssub.s32 $0x2, s1  }
0x6: {  	s6 =	sadd.s32 $0x1E00, s0;
	s9 =	smul.u32 $0x36000, s8;
	s14 =	sshrl.u32 s1, $0x1  }
0x7: {  	s7 =	sadd.s32 $0x439E00, s0;
	s3 =	sadd.s32 $0x1B1E00, s0;
	s0 =	ssub.s32 s1, s14  }
0x8: {  	[smem:$0x7FF] =	sst s2;
	s10 =	sshrl.u32 s9, $0x3;
	s0 =	smax.u32 s0, $0x1  }
0x9: {  	_ =	strace $0x80000047;
	s15 =	sadd.s32 s3, s10;
	[dreg:$0xe] =	wrdreg s0  }
0xa: {  	s14 =	simm.s32 $0x0;
	s17 =	sadd.s32 s4, s10;
	[dreg:$0x2] =	wrdreg s15  }
0xb: {  	s12 =	sadd.s32 $0x2000, s9;
	s19 =	sadd.s32 s5, s10;
	[dreg:$0x4] =	wrdreg s17  }
0xc: {  	s11 =	sor.u32 $0x200, s10;
	s10 =	sadd.s32 s6, s10;
	[dreg:$0x6] =	wrdreg s19  }
0xd: {  	s26 =	sadd.s32 s9, s7;
	s16 =	sadd.s32 s3, s11;
	[dreg:$0x8] =	wrdreg s10  }
0xe: {  	s21 =	sshrl.u32 s12, $0x3;
	s18 =	sadd.s32 s4, s11;
	[dreg:$0x3] =	wrdreg s16  }
0xf: {  	s0 =	simm.s32 $0x8038;
	s20 =	sadd.s32 s5, s11;
	[dreg:$0x5] =	wrdreg s18  }
0x10: {  	s22 =	sadd.s32 s6, s11;
	s23 =	sadd.s32 s3, s21;
	[dreg:$0x7] =	wrdreg s20  }
0x11: {  	s24 =	sadd.s32 s4, s21;
	s25 =	sadd.s32 s5, s21;
	[dreg:$0x9] =	wrdreg s22  }
.Ltmp0:
0x12: {  	v1 =	vlaneseq.u32;
	s1 =	sadd.s32 s6, s21;
	[dreg:$0xa] =	wrdreg s23;
	(pc) =	sbr.rel .LBB2_1-.Ltmp0, $4  }
0x13: {  	v0 =	vmul.u32 $0x8, v1;
	s21 =	smul.u32 $0x1B0000, s8;
	s8 =	simm.s32 $0x1;
	[dreg:$0xb] =	wrdreg s24  }
0x14: {  	s10 =	simm.s32 $0x8040;
	s15 =	simm.s32 $0x10040;
	[dreg:$0xc] =	wrdreg s25  }
0x15: {  	vm0 =	vcmask $0x2320;
	v1 =	vadd.s32 $0xFFFFFFFF, v1;
	v2 =	vadd.s32 $0x7FBC, v0;
	[dreg:$0xd] =	wrdreg s1;
	s22 =	sadd.s32 $0x1000, s26;
	s23 =	sadd.s32 $0x3000, s9  }
0x16: {  	v3 =	vadd.s32 $0x7FBD, v0;
	v4 =	vadd.s32 $0x7FBE, v0;
	v5 =	vadd.s32 $0x7FBF, v0;
	s1 =	simm.s32 $0x1008;
	s25 =	simm.s32 $0x2008;
	s26 =	simm.s32 $0x3018  }
.LBB2_8:
0x17: {  	s9 =	simm.s32 $0x3  }
0x18: {  	_ =	swait.ge [sflag:s9], $0x8000  }
0x19: {  	[sflag:s9] =	ssyncset.done $0x0  }
0x1a: {  	s11 =	simm.s32 $0x4;
	[sflag:s9] =	ssyncadd.s32 $0xFFFF8000  }
0x1b: {  	_ =	swait.ge [sflag:s11], $0x8000  }
0x1c: {  	s14 =	rddreg [dreg:$0xf]  }
0x1d: {  	s24 =	rddreg [dreg:$0xe];
	s14 =	sadd.s32 $0x1, s14  }
0x1e: {  	p0 =	sne.s32 s14, s24  }
.Ltmp1:
0x1f: {  	_ = 	snop;
	(pc) =	sbr.rel @!p0 .LBB2_9-.Ltmp1, $3  }
0x20: {  	_ =	sdelay $0x1  }
0x21: {  	[sflag:s11] =	ssyncset.done $0x0  }
0x22: {  	[sflag:s11] =	ssyncadd.s32 $0xFFFF8000  }
.LBB2_1:
0x23: {  	[dreg:$0xf] =	wrdreg s14  }
0x24: {  	s9 =	rddreg [dreg:$0x2]  }
0x25: {  	[tilespmem:s2], [sflag:$0x1] =	stream.linear.gather [hbm4b:s9+s2], $0x1000, $0x38;
	[tilespmem:$0x18040] =	vst v63  }
0x26: {  	s11 =	simm.s32 $0x1000;
	s9 =	rddreg [dreg:$0x3]  }
0x27: {  	[tilespmem:s11], [sflag:$0x1] =	stream.linear.gather [hbm4b:s9+s2], $0x8, $0x38;
	[tilespmem:$0x18040] =	vst v63  }
0x28: {  	s14 =	rddreg [dreg:$0x4];
	s16 =	simm.s32 $0x2010  }
0x29: {  	[tilespmem:s16], [sflag:$0x1] =	stream.linear.gather [hbm4b:s14+s2], $0x1000, $0x38;
	[tilespmem:$0x18040] =	vst v63  }
0x2a: {  	s17 =	simm.s32 $0x3010;
	s11 =	rddreg [dreg:$0x5]  }
0x2b: {  	[tilespmem:s17], [sflag:$0x1] =	stream.linear.gather [hbm4b:s11+s2], $0x8, $0x38;
	[tilespmem:$0x18040] =	vst v63  }
0x2c: {  	s18 =	rddreg [dreg:$0x6];
	s16 =	simm.s32 $0x4020  }
0x2d: {  	[tilespmem:s16], [sflag:$0x1] =	stream.linear.gather [hbm4b:s18+s2], $0x1000, $0x38;
	[tilespmem:$0x18040] =	vst v63  }
0x2e: {  	s19 =	simm.s32 $0x5020;
	s14 =	rddreg [dreg:$0x7]  }
0x2f: {  	[tilespmem:s19], [sflag:$0x1] =	stream.linear.gather [hbm4b:s14+s2], $0x8, $0x38;
	[tilespmem:$0x18040] =	vst v63  }
0x30: {  	s20 =	rddreg [dreg:$0x8];
	s17 =	simm.s32 $0x6030  }
0x31: {  	[tilespmem:s17], [sflag:$0x1] =	stream.linear.gather [hbm4b:s20+s2], $0x1000, $0x38;
	[tilespmem:$0x18040] =	vst v63  }
0x32: {  	s24 =	simm.s32 $0x7030;
	s16 =	rddreg [dreg:$0x9]  }
0x33: {  	[tilespmem:s24], [sflag:$0x1] =	stream.linear.gather [hbm4b:s16+s2], $0x8, $0x38;
	[tilespmem:$0x18040] =	vst v63  }
0x34: {  	_ = 	snop  }
0x35: {  	[tilespmem:s1], [sflag:$0x2] =	stream.linear.gather [hbm4b:s9+s2], $0x1000, $0x38;
	[tilespmem:$0x18040] =	vst v63  }
0x36: {  	s18 =	rddreg [dreg:$0xa]  }
0x37: {  	[tilespmem:s25], [sflag:$0x2] =	stream.linear.gather [hbm4b:s18+s2], $0x8, $0x38;
	[tilespmem:$0x18040] =	vst v63  }
0x38: {  	_ = 	snop  }
0x39: {  	[tilespmem:s26], [sflag:$0x2] =	stream.linear.gather [hbm4b:s11+s2], $0x1000, $0x38;
	[tilespmem:$0x18040] =	vst v63  }
0x3a: {  	s19 =	rddreg [dreg:$0xb]  }
0x3b: {  	[tilespmem:s28], [sflag:$0x2] =	stream.linear.gather [hbm4b:s19+s2], $0x8, $0x38;
	[tilespmem:$0x18040] =	vst v63  }
0x3c: {  	_ = 	snop  }
0x3d: {  	[tilespmem:s29], [sflag:$0x2] =	stream.linear.gather [hbm4b:s14+s2], $0x1000, $0x38;
	[tilespmem:$0x18040] =	vst v63  }
0x3e: {  	s20 =	rddreg [dreg:$0xc]  }
0x3f: {  	[tilespmem:s30], [sflag:$0x2] =	stream.linear.gather [hbm4b:s20+s2], $0x8, $0x38;
	[tilespmem:$0x18040] =	vst v63  }
0x40: {  	_ = 	snop  }
0x41: {  	[tilespmem:s31], [sflag:$0x2] =	stream.linear.gather [hbm4b:s16+s2], $0x1000, $0x38;
	[tilespmem:$0x18040] =	vst v63  }
0x42: {  	s24 =	rddreg [dreg:$0xd];
	s20 =	simm.s32 $0x0  }
0x43: {  	[tilespmem:s0], [sflag:$0x2] =	stream.linear.gather [hbm4b:s24+s2], $0x8, $0x38;
	[tilespmem:$0x18040] =	vst v63  }
.LBB2_2:
0x44: {  	_ =	swait.ge [sflag:s8], $0x1000  }
0x45: {  	[sflag:s8] =	ssyncset.done $0x0  }
0x46: {  	[sflag:s8] =	ssyncadd.s32 $0xFFFFF000  }
0x47: {  	_ =	swait.ge [sflag:s8], $0x8  }
0x48: {  	[sflag:s8] =	ssyncset.done $0x0  }
0x49: {  	[sflag:s8] =	ssyncadd.s32 $0xFFFFFFF8  }
0x4a: {  	_ =	swait.ge [sflag:s8], $0x1000  }
0x4b: {  	[sflag:s8] =	ssyncset.done $0x0  }
0x4c: {  	[sflag:s8] =	ssyncadd.s32 $0xFFFFF000  }
0x4d: {  	_ =	swait.ge [sflag:s8], $0x8  }
0x4e: {  	[sflag:s8] =	ssyncset.done $0x0  }
0x4f: {  	[sflag:s8] =	ssyncadd.s32 $0xFFFFFFF8  }
0x50: {  	_ =	swait.ge [sflag:s8], $0x1000  }
0x51: {  	[sflag:s8] =	ssyncset.done $0x0  }
0x52: {  	[sflag:s8] =	ssyncadd.s32 $0xFFFFF000  }
0x53: {  	_ =	swait.ge [sflag:s8], $0x8  }
0x54: {  	[sflag:s8] =	ssyncset.done $0x0  }
0x55: {  	[sflag:s8] =	ssyncadd.s32 $0xFFFFFFF8  }
0x56: {  	_ =	swait.ge [sflag:s8], $0x1000  }
0x57: {  	[sflag:s8] =	ssyncset.done $0x0  }
0x58: {  	[sflag:s8] =	ssyncadd.s32 $0xFFFFF000  }
0x59: {  	_ =	swait.ge [sflag:s8], $0x8  }
0x5a: {  	p0 =	seq.s32 s20, $0x0;
	[sflag:s8] =	ssyncset.done $0x0  }
0x5b: {  	s9 =	simm.s32 @!p0 $0x3;
	[sflag:s8] =	ssyncadd.s32 $0xFFFFFFF8  }
0x5c: {  	s17 =	simm.s32 $0x0;
	_ =	swait.ge @!p0 [sflag:s9], $0x8000  }
0x5d: {  	v6 =	vmov s17;
	[sflag:s9] =	ssyncset.done @!p0 $0x0  }
0x5e: {  	v7 =	vadd.s32 s17, v1;
	v6 =	vshll.u32 v6, $0x3;
	[sflag:s9] =	ssyncadd.s32 @!p0 $0xFFFF8000  }
0x5f: {  	vm1 =	vgt.s32 v7, $0xFFFFFFFF;
	v7 =	vshll.u32 v7, $0x3;
	v9 =	vor.u32 v0, v6;
	v8 =	vld [tilespmem:s17+$0x0]  }
0x60: {  	v6 =	vor.u32 $0x4, v7;
	_ =	sdelay $0x3  }
0x61: {  	[tilespmem:v9+s10+$0x0] =	vst.idx.msk $0xffff, v8  }
0x62: {  	s18 =	simm.s32 $0x2010;
	[tilespmem:v6+s10+$0x0] =	vst.idx.msk vm1, v8  }
0x63: {  	v8 =	vor.u32 $0x1, v9;
	v6 =	vld [tilespmem:s18+$0x0]  }
0x64: {  	v10 =	vor.u32 $0x5, v7;
	_ =	sdelay $0x3  }
0x65: {  	[tilespmem:v8+s10+$0x0] =	vst.idx.msk $0xffff, v6  }
0x66: {  	s19 =	simm.s32 $0x4020;
	[tilespmem:v10+s10+$0x0] =	vst.idx.msk vm1, v6  }
0x67: {  	v8 =	vor.u32 $0x2, v9;
	v6 =	vld [tilespmem:s19+$0x0]  }
0x68: {  	v10 =	vor.u32 $0x6, v7;
	_ =	sdelay $0x3  }
0x69: {  	[tilespmem:v8+s10+$0x0] =	vst.idx.msk $0xffff, v6  }
0x6a: {  	s24 =	simm.s32 $0x6030;
	[tilespmem:v10+s10+$0x0] =	vst.idx.msk vm1, v6  }
0x6b: {  	v9 =	vor.u32 $0x3, v9;
	v6 =	vld [tilespmem:s24+$0x0];
	_ =	sdelay $0x1  }
0x6c: {  	v7 =	vor.u32 $0x7, v7;
	_ =	sdelay $0x1  }
0x6d: {  	s14 =	simm.s32 $0x10;
	s16 =	simm.s32 $0x20  }
0x6e: {  	s11 =	simm.s32 $0x4030;
	s9 =	simm.s32 $0x6040;
	v8 =	vmov s14;
	s24 =	sshll.u32 s20, $0xD;
	[tilespmem:v9+s10+$0x0] =	vst.idx.msk $0xffff, v6  }
.LBB2_3:
0x6f: {  	s17 =	sadd.s32 $0x10, s17  }
0x70: {  	v8 =	vshll.u32 v8, $0x3;
	v9 =	vadd.s32 s14, v1;
	[tilespmem:v7+s10+$0x0] =	vst.idx.msk vm1, v6;
	s18 =	sadd.s32 $0x10, s18;
	s14 =	smov.u32 s16;
	s19 =	sadd.s32 $0x10, s16  }
0x71: {  	p1 =	sne.s32 s16, $0xFF0;
	vm1 =	vgt.s32 v9, $0xFFFFFFFF;
	v6 =	vld [tilespmem:s17+$0x0];
	v7 =	vor.u32 v0, v8;
	v8 =	vshll.u32 v9, $0x3  }
0x72: {  	v9 =	vor.u32 $0x4, v8;
	_ =	sdelay $0x3  }
0x73: {  	[tilespmem:v7+s10+$0x0] =	vst.idx.msk $0xffff, v6  }
0x74: {  	[tilespmem:v9+s10+$0x0] =	vst.idx.msk vm1, v6  }
0x75: {  	v9 =	vor.u32 $0x1, v7;
	v6 =	vld [tilespmem:s18+$0x0]  }
0x76: {  	v10 =	vor.u32 $0x5, v8;
	_ =	sdelay $0x3  }
0x77: {  	[tilespmem:v9+s10+$0x0] =	vst.idx.msk $0xffff, v6  }
0x78: {  	[tilespmem:v10+s10+$0x0] =	vst.idx.msk vm1, v6  }
0x79: {  	v9 =	vor.u32 $0x2, v7;
	v6 =	vld [tilespmem:s11+$0x0]  }
0x7a: {  	v10 =	vor.u32 $0x6, v8;
	_ =	sdelay $0x3  }
0x7b: {  	[tilespmem:v9+s10+$0x0] =	vst.idx.msk $0xffff, v6  }
0x7c: {  	[tilespmem:v10+s10+$0x0] =	vst.idx.msk vm1, v6  }
0x7d: {  	v9 =	vor.u32 $0x3, v7;
	v6 =	vld [tilespmem:s9+$0x0]  }
.Ltmp2:
0x7e: {  	v7 =	vor.u32 $0x7, v8;
	(pc) =	sbr.rel @p1 .LBB2_3-.Ltmp2, $2  }
0x7f: {  	_ =	sdelay $0x2  }
0x80: {  	s16 =	smov.u32 s19;
	s11 =	sadd.s32 $0x10, s11;
	v8 =	vmov s14;
	s9 =	sadd.s32 $0x10, s9;
	[tilespmem:v9+s10+$0x0] =	vst.idx.msk $0xffff, v6  }
0x81: {  	_ =	sdelay $0x4  }
0x82: {  	v8 =	vshll.u32 v8, $0x3;
	v9 =	vadd.s32 s14, v1;
	[tilespmem:v7+s10+$0x0] =	vst.idx.msk vm1, v6;
	s17 =	sadd.s32 $0x10, s17  }
0x83: {  	vm1 =	vgt.s32 v9, $0xFFFFFFFF;
	v6 =	vld [tilespmem:s17+$0x0];
	v7 =	vor.u32 v0, v8;
	v8 =	vshll.u32 v9, $0x3  }
0x84: {  	v9 =	vor.u32 $0x4, v8;
	_ =	sdelay $0x3  }
0x85: {  	[tilespmem:v7+s10+$0x0] =	vst.idx.msk $0xffff, v6  }
0x86: {  	s19 =	sadd.s32 $0x10, s18;
	[tilespmem:v9+s10+$0x0] =	vst.idx.msk vm1, v6  }
0x87: {  	v9 =	vor.u32 $0x1, v7;
	v6 =	vld [tilespmem:s19+$0x0]  }
0x88: {  	v10 =	vor.u32 $0x5, v8;
	_ =	sdelay $0x3  }
0x89: {  	[tilespmem:v9+s10+$0x0] =	vst.idx.msk $0xffff, v6  }
0x8a: {  	[tilespmem:v10+s10+$0x0] =	vst.idx.msk vm1, v6  }
0x8b: {  	v9 =	vor.u32 $0x2, v7;
	v6 =	vld [tilespmem:s11+$0x0]  }
0x8c: {  	v10 =	vor.u32 $0x6, v8;
	_ =	sdelay $0x3  }
0x8d: {  	[tilespmem:v9+s10+$0x0] =	vst.idx.msk $0xffff, v6  }
0x8e: {  	[tilespmem:v10+s10+$0x0] =	vst.idx.msk vm1, v6  }
0x8f: {  	v7 =	vor.u32 $0x3, v7;
	v6 =	vld [tilespmem:s9+$0x0]  }
0x90: {  	v8 =	vor.u32 $0x7, v8;
	_ =	sdelay $0x3  }
0x91: {  	[tilespmem:v7+s10+$0x0] =	vst.idx.msk $0xffff, v6  }
0x92: {  	[tilespmem:v8+s10+$0x0] =	vst.idx.msk vm1, v6  }
0x93: {  	v6 =	vld [tilespmem:$0xFF8];
	_ =	sdelay $0x4  }
0x94: {  	[tilespmem:v2+s10+$0x0] =	vst.idx.msk vm0, v6  }
0x95: {  	v6 =	vld [tilespmem:$0x3008];
	_ =	sdelay $0x4  }
0x96: {  	[tilespmem:v3+s10+$0x0] =	vst.idx.msk vm0, v6  }
0x97: {  	v6 =	vld [tilespmem:$0x5018];
	_ =	sdelay $0x4  }
0x98: {  	[tilespmem:v4+s10+$0x0] =	vst.idx.msk vm0, v6  }
0x99: {  	v6 =	vld [tilespmem:$0x7028];
	_ =	sdelay $0x1  }
0x9a: {  	s16 =	sshll.u32 s20, $0x10  }
0x9b: {  	s9 =	sadd.s32 s21, s16  }
0x9c: {  	s9 =	sshrl.u32 s9, $0x3  }
0x9d: {  	p1 =	seq.s32 s20, $0x1A;
	s9 =	sadd.s32 s7, s9;
	[tilespmem:v5+s10+$0x0] =	vst.idx.msk vm0, v6  }
0x9e: {  	[hbm4b:s9+s2] =	stream.linear.scatter [tilespmem:s10], [sflag:$0x3], $0x8000, $0x38;
	[tilespmem:$0x18040] =	vst v63  }
0x9f: {  	s9 =	sadd.s32 @!p1 s24, s12  }
0xa0: {  	s11 =	sor.u32 @!p1 $0x1000, s9;
	s9 =	sshrl.u32 @!p1 s9, $0x3  }
0xa1: {  	s16 =	simm.s32 @!p1 $0x0;
	s11 =	smin.u32 @!p1 s11, $0x6BFFF8;
	s14 =	sadd.s32 @!p1 s3, s9  }
0xa2: {  	[tilespmem:s16], [sflag:$0x1] =	stream.linear.gather @!p1 [hbm4b:s14+s16], $0x1000, $0x38;
	[tilespmem:$0x18040] =	vst v63  }
0xa3: {  	s11 =	sshrl.u32 @!p1 s11, $0x3  }
0xa4: {  	s17 =	simm.s32 @!p1 $0x1000;
	s14 =	sadd.s32 @!p1 s3, s11  }
0xa5: {  	[tilespmem:s17], [sflag:$0x1] =	stream.linear.gather @!p1 [hbm4b:s14+s16], $0x8, $0x38;
	[tilespmem:$0x18040] =	vst v63  }
0xa6: {  	s14 =	sadd.s32 @!p1 s4, s9;
	s17 =	simm.s32 @!p1 $0x2010  }
0xa7: {  	[tilespmem:s17], [sflag:$0x1] =	stream.linear.gather @!p1 [hbm4b:s14+s16], $0x1000, $0x38;
	[tilespmem:$0x18040] =	vst v63  }
0xa8: {  	s14 =	sadd.s32 @!p1 s4, s11;
	s17 =	simm.s32 @!p1 $0x3010  }
0xa9: {  	[tilespmem:s17], [sflag:$0x1] =	stream.linear.gather @!p1 [hbm4b:s14+s16], $0x8, $0x38;
	[tilespmem:$0x18040] =	vst v63  }
0xaa: {  	s14 =	sadd.s32 @!p1 s5, s9;
	s17 =	simm.s32 @!p1 $0x4020  }
0xab: {  	[tilespmem:s17], [sflag:$0x1] =	stream.linear.gather @!p1 [hbm4b:s14+s16], $0x1000, $0x38;
	[tilespmem:$0x18040] =	vst v63  }
0xac: {  	s14 =	sadd.s32 @!p1 s5, s11;
	s17 =	simm.s32 @!p1 $0x5020  }
0xad: {  	[tilespmem:s17], [sflag:$0x1] =	stream.linear.gather @!p1 [hbm4b:s14+s16], $0x8, $0x38;
	[tilespmem:$0x18040] =	vst v63  }
0xae: {  	s9 =	sadd.s32 @!p1 s6, s9;
	s14 =	simm.s32 @!p1 $0x6030  }
0xaf: {  	[tilespmem:s14], [sflag:$0x1] =	stream.linear.gather @!p1 [hbm4b:s9+s16], $0x1000, $0x38;
	[tilespmem:$0x18040] =	vst v63  }
0xb0: {  	s9 =	sadd.s32 @!p1 s6, s11;
	s11 =	simm.s32 @!p1 $0x7030  }
0xb1: {  	[tilespmem:s11], [sflag:$0x1] =	stream.linear.gather @!p1 [hbm4b:s9+s16], $0x8, $0x38;
	[tilespmem:$0x18040] =	vst v63  }
0xb2: {  	_ =	swait.ge [sflag:s13], $0x1000  }
0xb3: {  	[sflag:s13] =	ssyncset.done $0x0  }
0xb4: {  	[sflag:s13] =	ssyncadd.s32 $0xFFFFF000  }
0xb5: {  	_ =	swait.ge [sflag:s13], $0x8  }
0xb6: {  	[sflag:s13] =	ssyncset.done $0x0  }
0xb7: {  	[sflag:s13] =	ssyncadd.s32 $0xFFFFFFF8  }
0xb8: {  	_ =	swait.ge [sflag:s13], $0x1000  }
0xb9: {  	[sflag:s13] =	ssyncset.done $0x0  }
0xba: {  	[sflag:s13] =	ssyncadd.s32 $0xFFFFF000  }
0xbb: {  	_ =	swait.ge [sflag:s13], $0x8  }
0xbc: {  	[sflag:s13] =	ssyncset.done $0x0  }
0xbd: {  	[sflag:s13] =	ssyncadd.s32 $0xFFFFFFF8  }
0xbe: {  	_ =	swait.ge [sflag:s13], $0x1000  }
0xbf: {  	[sflag:s13] =	ssyncset.done $0x0  }
0xc0: {  	[sflag:s13] =	ssyncadd.s32 $0xFFFFF000  }
0xc1: {  	_ =	swait.ge [sflag:s13], $0x8  }
0xc2: {  	[sflag:s13] =	ssyncset.done $0x0  }
0xc3: {  	[sflag:s13] =	ssyncadd.s32 $0xFFFFFFF8  }
0xc4: {  	_ =	swait.ge [sflag:s13], $0x1000  }
0xc5: {  	[sflag:s13] =	ssyncset.done $0x0  }
0xc6: {  	[sflag:s13] =	ssyncadd.s32 $0xFFFFF000  }
0xc7: {  	_ =	swait.ge [sflag:s13], $0x8  }
0xc8: {  	[sflag:s13] =	ssyncset.done $0x0  }
0xc9: {  	s9 =	simm.s32 @!p0 $0x4;
	[sflag:s13] =	ssyncadd.s32 $0xFFFFFFF8  }
0xca: {  	s17 =	simm.s32 $0x0;
	_ =	swait.ge @!p0 [sflag:s9], $0x8000  }
0xcb: {  	v6 =	vmov s17;
	[sflag:s9] =	ssyncset.done @!p0 $0x0  }
0xcc: {  	s18 =	simm.s32 $0x1008;
	v7 =	vadd.s32 s17, v1;
	v6 =	vshll.u32 v6, $0x3;
	[sflag:s9] =	ssyncadd.s32 @!p0 $0xFFFF8000  }
0xcd: {  	vm1 =	vgt.s32 v7, $0xFFFFFFFF;
	v7 =	vshll.u32 v7, $0x3;
	v9 =	vor.u32 v0, v6;
	v8 =	vld [tilespmem:s18+$0x0]  }
0xce: {  	v6 =	vor.u32 $0x4, v7;
	_ =	sdelay $0x3  }
0xcf: {  	[tilespmem:v9+s15+$0x0] =	vst.idx.msk $0xffff, v8  }
0xd0: {  	s19 =	simm.s32 $0x3018;
	[tilespmem:v6+s15+$0x0] =	vst.idx.msk vm1, v8  }
0xd1: {  	v8 =	vor.u32 $0x1, v9;
	v6 =	vld [tilespmem:s19+$0x0]  }
0xd2: {  	v10 =	vor.u32 $0x5, v7;
	_ =	sdelay $0x3  }
0xd3: {  	[tilespmem:v8+s15+$0x0] =	vst.idx.msk $0xffff, v6  }
0xd4: {  	s18 =	simm.s32 $0x5028;
	[tilespmem:v10+s15+$0x0] =	vst.idx.msk vm1, v6  }
0xd5: {  	v8 =	vor.u32 $0x2, v9;
	v6 =	vld [tilespmem:s18+$0x0]  }
0xd6: {  	v10 =	vor.u32 $0x6, v7;
	_ =	sdelay $0x3  }
0xd7: {  	[tilespmem:v8+s15+$0x0] =	vst.idx.msk $0xffff, v6  }
0xd8: {  	s17 =	simm.s32 $0x7038;
	[tilespmem:v10+s15+$0x0] =	vst.idx.msk vm1, v6  }
0xd9: {  	v9 =	vor.u32 $0x3, v9;
	v6 =	vld [tilespmem:s17+$0x0];
	_ =	sdelay $0x1  }
0xda: {  	v7 =	vor.u32 $0x7, v7;
	_ =	sdelay $0x1  }
0xdb: {  	s14 =	simm.s32 $0x10  }
0xdc: {  	s16 =	simm.s32 $0x20;
	s11 =	simm.s32 $0x1018;
	s9 =	simm.s32 $0x3028;
	v8 =	vmov s14;
	[tilespmem:v9+s15+$0x0] =	vst.idx.msk $0xffff, v6  }
.LBB2_5:
0xdd: {  	s17 =	sadd.s32 $0x10, s17  }
0xde: {  	v8 =	vshll.u32 v8, $0x3;
	v9 =	vadd.s32 s14, v1;
	[tilespmem:v7+s15+$0x0] =	vst.idx.msk vm1, v6;
	s18 =	sadd.s32 $0x10, s18;
	s14 =	smov.u32 s16;
	s19 =	sadd.s32 $0x10, s16  }
0xdf: {  	p0 =	sne.s32 s16, $0xFF0;
	vm1 =	vgt.s32 v9, $0xFFFFFFFF;
	v6 =	vld [tilespmem:s11+$0x0];
	v7 =	vor.u32 v0, v8;
	v8 =	vshll.u32 v9, $0x3  }
0xe0: {  	v9 =	vor.u32 $0x4, v8;
	_ =	sdelay $0x3  }
0xe1: {  	[tilespmem:v7+s15+$0x0] =	vst.idx.msk $0xffff, v6  }
0xe2: {  	[tilespmem:v9+s15+$0x0] =	vst.idx.msk vm1, v6  }
0xe3: {  	v9 =	vor.u32 $0x1, v7;
	v6 =	vld [tilespmem:s9+$0x0]  }
0xe4: {  	v10 =	vor.u32 $0x5, v8;
	_ =	sdelay $0x3  }
0xe5: {  	[tilespmem:v9+s15+$0x0] =	vst.idx.msk $0xffff, v6  }
0xe6: {  	[tilespmem:v10+s15+$0x0] =	vst.idx.msk vm1, v6  }
0xe7: {  	v9 =	vor.u32 $0x2, v7;
	v6 =	vld [tilespmem:s18+$0x0]  }
0xe8: {  	v10 =	vor.u32 $0x6, v8;
	_ =	sdelay $0x3  }
0xe9: {  	[tilespmem:v9+s15+$0x0] =	vst.idx.msk $0xffff, v6  }
0xea: {  	[tilespmem:v10+s15+$0x0] =	vst.idx.msk vm1, v6  }
0xeb: {  	v9 =	vor.u32 $0x3, v7;
	v6 =	vld [tilespmem:s17+$0x0]  }
.Ltmp3:
0xec: {  	v7 =	vor.u32 $0x7, v8;
	(pc) =	sbr.rel @p0 .LBB2_5-.Ltmp3, $2  }
0xed: {  	_ =	sdelay $0x2  }
0xee: {  	s11 =	sadd.s32 $0x10, s11;
	s16 =	smov.u32 s19;
	s9 =	sadd.s32 $0x10, s9;
	v8 =	vmov s14;
	[tilespmem:v9+s15+$0x0] =	vst.idx.msk $0xffff, v6  }
0xef: {  	_ =	sdelay $0x4  }
0xf0: {  	v8 =	vshll.u32 v8, $0x3;
	v9 =	vadd.s32 s14, v1;
	[tilespmem:v7+s15+$0x0] =	vst.idx.msk vm1, v6  }
0xf1: {  	vm1 =	vgt.s32 v9, $0xFFFFFFFF;
	v6 =	vld [tilespmem:s11+$0x0];
	v7 =	vor.u32 v0, v8;
	v60 =	vshll.u32 v9, $0x3  }
0xf2: {  	v9 =	vor.u32 $0x4, v60;
	_ =	sdelay $0x3  }
0xf3: {  	[tilespmem:v7+s15+$0x0] =	vst.idx.msk $0xffff, v6  }
0xf4: {  	[tilespmem:v9+s15+$0x0] =	vst.idx.msk vm1, v6  }
0xf5: {  	v61 =	vor.u32 $0x1, v7;
	v6 =	vld [tilespmem:s9+$0x0]  }
0xf6: {  	v10 =	vor.u32 $0x5, v60;
	_ =	sdelay $0x3  }
0xf7: {  	[tilespmem:v61+s15+$0x0] =	vst.idx.msk $0xffff, v6  }
0xf8: {  	s16 =	sadd.s32 $0x10, s18;
	[tilespmem:v10+s15+$0x0] =	vst.idx.msk vm1, v6  }
0xf9: {  	v62 =	vor.u32 $0x2, v7;
	v6 =	vld [tilespmem:s16+$0x0]  }
0xfa: {  	v63 =	vor.u32 $0x6, v60;
	_ =	sdelay $0x3  }
0xfb: {  	[tilespmem:v62+s15+$0x0] =	vst.idx.msk $0xffff, v6  }
0xfc: {  	s18 =	sadd.s32 $0x10, s17;
	[tilespmem:v63+s15+$0x0] =	vst.idx.msk vm1, v6  }
0xfd: {  	v7 =	vor.u32 $0x3, v7;
	v6 =	vld [tilespmem:s18+$0x0]  }
0xfe: {  	v8 =	vor.u32 $0x7, v60;
	_ =	sdelay $0x3  }
0xff: {  	[tilespmem:v7+s15+$0x0] =	vst.idx.msk $0xffff, v6  }
0x100: {  	[tilespmem:v8+s15+$0x0] =	vst.idx.msk vm1, v6  }
0x101: {  	v6 =	vld [tilespmem:$0x2000];
	_ =	sdelay $0x4  }
0x102: {  	[tilespmem:v2+s15+$0x0] =	vst.idx.msk vm0, v6  }
0x103: {  	v6 =	vld [tilespmem:$0x4010];
	_ =	sdelay $0x4  }
0x104: {  	[tilespmem:v3+s15+$0x0] =	vst.idx.msk vm0, v6  }
0x105: {  	v6 =	vld [tilespmem:$0x6020];
	_ =	sdelay $0x4  }
0x106: {  	[tilespmem:v4+s15+$0x0] =	vst.idx.msk vm0, v6  }
0x107: {  	v6 =	vld [tilespmem:$0x8030];
	_ =	sdelay $0x1  }
.Ltmp4:
0x108: {  	_ = 	snop;
	(pc) =	sbr.rel @p1 .LBB2_8-.Ltmp4, $3  }
0x109: {  	_ =	sdelay $0x1  }
0x10a: {  	s19 =	sadd.s32 s24, s22;
	[tilespmem:v5+s15+$0x0] =	vst.idx.msk vm0, v6  }
0x10b: {  	[hbm4b:s19+s2] =	stream.linear.scatter [tilespmem:s15], [sflag:$0x4], $0x8000, $0x38;
	[tilespmem:$0x18040] =	vst v63  }
0x10c: {  	s9 =	sadd.s32 s24, s23  }
0x10d: {  	s11 =	sshrl.u32 s9, $0x3;
	s9 =	smin.u32 s9, $0x6BEFF8  }
0x10e: {  	s14 =	sadd.s32 s3, s11;
	s9 =	sshrl.u32 s9, $0x3  }
0x10f: {  	[tilespmem:s1], [sflag:$0x2] =	stream.linear.gather [hbm4b:s14+s2], $0x1000, $0x38;
	[tilespmem:$0x18040] =	vst v63  }
0x110: {  	s9 =	sadd.s32 $0x200, s9  }
0x111: {  	s16 =	sadd.s32 s3, s9  }
0x112: {  	[tilespmem:s25], [sflag:$0x2] =	stream.linear.gather [hbm4b:s16+s2], $0x8, $0x38;
	[tilespmem:$0x18040] =	vst v63  }
0x113: {  	s17 =	sadd.s32 s4, s11  }
0x114: {  	[tilespmem:s26], [sflag:$0x2] =	stream.linear.gather [hbm4b:s17+s2], $0x1000, $0x38;
	[tilespmem:$0x18040] =	vst v63  }
0x115: {  	s18 =	sadd.s32 s4, s9  }
0x116: {  	[tilespmem:s28], [sflag:$0x2] =	stream.linear.gather [hbm4b:s18+s2], $0x8, $0x38;
	[tilespmem:$0x18040] =	vst v63  }
0x117: {  	s19 =	sadd.s32 s5, s11  }
0x118: {  	[tilespmem:s29], [sflag:$0x2] =	stream.linear.gather [hbm4b:s19+s2], $0x1000, $0x38;
	[tilespmem:$0x18040] =	vst v63  }
0x119: {  	s24 =	sadd.s32 s5, s9  }
0x11a: {  	[tilespmem:s30], [sflag:$0x2] =	stream.linear.gather [hbm4b:s24+s2], $0x8, $0x38;
	[tilespmem:$0x18040] =	vst v63  }
.Ltmp5:
0x11b: {  	_ = 	snop;
	(pc) =	sbr.rel .LBB2_2-.Ltmp5, $4  }
0x11c: {  	s11 =	sadd.s32 s6, s11  }
0x11d: {  	[tilespmem:s31], [sflag:$0x2] =	stream.linear.gather [hbm4b:s11+s2], $0x1000, $0x38;
	[tilespmem:$0x18040] =	vst v63  }
0x11e: {  	s20 =	sadd.s32 $0x1, s20;
	s9 =	sadd.s32 s6, s9  }
0x11f: {  	[tilespmem:s0], [sflag:$0x2] =	stream.linear.gather [hbm4b:s9+s2], $0x8, $0x38;
	[tilespmem:$0x18040] =	vst v63  }
.LBB2_9:
0x120: {  	_ =	sfence.sel $0x180000  }
0x121: {  	[bflag:$0x0] =	sbarrier.arrive $0xFFFF  }
0x122: {  	_ =	strace $0x90000047  }
0x123: {  	s0 =	stileid.u32;
	[bflag:$0x2] =	sbarrier.arrive $0xFFFF  }
0x124: {  	p0 =	sne.s32 s0, $0x0;
	s0 =	rddreg [dreg:$0x1]  }
0x125: {  	s0 =	sadd.s32 @!p0 $0x100000, s0  }
0x126: {  	[sflag:s0] =	ssyncadd.tile.s32 @!p0 $0x1;
	_ =	shalt  }
.Lfunc_end2:
_tile_overlayer_lowered:
.L_overlay_start_2:
0x127: {  	(tag) =	ssettag $0x2  }
0x128: {  	s0 =	rddreg [dreg:$0x0];
	s2 =	stileid.u32  }
0x129: {  	s1 =	rddreg [dreg:$0x1];
	p0 =	sne.s32 s2, $0x0  }
0x12a: {  	s3 =	rddreg [dreg:$0x2];
	[bflag:$0x3] =	sbarrier.arrive $0xFFFF;
	s2 =	simm.s32 @!p0 $0x1C05  }
0x12b: {  	[timem:s3], [sflag:s2] =	dma.local @!p0 [hbm:s0], s1  }
0x12c: {  	s0 =	simm.s32 @!p0 $0x5  }
0x12d: {  	_ =	swait.ge @!p0 [sflag:s0], s1  }
0x12e: {  	s1 =	ssub.s32 @!p0 $0x0, s1;
	[sflag:s0] =	ssyncset.done @!p0 $0x0  }
0x12f: {  	[sflag:s0] =	ssyncadd.s32 @!p0 s1  }
0x130: {  	[bflag:$0x3] =	sbarrier.arrive $0xFFFF  }
0x131: {  	_ =	shalt  }

// kernel: kernel.9.cloned.1.call-start
scs
__scs_entry_jumppad:
0x0: {  	(pc) =	sbr.rel $0x88, $3  }
0x1: {  	(tag) =	ssettag $0x0;
	lr =	simm.s32 $0x1  }
0x2: {  	[smem:$0x3F9D] =	sst lr;
	_ =	strace $0xD0000000  }
0x3: {  	_ = 	snop  }
0x4: {  	_ = 	snop  }
0x5: {  	_ = 	snop  }
0x6: {  	_ = 	snop  }
0x7: {  	_ = 	snop  }
__scs_overlays_trampoline_lowered:
0x8: {  	[smem:$0x3FAC] =	sst s0  }
0x9: {  	[smem:$0x3FAD] =	sst s1  }
0xa: {  	[smem:$0x3FAE] =	sst s2  }
0xb: {  	[smem:$0x3FAF] =	sst s3  }
0xc: {  	[smem:$0x3FB0] =	sst s4  }
0xd: {  	[smem:$0x3FB1] =	sst s5  }
0xe: {  	[smem:$0x3FB2] =	sst s6  }
0xf: {  	[smem:$0x3FB3] =	sst s7  }
0x10: {  	[smem:$0x3FB4] =	sst s8  }
0x11: {  	[smem:$0x3FB5] =	sst s9;
	s0 =	simm.s32 @!p0 $0x0  }
0x12: {  	s1 =	sld [smem:$0x3F9B];
	s0 =	simm.s32 @p0 $0x1  }
0x13: {  	[smem:$0x3FB6] =	sst s0;
	s0 =	simm.s32 @!p1 $0x0  }
0x14: {  	s2 =	sld [smem:$0x3F9A];
	s0 =	simm.s32 @p1 $0x1  }
0x15: {  	[smem:$0x3FB7] =	sst s0;
	s0 =	simm.s32 @!p2 $0x0  }
0x16: {  	s3 =	sld [smem:$0x3FDB];
	s0 =	simm.s32 @p2 $0x1  }
0x17: {  	s4 =	simm.s32 $0x1BF5;
	[smem:$0x3FB9] =	sst s0  }
0x18: {  	s0 =	sld [smem:$0x3F9C];
	_ =	swait.ge [sflag:s4], $0x0  }
0x19: {  	s7 =	sld [smem:$0x3F9D]  }
0x1a: {  	s8 =	sadd.s32 $0xFFFFE003, lr  }
0x1b: {  	s9 =	sadd.s32 $0xFFFFFEF7, lr;
	s5 =	simm.s32 $0xFFFFFFFF;
	p2 =	slt.u32 s8, $0xFFFFF086  }
0x1c: {  	p1 =	slt.u32 s9, $0xF7A;
	s5 =	simm.s32 @!p2 $0x0  }
0x1d: {  	s5 =	simm.s32 @p1 $0x1;
	p0 =	seq.s32 s7, s2  }
0x1e: {  	s7 =	smul.u32 @!p0 $0xF7A, s2;
	p2 =	seq.s32 @!p0 s5, $0x0  }
0x1f: {  	s9 =	smul.u32 $0xF7A, s1;
	s8 =	simm.s32 @!p0 $0x1BF5;
	p2 =	por !p2, p0  }
0x20: {  	[sflag:s8] =	ssyncset.s32 @!p0 $0xFFFFF086;
	s6 =	sadd.s32 @!p0 s3, s7;
	s7 =	simm.s32 @!p0 $0x108  }
0x21: {  	s3 =	sadd.s32 s3, s9;
	s6 =	sadd.s32 @!p0 $0x88, s6;
	s7 =	simm.s32 @p2 $0x1082  }
0x22: {  	[simem:s7], [sflag:s8] =	dma.local @!p0 [hbm:s6], $0xF7A  }
0x23: {  	s9 =	sor.u32 $0xD0000000, s2;
	s6 =	simm.s32 $0x108;
	_ =	swait.ge @!p0 [sflag:s8], $0x0  }
0x24: {  	s3 =	sadd.s32 $0x88, s3;
	s6 =	simm.s32 @!p1 $0x1082;
	[sflag:s4] =	ssyncset.s32 $0xFFFFF086  }
0x25: {  	[simem:s6], [sflag:s4] =	dma.local [hbm:s3], $0xF7A  }
0x26: {  	[smem:$0x3F9D] =	sst s1;
	(tag) =	ssettag s2;
	_ =	strace s9  }
0x27: {  	s1 =	sld [smem:$0x3FAD]  }
0x28: {  	s2 =	sld [smem:$0x3FAE]  }
0x29: {  	s4 =	sld [smem:$0x3FB0]  }
0x2a: {  	p0 =	seq.s32 s5, $0x0;
	s5 =	sld [smem:$0x3FB1]  }
0x2b: {  	s6 =	sld [smem:$0x3FB2]  }
0x2c: {  	s7 =	sld [smem:$0x3FB3]  }
0x2d: {  	s3 =	simm.s32 $0x108;
	s8 =	sld [smem:$0x3FB4]  }
0x2e: {  	s3 =	simm.s32 @!p0 $0x1082;
	s9 =	sld [smem:$0x3FB5]  }
0x2f: {  	lr =	sadd.s32 s0, s3;
	s0 =	sld [smem:$0x3FAC]  }
0x30: {  	s3 =	sld [smem:$0x3FAF]  }
0x31: {  	[smem:$0x3FB8] =	sst s10  }
0x32: {  	s10 =	sld [smem:$0x3FB6];
	_ =	sdelay $0x3  }
0x33: {  	p0 =	seq.s32 s10, $0x1;
	s10 =	sld [smem:$0x3FB8];
	_ =	sdelay $0x3  }
0x34: {  	[smem:$0x3FB8] =	sst s10  }
0x35: {  	s10 =	sld [smem:$0x3FB7];
	_ =	sdelay $0x3  }
0x36: {  	p1 =	seq.s32 s10, $0x1;
	s10 =	sld [smem:$0x3FB8];
	_ =	sdelay $0x3  }
0x37: {  	[smem:$0x3FB8] =	sst s10  }
0x38: {  	s10 =	sld [smem:$0x3FB9]  }
0x39: {  	_ = 	snop;
	(pc) =	sbr.ind lr, $3  }
0x3a: {  	_ = 	snop  }
0x3b: {  	_ = 	snop  }
0x3c: {  	p2 =	seq.s32 s10, $0x1;
	s10 =	sld [smem:$0x3FB8]  }
0x3d: {  	_ =	shalt  }
0x3e: {  	_ =	shalt  }
0x3f: {  	_ =	shalt  }
0x40: {  	_ =	shalt  }
0x41: {  	_ =	shalt  }
0x42: {  	_ =	shalt  }
0x43: {  	_ =	shalt  }
0x44: {  	_ =	shalt  }
0x45: {  	_ =	shalt  }
0x46: {  	_ =	shalt  }
0x47: {  	_ =	shalt  }
0x48: {  	_ =	shalt  }
0x49: {  	_ =	shalt  }
0x4a: {  	_ =	shalt  }
0x4b: {  	_ =	shalt  }
0x4c: {  	_ =	shalt  }
0x4d: {  	_ =	shalt  }
0x4e: {  	_ =	shalt  }
0x4f: {  	_ =	shalt  }
0x50: {  	_ =	shalt  }
0x51: {  	_ =	shalt  }
0x52: {  	_ =	shalt  }
0x53: {  	_ =	shalt  }
0x54: {  	_ =	shalt  }
0x55: {  	_ =	shalt  }
0x56: {  	_ =	shalt  }
0x57: {  	_ =	shalt  }
0x58: {  	_ =	shalt  }
0x59: {  	_ =	shalt  }
0x5a: {  	_ =	shalt  }
0x5b: {  	_ =	shalt  }
0x5c: {  	_ =	shalt  }
0x5d: {  	_ =	shalt  }
0x5e: {  	_ =	shalt  }
0x5f: {  	_ =	shalt  }
0x60: {  	_ =	shalt  }
0x61: {  	_ =	shalt  }
0x62: {  	_ =	shalt  }
0x63: {  	_ =	shalt  }
0x64: {  	_ =	shalt  }
0x65: {  	_ =	shalt  }
0x66: {  	_ =	shalt  }
0x67: {  	_ =	shalt  }
0x68: {  	_ =	shalt  }
0x69: {  	_ =	shalt  }
0x6a: {  	_ =	shalt  }
0x6b: {  	_ =	shalt  }
0x6c: {  	_ =	shalt  }
0x6d: {  	_ =	shalt  }
0x6e: {  	_ =	shalt  }
0x6f: {  	_ =	shalt  }
0x70: {  	_ =	shalt  }
0x71: {  	_ =	shalt  }
0x72: {  	_ =	shalt  }
0x73: {  	_ =	shalt  }
0x74: {  	_ =	shalt  }
0x75: {  	_ =	shalt  }
0x76: {  	_ =	shalt  }
0x77: {  	_ =	shalt  }
0x78: {  	_ =	shalt  }
0x79: {  	_ =	shalt  }
0x7a: {  	_ =	shalt  }
0x7b: {  	_ =	shalt  }
0x7c: {  	_ =	shalt  }
0x7d: {  	_ =	shalt  }
0x7e: {  	_ =	shalt  }
0x7f: {  	_ =	shalt  }
0x80: {  	_ =	shalt  }
0x81: {  	_ =	shalt  }
0x82: {  	_ =	shalt  }
0x83: {  	_ =	shalt  }
0x84: {  	_ =	shalt  }
0x85: {  	_ =	shalt  }
0x86: {  	_ =	shalt  }
0x87: {  	_ =	shalt  }
.Lfunc_end0:
.L_simem_size_0:
called_computation.1_lowered:
.L_overlay_start_0:
0x88: {  	s2 =	sld [smem:$0x3FD9]  }
0x89: {  	s3 =	sld [smem:$0x3FFE];
	_ =	sdelay $0x1  }
0x8a: {  	s1 =	srdreg.scid  }
0x8b: {  	s0 =	sand.u32 $0x1, s1  }
0x8c: {  	s16 =	sshll.u32 s0, $0xA;
	s2 =	sadd.s32 s3, s2  }
0x8d: {  	s2 =	sadd.s32 s2, s16  }
0x8e: {  	[smem:$0x3FC4] =	sst s2  }
0x8f: {  	_ = 	snop  }
0x90: {  	(tm) =	ssettm $0x1  }
0x91: {  	s17 =	sld [smem:$0x3FFB];
	_ =	sdelay $0x3  }
0x92: {  	_ =	strace s17  }
0x93: {  	s2 =	sld [smem:$0x3FFC];
	_ =	sdelay $0x3  }
0x94: {  	_ =	strace s2  }
0x95: {  	s2 =	sld [smem:$0x3FFD];
	_ =	sdelay $0x3  }
0x96: {  	_ =	strace s2  }
0x97: {  	_ =	strace $0x8FFFFFFF  }
0x98: {  	s18 =	sld [smem:$0x3FDB];
	_ =	sdelay $0x1  }
0x99: {  	s19 =	simm.s32 $_scs_section_size  }
0x9a: {  	s4 =	simm.s32 $_size__tile_overlayer_lowered;
	s5 =	simm.s32 $_tile_overlayer_lowered  }
0x9b: {  	s22 =	simm.s32 $0x1BFF;
	s21 =	sshll.u32 s5, $0x1;
	s2 =	sadd.s32 s19, s18  }
0x9c: {  	s6 =	simm.s32 $0x0;
	s20 =	sshll.u32 s4, $0x1;
	s4 =	sadd.s32 s21, s2  }
0x9d: {  	[timem:s6], [sflag:s22] =	dma.local [hbm:s4], s20  }
0x9e: {  	_ =	swait.ge [sflag:s22], s20  }
0x9f: {  	s3 =	ssub.s32 $0x0, s20;
	[sflag:s22] =	ssyncset.done $0x0  }
0xa0: {  	[sflag:s22] =	ssyncadd.s32 s3;
	_ =	sdelay $0x1  }
0xa1: {  	s23 =	simm.s32 $0x1B8B  }
0xa2: {  	_ =	swait.ge [sflag:s23], $0x1  }
0xa3: {  	[sflag:s23] =	ssyncset.done $0x0  }
0xa4: {  	s25 =	simm.s32 $0x1B8E;
	s24 =	sld [smem:$0x3FFE];
	[sflag:s23] =	ssyncadd.s32 $0xFFFFFFFF  }
0xa5: {  	s26 =	simm.s32 $execute0_lowered;
	[smem:$0x3FD2] =	sst s25  }
0xa6: {  	s4 =	sshll.u32 s26, $0x1;
	_ =	strace $0x80000049;
	[dreg:$0x1] =	wrdreg $0xFFFFFFFF  }
0xa7: {  	s28 =	simm.s32 $_size_execute0_lowered;
	s2 =	sadd.s32 s2, s4;
	[dreg:$0x0] =	wrdreg $0x0  }
0xa8: {  	s4 =	sshll.u32 s28, $0x1;
	[dreg:$0x2] =	wrdreg s2  }
0xa9: {  	[dreg:$0x3] =	wrdreg s4  }
0xaa: {  	[dreg:$0x4] =	wrdreg $0xC0  }
0xab: {  	_ =	task [dreg:s6], $0x5FFFF  }
0xac: {  	[dreg:$0x1] =	wrdreg $0xFFFFFFFF  }
0xad: {  	[dreg:$0x0] =	wrdreg $0x60  }
0xae: {  	[dreg:$0x2] =	wrdreg s24  }
0xaf: {  	[dreg:$0x3] =	wrdreg $0x9  }
0xb0: {  	_ =	task.clear_ibuf [dreg:s6], $0x4FFFF;
	_ =	strace $0x90000049  }
0xb1: {  	s29 =	simm.s32 $0x9;
	_ =	strace $0x8000004B  }
0xb2: {  	_ =	swait.ge [sflag:s29], $0x1  }
0xb3: {  	[sflag:s29] =	ssyncadd.s32 $0xFFFFFFFF  }
0xb4: {  	_ =	strace $0x9000004B  }
0xb5: {  	_ =	sfence  }
0xb6: {  	s30 =	sld [smem:$0x0];
	_ =	sdelay $0x2  }
0xb7: {  	s31 =	sshll.u32 s1, $0xD;
	s1 =	sshrl.u32 s1, $0x2  }
0xb8: {  	s3 =	sand.u32 $0x4000, s31;
	s1 =	sadd.s32 s1, s30  }
0xb9: {  	s0 =	sor.u32 s3, s0;
	s1 =	sshll.u32 s1, $0x11  }
0xba: {  	s0 =	sor.u32 s1, s0  }
0xbb: {  	s0 =	sadd.s32 $0x8F2B, s0  }
0xbc: {  	[sflag:s0] =	ssyncadd.remote.s32 $0x1  }
0xbd: {  	_ =	sfence.sel $0xFFFF  }
0xbe: {  	[dreg:$0x0] =	wrdreg $0xFFFFFFFF;
	(pc) =	sbr.abs _section_cstart, $3  }
0xbf: {  	[dreg:$0x1] =	wrdreg $0xFFFFFFFF  }
0xc0: {  	_ =	task.clear_ibuf [dreg:s6], $0x2FFFF;
	_ =	strace $0x9FFFFFFF  }
0xc1: {  	(tm) =	ssettm $0x7FFFFFFF  }
tec
execute0_lowered:
.L_overlay_start_1:
0x0: {  	(tag) =	ssettag $0x1  }
0x1: {  	s0 =	rddreg [dreg:$0x0]  }
0x2: {  	s1 =	simm.s32 $0x0;
	s2 =	srdreg.scid;
	s6 =	stileid.u32  }
0x3: {  	s19 =	simm.s32 $0x9000;
	[smem:$0x7FF] =	sst s1;
	s3 =	sadd.s32 $0x439E00, s0  }
0x4: {  	s23 =	simm.s32 $0x5;
	s4 =	sadd.s32 $0x2E9E00, s0;
	s5 =	sadd.s32 $0x2D1E00, s0  }
0x5: {  	s2 =	sand.u32 $0x1, s2;
	s8 =	sshll.u32 s6, $0x1;
	s6 =	sadd.s32 $0x289E00, s0  }
0x6: {  	s7 =	sadd.s32 $0x2B9E00, s0;
	s10 =	sadd.s32 $0x319E00, s0;
	s9 =	sor.u32 s2, s8  }
0x7: {  	s11 =	sadd.s32 $0x331E00, s0;
	s2 =	ssub.s32 $0x2, s2;
	s9 =	smul.u32 $0x6000, s9  }
0x8: {  	s12 =	sadd.s32 $0x349E00, s0;
	_ =	strace $0x8000004A;
	s24 =	sshrl.u32 s2, $0x1  }
0x9: {  	s8 =	sadd.s32 $0x301E00, s0;
	s0 =	ssub.s32 s2, s24;
	s31 =	sor.u32 $0x600, s9  }
0xa: {  	s13 =	sshrl.u32 s9, $0x3;
	s0 =	smax.u32 s0, $0x1;
	[dreg:$0x6] =	wrdreg s31  }
0xb: {  	s30 =	simm.s32 $0x1;
	s25 =	sadd.s32 s4, s13;
	[dreg:$0x7] =	wrdreg s0  }
0xc: {  	s14 =	simm.s32 $0x0;
	s26 =	sadd.s32 s5, s13;
	[dreg:$0x2] =	wrdreg s25  }
0xd: {  	s24 =	simm.s32 $0x300;
	s28 =	sadd.s32 s6, s13;
	[dreg:$0x3] =	wrdreg s26  }
0xe: {  	v0 =	vlaneseq.u32;
	s17 =	sor.u32 $0x300, s9;
	s29 =	sadd.s32 s7, s13;
	[dreg:$0x4] =	wrdreg s28  }
0xf: {  	v0 =	vmul.u32 $0x8, v0;
	s13 =	simm.s32 $0x2;
	[dreg:$0x5] =	wrdreg s29;
	s26 =	simm.s32 $0x3000  }
.LBB2_1:
0x10: {  	[dreg:$0x8] =	wrdreg s14  }
0x11: {  	s0 =	rddreg [dreg:$0x2]  }
0x12: {  	[tilespmem:s1], [sflag:$0x5] =	stream.linear.gather [hbm4b:s0+s1], $0x300, $0x38;
	[tilespmem:$0x10800] =	vst v63  }
0x13: {  	s22 =	rddreg [dreg:$0x3];
	s2 =	simm.s32 $0x600  }
0x14: {  	[tilespmem:s2], [sflag:$0x5] =	stream.linear.gather [hbm4b:s22+s1], $0x300, $0x38;
	[tilespmem:$0x10800] =	vst v63  }
0x15: {  	s25 =	rddreg [dreg:$0x4];
	s28 =	simm.s32 $0xC00  }
0x16: {  	[tilespmem:s28], [sflag:$0x5] =	stream.linear.gather [hbm4b:s25+s1], $0x300, $0x38;
	[tilespmem:$0x10800] =	vst v63  }
0x17: {  	s29 =	rddreg [dreg:$0x5];
	s31 =	simm.s32 $0x1200  }
0x18: {  	[tilespmem:s31], [sflag:$0x5] =	stream.linear.gather [hbm4b:s29+s1], $0x300, $0x38;
	[tilespmem:$0x10800] =	vst v63  }
0x19: {  	_ =	swait.ge [sflag:s23], $0x300  }
0x1a: {  	[sflag:s23] =	ssyncset.done $0x0  }
0x1b: {  	[sflag:s23] =	ssyncadd.s32 $0xFFFFFD00  }
0x1c: {  	_ =	swait.ge [sflag:s23], $0x300  }
0x1d: {  	[sflag:s23] =	ssyncset.done $0x0  }
0x1e: {  	[sflag:s23] =	ssyncadd.s32 $0xFFFFFD00  }
0x1f: {  	_ =	swait.ge [sflag:s23], $0x300  }
0x20: {  	[sflag:s23] =	ssyncset.done $0x0  }
0x21: {  	[sflag:s23] =	ssyncadd.s32 $0xFFFFFD00  }
0x22: {  	_ =	swait.ge [sflag:s23], $0x300  }
0x23: {  	[sflag:s23] =	ssyncset.done $0x0  }
0x24: {  	s0 =	simm.s32 $0x0;
	[sflag:s23] =	ssyncadd.s32 $0xFFFFFD00  }
0x25: {  	v1 =	vld [tilespmem:s0+$0x0];
	_ =	sdelay $0x1  }
0x26: {  	s2 =	simm.s32 $0x40  }
.LBB2_2:
0x27: {  	p0 =	sne.s32 s2, $0xBC0  }
.Ltmp0:
0x28: {  	_ = 	snop;
	(pc) =	sbr.rel @p0 .LBB2_2-.Ltmp0, $4  }
0x29: {  	s14 =	sshra.s32 s2, $0x2;
	[tilespmem:s0+$0x1800] =	vst v1;
	v4 =	vadd.s32 $0x90C0, v1  }
0x2a: {  	v2 =	vadd.s32 $0xC0, v1;
	v3 =	vadd.s32 $0x9000, v1;
	v1 =	vld [tilespmem:s14+$0x0];
	[tilespmem:s0+$0x2100] =	vst v4  }
0x2b: {  	[tilespmem:s0+$0x1B00] =	vst v2  }
0x2c: {  	s2 =	sadd.s32 $0x40, s2;
	[tilespmem:s0+$0x1E00] =	vst v3;
	s0 =	smov.u32 s14  }
0x2d: {  	_ =	sdelay $0x1  }
0x2e: {  	[tilespmem:s0+$0x1800] =	vst v1;
	v2 =	vadd.s32 $0x90C0, v1  }
0x2f: {  	v3 =	vadd.s32 $0xC0, v1;
	[tilespmem:s0+$0x2100] =	vst v2  }
0x30: {  	v1 =	vadd.s32 $0x9000, v1;
	[tilespmem:s0+$0x1B00] =	vst v3  }
0x31: {  	s21 =	simm.s32 $0x1800;
	[tilespmem:s0+$0x1E00] =	vst v1  }
0x32: {  	[tilespmem:s26], [sflag:$0x1] =	stream.indirect.gather [hbm4b:s3+s24], $0x8, s21, s24, $0xb8;
	[tilespmem:$0x10800] =	vst v63  }
0x33: {  	s22 =	simm.s32 $0x1B00;
	s2 =	simm.s32 $0x4800  }
0x34: {  	[tilespmem:s2], [sflag:$0x1] =	stream.indirect.gather [hbm4b:s3+s24], $0x8, s22, s24, $0xb8;
	[tilespmem:$0x10800] =	vst v63  }
0x35: {  	s25 =	simm.s32 $0x1E00;
	s28 =	simm.s32 $0x6000  }
0x36: {  	[tilespmem:s28], [sflag:$0x1] =	stream.indirect.gather [hbm4b:s3+s24], $0x8, s25, s24, $0xb8;
	[tilespmem:$0x10800] =	vst v63  }
0x37: {  	s29 =	simm.s32 $0x2100;
	s31 =	simm.s32 $0x7800;
	s21 =	simm.s32 $0x0  }
0x38: {  	[tilespmem:s31], [sflag:$0x1] =	stream.indirect.gather [hbm4b:s3+s24], $0x8, s29, s24, $0xb8;
	[tilespmem:$0x10800] =	vst v63  }
.LBB2_4:
0x39: {  	s25 =	smul.u32 $0x600, s21;
	_ =	sdelay $0x1  }
0x3a: {  	s0 =	sadd.s32 s25, s17  }
0x3b: {  	s22 =	sshrl.u32 s0, $0x3  }
0x3c: {  	s0 =	sadd.s32 s4, s22  }
0x3d: {  	[tilespmem:s24], [sflag:$0x5] =	stream.linear.gather [hbm4b:s0+s1], $0x300, $0x38;
	[tilespmem:$0x10800] =	vst v63  }
0x3e: {  	s2 =	simm.s32 $0x900;
	s18 =	sadd.s32 s5, s22  }
0x3f: {  	[tilespmem:s2], [sflag:$0x5] =	stream.linear.gather [hbm4b:s18+s1], $0x300, $0x38;
	[tilespmem:$0x10800] =	vst v63  }
0x40: {  	s28 =	simm.s32 $0xF00;
	s20 =	sadd.s32 s6, s22  }
0x41: {  	[tilespmem:s28], [sflag:$0x5] =	stream.linear.gather [hbm4b:s20+s1], $0x300, $0x38;
	[tilespmem:$0x10800] =	vst v63  }
0x42: {  	s31 =	simm.s32 $0x1500;
	s29 =	sadd.s32 s7, s22  }
0x43: {  	[tilespmem:s31], [sflag:$0x5] =	stream.linear.gather [hbm4b:s29+s1], $0x300, $0x38;
	[tilespmem:$0x10800] =	vst v63  }
0x44: {  	_ =	swait.ge [sflag:s23], $0x300  }
0x45: {  	[sflag:s23] =	ssyncset.done $0x0  }
0x46: {  	[sflag:s23] =	ssyncadd.s32 $0xFFFFFD00  }
0x47: {  	_ =	swait.ge [sflag:s23], $0x300  }
0x48: {  	[sflag:s23] =	ssyncset.done $0x0  }
0x49: {  	[sflag:s23] =	ssyncadd.s32 $0xFFFFFD00  }
0x4a: {  	_ =	swait.ge [sflag:s23], $0x300  }
0x4b: {  	[sflag:s23] =	ssyncset.done $0x0  }
0x4c: {  	[sflag:s23] =	ssyncadd.s32 $0xFFFFFD00  }
0x4d: {  	_ =	swait.ge [sflag:s23], $0x300  }
0x4e: {  	[sflag:s23] =	ssyncset.done $0x0  }
0x4f: {  	s0 =	simm.s32 $0x300;
	[sflag:s23] =	ssyncadd.s32 $0xFFFFFD00  }
0x50: {  	v1 =	vld [tilespmem:s0+$0x0];
	_ =	sdelay $0x1  }
0x51: {  	s2 =	simm.s32 $0xC40  }
.LBB2_5:
0x52: {  	p0 =	sne.s32 s2, $0x17C0  }
.Ltmp1:
0x53: {  	_ = 	snop;
	(pc) =	sbr.rel @p0 .LBB2_5-.Ltmp1, $4  }
0x54: {  	s14 =	sshra.s32 s2, $0x2;
	[tilespmem:s0+$0x2100] =	vst v1;
	v4 =	vadd.s32 $0x90C0, v1  }
0x55: {  	v2 =	vadd.s32 $0xC0, v1;
	v3 =	vadd.s32 $0x9000, v1;
	v1 =	vld [tilespmem:s14+$0x0];
	[tilespmem:s0+$0x2A00] =	vst v4  }
0x56: {  	[tilespmem:s0+$0x2400] =	vst v2  }
0x57: {  	s2 =	sadd.s32 $0x40, s2;
	[tilespmem:s0+$0x2700] =	vst v3;
	s0 =	smov.u32 s14  }
0x58: {  	_ =	sdelay $0x1  }
0x59: {  	[tilespmem:s0+$0x2100] =	vst v1;
	v2 =	vadd.s32 $0x90C0, v1  }
0x5a: {  	v3 =	vadd.s32 $0xC0, v1;
	[tilespmem:s0+$0x2A00] =	vst v2  }
0x5b: {  	v1 =	vadd.s32 $0x9000, v1;
	[tilespmem:s0+$0x2400] =	vst v3  }
0x5c: {  	s15 =	simm.s32 $0x2400;
	[tilespmem:s0+$0x2700] =	vst v1  }
0x5d: {  	[tilespmem:s19], [sflag:$0x2] =	stream.indirect.gather [hbm4b:s3+s24], $0x8, s15, s24, $0xb8;
	[tilespmem:$0x10800] =	vst v63  }
0x5e: {  	s16 =	simm.s32 $0x2700;
	s2 =	simm.s32 $0xA800  }
0x5f: {  	[tilespmem:s2], [sflag:$0x2] =	stream.indirect.gather [hbm4b:s3+s24], $0x8, s16, s24, $0xb8;
	[tilespmem:$0x10800] =	vst v63  }
0x60: {  	s18 =	simm.s32 $0x2A00;
	s20 =	simm.s32 $0xC000  }
0x61: {  	[tilespmem:s20], [sflag:$0x2] =	stream.indirect.gather [hbm4b:s3+s24], $0x8, s18, s24, $0xb8;
	[tilespmem:$0x10800] =	vst v63  }
0x62: {  	s14 =	simm.s32 $0xD800;
	s2 =	simm.s32 $0x2D00  }
0x63: {  	[tilespmem:s14], [sflag:$0x2] =	stream.indirect.gather [hbm4b:s3+s24], $0x8, s2, s24, $0xb8;
	[tilespmem:$0x10800] =	vst v63  }
0x64: {  	_ =	swait.ge [sflag:s30], $0x1800  }
0x65: {  	[sflag:s30] =	ssyncset.done $0x0  }
0x66: {  	[sflag:s30] =	ssyncadd.s32 $0xFFFFE800  }
0x67: {  	_ =	swait.ge [sflag:s30], $0x1800  }
0x68: {  	[sflag:s30] =	ssyncset.done $0x0  }
0x69: {  	[sflag:s30] =	ssyncadd.s32 $0xFFFFE800  }
0x6a: {  	_ =	swait.ge [sflag:s30], $0x1800  }
0x6b: {  	[sflag:s30] =	ssyncset.done $0x0  }
0x6c: {  	[sflag:s30] =	ssyncadd.s32 $0xFFFFE800  }
0x6d: {  	_ =	swait.ge [sflag:s30], $0x1800  }
0x6e: {  	p0 =	seq.s32 s21, $0x0;
	[sflag:s30] =	ssyncset.done $0x0  }
0x6f: {  	s0 =	simm.s32 @!p0 $0x3;
	[sflag:s30] =	ssyncadd.s32 $0xFFFFE800  }
0x70: {  	_ =	swait.ge @!p0 [sflag:s0], $0x300  }
0x71: {  	[sflag:s0] =	ssyncset.done @!p0 $0x0  }
0x72: {  	[sflag:s0] =	ssyncadd.s32 @!p0 $0xFFFFFD00  }
0x73: {  	_ =	swait.ge @!p0 [sflag:s0], $0x300  }
0x74: {  	[sflag:s0] =	ssyncset.done @!p0 $0x0  }
0x75: {  	[sflag:s0] =	ssyncadd.s32 @!p0 $0xFFFFFD00  }
0x76: {  	_ =	swait.ge @!p0 [sflag:s0], $0x300  }
0x77: {  	[sflag:s0] =	ssyncset.done @!p0 $0x0  }
0x78: {  	[sflag:s0] =	ssyncadd.s32 @!p0 $0xFFFFFD00  }
0x79: {  	_ =	swait.ge @!p0 [sflag:s0], $0x300  }
0x7a: {  	s15 =	simm.s32 $0x0;
	[sflag:s0] =	ssyncset.done @!p0 $0x0  }
0x7b: {  	s28 =	simm.s32 $0xC00;
	v1 =	vmov s15;
	[sflag:s0] =	ssyncadd.s32 @!p0 $0xFFFFFD00  }
0x7c: {  	s29 =	simm.s32 $0x600;
	v1 =	vshll.u32 v1, $0x3;
	v2 =	vld [tilespmem:s28+$0x0]  }
0x7d: {  	v1 =	vor.u32 v0, v1;
	v3 =	vld [tilespmem:s29+$0x0]  }
0x7e: {  	s31 =	simm.s32 $0x1200;
	v4 =	vor.u32 $0x4, v1  }
0x7f: {  	v5 =	vld [tilespmem:s31+$0x0]  }
0x80: {  	v6 =	vadd.s32 $0x1800, v1;
	_ =	sdelay $0x1  }
0x81: {  	v7 =	vadd.s32 $0x1804, v1;
	v8 =	vld.idx.msk [tilespmem:v1+s26+$0x0], $0xffff;
	v9 =	vsub.f32 $1.000000000e+00, v3;
	v10 =	vsub.f32 $1.000000000e+00, v2  }
0x82: {  	v4 =	vld.idx.msk [tilespmem:v4+s26+$0x0], $0xffff  }
0x83: {  	v11 =	vadd.s32 $0x3000, v1;
	v12 =	vsub.f32 $1.000000000e+00, v5;
	v13 =	vmul.f32 v10, v9  }
0x84: {  	v6 =	vld.idx.msk [tilespmem:v6+s26+$0x0], $0xffff;
	v9 =	vmul.f32 v2, v9  }
0x85: {  	v14 =	vadd.s32 $0x3004, v1;
	v15 =	vmul.f32 v12, v13;
	v13 =	vmul.f32 v13, v5  }
0x86: {  	v7 =	vld.idx.msk [tilespmem:v7+s26+$0x0], $0xffff;
	v16 =	vmul.f32 v12, v9  }
0x87: {  	v17 =	vadd.s32 $0x4800, v1;
	v8 =	vmul.f32 v15, v8;
	v4 =	vmul.f32 v4, v13  }
0x88: {  	v18 =	vadd.s32 $0x4804, v1;
	v11 =	vld.idx.msk [tilespmem:v11+s26+$0x0], $0xffff;
	v10 =	vmul.f32 v10, v3  }
0x89: {  	v9 =	vmul.f32 v5, v9;
	v6 =	vmul.f32 v6, v16;
	v4 =	vadd.f32 v4, v8  }
0x8a: {  	v36 =	vld.idx.msk [tilespmem:v14+s26+$0x0], $0xffff  }
0x8b: {  	v37 =	vmul.f32 v12, v10;
	v38 =	vmul.f32 v7, v9;
	v4 =	vadd.f32 v6, v4  }
0x8c: {  	v2 =	vmul.f32 v2, v3;
	v3 =	vld.idx.msk [tilespmem:v17+s26+$0x0], $0xffff  }
0x8d: {  	v39 =	vmul.f32 v10, v5;
	v40 =	vmul.f32 v11, v37;
	v4 =	vadd.f32 v38, v4  }
0x8e: {  	v41 =	vld.idx.msk [tilespmem:v18+s26+$0x0], $0xffff  }
0x8f: {  	v42 =	vmul.f32 v12, v2;
	v43 =	vmul.f32 v36, v39;
	v4 =	vadd.f32 v40, v4;
	_ =	sdelay $0x1  }
0x90: {  	v2 =	vmul.f32 v5, v2;
	v3 =	vmul.f32 v3, v42;
	v4 =	vadd.f32 v43, v4;
	_ =	sdelay $0x1  }
0x91: {  	v5 =	vor.u32 $0x1, v1;
	v3 =	vadd.f32 v3, v4;
	v4 =	vmul.f32 v41, v2  }
0x92: {  	v44 =	vor.u32 $0x5, v1  }
0x93: {  	v3 =	vadd.f32 v4, v3  }
0x94: {  	s16 =	simm.s32 $0xF000;
	v4 =	vadd.s32 $0x1801, v1  }
0x95: {  	[tilespmem:s16+$0x0] =	vst v3  }
0x96: {  	v3 =	vld.idx.msk [tilespmem:v5+s26+$0x0], $0xffff;
	v5 =	vadd.s32 $0x1805, v1  }
0x97: {  	v6 =	vld.idx.msk [tilespmem:v44+s26+$0x0], $0xffff  }
0x98: {  	v45 =	vadd.s32 $0x3001, v1  }
0x99: {  	v4 =	vld.idx.msk [tilespmem:v4+s26+$0x0], $0xffff  }
0x9a: {  	v46 =	vadd.s32 $0x3005, v1  }
0x9b: {  	v5 =	vld.idx.msk [tilespmem:v5+s26+$0x0], $0xffff  }
0x9c: {  	v47 =	vadd.s32 $0x4801, v1;
	v3 =	vmul.f32 v3, v15;
	v6 =	vmul.f32 v6, v13  }
0x9d: {  	v8 =	vld.idx.msk [tilespmem:v45+s26+$0x0], $0xffff  }
0x9e: {  	v48 =	vadd.s32 $0x4805, v1;
	v3 =	vadd.f32 v6, v3;
	v4 =	vmul.f32 v4, v16  }
0x9f: {  	v49 =	vld.idx.msk [tilespmem:v46+s26+$0x0], $0xffff  }
0xa0: {  	v3 =	vadd.f32 v4, v3;
	v4 =	vmul.f32 v5, v9  }
0xa1: {  	v5 =	vld.idx.msk [tilespmem:v47+s26+$0x0], $0xffff  }
0xa2: {  	v3 =	vadd.f32 v4, v3;
	v4 =	vmul.f32 v8, v37  }
0xa3: {  	v50 =	vld.idx.msk [tilespmem:v48+s26+$0x0], $0xffff  }
0xa4: {  	v3 =	vadd.f32 v4, v3;
	v4 =	vmul.f32 v49, v39;
	_ =	sdelay $0x1  }
0xa5: {  	v3 =	vadd.f32 v4, v3;
	v4 =	vmul.f32 v5, v42;
	_ =	sdelay $0x1  }
0xa6: {  	v5 =	vor.u32 $0x2, v1;
	v3 =	vadd.f32 v4, v3;
	v4 =	vmul.f32 v50, v2  }
0xa7: {  	v51 =	vor.u32 $0x6, v1  }
0xa8: {  	v3 =	vadd.f32 v4, v3  }
0xa9: {  	s18 =	simm.s32 $0xF600;
	v4 =	vadd.s32 $0x1802, v1  }
0xaa: {  	[tilespmem:s18+$0x0] =	vst v3  }
0xab: {  	v3 =	vld.idx.msk [tilespmem:v5+s26+$0x0], $0xffff;
	v5 =	vadd.s32 $0x1806, v1  }
0xac: {  	v6 =	vld.idx.msk [tilespmem:v51+s26+$0x0], $0xffff  }
0xad: {  	v52 =	vadd.s32 $0x3002, v1  }
0xae: {  	v4 =	vld.idx.msk [tilespmem:v4+s26+$0x0], $0xffff  }
0xaf: {  	v53 =	vadd.s32 $0x3006, v1  }
0xb0: {  	v5 =	vld.idx.msk [tilespmem:v5+s26+$0x0], $0xffff  }
0xb1: {  	v54 =	vadd.s32 $0x4802, v1;
	v3 =	vmul.f32 v3, v15;
	v6 =	vmul.f32 v6, v13  }
0xb2: {  	v8 =	vld.idx.msk [tilespmem:v52+s26+$0x0], $0xffff  }
0xb3: {  	v55 =	vadd.s32 $0x4806, v1;
	v3 =	vadd.f32 v6, v3;
	v4 =	vmul.f32 v4, v16  }
0xb4: {  	v56 =	vld.idx.msk [tilespmem:v53+s26+$0x0], $0xffff  }
0xb5: {  	v3 =	vadd.f32 v4, v3;
	v4 =	vmul.f32 v5, v9  }
0xb6: {  	v5 =	vld.idx.msk [tilespmem:v54+s26+$0x0], $0xffff  }
0xb7: {  	v3 =	vadd.f32 v4, v3;
	v4 =	vmul.f32 v8, v37  }
0xb8: {  	v57 =	vld.idx.msk [tilespmem:v55+s26+$0x0], $0xffff  }
0xb9: {  	v3 =	vadd.f32 v4, v3;
	v4 =	vmul.f32 v56, v39;
	_ =	sdelay $0x1  }
0xba: {  	v3 =	vadd.f32 v4, v3;
	v4 =	vmul.f32 v5, v42;
	_ =	sdelay $0x1  }
0xbb: {  	v5 =	vor.u32 $0x3, v1;
	v3 =	vadd.f32 v4, v3;
	v4 =	vmul.f32 v57, v2  }
0xbc: {  	v58 =	vor.u32 $0x7, v1  }
0xbd: {  	v3 =	vadd.f32 v4, v3  }
0xbe: {  	s20 =	simm.s32 $0xFC00;
	v4 =	vadd.s32 $0x1803, v1  }
0xbf: {  	[tilespmem:s20+$0x0] =	vst v3  }
0xc0: {  	v3 =	vadd.s32 $0x1807, v1;
	v5 =	vld.idx.msk [tilespmem:v5+s26+$0x0], $0xffff  }
0xc1: {  	v6 =	vld.idx.msk [tilespmem:v58+s26+$0x0], $0xffff  }
0xc2: {  	v59 =	vadd.s32 $0x3003, v1  }
0xc3: {  	v4 =	vld.idx.msk [tilespmem:v4+s26+$0x0], $0xffff  }
0xc4: {  	v60 =	vadd.s32 $0x3007, v1  }
0xc5: {  	v3 =	vld.idx.msk [tilespmem:v3+s26+$0x0], $0xffff  }
0xc6: {  	v61 =	vadd.s32 $0x4803, v1;
	v5 =	vmul.f32 v5, v15;
	v6 =	vmul.f32 v6, v13  }
0xc7: {  	v1 =	vadd.s32 $0x4807, v1;
	v8 =	vld.idx.msk [tilespmem:v59+s26+$0x0], $0xffff  }
0xc8: {  	v4 =	vmul.f32 v4, v16;
	v5 =	vadd.f32 v6, v5  }
0xc9: {  	v62 =	vld.idx.msk [tilespmem:v60+s26+$0x0], $0xffff  }
0xca: {  	v3 =	vmul.f32 v3, v9;
	v4 =	vadd.f32 v4, v5  }
0xcb: {  	v63 =	vld.idx.msk [tilespmem:v61+s26+$0x0], $0xffff  }
0xcc: {  	v5 =	vld.idx.msk [tilespmem:v1+s26+$0x0], $0xffff;
	v1 =	vmul.f32 v8, v37;
	v3 =	vadd.f32 v3, v4;
	_ =	sdelay $0x1  }
0xcd: {  	v4 =	vmul.f32 v62, v39;
	v3 =	vadd.f32 v1, v3;
	_ =	sdelay $0x1  }
0xce: {  	s15 =	simm.s32 $0xF610;
	s2 =	simm.s32 $0x10;
	s14 =	simm.s32 $0xF010;
	v1 =	vmul.f32 v63, v42;
	v3 =	vadd.f32 v4, v3  }
0xcf: {  	s0 =	simm.s32 $0x10200;
	s16 =	simm.s32 $0xFC10;
	s18 =	simm.s32 $0x10210;
	v2 =	vmul.f32 v5, v2  }
.LBB2_7:
0xd0: {  	v1 =	vadd.f32 v1, v3;
	s29 =	sadd.s32 $0x10, s29;
	s28 =	sadd.s32 $0x10, s28;
	s31 =	sadd.s32 $0x10, s31  }
0xd1: {  	p1 =	sne.s32 s2, $0x2F0;
	s20 =	smov.u32 s2;
	s2 =	sadd.s32 $0x10, s2  }
0xd2: {  	v3 =	vmov s20;
	v2 =	vadd.f32 v2, v1  }
0xd3: {  	v1 =	vshll.u32 v3, $0x3  }
0xd4: {  	v1 =	vor.u32 v0, v1;
	[tilespmem:s0+$0x0] =	vst v2;
	s0 =	smov.u32 s18  }
0xd5: {  	v3 =	vor.u32 $0x4, v1;
	v4 =	vadd.s32 $0x1800, v1;
	v5 =	vadd.s32 $0x1804, v1;
	v2 =	vld [tilespmem:s28+$0x0]  }
0xd6: {  	v8 =	vadd.s32 $0x3000, v1;
	v9 =	vadd.s32 $0x3004, v1;
	v10 =	vadd.s32 $0x4800, v1;
	v6 =	vld [tilespmem:s29+$0x0]  }
0xd7: {  	v11 =	vadd.s32 $0x4804, v1  }
0xd8: {  	v12 =	vld [tilespmem:s31+$0x0]  }
0xd9: {  	v13 =	vld.idx.msk [tilespmem:v1+s26+$0x0], $0xffff  }
0xda: {  	v14 =	vld.idx.msk [tilespmem:v3+s26+$0x0], $0xffff  }
0xdb: {  	v7 =	vsub.f32 $1.000000000e+00, v2;
	v3 =	vsub.f32 $1.000000000e+00, v6;
	v15 =	vmul.f32 v2, v6;
	_ =	sdelay $0x1  }
0xdc: {  	v16 =	vsub.f32 $1.000000000e+00, v12;
	v17 =	vmul.f32 v7, v3;
	v2 =	vmul.f32 v2, v3;
	v18 =	vld.idx.msk [tilespmem:v4+s26+$0x0], $0xffff  }
0xdd: {  	v6 =	vmul.f32 v7, v6  }
0xde: {  	v7 =	vmul.f32 v16, v17;
	v3 =	vmul.f32 v17, v12;
	v17 =	vld.idx.msk [tilespmem:v5+s26+$0x0], $0xffff  }
0xdf: {  	v4 =	vmul.f32 v16, v2;
	v2 =	vmul.f32 v12, v2  }
0xe0: {  	v13 =	vmul.f32 v7, v13;
	v14 =	vmul.f32 v14, v3;
	v19 =	vld.idx.msk [tilespmem:v8+s26+$0x0], $0xffff  }
0xe1: {  	v5 =	vmul.f32 v6, v12;
	v8 =	vmul.f32 v16, v6  }
0xe2: {  	v6 =	vmul.f32 v16, v15;
	v13 =	vadd.f32 v14, v13;
	v14 =	vmul.f32 v18, v4;
	v9 =	vld.idx.msk [tilespmem:v9+s26+$0x0], $0xffff;
	_ =	sdelay $0x1  }
0xe3: {  	v13 =	vadd.f32 v14, v13;
	v14 =	vmul.f32 v17, v2;
	v10 =	vld.idx.msk [tilespmem:v10+s26+$0x0], $0xffff;
	_ =	sdelay $0x1  }
0xe4: {  	v13 =	vadd.f32 v14, v13;
	v14 =	vmul.f32 v19, v8;
	v11 =	vld.idx.msk [tilespmem:v11+s26+$0x0], $0xffff;
	_ =	sdelay $0x1  }
0xe5: {  	v13 =	vadd.f32 v14, v13;
	v14 =	vmul.f32 v9, v5;
	_ =	sdelay $0x1  }
0xe6: {  	v9 =	vmul.f32 v12, v15;
	v10 =	vmul.f32 v10, v6;
	v12 =	vadd.f32 v14, v13;
	_ =	sdelay $0x1  }
0xe7: {  	v11 =	vmul.f32 v11, v9;
	v10 =	vadd.f32 v10, v12;
	v12 =	vor.u32 $0x1, v1  }
0xe8: {  	v13 =	vor.u32 $0x5, v1  }
0xe9: {  	v10 =	vadd.f32 v11, v10  }
0xea: {  	v11 =	vadd.s32 $0x1801, v1  }
0xeb: {  	[tilespmem:s14+$0x0] =	vst v10  }
0xec: {  	v10 =	vld.idx.msk [tilespmem:v12+s26+$0x0], $0xffff;
	v12 =	vadd.s32 $0x1805, v1  }
0xed: {  	v13 =	vld.idx.msk [tilespmem:v13+s26+$0x0], $0xffff  }
0xee: {  	v14 =	vadd.s32 $0x3001, v1  }
0xef: {  	v11 =	vld.idx.msk [tilespmem:v11+s26+$0x0], $0xffff  }
0xf0: {  	v15 =	vadd.s32 $0x3005, v1  }
0xf1: {  	v12 =	vld.idx.msk [tilespmem:v12+s26+$0x0], $0xffff  }
0xf2: {  	v16 =	vadd.s32 $0x4801, v1;
	v10 =	vmul.f32 v10, v7  }
0xf3: {  	v13 =	vmul.f32 v13, v3;
	v14 =	vld.idx.msk [tilespmem:v14+s26+$0x0], $0xffff  }
0xf4: {  	v17 =	vadd.s32 $0x4805, v1  }
0xf5: {  	v10 =	vadd.f32 v13, v10;
	v11 =	vmul.f32 v11, v4;
	v13 =	vld.idx.msk [tilespmem:v15+s26+$0x0], $0xffff;
	_ =	sdelay $0x1  }
0xf6: {  	v10 =	vadd.f32 v11, v10;
	v11 =	vmul.f32 v12, v2;
	v12 =	vld.idx.msk [tilespmem:v16+s26+$0x0], $0xffff;
	_ =	sdelay $0x1  }
0xf7: {  	v10 =	vadd.f32 v11, v10;
	v11 =	vmul.f32 v14, v8;
	v14 =	vld.idx.msk [tilespmem:v17+s26+$0x0], $0xffff;
	_ =	sdelay $0x1  }
0xf8: {  	v10 =	vadd.f32 v11, v10;
	v11 =	vmul.f32 v13, v5;
	_ =	sdelay $0x1  }
0xf9: {  	v10 =	vadd.f32 v11, v10;
	v11 =	vmul.f32 v12, v6;
	_ =	sdelay $0x1  }
0xfa: {  	v12 =	vor.u32 $0x2, v1;
	v10 =	vadd.f32 v11, v10;
	v11 =	vmul.f32 v14, v9  }
0xfb: {  	v13 =	vor.u32 $0x6, v1  }
0xfc: {  	v10 =	vadd.f32 v11, v10  }
0xfd: {  	v11 =	vadd.s32 $0x1802, v1  }
0xfe: {  	[tilespmem:s15+$0x0] =	vst v10  }
0xff: {  	v10 =	vld.idx.msk [tilespmem:v12+s26+$0x0], $0xffff;
	v12 =	vadd.s32 $0x1806, v1  }
0x100: {  	v13 =	vld.idx.msk [tilespmem:v13+s26+$0x0], $0xffff  }
0x101: {  	v14 =	vadd.s32 $0x3002, v1  }
0x102: {  	v11 =	vld.idx.msk [tilespmem:v11+s26+$0x0], $0xffff  }
0x103: {  	v15 =	vadd.s32 $0x3006, v1  }
0x104: {  	v12 =	vld.idx.msk [tilespmem:v12+s26+$0x0], $0xffff  }
0x105: {  	v16 =	vadd.s32 $0x4802, v1;
	v10 =	vmul.f32 v10, v7  }
0x106: {  	v13 =	vmul.f32 v13, v3;
	v14 =	vld.idx.msk [tilespmem:v14+s26+$0x0], $0xffff  }
0x107: {  	v17 =	vadd.s32 $0x4806, v1  }
0x108: {  	v10 =	vadd.f32 v13, v10;
	v11 =	vmul.f32 v11, v4;
	v13 =	vld.idx.msk [tilespmem:v15+s26+$0x0], $0xffff;
	_ =	sdelay $0x1  }
0x109: {  	v10 =	vadd.f32 v11, v10;
	v11 =	vmul.f32 v12, v2;
	v12 =	vld.idx.msk [tilespmem:v16+s26+$0x0], $0xffff;
	_ =	sdelay $0x1  }
0x10a: {  	v10 =	vadd.f32 v11, v10;
	v11 =	vmul.f32 v14, v8;
	v14 =	vld.idx.msk [tilespmem:v17+s26+$0x0], $0xffff;
	_ =	sdelay $0x1  }
0x10b: {  	v10 =	vadd.f32 v11, v10;
	v11 =	vmul.f32 v13, v5;
	_ =	sdelay $0x1  }
0x10c: {  	v10 =	vadd.f32 v11, v10;
	v11 =	vmul.f32 v12, v6;
	_ =	sdelay $0x1  }
0x10d: {  	v12 =	vor.u32 $0x3, v1;
	v10 =	vadd.f32 v11, v10;
	v11 =	vmul.f32 v14, v9  }
0x10e: {  	v13 =	vor.u32 $0x7, v1  }
0x10f: {  	v10 =	vadd.f32 v11, v10;
	v11 =	vadd.s32 $0x1803, v1  }
0x110: {  	v14 =	vadd.s32 $0x1807, v1  }
0x111: {  	[tilespmem:s16+$0x0] =	vst v10;
	v10 =	vadd.s32 $0x3003, v1  }
0x112: {  	v15 =	vadd.s32 $0x3007, v1;
	v12 =	vld.idx.msk [tilespmem:v12+s26+$0x0], $0xffff  }
0x113: {  	v16 =	vadd.s32 $0x4803, v1;
	v13 =	vld.idx.msk [tilespmem:v13+s26+$0x0], $0xffff  }
0x114: {  	v1 =	vadd.s32 $0x4807, v1;
	v11 =	vld.idx.msk [tilespmem:v11+s26+$0x0], $0xffff  }
0x115: {  	v14 =	vld.idx.msk [tilespmem:v14+s26+$0x0], $0xffff  }
0x116: {  	v10 =	vld.idx.msk [tilespmem:v10+s26+$0x0], $0xffff  }
0x117: {  	v15 =	vld.idx.msk [tilespmem:v15+s26+$0x0], $0xffff  }
0x118: {  	v7 =	vmul.f32 v12, v7;
	v12 =	vld.idx.msk [tilespmem:v16+s26+$0x0], $0xffff  }
0x119: {  	v3 =	vmul.f32 v13, v3;
	v13 =	vld.idx.msk [tilespmem:v1+s26+$0x0], $0xffff  }
0x11a: {  	v1 =	vmul.f32 v11, v4  }
0x11b: {  	v3 =	vadd.f32 v3, v7;
	v2 =	vmul.f32 v14, v2  }
0x11c: {  	v4 =	vmul.f32 v10, v8  }
0x11d: {  	v3 =	vadd.f32 v1, v3;
	v5 =	vmul.f32 v15, v5  }
0x11e: {  	v1 =	vmul.f32 v12, v6  }
0x11f: {  	v2 =	vadd.f32 v2, v3  }
.Ltmp2:
0x120: {  	(pc) =	sbr.rel @p1 .LBB2_7-.Ltmp2, $3  }
0x121: {  	v2 =	vadd.f32 v4, v2;
	_ =	sdelay $0x1  }
0x122: {  	s18 =	sadd.s32 $0x10, s18;
	v3 =	vadd.f32 v5, v2  }
0x123: {  	s14 =	sadd.s32 $0x10, s14;
	s15 =	sadd.s32 $0x10, s15;
	s16 =	sadd.s32 $0x10, s16;
	v2 =	vmul.f32 v13, v9  }
0x124: {  	v1 =	vadd.f32 v1, v3;
	_ =	sdelay $0x1  }
0x125: {  	s2 =	sadd.s32 s9, s25;
	v1 =	vadd.f32 v2, v1  }
0x126: {  	s2 =	sshrl.u32 s2, $0x3  }
0x127: {  	s14 =	simm.s32 $0xF000;
	s15 =	sadd.s32 s8, s2;
	[tilespmem:s0+$0x0] =	vst v1  }
0x128: {  	[hbm4b:s15+s1] =	stream.linear.scatter [tilespmem:s14], [sflag:$0x3], $0x300, $0x38;
	[tilespmem:$0x10800] =	vst v63  }
0x129: {  	s18 =	simm.s32 $0xF600;
	p1 =	seq.s32 s21, $0xF;
	s16 =	sadd.s32 s10, s2  }
0x12a: {  	[hbm4b:s16+s1] =	stream.linear.scatter [tilespmem:s18], [sflag:$0x3], $0x300, $0x38;
	[tilespmem:$0x10800] =	vst v63  }
.Ltmp3:
0x12b: {  	_ = 	snop;
	(pc) =	sbr.rel @p1 .LBB2_12-.Ltmp3, $4  }
0x12c: {  	s28 =	simm.s32 $0xFC00;
	s20 =	sadd.s32 s11, s2  }
0x12d: {  	[hbm4b:s20+s1] =	stream.linear.scatter [tilespmem:s28], [sflag:$0x3], $0x300, $0x38;
	[tilespmem:$0x10800] =	vst v63  }
0x12e: {  	s31 =	simm.s32 $0x10200;
	s29 =	sadd.s32 s12, s2  }
0x12f: {  	[hbm4b:s29+s1] =	stream.linear.scatter [tilespmem:s31], [sflag:$0x3], $0x300, $0x38;
	[tilespmem:$0x10800] =	vst v63  }
0x130: {  	s0 =	rddreg [dreg:$0x6]  }
0x131: {  	s0 =	sadd.s32 s25, s0  }
0x132: {  	s0 =	sshrl.u32 s0, $0x3  }
0x133: {  	s14 =	simm.s32 $0x0;
	s2 =	sadd.s32 s4, s0  }
0x134: {  	[tilespmem:s14], [sflag:$0x5] =	stream.linear.gather [hbm4b:s2+s14], $0x300, $0x38;
	[tilespmem:$0x10800] =	vst v63  }
0x135: {  	s15 =	simm.s32 $0x600;
	s25 =	sadd.s32 s5, s0  }
0x136: {  	[tilespmem:s15], [sflag:$0x5] =	stream.linear.gather [hbm4b:s25+s14], $0x300, $0x38;
	[tilespmem:$0x10800] =	vst v63  }
0x137: {  	s29 =	simm.s32 $0xC00;
	s28 =	sadd.s32 s6, s0  }
0x138: {  	[tilespmem:s29], [sflag:$0x5] =	stream.linear.gather [hbm4b:s28+s14], $0x300, $0x38;
	[tilespmem:$0x10800] =	vst v63  }
0x139: {  	s31 =	simm.s32 $0x1200;
	s0 =	sadd.s32 s7, s0  }
0x13a: {  	[tilespmem:s31], [sflag:$0x5] =	stream.linear.gather [hbm4b:s0+s14], $0x300, $0x38;
	[tilespmem:$0x10800] =	vst v63  }
0x13b: {  	_ =	swait.ge [sflag:s23], $0x300  }
0x13c: {  	[sflag:s23] =	ssyncset.done $0x0  }
0x13d: {  	[sflag:s23] =	ssyncadd.s32 $0xFFFFFD00  }
0x13e: {  	_ =	swait.ge [sflag:s23], $0x300  }
0x13f: {  	[sflag:s23] =	ssyncset.done $0x0  }
0x140: {  	[sflag:s23] =	ssyncadd.s32 $0xFFFFFD00  }
0x141: {  	_ =	swait.ge [sflag:s23], $0x300  }
0x142: {  	[sflag:s23] =	ssyncset.done $0x0  }
0x143: {  	[sflag:s23] =	ssyncadd.s32 $0xFFFFFD00  }
0x144: {  	_ =	swait.ge [sflag:s23], $0x300  }
0x145: {  	[sflag:s23] =	ssyncset.done $0x0  }
0x146: {  	s0 =	simm.s32 $0x0;
	[sflag:s23] =	ssyncadd.s32 $0xFFFFFD00  }
0x147: {  	v1 =	vld [tilespmem:s0+$0x0];
	_ =	sdelay $0x1  }
0x148: {  	s2 =	simm.s32 $0x40  }
.LBB2_10:
0x149: {  	p1 =	sne.s32 s2, $0xBC0  }
.Ltmp4:
0x14a: {  	_ = 	snop;
	(pc) =	sbr.rel @p1 .LBB2_10-.Ltmp4, $4  }
0x14b: {  	s14 =	sshra.s32 s2, $0x2;
	[tilespmem:s0+$0x1800] =	vst v1;
	v4 =	vadd.s32 $0x90C0, v1  }
0x14c: {  	v2 =	vadd.s32 $0xC0, v1;
	v3 =	vadd.s32 $0x9000, v1;
	v1 =	vld [tilespmem:s14+$0x0];
	[tilespmem:s0+$0x2100] =	vst v4  }
0x14d: {  	[tilespmem:s0+$0x1B00] =	vst v2  }
0x14e: {  	s2 =	sadd.s32 $0x40, s2;
	[tilespmem:s0+$0x1E00] =	vst v3;
	s0 =	smov.u32 s14  }
0x14f: {  	_ =	sdelay $0x1  }
0x150: {  	[tilespmem:s0+$0x1800] =	vst v1;
	v2 =	vadd.s32 $0x90C0, v1  }
0x151: {  	v3 =	vadd.s32 $0xC0, v1;
	[tilespmem:s0+$0x2100] =	vst v2  }
0x152: {  	v1 =	vadd.s32 $0x9000, v1;
	[tilespmem:s0+$0x1B00] =	vst v3  }
0x153: {  	s18 =	simm.s32 $0x1800;
	[tilespmem:s0+$0x1E00] =	vst v1  }
0x154: {  	[tilespmem:s26], [sflag:$0x1] =	stream.indirect.gather [hbm4b:s3+s24], $0x8, s18, s24, $0xb8;
	[tilespmem:$0x10800] =	vst v63  }
0x155: {  	s20 =	simm.s32 $0x1B00;
	s2 =	simm.s32 $0x4800  }
0x156: {  	[tilespmem:s2], [sflag:$0x1] =	stream.indirect.gather [hbm4b:s3+s24], $0x8, s20, s24, $0xb8;
	[tilespmem:$0x10800] =	vst v63  }
0x157: {  	s25 =	simm.s32 $0x1E00;
	s28 =	simm.s32 $0x6000  }
0x158: {  	[tilespmem:s28], [sflag:$0x1] =	stream.indirect.gather [hbm4b:s3+s24], $0x8, s25, s24, $0xb8;
	[tilespmem:$0x10800] =	vst v63  }
0x159: {  	s29 =	simm.s32 $0x2100;
	s31 =	simm.s32 $0x7800  }
0x15a: {  	[tilespmem:s31], [sflag:$0x1] =	stream.indirect.gather [hbm4b:s3+s24], $0x8, s29, s24, $0xb8;
	[tilespmem:$0x10800] =	vst v63  }
.LBB2_12:
0x15b: {  	_ =	swait.ge [sflag:s13], $0x1800  }
0x15c: {  	[sflag:s13] =	ssyncset.done $0x0  }
0x15d: {  	[sflag:s13] =	ssyncadd.s32 $0xFFFFE800  }
0x15e: {  	_ =	swait.ge [sflag:s13], $0x1800  }
0x15f: {  	[sflag:s13] =	ssyncset.done $0x0  }
0x160: {  	[sflag:s13] =	ssyncadd.s32 $0xFFFFE800  }
0x161: {  	_ =	swait.ge [sflag:s13], $0x1800  }
0x162: {  	[sflag:s13] =	ssyncset.done $0x0  }
0x163: {  	[sflag:s13] =	ssyncadd.s32 $0xFFFFE800  }
0x164: {  	_ =	swait.ge [sflag:s13], $0x1800  }
0x165: {  	[sflag:s13] =	ssyncset.done $0x0  }
0x166: {  	s0 =	simm.s32 @!p0 $0x4;
	[sflag:s13] =	ssyncadd.s32 $0xFFFFE800  }
0x167: {  	_ =	swait.ge @!p0 [sflag:s0], $0x300  }
0x168: {  	[sflag:s0] =	ssyncset.done @!p0 $0x0  }
0x169: {  	[sflag:s0] =	ssyncadd.s32 @!p0 $0xFFFFFD00  }
0x16a: {  	_ =	swait.ge @!p0 [sflag:s0], $0x300  }
0x16b: {  	[sflag:s0] =	ssyncset.done @!p0 $0x0  }
0x16c: {  	[sflag:s0] =	ssyncadd.s32 @!p0 $0xFFFFFD00  }
0x16d: {  	_ =	swait.ge @!p0 [sflag:s0], $0x300  }
0x16e: {  	[sflag:s0] =	ssyncset.done @!p0 $0x0  }
0x16f: {  	[sflag:s0] =	ssyncadd.s32 @!p0 $0xFFFFFD00  }
0x170: {  	s2 =	simm.s32 $0x0;
	_ =	swait.ge @!p0 [sflag:s0], $0x300  }
0x171: {  	v1 =	vmov s2;
	[sflag:s0] =	ssyncset.done @!p0 $0x0  }
0x172: {  	s28 =	simm.s32 $0x300;
	v1 =	vshll.u32 v1, $0x3;
	[sflag:s0] =	ssyncadd.s32 @!p0 $0xFFFFFD00  }
0x173: {  	v3 =	vor.u32 v0, v1;
	v2 =	vld [tilespmem:s28+$0x600]  }
0x174: {  	v4 =	vor.u32 $0x4, v3;
	v1 =	vld [tilespmem:s28+$0xC00];
	_ =	sdelay $0x1  }
0x175: {  	v5 =	vld [tilespmem:s28+$0x1200]  }
0x176: {  	v6 =	vadd.s32 $0x1800, v3;
	_ =	sdelay $0x1  }
0x177: {  	v9 =	vadd.s32 $0x1804, v3;
	v4 =	vld.idx.msk [tilespmem:v4+s19+$0x0], $0xffff;
	v7 =	vsub.f32 $1.000000000e+00, v2;
	v8 =	vsub.f32 $1.000000000e+00, v1  }
0x178: {  	v10 =	vld.idx.msk [tilespmem:v3+s19+$0x0], $0xffff  }
0x179: {  	v12 =	vadd.s32 $0x3000, v3;
	v13 =	vsub.f32 $1.000000000e+00, v5;
	v11 =	vmul.f32 v8, v7  }
0x17a: {  	v6 =	vld.idx.msk [tilespmem:v6+s19+$0x0], $0xffff;
	v7 =	vmul.f32 v1, v7  }
0x17b: {  	v14 =	vadd.s32 $0x3004, v3;
	v15 =	vmul.f32 v13, v11;
	v11 =	vmul.f32 v11, v5  }
0x17c: {  	v9 =	vld.idx.msk [tilespmem:v9+s19+$0x0], $0xffff;
	v16 =	vmul.f32 v13, v7  }
0x17d: {  	v17 =	vadd.s32 $0x4800, v3;
	v10 =	vmul.f32 v15, v10;
	v4 =	vmul.f32 v4, v11  }
0x17e: {  	v18 =	vadd.s32 $0x4804, v3;
	v12 =	vld.idx.msk [tilespmem:v12+s19+$0x0], $0xffff;
	v8 =	vmul.f32 v8, v2  }
0x17f: {  	v7 =	vmul.f32 v5, v7;
	v6 =	vmul.f32 v6, v16;
	v4 =	vadd.f32 v4, v10  }
0x180: {  	v10 =	vld.idx.msk [tilespmem:v14+s19+$0x0], $0xffff  }
0x181: {  	v47 =	vmul.f32 v13, v8;
	v4 =	vadd.f32 v6, v4;
	v6 =	vmul.f32 v9, v7  }
0x182: {  	v1 =	vmul.f32 v1, v2;
	v9 =	vld.idx.msk [tilespmem:v17+s19+$0x0], $0xffff  }
0x183: {  	v8 =	vmul.f32 v8, v5;
	v2 =	vadd.f32 v6, v4;
	v4 =	vmul.f32 v12, v47  }
0x184: {  	v6 =	vld.idx.msk [tilespmem:v18+s19+$0x0], $0xffff  }
0x185: {  	v48 =	vmul.f32 v13, v1;
	v2 =	vadd.f32 v4, v2;
	v4 =	vmul.f32 v10, v8;
	_ =	sdelay $0x1  }
0x186: {  	v10 =	vmul.f32 v5, v1;
	v1 =	vadd.f32 v4, v2;
	v2 =	vmul.f32 v9, v48;
	_ =	sdelay $0x1  }
0x187: {  	v5 =	vor.u32 $0x1, v3;
	v4 =	vmul.f32 v6, v10;
	v2 =	vadd.f32 v2, v1  }
0x188: {  	v6 =	vor.u32 $0x5, v3  }
0x189: {  	s25 =	simm.s32 $0x310;
	v4 =	vadd.f32 v4, v2  }
0x18a: {  	v9 =	vadd.s32 $0x1801, v3;
	v1 =	vld [tilespmem:s25+$0x600]  }
0x18b: {  	v2 =	vld [tilespmem:s25+$0xC00];
	[tilespmem:s28+$0xF000] =	vst v4  }
0x18c: {  	v4 =	vld.idx.msk [tilespmem:v5+s19+$0x0], $0xffff;
	v5 =	vadd.s32 $0x1805, v3  }
0x18d: {  	v6 =	vld.idx.msk [tilespmem:v6+s19+$0x0], $0xffff  }
0x18e: {  	v49 =	vadd.s32 $0x3001, v3  }
0x18f: {  	v9 =	vld.idx.msk [tilespmem:v9+s19+$0x0], $0xffff  }
0x190: {  	v50 =	vadd.s32 $0x3005, v3  }
0x191: {  	v5 =	vld.idx.msk [tilespmem:v5+s19+$0x0], $0xffff  }
0x192: {  	v51 =	vadd.s32 $0x4801, v3;
	v4 =	vmul.f32 v4, v15;
	v6 =	vmul.f32 v6, v11  }
0x193: {  	v13 =	vld.idx.msk [tilespmem:v49+s19+$0x0], $0xffff  }
0x194: {  	v19 =	vadd.s32 $0x4805, v3;
	v4 =	vadd.f32 v6, v4;
	v6 =	vmul.f32 v9, v16  }
0x195: {  	v9 =	vld.idx.msk [tilespmem:v50+s19+$0x0], $0xffff  }
0x196: {  	v4 =	vadd.f32 v6, v4;
	v5 =	vmul.f32 v5, v7  }
0x197: {  	v6 =	vld.idx.msk [tilespmem:v51+s19+$0x0], $0xffff  }
0x198: {  	v4 =	vadd.f32 v5, v4;
	v5 =	vmul.f32 v13, v47  }
0x199: {  	v52 =	vld.idx.msk [tilespmem:v19+s19+$0x0], $0xffff  }
0x19a: {  	v4 =	vadd.f32 v5, v4;
	v5 =	vmul.f32 v9, v8;
	_ =	sdelay $0x1  }
0x19b: {  	v4 =	vadd.f32 v5, v4;
	v5 =	vmul.f32 v6, v48;
	_ =	sdelay $0x1  }
0x19c: {  	v6 =	vor.u32 $0x2, v3;
	v4 =	vadd.f32 v5, v4;
	v5 =	vmul.f32 v52, v10  }
0x19d: {  	v9 =	vor.u32 $0x6, v3  }
0x19e: {  	v4 =	vadd.f32 v5, v4  }
0x19f: {  	v5 =	vadd.s32 $0x1802, v3  }
0x1a0: {  	[tilespmem:s28+$0xF600] =	vst v4  }
0x1a1: {  	v4 =	vld.idx.msk [tilespmem:v6+s19+$0x0], $0xffff;
	v6 =	vadd.s32 $0x1806, v3  }
0x1a2: {  	v9 =	vld.idx.msk [tilespmem:v9+s19+$0x0], $0xffff  }
0x1a3: {  	v53 =	vadd.s32 $0x3002, v3  }
0x1a4: {  	v5 =	vld.idx.msk [tilespmem:v5+s19+$0x0], $0xffff  }
0x1a5: {  	v54 =	vadd.s32 $0x3006, v3  }
0x1a6: {  	v6 =	vld.idx.msk [tilespmem:v6+s19+$0x0], $0xffff  }
0x1a7: {  	v55 =	vadd.s32 $0x4802, v3;
	v4 =	vmul.f32 v4, v15;
	v9 =	vmul.f32 v9, v11  }
0x1a8: {  	v13 =	vld.idx.msk [tilespmem:v53+s19+$0x0], $0xffff  }
0x1a9: {  	v56 =	vadd.s32 $0x4806, v3;
	v4 =	vadd.f32 v9, v4;
	v5 =	vmul.f32 v5, v16  }
0x1aa: {  	v9 =	vld.idx.msk [tilespmem:v54+s19+$0x0], $0xffff  }
0x1ab: {  	v4 =	vadd.f32 v5, v4;
	v5 =	vmul.f32 v6, v7  }
0x1ac: {  	v6 =	vld.idx.msk [tilespmem:v55+s19+$0x0], $0xffff  }
0x1ad: {  	v4 =	vadd.f32 v5, v4;
	v5 =	vmul.f32 v13, v47  }
0x1ae: {  	v57 =	vld.idx.msk [tilespmem:v56+s19+$0x0], $0xffff  }
0x1af: {  	v4 =	vadd.f32 v5, v4;
	v5 =	vmul.f32 v9, v8;
	_ =	sdelay $0x1  }
0x1b0: {  	v4 =	vadd.f32 v5, v4;
	v5 =	vmul.f32 v6, v48;
	_ =	sdelay $0x1  }
0x1b1: {  	v6 =	vor.u32 $0x3, v3;
	v4 =	vadd.f32 v5, v4;
	v5 =	vmul.f32 v57, v10  }
0x1b2: {  	v9 =	vor.u32 $0x7, v3  }
0x1b3: {  	v4 =	vadd.f32 v5, v4  }
0x1b4: {  	v5 =	vadd.s32 $0x1803, v3  }
0x1b5: {  	[tilespmem:s28+$0xFC00] =	vst v4  }
0x1b6: {  	v4 =	vadd.s32 $0x1807, v3;
	v6 =	vld.idx.msk [tilespmem:v6+s19+$0x0], $0xffff  }
0x1b7: {  	v9 =	vld.idx.msk [tilespmem:v9+s19+$0x0], $0xffff  }
0x1b8: {  	v58 =	vadd.s32 $0x3003, v3  }
0x1b9: {  	v5 =	vld.idx.msk [tilespmem:v5+s19+$0x0], $0xffff  }
0x1ba: {  	v59 =	vadd.s32 $0x3007, v3  }
0x1bb: {  	v4 =	vld.idx.msk [tilespmem:v4+s19+$0x0], $0xffff  }
0x1bc: {  	v60 =	vadd.s32 $0x4803, v3;
	v6 =	vmul.f32 v6, v15;
	v9 =	vmul.f32 v9, v11  }
0x1bd: {  	v3 =	vadd.s32 $0x4807, v3;
	v11 =	vld.idx.msk [tilespmem:v58+s19+$0x0], $0xffff  }
0x1be: {  	v5 =	vmul.f32 v5, v16;
	v6 =	vadd.f32 v9, v6  }
0x1bf: {  	v9 =	vld.idx.msk [tilespmem:v59+s19+$0x0], $0xffff  }
0x1c0: {  	v7 =	vmul.f32 v4, v7;
	v5 =	vadd.f32 v5, v6  }
0x1c1: {  	v61 =	vld.idx.msk [tilespmem:v60+s19+$0x0], $0xffff  }
0x1c2: {  	v63 =	vld.idx.msk [tilespmem:v3+s19+$0x0], $0xffff;
	v3 =	vmul.f32 v11, v47;
	v5 =	vadd.f32 v7, v5  }
0x1c3: {  	v62 =	vsub.f32 $1.000000000e+00, v1;
	v4 =	vsub.f32 $1.000000000e+00, v2  }
0x1c4: {  	s0 =	simm.s32 $0x10;
	v8 =	vmul.f32 v9, v8;
	v3 =	vadd.f32 v3, v5  }
0x1c5: {  	v6 =	vmul.f32 v4, v62;
	v9 =	vmov s0  }
0x1c6: {  	v7 =	vmul.f32 v61, v48;
	v11 =	vshll.u32 v9, $0x3;
	v9 =	vadd.f32 v8, v3  }
0x1c7: {  	s2 =	simm.s32 $0xC80;
	v5 =	vmul.f32 v2, v62;
	v3 =	vor.u32 v0, v11;
	v8 =	vmul.f32 v63, v10  }
.LBB2_13:
0x1c8: {  	s14 =	sshra.s32 s2, $0x2;
	p0 =	sne.s32 s2, $0x17C0;
	s2 =	sadd.s32 $0x40, s2;
	v10 =	vor.u32 $0x4, v3;
	v7 =	vadd.f32 v7, v9  }
0x1c9: {  	v12 =	vld [tilespmem:s14+$0x600]  }
0x1ca: {  	v13 =	vld [tilespmem:s14+$0xC00];
	v7 =	vadd.f32 v8, v7  }
0x1cb: {  	v8 =	vadd.s32 $0x1800, v3;
	v15 =	vld [tilespmem:s25+$0x1200]  }
0x1cc: {  	[tilespmem:s28+$0x10200] =	vst v7;
	s28 =	smov.u32 s25;
	s25 =	smov.u32 s14  }
0x1cd: {  	v11 =	vadd.s32 $0x1804, v3;
	v10 =	vld.idx.msk [tilespmem:v10+s19+$0x0], $0xffff  }
0x1ce: {  	v14 =	vld.idx.msk [tilespmem:v3+s19+$0x0], $0xffff  }
0x1cf: {  	v17 =	vadd.s32 $0x3000, v3;
	v7 =	vsub.f32 $1.000000000e+00, v12;
	v16 =	vsub.f32 $1.000000000e+00, v13  }
0x1d0: {  	v18 =	vsub.f32 $1.000000000e+00, v15;
	v19 =	vld.idx.msk [tilespmem:v8+s19+$0x0], $0xffff  }
0x1d1: {  	v22 =	vadd.s32 $0x3004, v3;
	v21 =	vmul.f32 v13, v7;
	v20 =	vmul.f32 v16, v7  }
0x1d2: {  	v7 =	vmul.f32 v6, v15;
	v9 =	vmul.f32 v18, v6;
	v23 =	vld.idx.msk [tilespmem:v11+s19+$0x0], $0xffff  }
0x1d3: {  	v24 =	vadd.s32 $0x4800, v3;
	v8 =	vmul.f32 v18, v5;
	v6 =	vmov v20  }
0x1d4: {  	v11 =	vmul.f32 v9, v14;
	v14 =	vmul.f32 v10, v7;
	v17 =	vld.idx.msk [tilespmem:v17+s19+$0x0], $0xffff  }
0x1d5: {  	v25 =	vadd.s32 $0x4804, v3;
	v20 =	vmul.f32 v4, v1;
	v4 =	vmov v16  }
0x1d6: {  	v10 =	vmul.f32 v15, v5;
	v16 =	vmul.f32 v19, v8;
	v14 =	vadd.f32 v14, v11;
	v19 =	vld.idx.msk [tilespmem:v22+s19+$0x0], $0xffff  }
0x1d7: {  	v5 =	vmov v21  }
0x1d8: {  	v11 =	vmul.f32 v18, v20;
	v14 =	vadd.f32 v16, v14;
	v16 =	vmul.f32 v23, v10;
	v21 =	vld.idx.msk [tilespmem:v24+s19+$0x0], $0xffff  }
0x1d9: {  	v22 =	vmul.f32 v2, v1;
	v1 =	vmov v12;
	v2 =	vmov v13  }
0x1da: {  	v13 =	vmul.f32 v20, v15;
	v12 =	vadd.f32 v16, v14;
	v16 =	vmul.f32 v17, v11;
	v17 =	vld.idx.msk [tilespmem:v25+s19+$0x0], $0xffff;
	_ =	sdelay $0x1  }
0x1db: {  	v14 =	vmul.f32 v18, v22;
	v18 =	vmul.f32 v19, v13;
	v16 =	vadd.f32 v16, v12;
	_ =	sdelay $0x1  }
0x1dc: {  	v12 =	vmul.f32 v15, v22;
	v15 =	vadd.f32 v18, v16;
	v16 =	vmul.f32 v21, v14;
	_ =	sdelay $0x1  }
0x1dd: {  	v15 =	vadd.f32 v16, v15;
	v16 =	vmul.f32 v17, v12;
	v17 =	vor.u32 $0x1, v3  }
0x1de: {  	v18 =	vor.u32 $0x5, v3  }
0x1df: {  	v15 =	vadd.f32 v16, v15  }
0x1e0: {  	v16 =	vadd.s32 $0x1801, v3  }
0x1e1: {  	[tilespmem:s28+$0xF000] =	vst v15  }
0x1e2: {  	v15 =	vld.idx.msk [tilespmem:v17+s19+$0x0], $0xffff;
	v17 =	vadd.s32 $0x1805, v3  }
0x1e3: {  	v18 =	vld.idx.msk [tilespmem:v18+s19+$0x0], $0xffff  }
0x1e4: {  	v19 =	vadd.s32 $0x3001, v3  }
0x1e5: {  	v16 =	vld.idx.msk [tilespmem:v16+s19+$0x0], $0xffff  }
0x1e6: {  	v20 =	vadd.s32 $0x3005, v3  }
0x1e7: {  	v17 =	vld.idx.msk [tilespmem:v17+s19+$0x0], $0xffff  }
0x1e8: {  	v21 =	vadd.s32 $0x4801, v3  }
0x1e9: {  	v15 =	vmul.f32 v15, v9;
	v18 =	vmul.f32 v18, v7;
	v19 =	vld.idx.msk [tilespmem:v19+s19+$0x0], $0xffff  }
0x1ea: {  	v22 =	vadd.s32 $0x4805, v3  }
0x1eb: {  	v15 =	vadd.f32 v18, v15;
	v16 =	vmul.f32 v16, v8;
	v18 =	vld.idx.msk [tilespmem:v20+s19+$0x0], $0xffff;
	_ =	sdelay $0x1  }
0x1ec: {  	v15 =	vadd.f32 v16, v15;
	v16 =	vmul.f32 v17, v10;
	v17 =	vld.idx.msk [tilespmem:v21+s19+$0x0], $0xffff;
	_ =	sdelay $0x1  }
0x1ed: {  	v15 =	vadd.f32 v16, v15;
	v16 =	vmul.f32 v19, v11;
	v19 =	vld.idx.msk [tilespmem:v22+s19+$0x0], $0xffff;
	_ =	sdelay $0x1  }
0x1ee: {  	v15 =	vadd.f32 v16, v15;
	v16 =	vmul.f32 v18, v13;
	_ =	sdelay $0x1  }
0x1ef: {  	v15 =	vadd.f32 v16, v15;
	v16 =	vmul.f32 v17, v14;
	_ =	sdelay $0x1  }
0x1f0: {  	v17 =	vor.u32 $0x2, v3;
	v15 =	vadd.f32 v16, v15;
	v16 =	vmul.f32 v19, v12  }
0x1f1: {  	v18 =	vor.u32 $0x6, v3  }
0x1f2: {  	v15 =	vadd.f32 v16, v15  }
0x1f3: {  	v16 =	vadd.s32 $0x1802, v3  }
0x1f4: {  	[tilespmem:s28+$0xF600] =	vst v15  }
0x1f5: {  	v15 =	vld.idx.msk [tilespmem:v17+s19+$0x0], $0xffff;
	v17 =	vadd.s32 $0x1806, v3  }
0x1f6: {  	v18 =	vld.idx.msk [tilespmem:v18+s19+$0x0], $0xffff  }
0x1f7: {  	v19 =	vadd.s32 $0x3002, v3  }
0x1f8: {  	v16 =	vld.idx.msk [tilespmem:v16+s19+$0x0], $0xffff  }
0x1f9: {  	v20 =	vadd.s32 $0x3006, v3  }
0x1fa: {  	v17 =	vld.idx.msk [tilespmem:v17+s19+$0x0], $0xffff  }
0x1fb: {  	v21 =	vadd.s32 $0x4802, v3;
	v15 =	vmul.f32 v15, v9  }
0x1fc: {  	v18 =	vmul.f32 v18, v7;
	v19 =	vld.idx.msk [tilespmem:v19+s19+$0x0], $0xffff  }
0x1fd: {  	v22 =	vadd.s32 $0x4806, v3  }
0x1fe: {  	v15 =	vadd.f32 v18, v15;
	v16 =	vmul.f32 v16, v8;
	v18 =	vld.idx.msk [tilespmem:v20+s19+$0x0], $0xffff;
	_ =	sdelay $0x1  }
0x1ff: {  	v15 =	vadd.f32 v16, v15;
	v16 =	vmul.f32 v17, v10;
	v17 =	vld.idx.msk [tilespmem:v21+s19+$0x0], $0xffff;
	_ =	sdelay $0x1  }
0x200: {  	v15 =	vadd.f32 v16, v15;
	v16 =	vmul.f32 v19, v11;
	v19 =	vld.idx.msk [tilespmem:v22+s19+$0x0], $0xffff;
	_ =	sdelay $0x1  }
0x201: {  	v15 =	vadd.f32 v16, v15;
	v16 =	vmul.f32 v18, v13;
	_ =	sdelay $0x1  }
0x202: {  	v15 =	vadd.f32 v16, v15;
	v16 =	vmul.f32 v17, v14;
	_ =	sdelay $0x1  }
0x203: {  	v17 =	vor.u32 $0x3, v3;
	v15 =	vadd.f32 v16, v15;
	v16 =	vmul.f32 v19, v12  }
0x204: {  	v18 =	vor.u32 $0x7, v3  }
0x205: {  	v15 =	vadd.f32 v16, v15;
	v16 =	vadd.s32 $0x1803, v3  }
0x206: {  	v19 =	vadd.s32 $0x1807, v3  }
0x207: {  	[tilespmem:s28+$0xFC00] =	vst v15;
	v15 =	vadd.s32 $0x3003, v3  }
0x208: {  	v20 =	vadd.s32 $0x3007, v3;
	v17 =	vld.idx.msk [tilespmem:v17+s19+$0x0], $0xffff  }
0x209: {  	v21 =	vadd.s32 $0x4803, v3;
	v18 =	vld.idx.msk [tilespmem:v18+s19+$0x0], $0xffff  }
0x20a: {  	v3 =	vadd.s32 $0x4807, v3;
	v16 =	vld.idx.msk [tilespmem:v16+s19+$0x0], $0xffff  }
0x20b: {  	v19 =	vld.idx.msk [tilespmem:v19+s19+$0x0], $0xffff  }
0x20c: {  	v15 =	vld.idx.msk [tilespmem:v15+s19+$0x0], $0xffff  }
0x20d: {  	v20 =	vld.idx.msk [tilespmem:v20+s19+$0x0], $0xffff  }
0x20e: {  	v9 =	vmul.f32 v17, v9;
	v17 =	vld.idx.msk [tilespmem:v21+s19+$0x0], $0xffff  }
0x20f: {  	v7 =	vmul.f32 v18, v7;
	v18 =	vld.idx.msk [tilespmem:v3+s19+$0x0], $0xffff  }
0x210: {  	v3 =	vmul.f32 v16, v8  }
0x211: {  	v7 =	vadd.f32 v7, v9  }
0x212: {  	v8 =	vmul.f32 v19, v10  }
0x213: {  	v3 =	vadd.f32 v3, v7  }
0x214: {  	v7 =	vmul.f32 v15, v11  }
0x215: {  	v3 =	vadd.f32 v8, v3  }
.Ltmp5:
0x216: {  	v8 =	vmul.f32 v20, v13;
	(pc) =	sbr.rel @p0 .LBB2_13-.Ltmp5, $4  }
0x217: {  	s0 =	sadd.s32 $0x10, s0;
	v3 =	vadd.f32 v7, v3  }
0x218: {  	v9 =	vmov s0;
	v7 =	vmul.f32 v17, v14  }
0x219: {  	v10 =	vshll.u32 v9, $0x3;
	v9 =	vadd.f32 v8, v3  }
0x21a: {  	v3 =	vor.u32 v0, v10;
	v8 =	vmul.f32 v18, v12  }
0x21b: {  	v10 =	vor.u32 $0x4, v3;
	v7 =	vadd.f32 v7, v9;
	_ =	sdelay $0x1  }
0x21c: {  	v54 =	vld [tilespmem:s25+$0x1200];
	v7 =	vadd.f32 v8, v7  }
0x21d: {  	v55 =	vadd.s32 $0x1800, v3  }
0x21e: {  	[tilespmem:s28+$0x10200] =	vst v7  }
0x21f: {  	v56 =	vadd.s32 $0x1804, v3;
	v7 =	vld.idx.msk [tilespmem:v10+s19+$0x0], $0xffff  }
0x220: {  	v11 =	vld.idx.msk [tilespmem:v3+s19+$0x0], $0xffff  }
0x221: {  	v12 =	vadd.s32 $0x3000, v3;
	v13 =	vsub.f32 $1.000000000e+00, v54  }
0x222: {  	v9 =	vld.idx.msk [tilespmem:v55+s19+$0x0], $0xffff  }
0x223: {  	v14 =	vadd.s32 $0x3004, v3;
	v15 =	vmul.f32 v13, v6;
	v6 =	vmul.f32 v6, v54  }
0x224: {  	v10 =	vld.idx.msk [tilespmem:v56+s19+$0x0], $0xffff;
	v16 =	vmul.f32 v13, v5  }
0x225: {  	v17 =	vadd.s32 $0x4800, v3;
	v11 =	vmul.f32 v15, v11;
	v7 =	vmul.f32 v7, v6  }
0x226: {  	v4 =	vmul.f32 v4, v1;
	v18 =	vadd.s32 $0x4804, v3;
	v12 =	vld.idx.msk [tilespmem:v12+s19+$0x0], $0xffff  }
0x227: {  	v5 =	vmul.f32 v54, v5;
	v9 =	vmul.f32 v9, v16;
	v7 =	vadd.f32 v7, v11  }
0x228: {  	v57 =	vld.idx.msk [tilespmem:v14+s19+$0x0], $0xffff  }
0x229: {  	v14 =	vmul.f32 v13, v4;
	v58 =	vmul.f32 v10, v5;
	v7 =	vadd.f32 v9, v7  }
0x22a: {  	v1 =	vmul.f32 v2, v1;
	v59 =	vld.idx.msk [tilespmem:v17+s19+$0x0], $0xffff  }
0x22b: {  	v2 =	vmul.f32 v4, v54;
	v61 =	vmul.f32 v12, v14;
	v60 =	vadd.f32 v58, v7  }
0x22c: {  	v62 =	vld.idx.msk [tilespmem:v18+s19+$0x0], $0xffff  }
0x22d: {  	v63 =	vmul.f32 v13, v1;
	v13 =	vmul.f32 v57, v2;
	v4 =	vadd.f32 v61, v60;
	_ =	sdelay $0x1  }
0x22e: {  	v1 =	vmul.f32 v54, v1;
	v17 =	vmul.f32 v59, v63;
	v4 =	vadd.f32 v13, v4;
	_ =	sdelay $0x1  }
0x22f: {  	v19 =	vor.u32 $0x1, v3;
	v18 =	vmul.f32 v62, v1;
	v4 =	vadd.f32 v17, v4  }
0x230: {  	v20 =	vor.u32 $0x5, v3  }
0x231: {  	v4 =	vadd.f32 v18, v4  }
0x232: {  	v21 =	vadd.s32 $0x1801, v3  }
0x233: {  	[tilespmem:s25+$0xF000] =	vst v4  }
0x234: {  	v22 =	vadd.s32 $0x1805, v3;
	v4 =	vld.idx.msk [tilespmem:v19+s19+$0x0], $0xffff  }
0x235: {  	v9 =	vld.idx.msk [tilespmem:v20+s19+$0x0], $0xffff  }
0x236: {  	v23 =	vadd.s32 $0x3001, v3  }
0x237: {  	v7 =	vld.idx.msk [tilespmem:v21+s19+$0x0], $0xffff  }
0x238: {  	v24 =	vadd.s32 $0x3005, v3  }
0x239: {  	v8 =	vld.idx.msk [tilespmem:v22+s19+$0x0], $0xffff  }
0x23a: {  	v25 =	vadd.s32 $0x4801, v3;
	v4 =	vmul.f32 v4, v15;
	v9 =	vmul.f32 v9, v6  }
0x23b: {  	v10 =	vld.idx.msk [tilespmem:v23+s19+$0x0], $0xffff  }
0x23c: {  	v26 =	vadd.s32 $0x4805, v3;
	v7 =	vmul.f32 v7, v16;
	v4 =	vadd.f32 v9, v4  }
0x23d: {  	v27 =	vld.idx.msk [tilespmem:v24+s19+$0x0], $0xffff  }
0x23e: {  	v28 =	vmul.f32 v8, v5;
	v4 =	vadd.f32 v7, v4  }
0x23f: {  	v29 =	vld.idx.msk [tilespmem:v25+s19+$0x0], $0xffff  }
0x240: {  	v30 =	vmul.f32 v10, v14;
	v4 =	vadd.f32 v28, v4  }
0x241: {  	v31 =	vld.idx.msk [tilespmem:v26+s19+$0x0], $0xffff  }
0x242: {  	v32 =	vmul.f32 v27, v2;
	v4 =	vadd.f32 v30, v4;
	_ =	sdelay $0x1  }
0x243: {  	v33 =	vmul.f32 v29, v63;
	v4 =	vadd.f32 v32, v4;
	_ =	sdelay $0x1  }
0x244: {  	v35 =	vor.u32 $0x2, v3;
	v34 =	vmul.f32 v31, v1;
	v4 =	vadd.f32 v33, v4  }
0x245: {  	v36 =	vor.u32 $0x6, v3  }
0x246: {  	v4 =	vadd.f32 v34, v4  }
0x247: {  	v37 =	vadd.s32 $0x1802, v3  }
0x248: {  	[tilespmem:s25+$0xF600] =	vst v4  }
0x249: {  	v38 =	vadd.s32 $0x1806, v3;
	v4 =	vld.idx.msk [tilespmem:v35+s19+$0x0], $0xffff  }
0x24a: {  	v9 =	vld.idx.msk [tilespmem:v36+s19+$0x0], $0xffff  }
0x24b: {  	v39 =	vadd.s32 $0x3002, v3  }
0x24c: {  	v7 =	vld.idx.msk [tilespmem:v37+s19+$0x0], $0xffff  }
0x24d: {  	v40 =	vadd.s32 $0x3006, v3  }
0x24e: {  	v8 =	vld.idx.msk [tilespmem:v38+s19+$0x0], $0xffff  }
0x24f: {  	v41 =	vadd.s32 $0x4802, v3;
	v4 =	vmul.f32 v4, v15;
	v9 =	vmul.f32 v9, v6  }
0x250: {  	v10 =	vld.idx.msk [tilespmem:v39+s19+$0x0], $0xffff  }
0x251: {  	v42 =	vadd.s32 $0x4806, v3;
	v7 =	vmul.f32 v7, v16;
	v4 =	vadd.f32 v9, v4  }
0x252: {  	v43 =	vld.idx.msk [tilespmem:v40+s19+$0x0], $0xffff  }
0x253: {  	v44 =	vmul.f32 v8, v5;
	v4 =	vadd.f32 v7, v4  }
0x254: {  	v45 =	vld.idx.msk [tilespmem:v41+s19+$0x0], $0xffff  }
0x255: {  	v46 =	vmul.f32 v10, v14;
	v4 =	vadd.f32 v44, v4  }
0x256: {  	v47 =	vld.idx.msk [tilespmem:v42+s19+$0x0], $0xffff  }
0x257: {  	v48 =	vmul.f32 v43, v2;
	v4 =	vadd.f32 v46, v4;
	_ =	sdelay $0x1  }
0x258: {  	v49 =	vmul.f32 v45, v63;
	v4 =	vadd.f32 v48, v4;
	_ =	sdelay $0x1  }
0x259: {  	v51 =	vor.u32 $0x3, v3;
	v50 =	vmul.f32 v47, v1;
	v4 =	vadd.f32 v49, v4  }
0x25a: {  	v52 =	vor.u32 $0x7, v3  }
0x25b: {  	v4 =	vadd.f32 v50, v4  }
0x25c: {  	v53 =	vadd.s32 $0x1803, v3  }
0x25d: {  	[tilespmem:s25+$0xFC00] =	vst v4  }
0x25e: {  	v54 =	vadd.s32 $0x1807, v3;
	v8 =	vld.idx.msk [tilespmem:v51+s19+$0x0], $0xffff  }
0x25f: {  	v9 =	vld.idx.msk [tilespmem:v52+s19+$0x0], $0xffff  }
0x260: {  	v55 =	vadd.s32 $0x3003, v3  }
0x261: {  	v7 =	vld.idx.msk [tilespmem:v53+s19+$0x0], $0xffff  }
0x262: {  	v56 =	vadd.s32 $0x3007, v3  }
0x263: {  	v4 =	vld.idx.msk [tilespmem:v54+s19+$0x0], $0xffff  }
0x264: {  	v57 =	vadd.s32 $0x4803, v3;
	v8 =	vmul.f32 v8, v15;
	v6 =	vmul.f32 v9, v6  }
0x265: {  	v58 =	vld.idx.msk [tilespmem:v55+s19+$0x0], $0xffff  }
0x266: {  	v3 =	vadd.s32 $0x4807, v3;
	v7 =	vmul.f32 v7, v16;
	v6 =	vadd.f32 v6, v8  }
0x267: {  	v59 =	vld.idx.msk [tilespmem:v56+s19+$0x0], $0xffff  }
0x268: {  	v4 =	vmul.f32 v4, v5;
	v60 =	vadd.f32 v7, v6  }
0x269: {  	v61 =	vld.idx.msk [tilespmem:v57+s19+$0x0], $0xffff  }
0x26a: {  	v62 =	vmul.f32 v58, v14;
	v4 =	vadd.f32 v4, v60  }
0x26b: {  	v3 =	vld.idx.msk [tilespmem:v3+s19+$0x0], $0xffff  }
0x26c: {  	v2 =	vmul.f32 v59, v2;
	v4 =	vadd.f32 v62, v4;
	_ =	sdelay $0x1  }
0x26d: {  	v63 =	vmul.f32 v61, v63;
	v2 =	vadd.f32 v2, v4;
	_ =	sdelay $0x1  }
0x26e: {  	v1 =	vmul.f32 v3, v1;
	v2 =	vadd.f32 v63, v2;
	_ =	sdelay $0x1  }
0x26f: {  	v1 =	vadd.f32 v1, v2;
	_ =	sdelay $0x1  }
0x270: {  	s0 =	sadd.s32 s8, s22;
	s2 =	simm.s32 $0xF300;
	s21 =	sadd.s32 $0x1, s21;
	[tilespmem:s25+$0x10200] =	vst v1  }
0x271: {  	[hbm4b:s0+s1] =	stream.linear.scatter [tilespmem:s2], [sflag:$0x4], $0x300, $0x38;
	[tilespmem:$0x10800] =	vst v63  }
0x272: {  	s18 =	sadd.s32 s10, s22;
	s20 =	simm.s32 $0xF900;
	p0 =	sne.s32 s21, $0x10  }
0x273: {  	[hbm4b:s18+s1] =	stream.linear.scatter [tilespmem:s20], [sflag:$0x4], $0x300, $0x38;
	[tilespmem:$0x10800] =	vst v63  }
.Ltmp6:
0x274: {  	_ = 	snop;
	(pc) =	sbr.rel @p0 .LBB2_4-.Ltmp6, $4  }
0x275: {  	s28 =	simm.s32 $0xFF00;
	s25 =	sadd.s32 s11, s22  }
0x276: {  	[hbm4b:s25+s1] =	stream.linear.scatter [tilespmem:s28], [sflag:$0x4], $0x300, $0x38;
	[tilespmem:$0x10800] =	vst v63  }
0x277: {  	s29 =	sadd.s32 s12, s22;
	s31 =	simm.s32 $0x10500  }
0x278: {  	[hbm4b:s29+s1] =	stream.linear.scatter [tilespmem:s31], [sflag:$0x4], $0x300, $0x38;
	[tilespmem:$0x10800] =	vst v63  }
0x279: {  	s0 =	simm.s32 $0x3  }
0x27a: {  	_ =	swait.ge [sflag:s0], $0x300  }
0x27b: {  	[sflag:s0] =	ssyncset.done $0x0  }
0x27c: {  	[sflag:s0] =	ssyncadd.s32 $0xFFFFFD00  }
0x27d: {  	_ =	swait.ge [sflag:s0], $0x300  }
0x27e: {  	[sflag:s0] =	ssyncset.done $0x0  }
0x27f: {  	[sflag:s0] =	ssyncadd.s32 $0xFFFFFD00  }
0x280: {  	_ =	swait.ge [sflag:s0], $0x300  }
0x281: {  	[sflag:s0] =	ssyncset.done $0x0  }
0x282: {  	[sflag:s0] =	ssyncadd.s32 $0xFFFFFD00  }
0x283: {  	_ =	swait.ge [sflag:s0], $0x300  }
0x284: {  	[sflag:s0] =	ssyncset.done $0x0  }
0x285: {  	s2 =	simm.s32 $0x4;
	[sflag:s0] =	ssyncadd.s32 $0xFFFFFD00  }
0x286: {  	_ =	swait.ge [sflag:s2], $0x300  }
0x287: {  	[sflag:s2] =	ssyncset.done $0x0  }
0x288: {  	[sflag:s2] =	ssyncadd.s32 $0xFFFFFD00  }
0x289: {  	_ =	swait.ge [sflag:s2], $0x300  }
0x28a: {  	[sflag:s2] =	ssyncset.done $0x0  }
0x28b: {  	[sflag:s2] =	ssyncadd.s32 $0xFFFFFD00  }
0x28c: {  	_ =	swait.ge [sflag:s2], $0x300  }
0x28d: {  	[sflag:s2] =	ssyncset.done $0x0  }
0x28e: {  	[sflag:s2] =	ssyncadd.s32 $0xFFFFFD00  }
0x28f: {  	_ =	swait.ge [sflag:s2], $0x300  }
0x290: {  	s14 =	rddreg [dreg:$0x8]  }
0x291: {  	s31 =	rddreg [dreg:$0x7];
	s14 =	sadd.s32 $0x1, s14  }
0x292: {  	p0 =	sne.s32 s14, s31  }
.Ltmp7:
0x293: {  	_ = 	snop;
	(pc) =	sbr.rel @p0 .LBB2_1-.Ltmp7, $3  }
0x294: {  	_ =	sdelay $0x1  }
0x295: {  	[sflag:s2] =	ssyncset.done $0x0  }
0x296: {  	[sflag:s2] =	ssyncadd.s32 $0xFFFFFD00  }
0x297: {  	_ =	sfence.sel $0x180000  }
0x298: {  	[bflag:$0x0] =	sbarrier.arrive $0xFFFF  }
0x299: {  	_ =	strace $0x9000004A  }
0x29a: {  	s0 =	stileid.u32;
	[bflag:$0x2] =	sbarrier.arrive $0xFFFF  }
0x29b: {  	p0 =	sne.s32 s0, $0x0;
	s0 =	rddreg [dreg:$0x1]  }
0x29c: {  	s0 =	sadd.s32 @!p0 $0x100000, s0  }
0x29d: {  	[sflag:s0] =	ssyncadd.tile.s32 @!p0 $0x1;
	_ =	shalt  }
.Lfunc_end2:
_tile_overlayer_lowered:
.L_overlay_start_2:
0x29e: {  	(tag) =	ssettag $0x2  }
0x29f: {  	s0 =	rddreg [dreg:$0x0];
	s2 =	stileid.u32  }
0x2a0: {  	s1 =	rddreg [dreg:$0x1];
	p0 =	sne.s32 s2, $0x0  }
0x2a1: {  	s3 =	rddreg [dreg:$0x2];
	[bflag:$0x3] =	sbarrier.arrive $0xFFFF;
	s2 =	simm.s32 @!p0 $0x1C06  }
0x2a2: {  	[timem:s3], [sflag:s2] =	dma.local @!p0 [hbm:s0], s1  }
0x2a3: {  	s0 =	simm.s32 @!p0 $0x6  }
0x2a4: {  	_ =	swait.ge @!p0 [sflag:s0], s1  }
0x2a5: {  	s1 =	ssub.s32 @!p0 $0x0, s1;
	[sflag:s0] =	ssyncset.done @!p0 $0x0  }
0x2a6: {  	[sflag:s0] =	ssyncadd.s32 @!p0 s1  }
0x2a7: {  	[bflag:$0x3] =	sbarrier.arrive $0xFFFF  }
0x2a8: {  	_ =	shalt  }

</sc_bundles>
